<compile_context>
chip_gen: v7x
topology: tpu7x:2x2x1
jax: 0.10.2.dev20260603
libtpu: 0.0.44.dev20260713+nightly
codegen_flags: <defaults>
</compile_context>

<pallas_src>
import functools

import jax
import jax.numpy as jnp
from jax import lax
from jax.experimental import pallas as pl
from jax.experimental.pallas import tpu as pltpu
from jax.experimental.pallas import tpu_sc as plsc

_NC = 2
_NS = 16
_NW = _NC * _NS
_L16 = 16
_BPW = 512
_CHUNK = 64
_NCHUNK = _BPW // _CHUNK
_NGRP = _CHUNK // _L16

_COL_P = 0
_COL_T = 16
_COL_A = 48
_COL_B = 80
_COL_R = 81

_MC = 2500


def _repack_body(r, per_r, rows_r, width, *refs):
    x_hbm = refs[0]
    o_ref = refs[-3]
    xb = refs[-2]
    sem = refs[-1]
    eye = (lax.broadcasted_iota(jnp.int32, (128, 128), 0)
           == lax.broadcasted_iota(jnp.int32, (128, 128), 1)
           ).astype(jnp.float32)
    pltpu.make_async_copy(x_hbm.at[r], xb, sem).start()
    pltpu.make_async_copy(x_hbm.at[r], xb, sem).wait()
    for m0 in range(0, rows_r, _MC):
        parts = [xb[:, s * rows_r + m0:s * rows_r + m0 + _MC]
                 for s in range(per_r)]
        xs = jnp.concatenate(parts, axis=0)
        yc = lax.dot_general(xs, eye, (((0,), (0,)), ((), ())),
                             preferred_element_type=jnp.float32)
        o_ref[m0:m0 + _MC, :] = yc


def _repack(xt):
    if xt.ndim == 2:
        xt = xt[None]
    nr, width, ntot = xt.shape
    per_r = 128 // width
    rows_r = ntot * width // 128
    out = None
    for r in range(nr):
        in_specs = [pl.BlockSpec(memory_space=pltpu.HBM)]
        args = [xt]
        aliases = {}
        if out is not None:
            in_specs.append(pl.BlockSpec(memory_space=pltpu.HBM))
            args.append(out)
            aliases = {1: 0}
        out = pl.pallas_call(
            functools.partial(_repack_body, r, per_r, rows_r, width),
            grid=(1,),
            in_specs=in_specs,
            out_specs=pl.BlockSpec((rows_r, 128),
                                   functools.partial(lambda r, i: (r, 0), r)),
            out_shape=jax.ShapeDtypeStruct((nr * rows_r, 128), jnp.float32),
            input_output_aliases=aliases,
            scratch_shapes=[
                pltpu.VMEM((width, ntot), jnp.float32),
                pltpu.SemaphoreType.DMA,
            ],
        )(*args)
    return out


def _steps(x, bounds):
    acc = jnp.zeros_like(x)
    for b in bounds:
        acc = acc + jnp.where(x >= b, 1, 0)
    return acc


def _sc_gather_body(U, split, NT, NP, NA, R,
                    user_hbm, item_hbm, t128_hbm, p128_hbm, a128_hbm, b128_hbm,
                    comb_hbm,
                    uidx, iidx, qt, qp, qa, qb, offt, offp, offa,
                    tbuf0, pbuf0, abuf0, bbuf0,
                    tbuf1, pbuf1, abuf1, bbuf1, obuf,
                    st0, sp0, sa0, sb0, st1, sp1, sa1, sb1):
    wid = lax.axis_index("s") * _NC + lax.axis_index("c")
    base = wid * _BPW
    pltpu.sync_copy(user_hbm.at[pl.ds(base, _BPW)], uidx)
    pltpu.sync_copy(item_hbm.at[pl.ds(base, _BPW)], iidx)

    bufs = ((tbuf0, pbuf0, abuf0, bbuf0, st0, sp0, sa0, sb0),
            (tbuf1, pbuf1, abuf1, bbuf1, st1, sp1, sa1, sb1))

    def build(i, _):
        sl = pl.ds(i * _L16, _L16)
        u = uidx[sl]
        it = iidx[sl]
        rr = _steps(u, [U * k for k in range(1, R)])
        u0 = u - rr * U
        ot = _steps(u0, [NT * k for k in range(1, 4)])
        qt[sl] = rr * NT + (u0 - ot * NT)
        offt[sl] = ot * 32
        op = _steps(u0, [NP * k for k in range(1, 8)])
        qp[sl] = u0 - op * NP
        offp[sl] = op * 16
        oa = _steps(it, [NA * k for k in range(1, 4)])
        qa[sl] = it - oa * NA
        offa[sl] = oa * 32
        qb[sl] = it >> 7
        return 0

    lax.fori_loop(0, _BPW // _L16, build, 0, unroll=False)

    def fire(c, par):
        tb, pb, ab, bb, s0, s1, s2, s3 = bufs[par]
        sl = pl.ds(c * _CHUNK, _CHUNK)
        pltpu.async_copy(t128_hbm.at[qt.at[sl]], tb, s0)
        pltpu.async_copy(p128_hbm.at[qp.at[sl]], pb, s1)
        pltpu.async_copy(a128_hbm.at[qa.at[sl]], ab, s2)
        pltpu.async_copy(b128_hbm.at[qb.at[sl]], bb, s3)

    def drain(par):
        tb, pb, ab, bb, s0, s1, s2, s3 = bufs[par]
        pltpu.make_async_copy(t128_hbm.at[pl.ds(0, _CHUNK)], tb, s0).wait()
        pltpu.make_async_copy(p128_hbm.at[pl.ds(0, _CHUNK)], pb, s1).wait()
        pltpu.make_async_copy(a128_hbm.at[pl.ds(0, _CHUNK)], ab, s2).wait()
        pltpu.make_async_copy(b128_hbm.at[pl.ds(0, _CHUNK)], bb, s3).wait()

    iota = lax.iota(jnp.int32, _L16)

    def extract(c, par):
        tb, pb, ab, bb = bufs[par][:4]

        def group(g, _):
            gb = g * _L16
            sl = pl.ds(c * _CHUNK + gb, _L16)
            rows = iota + gb
            ot = offt[sl]
            op = offp[sl]
            oa = offa[sl]
            it = iidx[sl]
            ob = it & 127
            for j in range(16):
                v = plsc.load_gather(pb, [rows, op + j])
                plsc.store_scatter(obuf, [rows, jnp.full((_L16,), _COL_P + j,
                                                         jnp.int32)], v)
            for j in range(32):
                v = plsc.load_gather(tb, [rows, ot + j])
                plsc.store_scatter(obuf, [rows, jnp.full((_L16,), _COL_T + j,
                                                         jnp.int32)], v)
            for j in range(32):
                v = plsc.load_gather(ab, [rows, oa + j])
                plsc.store_scatter(obuf, [rows, jnp.full((_L16,), _COL_A + j,
                                                         jnp.int32)], v)
            vb = plsc.load_gather(bb, [rows, ob])
            plsc.store_scatter(obuf, [rows, jnp.full((_L16,), _COL_B,
                                                     jnp.int32)], vb)
            rf = jnp.where(it >= split, 1.0, 0.0).astype(jnp.float32)
            plsc.store_scatter(obuf, [rows, jnp.full((_L16,), _COL_R,
                                                     jnp.int32)], rf)
            return 0

        lax.fori_loop(0, _NGRP, group, 0, unroll=False)
        pltpu.sync_copy(obuf, comb_hbm.at[pl.ds(base + c * _CHUNK, _CHUNK)])

    fire(0, 0)

    def step(g, _):
        c0 = g * 2
        fire(c0 + 1, 1)
        drain(0)
        extract(c0, 0)

        @pl.when(g < _NCHUNK // 2 - 1)
        def _():
            fire(c0 + 2, 0)

        drain(1)
        extract(c0 + 1, 1)
        return 0

    lax.fori_loop(0, _NCHUNK // 2, step, 0, unroll=False)


@functools.lru_cache(maxsize=None)
def _make_sc_gather(B, U, split, NT, NP, NA, R):
    f32 = jnp.float32
    i32 = jnp.int32
    mesh = plsc.VectorSubcoreMesh(core_axis_name="c", subcore_axis_name="s")
    idx = [pltpu.VMEM((_BPW,), i32) for _ in range(9)]
    gbufs = [pltpu.VMEM((_CHUNK, 128), f32) for _ in range(9)]
    sems = [pltpu.SemaphoreType.DMA for _ in range(8)]
    return pl.kernel(
        functools.partial(_sc_gather_body, U, split, NT, NP, NA, R),
        mesh=mesh,
        compiler_params=pltpu.CompilerParams(needs_layout_passes=False),
        out_type=jax.ShapeDtypeStruct((B, 128), f32),
        scratch_types=idx + gbufs + sems,
    )


def _tc_dense_body(P, L, x_ref, w1_ref, b1_ref, w2_ref, b2_ref, s_ref, o_ref):
    x = x_ref[...]
    w1 = w1_ref[...]
    w2 = w2_ref[...]
    dn = (((1,), (1,)), ((), ()))
    p = jax.nn.sigmoid(x[:, _COL_P:_COL_P + P])
    t = jax.nn.sigmoid(x[:, _COL_T:_COL_T + L])
    nt = lax.dot_general(p, w1[:, :P], dn, preferred_element_type=jnp.float32)
    nt = nt + lax.dot_general(t, w1[:, P:], dn,
                              preferred_element_type=jnp.float32)
    nt = jax.nn.sigmoid(nt + b1_ref[...])
    av = jax.nn.sigmoid(x[:, _COL_A:_COL_A + L])
    na = lax.dot_general(av, w2[:, P:], dn, preferred_element_type=jnp.float32)
    s_sig = jax.nn.sigmoid(s_ref[...])
    s2 = lax.dot_general(s_sig, w2[:, :P], dn,
                         preferred_element_type=jnp.float32)
    rf = x[:, _COL_R:_COL_R + 1]
    s_c = jnp.where(rf > 0.5, s2[1:2, :], s2[0:1, :])
    na = jax.nn.sigmoid(na + s_c + b2_ref[...])
    nb = jax.nn.sigmoid(x[:, _COL_B:_COL_B + 1])
    o_ref[...] = jax.nn.sigmoid(jnp.sum(na * nt, axis=-1, keepdims=True) - nb)


def kernel(user, item, theta, prompt_theta, a, s_vecs, b_table, W1, b1, W2, b2):
    B = user.shape[0]
    R, U, L = theta.shape
    P = prompt_theta.shape[1]
    I = a.shape[0]
    split = I // s_vecs.shape[0]

    user_i = user.astype(jnp.int32)
    item_i = item.astype(jnp.int32)

    NT = U * L // 128
    NP = U * P // 128
    NA = I * L // 128

    t128 = _repack(jnp.swapaxes(theta, 1, 2))
    p128 = _repack(jnp.swapaxes(prompt_theta, 0, 1))
    a128 = _repack(jnp.swapaxes(a, 0, 1))
    nb_rows = (I + 127) // 128
    b_flat = jnp.pad(b_table.reshape(I), (0, nb_rows * 128 - I))
    b128 = b_flat.reshape(nb_rows, 128)

    comb = _make_sc_gather(B, U, split, NT, NP, NA, R)(
        user_i, item_i, t128, p128, a128, b128)

    BLK = 2048
    out = pl.pallas_call(
        functools.partial(_tc_dense_body, P, L),
        grid=(B // BLK,),
        in_specs=[
            pl.BlockSpec((BLK, 128), lambda i: (i, 0)),
            pl.BlockSpec(W1.shape, lambda i: (0, 0)),
            pl.BlockSpec((1, L), lambda i: (0, 0)),
            pl.BlockSpec(W2.shape, lambda i: (0, 0)),
            pl.BlockSpec((1, L), lambda i: (0, 0)),
            pl.BlockSpec(s_vecs.shape, lambda i: (0, 0)),
        ],
        out_specs=pl.BlockSpec((BLK, 1), lambda i: (i, 0)),
        out_shape=jax.ShapeDtypeStruct((B, 1), jnp.float32),
    )(comb, W1, b1.reshape(1, L), W2, b2.reshape(1, L), s_vecs)
    return out.reshape(B)

# --- scband reference (transcript-rebuilt; emitter-appended) ---
"""Pipeline reference for scband-source-mirtnet-34248069218579 (READ-ONLY COPY).

The authoritative reference and input builder live on the scoring server;
editing this copy changes nothing except your own understanding.
"""

import jax, jax.numpy as jnp
import numpy as np

U = 100000
I = 100000
L = 32
P = 16
R = 2
B = 16384
COUNTS = np.array([50000, 50000])


def setup_inputs(seed: int = 0) -> dict:
    key = jax.random.key(seed)
    ks = jax.random.split(key, 12)
    user = jax.random.randint(ks[0], (B,), 0, U * R, dtype=jnp.int64) if jax.config.jax_enable_x64 else jax.random.randint(ks[0], (B,), 0, U * R)
    item = jax.random.randint(ks[1], (B,), 0, I)
    theta = jax.random.normal(ks[2], (R, U, L), dtype=jnp.float32)
    prompt_theta = jax.random.normal(ks[3], (U, P), dtype=jnp.float32)
    a = jax.random.uniform(ks[4], (I, L), dtype=jnp.float32)
    s_vecs = jax.random.uniform(ks[5], (R, P), dtype=jnp.float32)
    b_table = jax.random.normal(ks[6], (I, 1), dtype=jnp.float32) * 0.1
    W1 = jax.random.normal(ks[7], (L, P + L), dtype=jnp.float32) * (1.0 / np.sqrt(P + L))
    b1 = jnp.zeros((L,), dtype=jnp.float32)
    W2 = jax.random.normal(ks[8], (L, P + L), dtype=jnp.float32) * (1.0 / np.sqrt(P + L))
    b2 = jnp.zeros((L,), dtype=jnp.float32)
    return {"user": user, "item": item, "theta": theta, "prompt_theta": prompt_theta,
            "a": a, "s_vecs": s_vecs, "b_table": b_table,
            "W1": W1, "b1": b1, "W2": W2, "b2": b2}


def reference(user, item, theta, prompt_theta, a, s_vecs, b_table, W1, b1, W2, b2):
    # prompt_theta repeated for each source range, concat with stacked per-range theta
    prompt_rep = jnp.tile(prompt_theta, (R, 1))              # [R*U, P]
    theta_cat = theta.reshape(R * U, L)                      # [R*U, L]
    new_theta_full = jnp.concatenate([prompt_rep, theta_cat], axis=1)  # [R*U, P+L]
    nt = jax.nn.sigmoid(jnp.take(new_theta_full, user, axis=0))        # gather
    nt = nt @ W1.T + b1
    # per-range exercise prompt vectors expanded to item rows
    temp = jnp.repeat(s_vecs, COUNTS, axis=0)                # [I, P]
    all_a = jnp.concatenate([temp, a], axis=1)               # [I, P+L]
    na = jax.nn.sigmoid(jnp.take(all_a, item, axis=0))       # gather
    na = na @ W2.T + b2
    nb = jnp.take(b_table, item, axis=0).squeeze(-1)         # embedding lookup
    # a_range = 1 branch
    na = 1.0 * jax.nn.sigmoid(na)
    nb = 1.0 * jax.nn.sigmoid(nb)
    nt = 1.0 * jax.nn.sigmoid(nt)
    # irt2pl
    return 1.0 / (1.0 + jnp.exp(-jnp.sum(na * nt, axis=-1) + nb))

if __name__ == "__main__":
    import jax
    _d = setup_inputs()
    print(jax.jit(kernel)(*tuple(_d.values())))

</pallas_src>

<mosaic_0001>
#map = affine_map<(d0, d1) -> (0)>
#map1 = affine_map<(d0, d1) -> (0, 0)>
module attributes {stable_mosaic.version = 14 : i64} {
  func.func @_sc_gather_body(%arg0: i32, %arg1: i32, %arg2: memref<16384xi32, #tpu.memory_space<hbm>>, %arg3: memref<16384xi32, #tpu.memory_space<hbm>>, %arg4: memref<50000x128xf32, #tpu.memory_space<hbm>>, %arg5: memref<12500x128xf32, #tpu.memory_space<hbm>>, %arg6: memref<25000x128xf32, #tpu.memory_space<hbm>>, %arg7: memref<782x128xf32, #tpu.memory_space<hbm>>, %arg8: memref<16384x128xf32, #tpu.memory_space<hbm>>, %arg9: memref<512xi32, #tpu.memory_space<vmem>>, %arg10: memref<512xi32, #tpu.memory_space<vmem>>, %arg11: memref<512xi32, #tpu.memory_space<vmem>>, %arg12: memref<512xi32, #tpu.memory_space<vmem>>, %arg13: memref<512xi32, #tpu.memory_space<vmem>>, %arg14: memref<512xi32, #tpu.memory_space<vmem>>, %arg15: memref<512xi32, #tpu.memory_space<vmem>>, %arg16: memref<512xi32, #tpu.memory_space<vmem>>, %arg17: memref<512xi32, #tpu.memory_space<vmem>>, %arg18: memref<64x128xf32, #tpu.memory_space<vmem>>, %arg19: memref<64x128xf32, #tpu.memory_space<vmem>>, %arg20: memref<64x128xf32, #tpu.memory_space<vmem>>, %arg21: memref<64x128xf32, #tpu.memory_space<vmem>>, %arg22: memref<64x128xf32, #tpu.memory_space<vmem>>, %arg23: memref<64x128xf32, #tpu.memory_space<vmem>>, %arg24: memref<64x128xf32, #tpu.memory_space<vmem>>, %arg25: memref<64x128xf32, #tpu.memory_space<vmem>>, %arg26: memref<64x128xf32, #tpu.memory_space<vmem>>, %arg27: memref<!tpu.dma_semaphore, #tpu.memory_space<semaphore_mem>>, %arg28: memref<!tpu.dma_semaphore, #tpu.memory_space<semaphore_mem>>, %arg29: memref<!tpu.dma_semaphore, #tpu.memory_space<semaphore_mem>>, %arg30: memref<!tpu.dma_semaphore, #tpu.memory_space<semaphore_mem>>, %arg31: memref<!tpu.dma_semaphore, #tpu.memory_space<semaphore_mem>>, %arg32: memref<!tpu.dma_semaphore, #tpu.memory_space<semaphore_mem>>, %arg33: memref<!tpu.dma_semaphore, #tpu.memory_space<semaphore_mem>>, %arg34: memref<!tpu.dma_semaphore, #tpu.memory_space<semaphore_mem>>) attributes {dimension_semantics = [#tpu.dimension_semantics<core_parallel>, #tpu.dimension_semantics<subcore_parallel>], iteration_bounds = array<i64: 2, 16>, scalar_prefetch = 0 : i64, scratch_operands = 26 : i64, tpu.core_type = #tpu.core_type<sc_vector_subcore>, window_params = [{transform_indices = #map}, {transform_indices = #map}, {transform_indices = #map1}, {transform_indices = #map1}, {transform_indices = #map1}, {transform_indices = #map1}, {transform_indices = #map1}]} {
    %mul3A = arith.constant 2 : i32
    %mul3A_0 = arith.muli %arg1, %mul3A : i32
    %add3A = arith.addi %mul3A_0, %arg0 : i32
    %mul3A_1 = arith.constant 512 : i32
    %mul3A_2 = arith.muli %add3A, %mul3A_1 : i32
    "tpu.region"() ({
      %run_scoped3A = tpu.sem_alloc : memref<!tpu.dma_semaphore, #tpu.memory_space<semaphore_mem>>
      %dma_start3A_35 = tpu.memref_slice %arg2[%mul3A_2] : memref<16384xi32, #tpu.memory_space<hbm>> -> memref<512xi32, #tpu.memory_space<hbm>>
      %dma_start3A_36 = tpu.memref_slice %arg2[%mul3A_2] : memref<16384xi32, #tpu.memory_space<hbm>> -> memref<512xi32, #tpu.memory_space<hbm>>
      tpu.enqueue_dma source(%dma_start3A_36 : memref<512xi32, #tpu.memory_space<hbm>>) target(%arg9 : memref<512xi32, #tpu.memory_space<vmem>>) target_semaphore(%run_scoped3A : memref<!tpu.dma_semaphore, #tpu.memory_space<semaphore_mem>>)
      %dma_wait3A = tpu.memref_slice %arg2[%mul3A_2] : memref<16384xi32, #tpu.memory_space<hbm>> -> memref<512xi32, #tpu.memory_space<hbm>>
      %dma_wait3A_37 = tpu.memref_slice %arg2[%mul3A_2] : memref<16384xi32, #tpu.memory_space<hbm>> -> memref<512xi32, #tpu.memory_space<hbm>>
      tpu.wait_dma2 semaphore(%run_scoped3A : memref<!tpu.dma_semaphore, #tpu.memory_space<semaphore_mem>>) src(%dma_wait3A_37 : memref<512xi32, #tpu.memory_space<hbm>>) dst(%arg9 : memref<512xi32, #tpu.memory_space<vmem>>)
      tpu.yield
    }) : () -> ()
    "tpu.region"() ({
      %run_scoped3A = tpu.sem_alloc : memref<!tpu.dma_semaphore, #tpu.memory_space<semaphore_mem>>
      %dma_start3A_35 = tpu.memref_slice %arg3[%mul3A_2] : memref<16384xi32, #tpu.memory_space<hbm>> -> memref<512xi32, #tpu.memory_space<hbm>>
      %dma_start3A_36 = tpu.memref_slice %arg3[%mul3A_2] : memref<16384xi32, #tpu.memory_space<hbm>> -> memref<512xi32, #tpu.memory_space<hbm>>
      tpu.enqueue_dma source(%dma_start3A_36 : memref<512xi32, #tpu.memory_space<hbm>>) target(%arg10 : memref<512xi32, #tpu.memory_space<vmem>>) target_semaphore(%run_scoped3A : memref<!tpu.dma_semaphore, #tpu.memory_space<semaphore_mem>>)
      %dma_wait3A = tpu.memref_slice %arg3[%mul3A_2] : memref<16384xi32, #tpu.memory_space<hbm>> -> memref<512xi32, #tpu.memory_space<hbm>>
      %dma_wait3A_37 = tpu.memref_slice %arg3[%mul3A_2] : memref<16384xi32, #tpu.memory_space<hbm>> -> memref<512xi32, #tpu.memory_space<hbm>>
      tpu.wait_dma2 semaphore(%run_scoped3A : memref<!tpu.dma_semaphore, #tpu.memory_space<semaphore_mem>>) src(%dma_wait3A_37 : memref<512xi32, #tpu.memory_space<hbm>>) dst(%arg10 : memref<512xi32, #tpu.memory_space<vmem>>)
      tpu.yield
    }) : () -> ()
    %scan3A = arith.constant 0 : i32
    %scan3A_3 = arith.constant 0 : i32
    %scan3A_4 = arith.constant 32 : i32
    %scan3A_5 = arith.addi %scan3A_3, %scan3A_4 : i32
    %scan3A_6 = arith.constant 1 : i32
    %scan3A_7 = scf.for %scan3A_35 = %scan3A_3 to %scan3A_5 step %scan3A_6 iter_args(%scan3A_36 = %scan3A) -> (i32)  : i32 {
      %mul3A_37 = arith.constant 16 : i32
      %mul3A_38 = arith.muli %scan3A_35, %mul3A_37 : i32
      %get3A = arith.index_cast %mul3A_38 : i32 to index
      %get3A_39 = tpu.vector_load %arg9[%get3A] {strides = array<i32>} : memref<512xi32, #tpu.memory_space<vmem>>, vector<16xi32>,
      %get3A_40 = arith.index_cast %mul3A_38 : i32 to index
      %get3A_41 = tpu.vector_load %arg10[%get3A_40] {strides = array<i32>} : memref<512xi32, #tpu.memory_space<vmem>>, vector<16xi32>,
      %broadcast_in_dim3A = arith.constant 0 : i32
      %broadcast_in_dim3A_42 = vector.broadcast %broadcast_in_dim3A : i32 to vector<16xi32>
      %ge3A = arith.constant 100000 : i32
      %ge3A_43 = vector.broadcast %ge3A : i32 to vector<16xi32>
      %ge3A_44 = arith.cmpi sge, %get3A_39, %ge3A_43 : vector<16xi32>
      %jit3A = arith.constant 1 : i32
      %jit3A_45 = arith.constant 0 : i32
      %broadcast_in_dim3A_46 = vector.broadcast %jit3A : i32 to vector<16xi32>
      %broadcast_in_dim3A_47 = vector.broadcast %jit3A_45 : i32 to vector<16xi32>
      %select_n3A = arith.select %ge3A_44, %broadcast_in_dim3A_46, %broadcast_in_dim3A_47 : vector<16xi1>, vector<16xi32>
      %add3A_48 = arith.addi %broadcast_in_dim3A_42, %select_n3A : vector<16xi32>
      %mul3A_49 = arith.constant 100000 : i32
      %mul3A_50 = vector.broadcast %mul3A_49 : i32 to vector<16xi32>
      %mul3A_51 = arith.muli %add3A_48, %mul3A_50 : vector<16xi32>
      %sub3A = arith.subi %get3A_39, %mul3A_51 : vector<16xi32>
      %broadcast_in_dim3A_52 = arith.constant 0 : i32
      %broadcast_in_dim3A_53 = vector.broadcast %broadcast_in_dim3A_52 : i32 to vector<16xi32>
      %ge3A_54 = arith.constant 25000 : i32
      %ge3A_55 = vector.broadcast %ge3A_54 : i32 to vector<16xi32>
      %ge3A_56 = arith.cmpi sge, %sub3A, %ge3A_55 : vector<16xi32>
      %jit3A_57 = arith.constant 1 : i32
      %jit3A_58 = arith.constant 0 : i32
      %broadcast_in_dim3A_59 = vector.broadcast %jit3A_57 : i32 to vector<16xi32>
      %broadcast_in_dim3A_60 = vector.broadcast %jit3A_58 : i32 to vector<16xi32>
      %select_n3A_61 = arith.select %ge3A_56, %broadcast_in_dim3A_59, %broadcast_in_dim3A_60 : vector<16xi1>, vector<16xi32>
      %add3A_62 = arith.addi %broadcast_in_dim3A_53, %select_n3A_61 : vector<16xi32>
      %ge3A_63 = arith.constant 50000 : i32
      %ge3A_64 = vector.broadcast %ge3A_63 : i32 to vector<16xi32>
      %ge3A_65 = arith.cmpi sge, %sub3A, %ge3A_64 : vector<16xi32>
      %jit3A_66 = arith.constant 1 : i32
      %jit3A_67 = arith.constant 0 : i32
      %broadcast_in_dim3A_68 = vector.broadcast %jit3A_66 : i32 to vector<16xi32>
      %broadcast_in_dim3A_69 = vector.broadcast %jit3A_67 : i32 to vector<16xi32>
      %select_n3A_70 = arith.select %ge3A_65, %broadcast_in_dim3A_68, %broadcast_in_dim3A_69 : vector<16xi1>, vector<16xi32>
      %add3A_71 = arith.addi %add3A_62, %select_n3A_70 : vector<16xi32>
      %ge3A_72 = arith.constant 75000 : i32
      %ge3A_73 = vector.broadcast %ge3A_72 : i32 to vector<16xi32>
      %ge3A_74 = arith.cmpi sge, %sub3A, %ge3A_73 : vector<16xi32>
      %jit3A_75 = arith.constant 1 : i32
      %jit3A_76 = arith.constant 0 : i32
      %broadcast_in_dim3A_77 = vector.broadcast %jit3A_75 : i32 to vector<16xi32>
      %broadcast_in_dim3A_78 = vector.broadcast %jit3A_76 : i32 to vector<16xi32>
      %select_n3A_79 = arith.select %ge3A_74, %broadcast_in_dim3A_77, %broadcast_in_dim3A_78 : vector<16xi1>, vector<16xi32>
      %add3A_80 = arith.addi %add3A_71, %select_n3A_79 : vector<16xi32>
      %mul3A_81 = arith.constant 25000 : i32
      %mul3A_82 = vector.broadcast %mul3A_81 : i32 to vector<16xi32>
      %mul3A_83 = arith.muli %add3A_48, %mul3A_82 : vector<16xi32>
      %mul3A_84 = arith.constant 25000 : i32
      %mul3A_85 = vector.broadcast %mul3A_84 : i32 to vector<16xi32>
      %mul3A_86 = arith.muli %add3A_80, %mul3A_85 : vector<16xi32>
      %sub3A_87 = arith.subi %sub3A, %mul3A_86 : vector<16xi32>
      %add3A_88 = arith.addi %mul3A_83, %sub3A_87 : vector<16xi32>
      %swap3A = arith.index_cast %mul3A_38 : i32 to index
      %swap3A_89 = tpu.vector_load %arg11[%swap3A] {strides = array<i32>} : memref<512xi32, #tpu.memory_space<vmem>>, vector<16xi32>,
      tpu.vector_store %arg11[%swap3A], %add3A_88 {strides = array<i32>} : memref<512xi32, #tpu.memory_space<vmem>>, vector<16xi32>,
      %mul3A_90 = arith.constant 32 : i32
      %mul3A_91 = vector.broadcast %mul3A_90 : i32 to vector<16xi32>
      %mul3A_92 = arith.muli %add3A_80, %mul3A_91 : vector<16xi32>
      %swap3A_93 = arith.index_cast %mul3A_38 : i32 to index
      %swap3A_94 = tpu.vector_load %arg15[%swap3A_93] {strides = array<i32>} : memref<512xi32, #tpu.memory_space<vmem>>, vector<16xi32>,
      tpu.vector_store %arg15[%swap3A_93], %mul3A_92 {strides = array<i32>} : memref<512xi32, #tpu.memory_space<vmem>>, vector<16xi32>,
      %broadcast_in_dim3A_95 = arith.constant 0 : i32
      %broadcast_in_dim3A_96 = vector.broadcast %broadcast_in_dim3A_95 : i32 to vector<16xi32>
      %ge3A_97 = arith.constant 12500 : i32
      %ge3A_98 = vector.broadcast %ge3A_97 : i32 to vector<16xi32>
      %ge3A_99 = arith.cmpi sge, %sub3A, %ge3A_98 : vector<16xi32>
      %jit3A_100 = arith.constant 1 : i32
      %jit3A_101 = arith.constant 0 : i32
      %broadcast_in_dim3A_102 = vector.broadcast %jit3A_100 : i32 to vector<16xi32>
      %broadcast_in_dim3A_103 = vector.broadcast %jit3A_101 : i32 to vector<16xi32>
      %select_n3A_104 = arith.select %ge3A_99, %broadcast_in_dim3A_102, %broadcast_in_dim3A_103 : vector<16xi1>, vector<16xi32>
      %add3A_105 = arith.addi %broadcast_in_dim3A_96, %select_n3A_104 : vector<16xi32>
      %ge3A_106 = arith.constant 25000 : i32
      %ge3A_107 = vector.broadcast %ge3A_106 : i32 to vector<16xi32>
      %ge3A_108 = arith.cmpi sge, %sub3A, %ge3A_107 : vector<16xi32>
      %jit3A_109 = arith.constant 1 : i32
      %jit3A_110 = arith.constant 0 : i32
      %broadcast_in_dim3A_111 = vector.broadcast %jit3A_109 : i32 to vector<16xi32>
      %broadcast_in_dim3A_112 = vector.broadcast %jit3A_110 : i32 to vector<16xi32>
      %select_n3A_113 = arith.select %ge3A_108, %broadcast_in_dim3A_111, %broadcast_in_dim3A_112 : vector<16xi1>, vector<16xi32>
      %add3A_114 = arith.addi %add3A_105, %select_n3A_113 : vector<16xi32>
      %ge3A_115 = arith.constant 37500 : i32
      %ge3A_116 = vector.broadcast %ge3A_115 : i32 to vector<16xi32>
      %ge3A_117 = arith.cmpi sge, %sub3A, %ge3A_116 : vector<16xi32>
      %jit3A_118 = arith.constant 1 : i32
      %jit3A_119 = arith.constant 0 : i32
      %broadcast_in_dim3A_120 = vector.broadcast %jit3A_118 : i32 to vector<16xi32>
      %broadcast_in_dim3A_121 = vector.broadcast %jit3A_119 : i32 to vector<16xi32>
      %select_n3A_122 = arith.select %ge3A_117, %broadcast_in_dim3A_120, %broadcast_in_dim3A_121 : vector<16xi1>, vector<16xi32>
      %add3A_123 = arith.addi %add3A_114, %select_n3A_122 : vector<16xi32>
      %ge3A_124 = arith.constant 50000 : i32
      %ge3A_125 = vector.broadcast %ge3A_124 : i32 to vector<16xi32>
      %ge3A_126 = arith.cmpi sge, %sub3A, %ge3A_125 : vector<16xi32>
      %jit3A_127 = arith.constant 1 : i32
      %jit3A_128 = arith.constant 0 : i32
      %broadcast_in_dim3A_129 = vector.broadcast %jit3A_127 : i32 to vector<16xi32>
      %broadcast_in_dim3A_130 = vector.broadcast %jit3A_128 : i32 to vector<16xi32>
      %select_n3A_131 = arith.select %ge3A_126, %broadcast_in_dim3A_129, %broadcast_in_dim3A_130 : vector<16xi1>, vector<16xi32>
      %add3A_132 = arith.addi %add3A_123, %select_n3A_131 : vector<16xi32>
      %ge3A_133 = arith.constant 62500 : i32
      %ge3A_134 = vector.broadcast %ge3A_133 : i32 to vector<16xi32>
      %ge3A_135 = arith.cmpi sge, %sub3A, %ge3A_134 : vector<16xi32>
      %jit3A_136 = arith.constant 1 : i32
      %jit3A_137 = arith.constant 0 : i32
      %broadcast_in_dim3A_138 = vector.broadcast %jit3A_136 : i32 to vector<16xi32>
      %broadcast_in_dim3A_139 = vector.broadcast %jit3A_137 : i32 to vector<16xi32>
      %select_n3A_140 = arith.select %ge3A_135, %broadcast_in_dim3A_138, %broadcast_in_dim3A_139 : vector<16xi1>, vector<16xi32>
      %add3A_141 = arith.addi %add3A_132, %select_n3A_140 : vector<16xi32>
      %ge3A_142 = arith.constant 75000 : i32
      %ge3A_143 = vector.broadcast %ge3A_142 : i32 to vector<16xi32>
      %ge3A_144 = arith.cmpi sge, %sub3A, %ge3A_143 : vector<16xi32>
      %jit3A_145 = arith.constant 1 : i32
      %jit3A_146 = arith.constant 0 : i32
      %broadcast_in_dim3A_147 = vector.broadcast %jit3A_145 : i32 to vector<16xi32>
      %broadcast_in_dim3A_148 = vector.broadcast %jit3A_146 : i32 to vector<16xi32>
      %select_n3A_149 = arith.select %ge3A_144, %broadcast_in_dim3A_147, %broadcast_in_dim3A_148 : vector<16xi1>, vector<16xi32>
      %add3A_150 = arith.addi %add3A_141, %select_n3A_149 : vector<16xi32>
      %ge3A_151 = arith.constant 87500 : i32
      %ge3A_152 = vector.broadcast %ge3A_151 : i32 to vector<16xi32>
      %ge3A_153 = arith.cmpi sge, %sub3A, %ge3A_152 : vector<16xi32>
      %jit3A_154 = arith.constant 1 : i32
      %jit3A_155 = arith.constant 0 : i32
      %broadcast_in_dim3A_156 = vector.broadcast %jit3A_154 : i32 to vector<16xi32>
      %broadcast_in_dim3A_157 = vector.broadcast %jit3A_155 : i32 to vector<16xi32>
      %select_n3A_158 = arith.select %ge3A_153, %broadcast_in_dim3A_156, %broadcast_in_dim3A_157 : vector<16xi1>, vector<16xi32>
      %add3A_159 = arith.addi %add3A_150, %select_n3A_158 : vector<16xi32>
      %mul3A_160 = arith.constant 12500 : i32
      %mul3A_161 = vector.broadcast %mul3A_160 : i32 to vector<16xi32>
      %mul3A_162 = arith.muli %add3A_159, %mul3A_161 : vector<16xi32>
      %sub3A_163 = arith.subi %sub3A, %mul3A_162 : vector<16xi32>
      %swap3A_164 = arith.index_cast %mul3A_38 : i32 to index
      %swap3A_165 = tpu.vector_load %arg12[%swap3A_164] {strides = array<i32>} : memref<512xi32, #tpu.memory_space<vmem>>, vector<16xi32>,
      tpu.vector_store %arg12[%swap3A_164], %sub3A_163 {strides = array<i32>} : memref<512xi32, #tpu.memory_space<vmem>>, vector<16xi32>,
      %mul3A_166 = arith.constant 16 : i32
      %mul3A_167 = vector.broadcast %mul3A_166 : i32 to vector<16xi32>
      %mul3A_168 = arith.muli %add3A_159, %mul3A_167 : vector<16xi32>
      %swap3A_169 = arith.index_cast %mul3A_38 : i32 to index
      %swap3A_170 = tpu.vector_load %arg16[%swap3A_169] {strides = array<i32>} : memref<512xi32, #tpu.memory_space<vmem>>, vector<16xi32>,
      tpu.vector_store %arg16[%swap3A_169], %mul3A_168 {strides = array<i32>} : memref<512xi32, #tpu.memory_space<vmem>>, vector<16xi32>,
      %broadcast_in_dim3A_171 = arith.constant 0 : i32
      %broadcast_in_dim3A_172 = vector.broadcast %broadcast_in_dim3A_171 : i32 to vector<16xi32>
      %ge3A_173 = arith.constant 25000 : i32
      %ge3A_174 = vector.broadcast %ge3A_173 : i32 to vector<16xi32>
      %ge3A_175 = arith.cmpi sge, %get3A_41, %ge3A_174 : vector<16xi32>
      %jit3A_176 = arith.constant 1 : i32
      %jit3A_177 = arith.constant 0 : i32
      %broadcast_in_dim3A_178 = vector.broadcast %jit3A_176 : i32 to vector<16xi32>
      %broadcast_in_dim3A_179 = vector.broadcast %jit3A_177 : i32 to vector<16xi32>
      %select_n3A_180 = arith.select %ge3A_175, %broadcast_in_dim3A_178, %broadcast_in_dim3A_179 : vector<16xi1>, vector<16xi32>
      %add3A_181 = arith.addi %broadcast_in_dim3A_172, %select_n3A_180 : vector<16xi32>
      %ge3A_182 = arith.constant 50000 : i32
      %ge3A_183 = vector.broadcast %ge3A_182 : i32 to vector<16xi32>
      %ge3A_184 = arith.cmpi sge, %get3A_41, %ge3A_183 : vector<16xi32>
      %jit3A_185 = arith.constant 1 : i32
      %jit3A_186 = arith.constant 0 : i32
      %broadcast_in_dim3A_187 = vector.broadcast %jit3A_185 : i32 to vector<16xi32>
      %broadcast_in_dim3A_188 = vector.broadcast %jit3A_186 : i32 to vector<16xi32>
      %select_n3A_189 = arith.select %ge3A_184, %broadcast_in_dim3A_187, %broadcast_in_dim3A_188 : vector<16xi1>, vector<16xi32>
      %add3A_190 = arith.addi %add3A_181, %select_n3A_189 : vector<16xi32>
      %ge3A_191 = arith.constant 75000 : i32
      %ge3A_192 = vector.broadcast %ge3A_191 : i32 to vector<16xi32>
      %ge3A_193 = arith.cmpi sge, %get3A_41, %ge3A_192 : vector<16xi32>
      %jit3A_194 = arith.constant 1 : i32
      %jit3A_195 = arith.constant 0 : i32
      %broadcast_in_dim3A_196 = vector.broadcast %jit3A_194 : i32 to vector<16xi32>
      %broadcast_in_dim3A_197 = vector.broadcast %jit3A_195 : i32 to vector<16xi32>
      %select_n3A_198 = arith.select %ge3A_193, %broadcast_in_dim3A_196, %broadcast_in_dim3A_197 : vector<16xi1>, vector<16xi32>
      %add3A_199 = arith.addi %add3A_190, %select_n3A_198 : vector<16xi32>
      %mul3A_200 = arith.constant 25000 : i32
      %mul3A_201 = vector.broadcast %mul3A_200 : i32 to vector<16xi32>
      %mul3A_202 = arith.muli %add3A_199, %mul3A_201 : vector<16xi32>
      %sub3A_203 = arith.subi %get3A_41, %mul3A_202 : vector<16xi32>
      %swap3A_204 = arith.index_cast %mul3A_38 : i32 to index
      %swap3A_205 = tpu.vector_load %arg13[%swap3A_204] {strides = array<i32>} : memref<512xi32, #tpu.memory_space<vmem>>, vector<16xi32>,
      tpu.vector_store %arg13[%swap3A_204], %sub3A_203 {strides = array<i32>} : memref<512xi32, #tpu.memory_space<vmem>>, vector<16xi32>,
      %mul3A_206 = arith.constant 32 : i32
      %mul3A_207 = vector.broadcast %mul3A_206 : i32 to vector<16xi32>
      %mul3A_208 = arith.muli %add3A_199, %mul3A_207 : vector<16xi32>
      %swap3A_209 = arith.index_cast %mul3A_38 : i32 to index
      %swap3A_210 = tpu.vector_load %arg17[%swap3A_209] {strides = array<i32>} : memref<512xi32, #tpu.memory_space<vmem>>, vector<16xi32>,
      tpu.vector_store %arg17[%swap3A_209], %mul3A_208 {strides = array<i32>} : memref<512xi32, #tpu.memory_space<vmem>>, vector<16xi32>,
      %shift_right_arithmetic3A = arith.constant 7 : i32
      %shift_right_arithmetic3A_211 = vector.broadcast %shift_right_arithmetic3A : i32 to vector<16xi32>
      %shift_right_arithmetic3A_212 = arith.shrsi %get3A_41, %shift_right_arithmetic3A_211 : vector<16xi32>
      %swap3A_213 = arith.index_cast %mul3A_38 : i32 to index
      %swap3A_214 = tpu.vector_load %arg14[%swap3A_213] {strides = array<i32>} : memref<512xi32, #tpu.memory_space<vmem>>, vector<16xi32>,
      tpu.vector_store %arg14[%swap3A_213], %shift_right_arithmetic3A_212 {strides = array<i32>} : memref<512xi32, #tpu.memory_space<vmem>>, vector<16xi32>,
      %scan3A_215 = arith.constant 0 : i32
      scf.yield %scan3A_215 : i32
    }
    %scan3A_8 = arith.constant 32 : i32
    %iota3A = tpu.iota {dimensions = array<i32: 0>} : vector<16xi32>
    %dma_start3A = arith.constant 0 : i32
    %dma_start3A_9 = tpu.memref_slice %arg11[%dma_start3A] : memref<512xi32, #tpu.memory_space<vmem>> -> memref<64xi32, #tpu.memory_space<vmem>>
    %dma_start3A_10 = arith.constant 0 : i32
    %dma_start3A_11 = arith.constant 0 : i32
    %dma_start3A_12 = tpu.memref_slice %arg4[%dma_start3A_10, %dma_start3A_11] : memref<50000x128xf32, #tpu.memory_space<hbm>> -> memref<50000x128xf32, #tpu.memory_space<hbm>>
    tpu.enqueue_indirect_dma source(%dma_start3A_12 : memref<50000x128xf32, #tpu.memory_space<hbm>>) target(%arg18 : memref<64x128xf32, #tpu.memory_space<vmem>>) offsets(%dma_start3A_9 : memref<64xi32, #tpu.memory_space<vmem>>) semaphore(%arg27 : memref<!tpu.dma_semaphore, #tpu.memory_space<semaphore_mem>>)
    %dma_start3A_13 = arith.constant 0 : i32
    %dma_start3A_14 = tpu.memref_slice %arg12[%dma_start3A_13] : memref<512xi32, #tpu.memory_space<vmem>> -> memref<64xi32, #tpu.memory_space<vmem>>
    %dma_start3A_15 = arith.constant 0 : i32
    %dma_start3A_16 = arith.constant 0 : i32
    %dma_start3A_17 = tpu.memref_slice %arg5[%dma_start3A_15, %dma_start3A_16] : memref<12500x128xf32, #tpu.memory_space<hbm>> -> memref<12500x128xf32, #tpu.memory_space<hbm>>
    tpu.enqueue_indirect_dma source(%dma_start3A_17 : memref<12500x128xf32, #tpu.memory_space<hbm>>) target(%arg19 : memref<64x128xf32, #tpu.memory_space<vmem>>) offsets(%dma_start3A_14 : memref<64xi32, #tpu.memory_space<vmem>>) semaphore(%arg28 : memref<!tpu.dma_semaphore, #tpu.memory_space<semaphore_mem>>)
    %dma_start3A_18 = arith.constant 0 : i32
    %dma_start3A_19 = tpu.memref_slice %arg13[%dma_start3A_18] : memref<512xi32, #tpu.memory_space<vmem>> -> memref<64xi32, #tpu.memory_space<vmem>>
    %dma_start3A_20 = arith.constant 0 : i32
    %dma_start3A_21 = arith.constant 0 : i32
    %dma_start3A_22 = tpu.memref_slice %arg6[%dma_start3A_20, %dma_start3A_21] : memref<25000x128xf32, #tpu.memory_space<hbm>> -> memref<25000x128xf32, #tpu.memory_space<hbm>>
    tpu.enqueue_indirect_dma source(%dma_start3A_22 : memref<25000x128xf32, #tpu.memory_space<hbm>>) target(%arg20 : memref<64x128xf32, #tpu.memory_space<vmem>>) offsets(%dma_start3A_19 : memref<64xi32, #tpu.memory_space<vmem>>) semaphore(%arg29 : memref<!tpu.dma_semaphore, #tpu.memory_space<semaphore_mem>>)
    %dma_start3A_23 = arith.constant 0 : i32
    %dma_start3A_24 = tpu.memref_slice %arg14[%dma_start3A_23] : memref<512xi32, #tpu.memory_space<vmem>> -> memref<64xi32, #tpu.memory_space<vmem>>
    %dma_start3A_25 = arith.constant 0 : i32
    %dma_start3A_26 = arith.constant 0 : i32
    %dma_start3A_27 = tpu.memref_slice %arg7[%dma_start3A_25, %dma_start3A_26] : memref<782x128xf32, #tpu.memory_space<hbm>> -> memref<782x128xf32, #tpu.memory_space<hbm>>
    tpu.enqueue_indirect_dma source(%dma_start3A_27 : memref<782x128xf32, #tpu.memory_space<hbm>>) target(%arg21 : memref<64x128xf32, #tpu.memory_space<vmem>>) offsets(%dma_start3A_24 : memref<64xi32, #tpu.memory_space<vmem>>) semaphore(%arg30 : memref<!tpu.dma_semaphore, #tpu.memory_space<semaphore_mem>>)
    %scan3A_28 = arith.constant 0 : i32
    %scan3A_29 = arith.constant 0 : i32
    %scan3A_30 = arith.constant 4 : i32
    %scan3A_31 = arith.addi %scan3A_29, %scan3A_30 : i32
    %scan3A_32 = arith.constant 1 : i32
    %scan3A_33 = scf.for %scan3A_35 = %scan3A_29 to %scan3A_31 step %scan3A_32 iter_args(%scan3A_36 = %scan3A_28) -> (i32)  : i32 {
      %mul3A_37 = arith.constant 2 : i32
      %mul3A_38 = arith.muli %scan3A_35, %mul3A_37 : i32
      %add3A_39 = arith.constant 1 : i32
      %add3A_40 = arith.addi %mul3A_38, %add3A_39 : i32
      %mul3A_41 = arith.constant 64 : i32
      %mul3A_42 = arith.muli %add3A_40, %mul3A_41 : i32
      %dma_start3A_43 = tpu.memref_slice %arg11[%mul3A_42] : memref<512xi32, #tpu.memory_space<vmem>> -> memref<64xi32, #tpu.memory_space<vmem>>
      %dma_start3A_44 = arith.constant 0 : i32
      %dma_start3A_45 = arith.constant 0 : i32
      %dma_start3A_46 = tpu.memref_slice %arg4[%dma_start3A_44, %dma_start3A_45] : memref<50000x128xf32, #tpu.memory_space<hbm>> -> memref<50000x128xf32, #tpu.memory_space<hbm>>
      tpu.enqueue_indirect_dma source(%dma_start3A_46 : memref<50000x128xf32, #tpu.memory_space<hbm>>) target(%arg22 : memref<64x128xf32, #tpu.memory_space<vmem>>) offsets(%dma_start3A_43 : memref<64xi32, #tpu.memory_space<vmem>>) semaphore(%arg31 : memref<!tpu.dma_semaphore, #tpu.memory_space<semaphore_mem>>)
      %dma_start3A_47 = tpu.memref_slice %arg12[%mul3A_42] : memref<512xi32, #tpu.memory_space<vmem>> -> memref<64xi32, #tpu.memory_space<vmem>>
      %dma_start3A_48 = arith.constant 0 : i32
      %dma_start3A_49 = arith.constant 0 : i32
      %dma_start3A_50 = tpu.memref_slice %arg5[%dma_start3A_48, %dma_start3A_49] : memref<12500x128xf32, #tpu.memory_space<hbm>> -> memref<12500x128xf32, #tpu.memory_space<hbm>>
      tpu.enqueue_indirect_dma source(%dma_start3A_50 : memref<12500x128xf32, #tpu.memory_space<hbm>>) target(%arg23 : memref<64x128xf32, #tpu.memory_space<vmem>>) offsets(%dma_start3A_47 : memref<64xi32, #tpu.memory_space<vmem>>) semaphore(%arg32 : memref<!tpu.dma_semaphore, #tpu.memory_space<semaphore_mem>>)
      %dma_start3A_51 = tpu.memref_slice %arg13[%mul3A_42] : memref<512xi32, #tpu.memory_space<vmem>> -> memref<64xi32, #tpu.memory_space<vmem>>
      %dma_start3A_52 = arith.constant 0 : i32
      %dma_start3A_53 = arith.constant 0 : i32
      %dma_start3A_54 = tpu.memref_slice %arg6[%dma_start3A_52, %dma_start3A_53] : memref<25000x128xf32, #tpu.memory_space<hbm>> -> memref<25000x128xf32, #tpu.memory_space<hbm>>
      tpu.enqueue_indirect_dma source(%dma_start3A_54 : memref<25000x128xf32, #tpu.memory_space<hbm>>) target(%arg24 : memref<64x128xf32, #tpu.memory_space<vmem>>) offsets(%dma_start3A_51 : memref<64xi32, #tpu.memory_space<vmem>>) semaphore(%arg33 : memref<!tpu.dma_semaphore, #tpu.memory_space<semaphore_mem>>)
      %dma_start3A_55 = tpu.memref_slice %arg14[%mul3A_42] : memref<512xi32, #tpu.memory_space<vmem>> -> memref<64xi32, #tpu.memory_space<vmem>>
      %dma_start3A_56 = arith.constant 0 : i32
      %dma_start3A_57 = arith.constant 0 : i32
      %dma_start3A_58 = tpu.memref_slice %arg7[%dma_start3A_56, %dma_start3A_57] : memref<782x128xf32, #tpu.memory_space<hbm>> -> memref<782x128xf32, #tpu.memory_space<hbm>>
      tpu.enqueue_indirect_dma source(%dma_start3A_58 : memref<782x128xf32, #tpu.memory_space<hbm>>) target(%arg25 : memref<64x128xf32, #tpu.memory_space<vmem>>) offsets(%dma_start3A_55 : memref<64xi32, #tpu.memory_space<vmem>>) semaphore(%arg34 : memref<!tpu.dma_semaphore, #tpu.memory_space<semaphore_mem>>)
      %dma_wait3A = arith.constant 0 : i32
      %dma_wait3A_59 = arith.constant 0 : i32
      %dma_wait3A_60 = tpu.memref_slice %arg4[%dma_wait3A, %dma_wait3A_59] : memref<50000x128xf32, #tpu.memory_space<hbm>> -> memref<64x128xf32, #tpu.memory_space<hbm>>
      %dma_wait3A_61 = arith.constant 0 : i32
      %dma_wait3A_62 = arith.constant 0 : i32
      %dma_wait3A_63 = tpu.memref_slice %arg4[%dma_wait3A_61, %dma_wait3A_62] : memref<50000x128xf32, #tpu.memory_space<hbm>> -> memref<64x128xf32, #tpu.memory_space<hbm>>
      tpu.wait_dma2 semaphore(%arg27 : memref<!tpu.dma_semaphore, #tpu.memory_space<semaphore_mem>>) src(%dma_wait3A_63 : memref<64x128xf32, #tpu.memory_space<hbm>>) dst(%arg18 : memref<64x128xf32, #tpu.memory_space<vmem>>)
      %dma_wait3A_64 = arith.constant 0 : i32
      %dma_wait3A_65 = arith.constant 0 : i32
      %dma_wait3A_66 = tpu.memref_slice %arg5[%dma_wait3A_64, %dma_wait3A_65] : memref<12500x128xf32, #tpu.memory_space<hbm>> -> memref<64x128xf32, #tpu.memory_space<hbm>>
      %dma_wait3A_67 = arith.constant 0 : i32
      %dma_wait3A_68 = arith.constant 0 : i32
      %dma_wait3A_69 = tpu.memref_slice %arg5[%dma_wait3A_67, %dma_wait3A_68] : memref<12500x128xf32, #tpu.memory_space<hbm>> -> memref<64x128xf32, #tpu.memory_space<hbm>>
      tpu.wait_dma2 semaphore(%arg28 : memref<!tpu.dma_semaphore, #tpu.memory_space<semaphore_mem>>) src(%dma_wait3A_69 : memref<64x128xf32, #tpu.memory_space<hbm>>) dst(%arg19 : memref<64x128xf32, #tpu.memory_space<vmem>>)
      %dma_wait3A_70 = arith.constant 0 : i32
      %dma_wait3A_71 = arith.constant 0 : i32
      %dma_wait3A_72 = tpu.memref_slice %arg6[%dma_wait3A_70, %dma_wait3A_71] : memref<25000x128xf32, #tpu.memory_space<hbm>> -> memref<64x128xf32, #tpu.memory_space<hbm>>
      %dma_wait3A_73 = arith.constant 0 : i32
      %dma_wait3A_74 = arith.constant 0 : i32
      %dma_wait3A_75 = tpu.memref_slice %arg6[%dma_wait3A_73, %dma_wait3A_74] : memref<25000x128xf32, #tpu.memory_space<hbm>> -> memref<64x128xf32, #tpu.memory_space<hbm>>
      tpu.wait_dma2 semaphore(%arg29 : memref<!tpu.dma_semaphore, #tpu.memory_space<semaphore_mem>>) src(%dma_wait3A_75 : memref<64x128xf32, #tpu.memory_space<hbm>>) dst(%arg20 : memref<64x128xf32, #tpu.memory_space<vmem>>)
      %dma_wait3A_76 = arith.constant 0 : i32
      %dma_wait3A_77 = arith.constant 0 : i32
      %dma_wait3A_78 = tpu.memref_slice %arg7[%dma_wait3A_76, %dma_wait3A_77] : memref<782x128xf32, #tpu.memory_space<hbm>> -> memref<64x128xf32, #tpu.memory_space<hbm>>
      %dma_wait3A_79 = arith.constant 0 : i32
      %dma_wait3A_80 = arith.constant 0 : i32
      %dma_wait3A_81 = tpu.memref_slice %arg7[%dma_wait3A_79, %dma_wait3A_80] : memref<782x128xf32, #tpu.memory_space<hbm>> -> memref<64x128xf32, #tpu.memory_space<hbm>>
      tpu.wait_dma2 semaphore(%arg30 : memref<!tpu.dma_semaphore, #tpu.memory_space<semaphore_mem>>) src(%dma_wait3A_81 : memref<64x128xf32, #tpu.memory_space<hbm>>) dst(%arg21 : memref<64x128xf32, #tpu.memory_space<vmem>>)
      %scan3A_82 = arith.constant 0 : i32
      %scan3A_83 = arith.constant 0 : i32
      %scan3A_84 = arith.constant 4 : i32
      %scan3A_85 = arith.addi %scan3A_83, %scan3A_84 : i32
      %scan3A_86 = arith.constant 1 : i32
      %scan3A_87 = scf.for %scan3A_131 = %scan3A_83 to %scan3A_85 step %scan3A_86 iter_args(%scan3A_132 = %scan3A_82) -> (i32)  : i32 {
        %mul3A_133 = arith.constant 16 : i32
        %mul3A_134 = arith.muli %scan3A_131, %mul3A_133 : i32
        %mul3A_135 = arith.constant 64 : i32
        %mul3A_136 = arith.muli %mul3A_38, %mul3A_135 : i32
        %add3A_137 = arith.addi %mul3A_136, %mul3A_134 : i32
        %add3A_138 = vector.broadcast %mul3A_134 : i32 to vector<16xi32>
        %add3A_139 = arith.addi %iota3A, %add3A_138 : vector<16xi32>
        %get3A = arith.index_cast %add3A_137 : i32 to index
        %get3A_140 = tpu.vector_load %arg15[%get3A] {strides = array<i32>} : memref<512xi32, #tpu.memory_space<vmem>>, vector<16xi32>,
        %get3A_141 = arith.index_cast %add3A_137 : i32 to index
        %get3A_142 = tpu.vector_load %arg16[%get3A_141] {strides = array<i32>} : memref<512xi32, #tpu.memory_space<vmem>>, vector<16xi32>,
        %get3A_143 = arith.index_cast %add3A_137 : i32 to index
        %get3A_144 = tpu.vector_load %arg17[%get3A_143] {strides = array<i32>} : memref<512xi32, #tpu.memory_space<vmem>>, vector<16xi32>,
        %get3A_145 = arith.index_cast %add3A_137 : i32 to index
        %get3A_146 = tpu.vector_load %arg10[%get3A_145] {strides = array<i32>} : memref<512xi32, #tpu.memory_space<vmem>>, vector<16xi32>,
        %and3A = arith.constant 127 : i32
        %and3A_147 = vector.broadcast %and3A : i32 to vector<16xi32>
        %and3A_148 = arith.andi %get3A_146, %and3A_147 : vector<16xi32>
        %add3A_149 = arith.constant 0 : i32
        %add3A_150 = vector.broadcast %add3A_149 : i32 to vector<16xi32>
        %add3A_151 = arith.addi %get3A_142, %add3A_150 : vector<16xi32>
        %gather3A = tpu.vector_load_idx %arg19[%add3A_139, %add3A_151] : memref<64x128xf32, #tpu.memory_space<vmem>>[vector<16xi32>, vector<16xi32>], vector<16xf32>,
        %broadcast_in_dim3A = arith.constant 0 : i32
        %broadcast_in_dim3A_152 = vector.broadcast %broadcast_in_dim3A : i32 to vector<16xi32>
        tpu.vector_store_idx %arg26[%add3A_139, %broadcast_in_dim3A_152], %gather3A : memref<64x128xf32, #tpu.memory_space<vmem>>[vector<16xi32>, vector<16xi32>], vector<16xf32>,
        %add3A_153 = arith.constant 1 : i32
        %add3A_154 = vector.broadcast %add3A_153 : i32 to vector<16xi32>
        %add3A_155 = arith.addi %get3A_142, %add3A_154 : vector<16xi32>
        %gather3A_156 = tpu.vector_load_idx %arg19[%add3A_139, %add3A_155] : memref<64x128xf32, #tpu.memory_space<vmem>>[vector<16xi32>, vector<16xi32>], vector<16xf32>,
        %broadcast_in_dim3A_157 = arith.constant 1 : i32
        %broadcast_in_dim3A_158 = vector.broadcast %broadcast_in_dim3A_157 : i32 to vector<16xi32>
        tpu.vector_store_idx %arg26[%add3A_139, %broadcast_in_dim3A_158], %gather3A_156 : memref<64x128xf32, #tpu.memory_space<vmem>>[vector<16xi32>, vector<16xi32>], vector<16xf32>,
        %add3A_159 = arith.constant 2 : i32
        %add3A_160 = vector.broadcast %add3A_159 : i32 to vector<16xi32>
        %add3A_161 = arith.addi %get3A_142, %add3A_160 : vector<16xi32>
        %gather3A_162 = tpu.vector_load_idx %arg19[%add3A_139, %add3A_161] : memref<64x128xf32, #tpu.memory_space<vmem>>[vector<16xi32>, vector<16xi32>], vector<16xf32>,
        %broadcast_in_dim3A_163 = arith.constant 2 : i32
        %broadcast_in_dim3A_164 = vector.broadcast %broadcast_in_dim3A_163 : i32 to vector<16xi32>
        tpu.vector_store_idx %arg26[%add3A_139, %broadcast_in_dim3A_164], %gather3A_162 : memref<64x128xf32, #tpu.memory_space<vmem>>[vector<16xi32>, vector<16xi32>], vector<16xf32>,
        %add3A_165 = arith.constant 3 : i32
        %add3A_166 = vector.broadcast %add3A_165 : i32 to vector<16xi32>
        %add3A_167 = arith.addi %get3A_142, %add3A_166 : vector<16xi32>
        %gather3A_168 = tpu.vector_load_idx %arg19[%add3A_139, %add3A_167] : memref<64x128xf32, #tpu.memory_space<vmem>>[vector<16xi32>, vector<16xi32>], vector<16xf32>,
        %broadcast_in_dim3A_169 = arith.constant 3 : i32
        %broadcast_in_dim3A_170 = vector.broadcast %broadcast_in_dim3A_169 : i32 to vector<16xi32>
        tpu.vector_store_idx %arg26[%add3A_139, %broadcast_in_dim3A_170], %gather3A_168 : memref<64x128xf32, #tpu.memory_space<vmem>>[vector<16xi32>, vector<16xi32>], vector<16xf32>,
        %add3A_171 = arith.constant 4 : i32
        %add3A_172 = vector.broadcast %add3A_171 : i32 to vector<16xi32>
        %add3A_173 = arith.addi %get3A_142, %add3A_172 : vector<16xi32>
        %gather3A_174 = tpu.vector_load_idx %arg19[%add3A_139, %add3A_173] : memref<64x128xf32, #tpu.memory_space<vmem>>[vector<16xi32>, vector<16xi32>], vector<16xf32>,
        %broadcast_in_dim3A_175 = arith.constant 4 : i32
        %broadcast_in_dim3A_176 = vector.broadcast %broadcast_in_dim3A_175 : i32 to vector<16xi32>
        tpu.vector_store_idx %arg26[%add3A_139, %broadcast_in_dim3A_176], %gather3A_174 : memref<64x128xf32, #tpu.memory_space<vmem>>[vector<16xi32>, vector<16xi32>], vector<16xf32>,
        %add3A_177 = arith.constant 5 : i32
        %add3A_178 = vector.broadcast %add3A_177 : i32 to vector<16xi32>
        %add3A_179 = arith.addi %get3A_142, %add3A_178 : vector<16xi32>
        %gather3A_180 = tpu.vector_load_idx %arg19[%add3A_139, %add3A_179] : memref<64x128xf32, #tpu.memory_space<vmem>>[vector<16xi32>, vector<16xi32>], vector<16xf32>,
        %broadcast_in_dim3A_181 = arith.constant 5 : i32
        %broadcast_in_dim3A_182 = vector.broadcast %broadcast_in_dim3A_181 : i32 to vector<16xi32>
        tpu.vector_store_idx %arg26[%add3A_139, %broadcast_in_dim3A_182], %gather3A_180 : memref<64x128xf32, #tpu.memory_space<vmem>>[vector<16xi32>, vector<16xi32>], vector<16xf32>,
        %add3A_183 = arith.constant 6 : i32
        %add3A_184 = vector.broadcast %add3A_183 : i32 to vector<16xi32>
        %add3A_185 = arith.addi %get3A_142, %add3A_184 : vector<16xi32>
        %gather3A_186 = tpu.vector_load_idx %arg19[%add3A_139, %add3A_185] : memref<64x128xf32, #tpu.memory_space<vmem>>[vector<16xi32>, vector<16xi32>], vector<16xf32>,
        %broadcast_in_dim3A_187 = arith.constant 6 : i32
        %broadcast_in_dim3A_188 = vector.broadcast %broadcast_in_dim3A_187 : i32 to vector<16xi32>
        tpu.vector_store_idx %arg26[%add3A_139, %broadcast_in_dim3A_188], %gather3A_186 : memref<64x128xf32, #tpu.memory_space<vmem>>[vector<16xi32>, vector<16xi32>], vector<16xf32>,
        %add3A_189 = arith.constant 7 : i32
        %add3A_190 = vector.broadcast %add3A_189 : i32 to vector<16xi32>
        %add3A_191 = arith.addi %get3A_142, %add3A_190 : vector<16xi32>
        %gather3A_192 = tpu.vector_load_idx %arg19[%add3A_139, %add3A_191] : memref<64x128xf32, #tpu.memory_space<vmem>>[vector<16xi32>, vector<16xi32>], vector<16xf32>,
        %broadcast_in_dim3A_193 = arith.constant 7 : i32
        %broadcast_in_dim3A_194 = vector.broadcast %broadcast_in_dim3A_193 : i32 to vector<16xi32>
        tpu.vector_store_idx %arg26[%add3A_139, %broadcast_in_dim3A_194], %gather3A_192 : memref<64x128xf32, #tpu.memory_space<vmem>>[vector<16xi32>, vector<16xi32>], vector<16xf32>,
        %add3A_195 = arith.constant 8 : i32
        %add3A_196 = vector.broadcast %add3A_195 : i32 to vector<16xi32>
        %add3A_197 = arith.addi %get3A_142, %add3A_196 : vector<16xi32>
        %gather3A_198 = tpu.vector_load_idx %arg19[%add3A_139, %add3A_197] : memref<64x128xf32, #tpu.memory_space<vmem>>[vector<16xi32>, vector<16xi32>], vector<16xf32>,
        %broadcast_in_dim3A_199 = arith.constant 8 : i32
        %broadcast_in_dim3A_200 = vector.broadcast %broadcast_in_dim3A_199 : i32 to vector<16xi32>
        tpu.vector_store_idx %arg26[%add3A_139, %broadcast_in_dim3A_200], %gather3A_198 : memref<64x128xf32, #tpu.memory_space<vmem>>[vector<16xi32>, vector<16xi32>], vector<16xf32>,
        %add3A_201 = arith.constant 9 : i32
        %add3A_202 = vector.broadcast %add3A_201 : i32 to vector<16xi32>
        %add3A_203 = arith.addi %get3A_142, %add3A_202 : vector<16xi32>
        %gather3A_204 = tpu.vector_load_idx %arg19[%add3A_139, %add3A_203] : memref<64x128xf32, #tpu.memory_space<vmem>>[vector<16xi32>, vector<16xi32>], vector<16xf32>,
        %broadcast_in_dim3A_205 = arith.constant 9 : i32
        %broadcast_in_dim3A_206 = vector.broadcast %broadcast_in_dim3A_205 : i32 to vector<16xi32>
        tpu.vector_store_idx %arg26[%add3A_139, %broadcast_in_dim3A_206], %gather3A_204 : memref<64x128xf32, #tpu.memory_space<vmem>>[vector<16xi32>, vector<16xi32>], vector<16xf32>,
        %add3A_207 = arith.constant 10 : i32
        %add3A_208 = vector.broadcast %add3A_207 : i32 to vector<16xi32>
        %add3A_209 = arith.addi %get3A_142, %add3A_208 : vector<16xi32>
        %gather3A_210 = tpu.vector_load_idx %arg19[%add3A_139, %add3A_209] : memref<64x128xf32, #tpu.memory_space<vmem>>[vector<16xi32>, vector<16xi32>], vector<16xf32>,
        %broadcast_in_dim3A_211 = arith.constant 10 : i32
        %broadcast_in_dim3A_212 = vector.broadcast %broadcast_in_dim3A_211 : i32 to vector<16xi32>
        tpu.vector_store_idx %arg26[%add3A_139, %broadcast_in_dim3A_212], %gather3A_210 : memref<64x128xf32, #tpu.memory_space<vmem>>[vector<16xi32>, vector<16xi32>], vector<16xf32>,
        %add3A_213 = arith.constant 11 : i32
        %add3A_214 = vector.broadcast %add3A_213 : i32 to vector<16xi32>
        %add3A_215 = arith.addi %get3A_142, %add3A_214 : vector<16xi32>
        %gather3A_216 = tpu.vector_load_idx %arg19[%add3A_139, %add3A_215] : memref<64x128xf32, #tpu.memory_space<vmem>>[vector<16xi32>, vector<16xi32>], vector<16xf32>,
        %broadcast_in_dim3A_217 = arith.constant 11 : i32
        %broadcast_in_dim3A_218 = vector.broadcast %broadcast_in_dim3A_217 : i32 to vector<16xi32>
        tpu.vector_store_idx %arg26[%add3A_139, %broadcast_in_dim3A_218], %gather3A_216 : memref<64x128xf32, #tpu.memory_space<vmem>>[vector<16xi32>, vector<16xi32>], vector<16xf32>,
        %add3A_219 = arith.constant 12 : i32
        %add3A_220 = vector.broadcast %add3A_219 : i32 to vector<16xi32>
        %add3A_221 = arith.addi %get3A_142, %add3A_220 : vector<16xi32>
        %gather3A_222 = tpu.vector_load_idx %arg19[%add3A_139, %add3A_221] : memref<64x128xf32, #tpu.memory_space<vmem>>[vector<16xi32>, vector<16xi32>], vector<16xf32>,
        %broadcast_in_dim3A_223 = arith.constant 12 : i32
        %broadcast_in_dim3A_224 = vector.broadcast %broadcast_in_dim3A_223 : i32 to vector<16xi32>
        tpu.vector_store_idx %arg26[%add3A_139, %broadcast_in_dim3A_224], %gather3A_222 : memref<64x128xf32, #tpu.memory_space<vmem>>[vector<16xi32>, vector<16xi32>], vector<16xf32>,
        %add3A_225 = arith.constant 13 : i32
        %add3A_226 = vector.broadcast %add3A_225 : i32 to vector<16xi32>
        %add3A_227 = arith.addi %get3A_142, %add3A_226 : vector<16xi32>
        %gather3A_228 = tpu.vector_load_idx %arg19[%add3A_139, %add3A_227] : memref<64x128xf32, #tpu.memory_space<vmem>>[vector<16xi32>, vector<16xi32>], vector<16xf32>,
        %broadcast_in_dim3A_229 = arith.constant 13 : i32
        %broadcast_in_dim3A_230 = vector.broadcast %broadcast_in_dim3A_229 : i32 to vector<16xi32>
        tpu.vector_store_idx %arg26[%add3A_139, %broadcast_in_dim3A_230], %gather3A_228 : memref<64x128xf32, #tpu.memory_space<vmem>>[vector<16xi32>, vector<16xi32>], vector<16xf32>,
        %add3A_231 = arith.constant 14 : i32
        %add3A_232 = vector.broadcast %add3A_231 : i32 to vector<16xi32>
        %add3A_233 = arith.addi %get3A_142, %add3A_232 : vector<16xi32>
        %gather3A_234 = tpu.vector_load_idx %arg19[%add3A_139, %add3A_233] : memref<64x128xf32, #tpu.memory_space<vmem>>[vector<16xi32>, vector<16xi32>], vector<16xf32>,
        %broadcast_in_dim3A_235 = arith.constant 14 : i32
        %broadcast_in_dim3A_236 = vector.broadcast %broadcast_in_dim3A_235 : i32 to vector<16xi32>
        tpu.vector_store_idx %arg26[%add3A_139, %broadcast_in_dim3A_236], %gather3A_234 : memref<64x128xf32, #tpu.memory_space<vmem>>[vector<16xi32>, vector<16xi32>], vector<16xf32>,
        %add3A_237 = arith.constant 15 : i32
        %add3A_238 = vector.broadcast %add3A_237 : i32 to vector<16xi32>
        %add3A_239 = arith.addi %get3A_142, %add3A_238 : vector<16xi32>
        %gather3A_240 = tpu.vector_load_idx %arg19[%add3A_139, %add3A_239] : memref<64x128xf32, #tpu.memory_space<vmem>>[vector<16xi32>, vector<16xi32>], vector<16xf32>,
        %broadcast_in_dim3A_241 = arith.constant 15 : i32
        %broadcast_in_dim3A_242 = vector.broadcast %broadcast_in_dim3A_241 : i32 to vector<16xi32>
        tpu.vector_store_idx %arg26[%add3A_139, %broadcast_in_dim3A_242], %gather3A_240 : memref<64x128xf32, #tpu.memory_space<vmem>>[vector<16xi32>, vector<16xi32>], vector<16xf32>,
        %add3A_243 = arith.constant 0 : i32
        %add3A_244 = vector.broadcast %add3A_243 : i32 to vector<16xi32>
        %add3A_245 = arith.addi %get3A_140, %add3A_244 : vector<16xi32>
        %gather3A_246 = tpu.vector_load_idx %arg18[%add3A_139, %add3A_245] : memref<64x128xf32, #tpu.memory_space<vmem>>[vector<16xi32>, vector<16xi32>], vector<16xf32>,
        %broadcast_in_dim3A_247 = arith.constant 16 : i32
        %broadcast_in_dim3A_248 = vector.broadcast %broadcast_in_dim3A_247 : i32 to vector<16xi32>
        tpu.vector_store_idx %arg26[%add3A_139, %broadcast_in_dim3A_248], %gather3A_246 : memref<64x128xf32, #tpu.memory_space<vmem>>[vector<16xi32>, vector<16xi32>], vector<16xf32>,
        %add3A_249 = arith.constant 1 : i32
        %add3A_250 = vector.broadcast %add3A_249 : i32 to vector<16xi32>
        %add3A_251 = arith.addi %get3A_140, %add3A_250 : vector<16xi32>
        %gather3A_252 = tpu.vector_load_idx %arg18[%add3A_139, %add3A_251] : memref<64x128xf32, #tpu.memory_space<vmem>>[vector<16xi32>, vector<16xi32>], vector<16xf32>,
        %broadcast_in_dim3A_253 = arith.constant 17 : i32
        %broadcast_in_dim3A_254 = vector.broadcast %broadcast_in_dim3A_253 : i32 to vector<16xi32>
        tpu.vector_store_idx %arg26[%add3A_139, %broadcast_in_dim3A_254], %gather3A_252 : memref<64x128xf32, #tpu.memory_space<vmem>>[vector<16xi32>, vector<16xi32>], vector<16xf32>,
        %add3A_255 = arith.constant 2 : i32
        %add3A_256 = vector.broadcast %add3A_255 : i32 to vector<16xi32>
        %add3A_257 = arith.addi %get3A_140, %add3A_256 : vector<16xi32>
        %gather3A_258 = tpu.vector_load_idx %arg18[%add3A_139, %add3A_257] : memref<64x128xf32, #tpu.memory_space<vmem>>[vector<16xi32>, vector<16xi32>], vector<16xf32>,
        %broadcast_in_dim3A_259 = arith.constant 18 : i32
        %broadcast_in_dim3A_260 = vector.broadcast %broadcast_in_dim3A_259 : i32 to vector<16xi32>
        tpu.vector_store_idx %arg26[%add3A_139, %broadcast_in_dim3A_260], %gather3A_258 : memref<64x128xf32, #tpu.memory_space<vmem>>[vector<16xi32>, vector<16xi32>], vector<16xf32>,
        %add3A_261 = arith.constant 3 : i32
        %add3A_262 = vector.broadcast %add3A_261 : i32 to vector<16xi32>
        %add3A_263 = arith.addi %get3A_140, %add3A_262 : vector<16xi32>
        %gather3A_264 = tpu.vector_load_idx %arg18[%add3A_139, %add3A_263] : memref<64x128xf32, #tpu.memory_space<vmem>>[vector<16xi32>, vector<16xi32>], vector<16xf32>,
        %broadcast_in_dim3A_265 = arith.constant 19 : i32
        %broadcast_in_dim3A_266 = vector.broadcast %broadcast_in_dim3A_265 : i32 to vector<16xi32>
        tpu.vector_store_idx %arg26[%add3A_139, %broadcast_in_dim3A_266], %gather3A_264 : memref<64x128xf32, #tpu.memory_space<vmem>>[vector<16xi32>, vector<16xi32>], vector<16xf32>,
        %add3A_267 = arith.constant 4 : i32
        %add3A_268 = vector.broadcast %add3A_267 : i32 to vector<16xi32>
        %add3A_269 = arith.addi %get3A_140, %add3A_268 : vector<16xi32>
        %gather3A_270 = tpu.vector_load_idx %arg18[%add3A_139, %add3A_269] : memref<64x128xf32, #tpu.memory_space<vmem>>[vector<16xi32>, vector<16xi32>], vector<16xf32>,
        %broadcast_in_dim3A_271 = arith.constant 20 : i32
        %broadcast_in_dim3A_272 = vector.broadcast %broadcast_in_dim3A_271 : i32 to vector<16xi32>
        tpu.vector_store_idx %arg26[%add3A_139, %broadcast_in_dim3A_272], %gather3A_270 : memref<64x128xf32, #tpu.memory_space<vmem>>[vector<16xi32>, vector<16xi32>], vector<16xf32>,
        %add3A_273 = arith.constant 5 : i32
        %add3A_274 = vector.broadcast %add3A_273 : i32 to vector<16xi32>
        %add3A_275 = arith.addi %get3A_140, %add3A_274 : vector<16xi32>
        %gather3A_276 = tpu.vector_load_idx %arg18[%add3A_139, %add3A_275] : memref<64x128xf32, #tpu.memory_space<vmem>>[vector<16xi32>, vector<16xi32>], vector<16xf32>,
        %broadcast_in_dim3A_277 = arith.constant 21 : i32
        %broadcast_in_dim3A_278 = vector.broadcast %broadcast_in_dim3A_277 : i32 to vector<16xi32>
        tpu.vector_store_idx %arg26[%add3A_139, %broadcast_in_dim3A_278], %gather3A_276 : memref<64x128xf32, #tpu.memory_space<vmem>>[vector<16xi32>, vector<16xi32>], vector<16xf32>,
        %add3A_279 = arith.constant 6 : i32
        %add3A_280 = vector.broadcast %add3A_279 : i32 to vector<16xi32>
        %add3A_281 = arith.addi %get3A_140, %add3A_280 : vector<16xi32>
        %gather3A_282 = tpu.vector_load_idx %arg18[%add3A_139, %add3A_281] : memref<64x128xf32, #tpu.memory_space<vmem>>[vector<16xi32>, vector<16xi32>], vector<16xf32>,
        %broadcast_in_dim3A_283 = arith.constant 22 : i32
        %broadcast_in_dim3A_284 = vector.broadcast %broadcast_in_dim3A_283 : i32 to vector<16xi32>
        tpu.vector_store_idx %arg26[%add3A_139, %broadcast_in_dim3A_284], %gather3A_282 : memref<64x128xf32, #tpu.memory_space<vmem>>[vector<16xi32>, vector<16xi32>], vector<16xf32>,
        %add3A_285 = arith.constant 7 : i32
        %add3A_286 = vector.broadcast %add3A_285 : i32 to vector<16xi32>
        %add3A_287 = arith.addi %get3A_140, %add3A_286 : vector<16xi32>
        %gather3A_288 = tpu.vector_load_idx %arg18[%add3A_139, %add3A_287] : memref<64x128xf32, #tpu.memory_space<vmem>>[vector<16xi32>, vector<16xi32>], vector<16xf32>,
        %broadcast_in_dim3A_289 = arith.constant 23 : i32
        %broadcast_in_dim3A_290 = vector.broadcast %broadcast_in_dim3A_289 : i32 to vector<16xi32>
        tpu.vector_store_idx %arg26[%add3A_139, %broadcast_in_dim3A_290], %gather3A_288 : memref<64x128xf32, #tpu.memory_space<vmem>>[vector<16xi32>, vector<16xi32>], vector<16xf32>,
        %add3A_291 = arith.constant 8 : i32
        %add3A_292 = vector.broadcast %add3A_291 : i32 to vector<16xi32>
        %add3A_293 = arith.addi %get3A_140, %add3A_292 : vector<16xi32>
        %gather3A_294 = tpu.vector_load_idx %arg18[%add3A_139, %add3A_293] : memref<64x128xf32, #tpu.memory_space<vmem>>[vector<16xi32>, vector<16xi32>], vector<16xf32>,
        %broadcast_in_dim3A_295 = arith.constant 24 : i32
        %broadcast_in_dim3A_296 = vector.broadcast %broadcast_in_dim3A_295 : i32 to vector<16xi32>
        tpu.vector_store_idx %arg26[%add3A_139, %broadcast_in_dim3A_296], %gather3A_294 : memref<64x128xf32, #tpu.memory_space<vmem>>[vector<16xi32>, vector<16xi32>], vector<16xf32>,
        %add3A_297 = arith.constant 9 : i32
        %add3A_298 = vector.broadcast %add3A_297 : i32 to vector<16xi32>
        %add3A_299 = arith.addi %get3A_140, %add3A_298 : vector<16xi32>
        %gather3A_300 = tpu.vector_load_idx %arg18[%add3A_139, %add3A_299] : memref<64x128xf32, #tpu.memory_space<vmem>>[vector<16xi32>, vector<16xi32>], vector<16xf32>,
        %broadcast_in_dim3A_301 = arith.constant 25 : i32
        %broadcast_in_dim3A_302 = vector.broadcast %broadcast_in_dim3A_301 : i32 to vector<16xi32>
        tpu.vector_store_idx %arg26[%add3A_139, %broadcast_in_dim3A_302], %gather3A_300 : memref<64x128xf32, #tpu.memory_space<vmem>>[vector<16xi32>, vector<16xi32>], vector<16xf32>,
        %add3A_303 = arith.constant 10 : i32
        %add3A_304 = vector.broadcast %add3A_303 : i32 to vector<16xi32>
        %add3A_305 = arith.addi %get3A_140, %add3A_304 : vector<16xi32>
        %gather3A_306 = tpu.vector_load_idx %arg18[%add3A_139, %add3A_305] : memref<64x128xf32, #tpu.memory_space<vmem>>[vector<16xi32>, vector<16xi32>], vector<16xf32>,
        %broadcast_in_dim3A_307 = arith.constant 26 : i32
        %broadcast_in_dim3A_308 = vector.broadcast %broadcast_in_dim3A_307 : i32 to vector<16xi32>
        tpu.vector_store_idx %arg26[%add3A_139, %broadcast_in_dim3A_308], %gather3A_306 : memref<64x128xf32, #tpu.memory_space<vmem>>[vector<16xi32>, vector<16xi32>], vector<16xf32>,
        %add3A_309 = arith.constant 11 : i32
        %add3A_310 = vector.broadcast %add3A_309 : i32 to vector<16xi32>
        %add3A_311 = arith.addi %get3A_140, %add3A_310 : vector<16xi32>
        %gather3A_312 = tpu.vector_load_idx %arg18[%add3A_139, %add3A_311] : memref<64x128xf32, #tpu.memory_space<vmem>>[vector<16xi32>, vector<16xi32>], vector<16xf32>,
        %broadcast_in_dim3A_313 = arith.constant 27 : i32
        %broadcast_in_dim3A_314 = vector.broadcast %broadcast_in_dim3A_313 : i32 to vector<16xi32>
        tpu.vector_store_idx %arg26[%add3A_139, %broadcast_in_dim3A_314], %gather3A_312 : memref<64x128xf32, #tpu.memory_space<vmem>>[vector<16xi32>, vector<16xi32>], vector<16xf32>,
        %add3A_315 = arith.constant 12 : i32
        %add3A_316 = vector.broadcast %add3A_315 : i32 to vector<16xi32>
        %add3A_317 = arith.addi %get3A_140, %add3A_316 : vector<16xi32>
        %gather3A_318 = tpu.vector_load_idx %arg18[%add3A_139, %add3A_317] : memref<64x128xf32, #tpu.memory_space<vmem>>[vector<16xi32>, vector<16xi32>], vector<16xf32>,
        %broadcast_in_dim3A_319 = arith.constant 28 : i32
        %broadcast_in_dim3A_320 = vector.broadcast %broadcast_in_dim3A_319 : i32 to vector<16xi32>
        tpu.vector_store_idx %arg26[%add3A_139, %broadcast_in_dim3A_320], %gather3A_318 : memref<64x128xf32, #tpu.memory_space<vmem>>[vector<16xi32>, vector<16xi32>], vector<16xf32>,
        %add3A_321 = arith.constant 13 : i32
        %add3A_322 = vector.broadcast %add3A_321 : i32 to vector<16xi32>
        %add3A_323 = arith.addi %get3A_140, %add3A_322 : vector<16xi32>
        %gather3A_324 = tpu.vector_load_idx %arg18[%add3A_139, %add3A_323] : memref<64x128xf32, #tpu.memory_space<vmem>>[vector<16xi32>, vector<16xi32>], vector<16xf32>,
        %broadcast_in_dim3A_325 = arith.constant 29 : i32
        %broadcast_in_dim3A_326 = vector.broadcast %broadcast_in_dim3A_325 : i32 to vector<16xi32>
        tpu.vector_store_idx %arg26[%add3A_139, %broadcast_in_dim3A_326], %gather3A_324 : memref<64x128xf32, #tpu.memory_space<vmem>>[vector<16xi32>, vector<16xi32>], vector<16xf32>,
        %add3A_327 = arith.constant 14 : i32
        %add3A_328 = vector.broadcast %add3A_327 : i32 to vector<16xi32>
        %add3A_329 = arith.addi %get3A_140, %add3A_328 : vector<16xi32>
        %gather3A_330 = tpu.vector_load_idx %arg18[%add3A_139, %add3A_329] : memref<64x128xf32, #tpu.memory_space<vmem>>[vector<16xi32>, vector<16xi32>], vector<16xf32>,
        %broadcast_in_dim3A_331 = arith.constant 30 : i32
        %broadcast_in_dim3A_332 = vector.broadcast %broadcast_in_dim3A_331 : i32 to vector<16xi32>
        tpu.vector_store_idx %arg26[%add3A_139, %broadcast_in_dim3A_332], %gather3A_330 : memref<64x128xf32, #tpu.memory_space<vmem>>[vector<16xi32>, vector<16xi32>], vector<16xf32>,
        %add3A_333 = arith.constant 15 : i32
        %add3A_334 = vector.broadcast %add3A_333 : i32 to vector<16xi32>
        %add3A_335 = arith.addi %get3A_140, %add3A_334 : vector<16xi32>
        %gather3A_336 = tpu.vector_load_idx %arg18[%add3A_139, %add3A_335] : memref<64x128xf32, #tpu.memory_space<vmem>>[vector<16xi32>, vector<16xi32>], vector<16xf32>,
        %broadcast_in_dim3A_337 = arith.constant 31 : i32
        %broadcast_in_dim3A_338 = vector.broadcast %broadcast_in_dim3A_337 : i32 to vector<16xi32>
        tpu.vector_store_idx %arg26[%add3A_139, %broadcast_in_dim3A_338], %gather3A_336 : memref<64x128xf32, #tpu.memory_space<vmem>>[vector<16xi32>, vector<16xi32>], vector<16xf32>,
        %add3A_339 = arith.constant 16 : i32
        %add3A_340 = vector.broadcast %add3A_339 : i32 to vector<16xi32>
        %add3A_341 = arith.addi %get3A_140, %add3A_340 : vector<16xi32>
        %gather3A_342 = tpu.vector_load_idx %arg18[%add3A_139, %add3A_341] : memref<64x128xf32, #tpu.memory_space<vmem>>[vector<16xi32>, vector<16xi32>], vector<16xf32>,
        %broadcast_in_dim3A_343 = arith.constant 32 : i32
        %broadcast_in_dim3A_344 = vector.broadcast %broadcast_in_dim3A_343 : i32 to vector<16xi32>
        tpu.vector_store_idx %arg26[%add3A_139, %broadcast_in_dim3A_344], %gather3A_342 : memref<64x128xf32, #tpu.memory_space<vmem>>[vector<16xi32>, vector<16xi32>], vector<16xf32>,
        %add3A_345 = arith.constant 17 : i32
        %add3A_346 = vector.broadcast %add3A_345 : i32 to vector<16xi32>
        %add3A_347 = arith.addi %get3A_140, %add3A_346 : vector<16xi32>
        %gather3A_348 = tpu.vector_load_idx %arg18[%add3A_139, %add3A_347] : memref<64x128xf32, #tpu.memory_space<vmem>>[vector<16xi32>, vector<16xi32>], vector<16xf32>,
        %broadcast_in_dim3A_349 = arith.constant 33 : i32
        %broadcast_in_dim3A_350 = vector.broadcast %broadcast_in_dim3A_349 : i32 to vector<16xi32>
        tpu.vector_store_idx %arg26[%add3A_139, %broadcast_in_dim3A_350], %gather3A_348 : memref<64x128xf32, #tpu.memory_space<vmem>>[vector<16xi32>, vector<16xi32>], vector<16xf32>,
        %add3A_351 = arith.constant 18 : i32
        %add3A_352 = vector.broadcast %add3A_351 : i32 to vector<16xi32>
        %add3A_353 = arith.addi %get3A_140, %add3A_352 : vector<16xi32>
        %gather3A_354 = tpu.vector_load_idx %arg18[%add3A_139, %add3A_353] : memref<64x128xf32, #tpu.memory_space<vmem>>[vector<16xi32>, vector<16xi32>], vector<16xf32>,
        %broadcast_in_dim3A_355 = arith.constant 34 : i32
        %broadcast_in_dim3A_356 = vector.broadcast %broadcast_in_dim3A_355 : i32 to vector<16xi32>
        tpu.vector_store_idx %arg26[%add3A_139, %broadcast_in_dim3A_356], %gather3A_354 : memref<64x128xf32, #tpu.memory_space<vmem>>[vector<16xi32>, vector<16xi32>], vector<16xf32>,
        %add3A_357 = arith.constant 19 : i32
        %add3A_358 = vector.broadcast %add3A_357 : i32 to vector<16xi32>
        %add3A_359 = arith.addi %get3A_140, %add3A_358 : vector<16xi32>
        %gather3A_360 = tpu.vector_load_idx %arg18[%add3A_139, %add3A_359] : memref<64x128xf32, #tpu.memory_space<vmem>>[vector<16xi32>, vector<16xi32>], vector<16xf32>,
        %broadcast_in_dim3A_361 = arith.constant 35 : i32
        %broadcast_in_dim3A_362 = vector.broadcast %broadcast_in_dim3A_361 : i32 to vector<16xi32>
        tpu.vector_store_idx %arg26[%add3A_139, %broadcast_in_dim3A_362], %gather3A_360 : memref<64x128xf32, #tpu.memory_space<vmem>>[vector<16xi32>, vector<16xi32>], vector<16xf32>,
        %add3A_363 = arith.constant 20 : i32
        %add3A_364 = vector.broadcast %add3A_363 : i32 to vector<16xi32>
        %add3A_365 = arith.addi %get3A_140, %add3A_364 : vector<16xi32>
        %gather3A_366 = tpu.vector_load_idx %arg18[%add3A_139, %add3A_365] : memref<64x128xf32, #tpu.memory_space<vmem>>[vector<16xi32>, vector<16xi32>], vector<16xf32>,
        %broadcast_in_dim3A_367 = arith.constant 36 : i32
        %broadcast_in_dim3A_368 = vector.broadcast %broadcast_in_dim3A_367 : i32 to vector<16xi32>
        tpu.vector_store_idx %arg26[%add3A_139, %broadcast_in_dim3A_368], %gather3A_366 : memref<64x128xf32, #tpu.memory_space<vmem>>[vector<16xi32>, vector<16xi32>], vector<16xf32>,
        %add3A_369 = arith.constant 21 : i32
        %add3A_370 = vector.broadcast %add3A_369 : i32 to vector<16xi32>
        %add3A_371 = arith.addi %get3A_140, %add3A_370 : vector<16xi32>
        %gather3A_372 = tpu.vector_load_idx %arg18[%add3A_139, %add3A_371] : memref<64x128xf32, #tpu.memory_space<vmem>>[vector<16xi32>, vector<16xi32>], vector<16xf32>,
        %broadcast_in_dim3A_373 = arith.constant 37 : i32
        %broadcast_in_dim3A_374 = vector.broadcast %broadcast_in_dim3A_373 : i32 to vector<16xi32>
        tpu.vector_store_idx %arg26[%add3A_139, %broadcast_in_dim3A_374], %gather3A_372 : memref<64x128xf32, #tpu.memory_space<vmem>>[vector<16xi32>, vector<16xi32>], vector<16xf32>,
        %add3A_375 = arith.constant 22 : i32
        %add3A_376 = vector.broadcast %add3A_375 : i32 to vector<16xi32>
        %add3A_377 = arith.addi %get3A_140, %add3A_376 : vector<16xi32>
        %gather3A_378 = tpu.vector_load_idx %arg18[%add3A_139, %add3A_377] : memref<64x128xf32, #tpu.memory_space<vmem>>[vector<16xi32>, vector<16xi32>], vector<16xf32>,
        %broadcast_in_dim3A_379 = arith.constant 38 : i32
        %broadcast_in_dim3A_380 = vector.broadcast %broadcast_in_dim3A_379 : i32 to vector<16xi32>
        tpu.vector_store_idx %arg26[%add3A_139, %broadcast_in_dim3A_380], %gather3A_378 : memref<64x128xf32, #tpu.memory_space<vmem>>[vector<16xi32>, vector<16xi32>], vector<16xf32>,
        %add3A_381 = arith.constant 23 : i32
        %add3A_382 = vector.broadcast %add3A_381 : i32 to vector<16xi32>
        %add3A_383 = arith.addi %get3A_140, %add3A_382 : vector<16xi32>
        %gather3A_384 = tpu.vector_load_idx %arg18[%add3A_139, %add3A_383] : memref<64x128xf32, #tpu.memory_space<vmem>>[vector<16xi32>, vector<16xi32>], vector<16xf32>,
        %broadcast_in_dim3A_385 = arith.constant 39 : i32
        %broadcast_in_dim3A_386 = vector.broadcast %broadcast_in_dim3A_385 : i32 to vector<16xi32>
        tpu.vector_store_idx %arg26[%add3A_139, %broadcast_in_dim3A_386], %gather3A_384 : memref<64x128xf32, #tpu.memory_space<vmem>>[vector<16xi32>, vector<16xi32>], vector<16xf32>,
        %add3A_387 = arith.constant 24 : i32
        %add3A_388 = vector.broadcast %add3A_387 : i32 to vector<16xi32>
        %add3A_389 = arith.addi %get3A_140, %add3A_388 : vector<16xi32>
        %gather3A_390 = tpu.vector_load_idx %arg18[%add3A_139, %add3A_389] : memref<64x128xf32, #tpu.memory_space<vmem>>[vector<16xi32>, vector<16xi32>], vector<16xf32>,
        %broadcast_in_dim3A_391 = arith.constant 40 : i32
        %broadcast_in_dim3A_392 = vector.broadcast %broadcast_in_dim3A_391 : i32 to vector<16xi32>
        tpu.vector_store_idx %arg26[%add3A_139, %broadcast_in_dim3A_392], %gather3A_390 : memref<64x128xf32, #tpu.memory_space<vmem>>[vector<16xi32>, vector<16xi32>], vector<16xf32>,
        %add3A_393 = arith.constant 25 : i32
        %add3A_394 = vector.broadcast %add3A_393 : i32 to vector<16xi32>
        %add3A_395 = arith.addi %get3A_140, %add3A_394 : vector<16xi32>
        %gather3A_396 = tpu.vector_load_idx %arg18[%add3A_139, %add3A_395] : memref<64x128xf32, #tpu.memory_space<vmem>>[vector<16xi32>, vector<16xi32>], vector<16xf32>,
        %broadcast_in_dim3A_397 = arith.constant 41 : i32
        %broadcast_in_dim3A_398 = vector.broadcast %broadcast_in_dim3A_397 : i32 to vector<16xi32>
        tpu.vector_store_idx %arg26[%add3A_139, %broadcast_in_dim3A_398], %gather3A_396 : memref<64x128xf32, #tpu.memory_space<vmem>>[vector<16xi32>, vector<16xi32>], vector<16xf32>,
        %add3A_399 = arith.constant 26 : i32
        %add3A_400 = vector.broadcast %add3A_399 : i32 to vector<16xi32>
        %add3A_401 = arith.addi %get3A_140, %add3A_400 : vector<16xi32>
        %gather3A_402 = tpu.vector_load_idx %arg18[%add3A_139, %add3A_401] : memref<64x128xf32, #tpu.memory_space<vmem>>[vector<16xi32>, vector<16xi32>], vector<16xf32>,
        %broadcast_in_dim3A_403 = arith.constant 42 : i32
        %broadcast_in_dim3A_404 = vector.broadcast %broadcast_in_dim3A_403 : i32 to vector<16xi32>
        tpu.vector_store_idx %arg26[%add3A_139, %broadcast_in_dim3A_404], %gather3A_402 : memref<64x128xf32, #tpu.memory_space<vmem>>[vector<16xi32>, vector<16xi32>], vector<16xf32>,
        %add3A_405 = arith.constant 27 : i32
        %add3A_406 = vector.broadcast %add3A_405 : i32 to vector<16xi32>
        %add3A_407 = arith.addi %get3A_140, %add3A_406 : vector<16xi32>
        %gather3A_408 = tpu.vector_load_idx %arg18[%add3A_139, %add3A_407] : memref<64x128xf32, #tpu.memory_space<vmem>>[vector<16xi32>, vector<16xi32>], vector<16xf32>,
        %broadcast_in_dim3A_409 = arith.constant 43 : i32
        %broadcast_in_dim3A_410 = vector.broadcast %broadcast_in_dim3A_409 : i32 to vector<16xi32>
        tpu.vector_store_idx %arg26[%add3A_139, %broadcast_in_dim3A_410], %gather3A_408 : memref<64x128xf32, #tpu.memory_space<vmem>>[vector<16xi32>, vector<16xi32>], vector<16xf32>,
        %add3A_411 = arith.constant 28 : i32
        %add3A_412 = vector.broadcast %add3A_411 : i32 to vector<16xi32>
        %add3A_413 = arith.addi %get3A_140, %add3A_412 : vector<16xi32>
        %gather3A_414 = tpu.vector_load_idx %arg18[%add3A_139, %add3A_413] : memref<64x128xf32, #tpu.memory_space<vmem>>[vector<16xi32>, vector<16xi32>], vector<16xf32>,
        %broadcast_in_dim3A_415 = arith.constant 44 : i32
        %broadcast_in_dim3A_416 = vector.broadcast %broadcast_in_dim3A_415 : i32 to vector<16xi32>
        tpu.vector_store_idx %arg26[%add3A_139, %broadcast_in_dim3A_416], %gather3A_414 : memref<64x128xf32, #tpu.memory_space<vmem>>[vector<16xi32>, vector<16xi32>], vector<16xf32>,
        %add3A_417 = arith.constant 29 : i32
        %add3A_418 = vector.broadcast %add3A_417 : i32 to vector<16xi32>
        %add3A_419 = arith.addi %get3A_140, %add3A_418 : vector<16xi32>
        %gather3A_420 = tpu.vector_load_idx %arg18[%add3A_139, %add3A_419] : memref<64x128xf32, #tpu.memory_space<vmem>>[vector<16xi32>, vector<16xi32>], vector<16xf32>,
        %broadcast_in_dim3A_421 = arith.constant 45 : i32
        %broadcast_in_dim3A_422 = vector.broadcast %broadcast_in_dim3A_421 : i32 to vector<16xi32>
        tpu.vector_store_idx %arg26[%add3A_139, %broadcast_in_dim3A_422], %gather3A_420 : memref<64x128xf32, #tpu.memory_space<vmem>>[vector<16xi32>, vector<16xi32>], vector<16xf32>,
        %add3A_423 = arith.constant 30 : i32
        %add3A_424 = vector.broadcast %add3A_423 : i32 to vector<16xi32>
        %add3A_425 = arith.addi %get3A_140, %add3A_424 : vector<16xi32>
        %gather3A_426 = tpu.vector_load_idx %arg18[%add3A_139, %add3A_425] : memref<64x128xf32, #tpu.memory_space<vmem>>[vector<16xi32>, vector<16xi32>], vector<16xf32>,
        %broadcast_in_dim3A_427 = arith.constant 46 : i32
        %broadcast_in_dim3A_428 = vector.broadcast %broadcast_in_dim3A_427 : i32 to vector<16xi32>
        tpu.vector_store_idx %arg26[%add3A_139, %broadcast_in_dim3A_428], %gather3A_426 : memref<64x128xf32, #tpu.memory_space<vmem>>[vector<16xi32>, vector<16xi32>], vector<16xf32>,
        %add3A_429 = arith.constant 31 : i32
        %add3A_430 = vector.broadcast %add3A_429 : i32 to vector<16xi32>
        %add3A_431 = arith.addi %get3A_140, %add3A_430 : vector<16xi32>
        %gather3A_432 = tpu.vector_load_idx %arg18[%add3A_139, %add3A_431] : memref<64x128xf32, #tpu.memory_space<vmem>>[vector<16xi32>, vector<16xi32>], vector<16xf32>,
        %broadcast_in_dim3A_433 = arith.constant 47 : i32
        %broadcast_in_dim3A_434 = vector.broadcast %broadcast_in_dim3A_433 : i32 to vector<16xi32>
        tpu.vector_store_idx %arg26[%add3A_139, %broadcast_in_dim3A_434], %gather3A_432 : memref<64x128xf32, #tpu.memory_space<vmem>>[vector<16xi32>, vector<16xi32>], vector<16xf32>,
        %add3A_435 = arith.constant 0 : i32
        %add3A_436 = vector.broadcast %add3A_435 : i32 to vector<16xi32>
        %add3A_437 = arith.addi %get3A_144, %add3A_436 : vector<16xi32>
        %gather3A_438 = tpu.vector_load_idx %arg20[%add3A_139, %add3A_437] : memref<64x128xf32, #tpu.memory_space<vmem>>[vector<16xi32>, vector<16xi32>], vector<16xf32>,
        %broadcast_in_dim3A_439 = arith.constant 48 : i32
        %broadcast_in_dim3A_440 = vector.broadcast %broadcast_in_dim3A_439 : i32 to vector<16xi32>
        tpu.vector_store_idx %arg26[%add3A_139, %broadcast_in_dim3A_440], %gather3A_438 : memref<64x128xf32, #tpu.memory_space<vmem>>[vector<16xi32>, vector<16xi32>], vector<16xf32>,
        %add3A_441 = arith.constant 1 : i32
        %add3A_442 = vector.broadcast %add3A_441 : i32 to vector<16xi32>
        %add3A_443 = arith.addi %get3A_144, %add3A_442 : vector<16xi32>
        %gather3A_444 = tpu.vector_load_idx %arg20[%add3A_139, %add3A_443] : memref<64x128xf32, #tpu.memory_space<vmem>>[vector<16xi32>, vector<16xi32>], vector<16xf32>,
        %broadcast_in_dim3A_445 = arith.constant 49 : i32
        %broadcast_in_dim3A_446 = vector.broadcast %broadcast_in_dim3A_445 : i32 to vector<16xi32>
        tpu.vector_store_idx %arg26[%add3A_139, %broadcast_in_dim3A_446], %gather3A_444 : memref<64x128xf32, #tpu.memory_space<vmem>>[vector<16xi32>, vector<16xi32>], vector<16xf32>,
        %add3A_447 = arith.constant 2 : i32
        %add3A_448 = vector.broadcast %add3A_447 : i32 to vector<16xi32>
        %add3A_449 = arith.addi %get3A_144, %add3A_448 : vector<16xi32>
        %gather3A_450 = tpu.vector_load_idx %arg20[%add3A_139, %add3A_449] : memref<64x128xf32, #tpu.memory_space<vmem>>[vector<16xi32>, vector<16xi32>], vector<16xf32>,
        %broadcast_in_dim3A_451 = arith.constant 50 : i32
        %broadcast_in_dim3A_452 = vector.broadcast %broadcast_in_dim3A_451 : i32 to vector<16xi32>
        tpu.vector_store_idx %arg26[%add3A_139, %broadcast_in_dim3A_452], %gather3A_450 : memref<64x128xf32, #tpu.memory_space<vmem>>[vector<16xi32>, vector<16xi32>], vector<16xf32>,
        %add3A_453 = arith.constant 3 : i32
        %add3A_454 = vector.broadcast %add3A_453 : i32 to vector<16xi32>
        %add3A_455 = arith.addi %get3A_144, %add3A_454 : vector<16xi32>
        %gather3A_456 = tpu.vector_load_idx %arg20[%add3A_139, %add3A_455] : memref<64x128xf32, #tpu.memory_space<vmem>>[vector<16xi32>, vector<16xi32>], vector<16xf32>,
        %broadcast_in_dim3A_457 = arith.constant 51 : i32
        %broadcast_in_dim3A_458 = vector.broadcast %broadcast_in_dim3A_457 : i32 to vector<16xi32>
        tpu.vector_store_idx %arg26[%add3A_139, %broadcast_in_dim3A_458], %gather3A_456 : memref<64x128xf32, #tpu.memory_space<vmem>>[vector<16xi32>, vector<16xi32>], vector<16xf32>,
        %add3A_459 = arith.constant 4 : i32
        %add3A_460 = vector.broadcast %add3A_459 : i32 to vector<16xi32>
        %add3A_461 = arith.addi %get3A_144, %add3A_460 : vector<16xi32>
        %gather3A_462 = tpu.vector_load_idx %arg20[%add3A_139, %add3A_461] : memref<64x128xf32, #tpu.memory_space<vmem>>[vector<16xi32>, vector<16xi32>], vector<16xf32>,
        %broadcast_in_dim3A_463 = arith.constant 52 : i32
        %broadcast_in_dim3A_464 = vector.broadcast %broadcast_in_dim3A_463 : i32 to vector<16xi32>
        tpu.vector_store_idx %arg26[%add3A_139, %broadcast_in_dim3A_464], %gather3A_462 : memref<64x128xf32, #tpu.memory_space<vmem>>[vector<16xi32>, vector<16xi32>], vector<16xf32>,
        %add3A_465 = arith.constant 5 : i32
        %add3A_466 = vector.broadcast %add3A_465 : i32 to vector<16xi32>
        %add3A_467 = arith.addi %get3A_144, %add3A_466 : vector<16xi32>
        %gather3A_468 = tpu.vector_load_idx %arg20[%add3A_139, %add3A_467] : memref<64x128xf32, #tpu.memory_space<vmem>>[vector<16xi32>, vector<16xi32>], vector<16xf32>,
        %broadcast_in_dim3A_469 = arith.constant 53 : i32
        %broadcast_in_dim3A_470 = vector.broadcast %broadcast_in_dim3A_469 : i32 to vector<16xi32>
        tpu.vector_store_idx %arg26[%add3A_139, %broadcast_in_dim3A_470], %gather3A_468 : memref<64x128xf32, #tpu.memory_space<vmem>>[vector<16xi32>, vector<16xi32>], vector<16xf32>,
        %add3A_471 = arith.constant 6 : i32
        %add3A_472 = vector.broadcast %add3A_471 : i32 to vector<16xi32>
        %add3A_473 = arith.addi %get3A_144, %add3A_472 : vector<16xi32>
        %gather3A_474 = tpu.vector_load_idx %arg20[%add3A_139, %add3A_473] : memref<64x128xf32, #tpu.memory_space<vmem>>[vector<16xi32>, vector<16xi32>], vector<16xf32>,
        %broadcast_in_dim3A_475 = arith.constant 54 : i32
        %broadcast_in_dim3A_476 = vector.broadcast %broadcast_in_dim3A_475 : i32 to vector<16xi32>
        tpu.vector_store_idx %arg26[%add3A_139, %broadcast_in_dim3A_476], %gather3A_474 : memref<64x128xf32, #tpu.memory_space<vmem>>[vector<16xi32>, vector<16xi32>], vector<16xf32>,
        %add3A_477 = arith.constant 7 : i32
        %add3A_478 = vector.broadcast %add3A_477 : i32 to vector<16xi32>
        %add3A_479 = arith.addi %get3A_144, %add3A_478 : vector<16xi32>
        %gather3A_480 = tpu.vector_load_idx %arg20[%add3A_139, %add3A_479] : memref<64x128xf32, #tpu.memory_space<vmem>>[vector<16xi32>, vector<16xi32>], vector<16xf32>,
        %broadcast_in_dim3A_481 = arith.constant 55 : i32
        %broadcast_in_dim3A_482 = vector.broadcast %broadcast_in_dim3A_481 : i32 to vector<16xi32>
        tpu.vector_store_idx %arg26[%add3A_139, %broadcast_in_dim3A_482], %gather3A_480 : memref<64x128xf32, #tpu.memory_space<vmem>>[vector<16xi32>, vector<16xi32>], vector<16xf32>,
        %add3A_483 = arith.constant 8 : i32
        %add3A_484 = vector.broadcast %add3A_483 : i32 to vector<16xi32>
        %add3A_485 = arith.addi %get3A_144, %add3A_484 : vector<16xi32>
        %gather3A_486 = tpu.vector_load_idx %arg20[%add3A_139, %add3A_485] : memref<64x128xf32, #tpu.memory_space<vmem>>[vector<16xi32>, vector<16xi32>], vector<16xf32>,
        %broadcast_in_dim3A_487 = arith.constant 56 : i32
        %broadcast_in_dim3A_488 = vector.broadcast %broadcast_in_dim3A_487 : i32 to vector<16xi32>
        tpu.vector_store_idx %arg26[%add3A_139, %broadcast_in_dim3A_488], %gather3A_486 : memref<64x128xf32, #tpu.memory_space<vmem>>[vector<16xi32>, vector<16xi32>], vector<16xf32>,
        %add3A_489 = arith.constant 9 : i32
        %add3A_490 = vector.broadcast %add3A_489 : i32 to vector<16xi32>
        %add3A_491 = arith.addi %get3A_144, %add3A_490 : vector<16xi32>
        %gather3A_492 = tpu.vector_load_idx %arg20[%add3A_139, %add3A_491] : memref<64x128xf32, #tpu.memory_space<vmem>>[vector<16xi32>, vector<16xi32>], vector<16xf32>,
        %broadcast_in_dim3A_493 = arith.constant 57 : i32
        %broadcast_in_dim3A_494 = vector.broadcast %broadcast_in_dim3A_493 : i32 to vector<16xi32>
        tpu.vector_store_idx %arg26[%add3A_139, %broadcast_in_dim3A_494], %gather3A_492 : memref<64x128xf32, #tpu.memory_space<vmem>>[vector<16xi32>, vector<16xi32>], vector<16xf32>,
        %add3A_495 = arith.constant 10 : i32
        %add3A_496 = vector.broadcast %add3A_495 : i32 to vector<16xi32>
        %add3A_497 = arith.addi %get3A_144, %add3A_496 : vector<16xi32>
        %gather3A_498 = tpu.vector_load_idx %arg20[%add3A_139, %add3A_497] : memref<64x128xf32, #tpu.memory_space<vmem>>[vector<16xi32>, vector<16xi32>], vector<16xf32>,
        %broadcast_in_dim3A_499 = arith.constant 58 : i32
        %broadcast_in_dim3A_500 = vector.broadcast %broadcast_in_dim3A_499 : i32 to vector<16xi32>
        tpu.vector_store_idx %arg26[%add3A_139, %broadcast_in_dim3A_500], %gather3A_498 : memref<64x128xf32, #tpu.memory_space<vmem>>[vector<16xi32>, vector<16xi32>], vector<16xf32>,
        %add3A_501 = arith.constant 11 : i32
        %add3A_502 = vector.broadcast %add3A_501 : i32 to vector<16xi32>
        %add3A_503 = arith.addi %get3A_144, %add3A_502 : vector<16xi32>
        %gather3A_504 = tpu.vector_load_idx %arg20[%add3A_139, %add3A_503] : memref<64x128xf32, #tpu.memory_space<vmem>>[vector<16xi32>, vector<16xi32>], vector<16xf32>,
        %broadcast_in_dim3A_505 = arith.constant 59 : i32
        %broadcast_in_dim3A_506 = vector.broadcast %broadcast_in_dim3A_505 : i32 to vector<16xi32>
        tpu.vector_store_idx %arg26[%add3A_139, %broadcast_in_dim3A_506], %gather3A_504 : memref<64x128xf32, #tpu.memory_space<vmem>>[vector<16xi32>, vector<16xi32>], vector<16xf32>,
        %add3A_507 = arith.constant 12 : i32
        %add3A_508 = vector.broadcast %add3A_507 : i32 to vector<16xi32>
        %add3A_509 = arith.addi %get3A_144, %add3A_508 : vector<16xi32>
        %gather3A_510 = tpu.vector_load_idx %arg20[%add3A_139, %add3A_509] : memref<64x128xf32, #tpu.memory_space<vmem>>[vector<16xi32>, vector<16xi32>], vector<16xf32>,
        %broadcast_in_dim3A_511 = arith.constant 60 : i32
        %broadcast_in_dim3A_512 = vector.broadcast %broadcast_in_dim3A_511 : i32 to vector<16xi32>
        tpu.vector_store_idx %arg26[%add3A_139, %broadcast_in_dim3A_512], %gather3A_510 : memref<64x128xf32, #tpu.memory_space<vmem>>[vector<16xi32>, vector<16xi32>], vector<16xf32>,
        %add3A_513 = arith.constant 13 : i32
        %add3A_514 = vector.broadcast %add3A_513 : i32 to vector<16xi32>
        %add3A_515 = arith.addi %get3A_144, %add3A_514 : vector<16xi32>
        %gather3A_516 = tpu.vector_load_idx %arg20[%add3A_139, %add3A_515] : memref<64x128xf32, #tpu.memory_space<vmem>>[vector<16xi32>, vector<16xi32>], vector<16xf32>,
        %broadcast_in_dim3A_517 = arith.constant 61 : i32
        %broadcast_in_dim3A_518 = vector.broadcast %broadcast_in_dim3A_517 : i32 to vector<16xi32>
        tpu.vector_store_idx %arg26[%add3A_139, %broadcast_in_dim3A_518], %gather3A_516 : memref<64x128xf32, #tpu.memory_space<vmem>>[vector<16xi32>, vector<16xi32>], vector<16xf32>,
        %add3A_519 = arith.constant 14 : i32
        %add3A_520 = vector.broadcast %add3A_519 : i32 to vector<16xi32>
        %add3A_521 = arith.addi %get3A_144, %add3A_520 : vector<16xi32>
        %gather3A_522 = tpu.vector_load_idx %arg20[%add3A_139, %add3A_521] : memref<64x128xf32, #tpu.memory_space<vmem>>[vector<16xi32>, vector<16xi32>], vector<16xf32>,
        %broadcast_in_dim3A_523 = arith.constant 62 : i32
        %broadcast_in_dim3A_524 = vector.broadcast %broadcast_in_dim3A_523 : i32 to vector<16xi32>
        tpu.vector_store_idx %arg26[%add3A_139, %broadcast_in_dim3A_524], %gather3A_522 : memref<64x128xf32, #tpu.memory_space<vmem>>[vector<16xi32>, vector<16xi32>], vector<16xf32>,
        %add3A_525 = arith.constant 15 : i32
        %add3A_526 = vector.broadcast %add3A_525 : i32 to vector<16xi32>
        %add3A_527 = arith.addi %get3A_144, %add3A_526 : vector<16xi32>
        %gather3A_528 = tpu.vector_load_idx %arg20[%add3A_139, %add3A_527] : memref<64x128xf32, #tpu.memory_space<vmem>>[vector<16xi32>, vector<16xi32>], vector<16xf32>,
        %broadcast_in_dim3A_529 = arith.constant 63 : i32
        %broadcast_in_dim3A_530 = vector.broadcast %broadcast_in_dim3A_529 : i32 to vector<16xi32>
        tpu.vector_store_idx %arg26[%add3A_139, %broadcast_in_dim3A_530], %gather3A_528 : memref<64x128xf32, #tpu.memory_space<vmem>>[vector<16xi32>, vector<16xi32>], vector<16xf32>,
        %add3A_531 = arith.constant 16 : i32
        %add3A_532 = vector.broadcast %add3A_531 : i32 to vector<16xi32>
        %add3A_533 = arith.addi %get3A_144, %add3A_532 : vector<16xi32>
        %gather3A_534 = tpu.vector_load_idx %arg20[%add3A_139, %add3A_533] : memref<64x128xf32, #tpu.memory_space<vmem>>[vector<16xi32>, vector<16xi32>], vector<16xf32>,
        %broadcast_in_dim3A_535 = arith.constant 64 : i32
        %broadcast_in_dim3A_536 = vector.broadcast %broadcast_in_dim3A_535 : i32 to vector<16xi32>
        tpu.vector_store_idx %arg26[%add3A_139, %broadcast_in_dim3A_536], %gather3A_534 : memref<64x128xf32, #tpu.memory_space<vmem>>[vector<16xi32>, vector<16xi32>], vector<16xf32>,
        %add3A_537 = arith.constant 17 : i32
        %add3A_538 = vector.broadcast %add3A_537 : i32 to vector<16xi32>
        %add3A_539 = arith.addi %get3A_144, %add3A_538 : vector<16xi32>
        %gather3A_540 = tpu.vector_load_idx %arg20[%add3A_139, %add3A_539] : memref<64x128xf32, #tpu.memory_space<vmem>>[vector<16xi32>, vector<16xi32>], vector<16xf32>,
        %broadcast_in_dim3A_541 = arith.constant 65 : i32
        %broadcast_in_dim3A_542 = vector.broadcast %broadcast_in_dim3A_541 : i32 to vector<16xi32>
        tpu.vector_store_idx %arg26[%add3A_139, %broadcast_in_dim3A_542], %gather3A_540 : memref<64x128xf32, #tpu.memory_space<vmem>>[vector<16xi32>, vector<16xi32>], vector<16xf32>,
        %add3A_543 = arith.constant 18 : i32
        %add3A_544 = vector.broadcast %add3A_543 : i32 to vector<16xi32>
        %add3A_545 = arith.addi %get3A_144, %add3A_544 : vector<16xi32>
        %gather3A_546 = tpu.vector_load_idx %arg20[%add3A_139, %add3A_545] : memref<64x128xf32, #tpu.memory_space<vmem>>[vector<16xi32>, vector<16xi32>], vector<16xf32>,
        %broadcast_in_dim3A_547 = arith.constant 66 : i32
        %broadcast_in_dim3A_548 = vector.broadcast %broadcast_in_dim3A_547 : i32 to vector<16xi32>
        tpu.vector_store_idx %arg26[%add3A_139, %broadcast_in_dim3A_548], %gather3A_546 : memref<64x128xf32, #tpu.memory_space<vmem>>[vector<16xi32>, vector<16xi32>], vector<16xf32>,
        %add3A_549 = arith.constant 19 : i32
        %add3A_550 = vector.broadcast %add3A_549 : i32 to vector<16xi32>
        %add3A_551 = arith.addi %get3A_144, %add3A_550 : vector<16xi32>
        %gather3A_552 = tpu.vector_load_idx %arg20[%add3A_139, %add3A_551] : memref<64x128xf32, #tpu.memory_space<vmem>>[vector<16xi32>, vector<16xi32>], vector<16xf32>,
        %broadcast_in_dim3A_553 = arith.constant 67 : i32
        %broadcast_in_dim3A_554 = vector.broadcast %broadcast_in_dim3A_553 : i32 to vector<16xi32>
        tpu.vector_store_idx %arg26[%add3A_139, %broadcast_in_dim3A_554], %gather3A_552 : memref<64x128xf32, #tpu.memory_space<vmem>>[vector<16xi32>, vector<16xi32>], vector<16xf32>,
        %add3A_555 = arith.constant 20 : i32
        %add3A_556 = vector.broadcast %add3A_555 : i32 to vector<16xi32>
        %add3A_557 = arith.addi %get3A_144, %add3A_556 : vector<16xi32>
        %gather3A_558 = tpu.vector_load_idx %arg20[%add3A_139, %add3A_557] : memref<64x128xf32, #tpu.memory_space<vmem>>[vector<16xi32>, vector<16xi32>], vector<16xf32>,
        %broadcast_in_dim3A_559 = arith.constant 68 : i32
        %broadcast_in_dim3A_560 = vector.broadcast %broadcast_in_dim3A_559 : i32 to vector<16xi32>
        tpu.vector_store_idx %arg26[%add3A_139, %broadcast_in_dim3A_560], %gather3A_558 : memref<64x128xf32, #tpu.memory_space<vmem>>[vector<16xi32>, vector<16xi32>], vector<16xf32>,
        %add3A_561 = arith.constant 21 : i32
        %add3A_562 = vector.broadcast %add3A_561 : i32 to vector<16xi32>
        %add3A_563 = arith.addi %get3A_144, %add3A_562 : vector<16xi32>
        %gather3A_564 = tpu.vector_load_idx %arg20[%add3A_139, %add3A_563] : memref<64x128xf32, #tpu.memory_space<vmem>>[vector<16xi32>, vector<16xi32>], vector<16xf32>,
        %broadcast_in_dim3A_565 = arith.constant 69 : i32
        %broadcast_in_dim3A_566 = vector.broadcast %broadcast_in_dim3A_565 : i32 to vector<16xi32>
        tpu.vector_store_idx %arg26[%add3A_139, %broadcast_in_dim3A_566], %gather3A_564 : memref<64x128xf32, #tpu.memory_space<vmem>>[vector<16xi32>, vector<16xi32>], vector<16xf32>,
        %add3A_567 = arith.constant 22 : i32
        %add3A_568 = vector.broadcast %add3A_567 : i32 to vector<16xi32>
        %add3A_569 = arith.addi %get3A_144, %add3A_568 : vector<16xi32>
        %gather3A_570 = tpu.vector_load_idx %arg20[%add3A_139, %add3A_569] : memref<64x128xf32, #tpu.memory_space<vmem>>[vector<16xi32>, vector<16xi32>], vector<16xf32>,
        %broadcast_in_dim3A_571 = arith.constant 70 : i32
        %broadcast_in_dim3A_572 = vector.broadcast %broadcast_in_dim3A_571 : i32 to vector<16xi32>
        tpu.vector_store_idx %arg26[%add3A_139, %broadcast_in_dim3A_572], %gather3A_570 : memref<64x128xf32, #tpu.memory_space<vmem>>[vector<16xi32>, vector<16xi32>], vector<16xf32>,
        %add3A_573 = arith.constant 23 : i32
        %add3A_574 = vector.broadcast %add3A_573 : i32 to vector<16xi32>
        %add3A_575 = arith.addi %get3A_144, %add3A_574 : vector<16xi32>
        %gather3A_576 = tpu.vector_load_idx %arg20[%add3A_139, %add3A_575] : memref<64x128xf32, #tpu.memory_space<vmem>>[vector<16xi32>, vector<16xi32>], vector<16xf32>,
        %broadcast_in_dim3A_577 = arith.constant 71 : i32
        %broadcast_in_dim3A_578 = vector.broadcast %broadcast_in_dim3A_577 : i32 to vector<16xi32>
        tpu.vector_store_idx %arg26[%add3A_139, %broadcast_in_dim3A_578], %gather3A_576 : memref<64x128xf32, #tpu.memory_space<vmem>>[vector<16xi32>, vector<16xi32>], vector<16xf32>,
        %add3A_579 = arith.constant 24 : i32
        %add3A_580 = vector.broadcast %add3A_579 : i32 to vector<16xi32>
        %add3A_581 = arith.addi %get3A_144, %add3A_580 : vector<16xi32>
        %gather3A_582 = tpu.vector_load_idx %arg20[%add3A_139, %add3A_581] : memref<64x128xf32, #tpu.memory_space<vmem>>[vector<16xi32>, vector<16xi32>], vector<16xf32>,
        %broadcast_in_dim3A_583 = arith.constant 72 : i32
        %broadcast_in_dim3A_584 = vector.broadcast %broadcast_in_dim3A_583 : i32 to vector<16xi32>
        tpu.vector_store_idx %arg26[%add3A_139, %broadcast_in_dim3A_584], %gather3A_582 : memref<64x128xf32, #tpu.memory_space<vmem>>[vector<16xi32>, vector<16xi32>], vector<16xf32>,
        %add3A_585 = arith.constant 25 : i32
        %add3A_586 = vector.broadcast %add3A_585 : i32 to vector<16xi32>
        %add3A_587 = arith.addi %get3A_144, %add3A_586 : vector<16xi32>
        %gather3A_588 = tpu.vector_load_idx %arg20[%add3A_139, %add3A_587] : memref<64x128xf32, #tpu.memory_space<vmem>>[vector<16xi32>, vector<16xi32>], vector<16xf32>,
        %broadcast_in_dim3A_589 = arith.constant 73 : i32
        %broadcast_in_dim3A_590 = vector.broadcast %broadcast_in_dim3A_589 : i32 to vector<16xi32>
        tpu.vector_store_idx %arg26[%add3A_139, %broadcast_in_dim3A_590], %gather3A_588 : memref<64x128xf32, #tpu.memory_space<vmem>>[vector<16xi32>, vector<16xi32>], vector<16xf32>,
        %add3A_591 = arith.constant 26 : i32
        %add3A_592 = vector.broadcast %add3A_591 : i32 to vector<16xi32>
        %add3A_593 = arith.addi %get3A_144, %add3A_592 : vector<16xi32>
        %gather3A_594 = tpu.vector_load_idx %arg20[%add3A_139, %add3A_593] : memref<64x128xf32, #tpu.memory_space<vmem>>[vector<16xi32>, vector<16xi32>], vector<16xf32>,
        %broadcast_in_dim3A_595 = arith.constant 74 : i32
        %broadcast_in_dim3A_596 = vector.broadcast %broadcast_in_dim3A_595 : i32 to vector<16xi32>
        tpu.vector_store_idx %arg26[%add3A_139, %broadcast_in_dim3A_596], %gather3A_594 : memref<64x128xf32, #tpu.memory_space<vmem>>[vector<16xi32>, vector<16xi32>], vector<16xf32>,
        %add3A_597 = arith.constant 27 : i32
        %add3A_598 = vector.broadcast %add3A_597 : i32 to vector<16xi32>
        %add3A_599 = arith.addi %get3A_144, %add3A_598 : vector<16xi32>
        %gather3A_600 = tpu.vector_load_idx %arg20[%add3A_139, %add3A_599] : memref<64x128xf32, #tpu.memory_space<vmem>>[vector<16xi32>, vector<16xi32>], vector<16xf32>,
        %broadcast_in_dim3A_601 = arith.constant 75 : i32
        %broadcast_in_dim3A_602 = vector.broadcast %broadcast_in_dim3A_601 : i32 to vector<16xi32>
        tpu.vector_store_idx %arg26[%add3A_139, %broadcast_in_dim3A_602], %gather3A_600 : memref<64x128xf32, #tpu.memory_space<vmem>>[vector<16xi32>, vector<16xi32>], vector<16xf32>,
        %add3A_603 = arith.constant 28 : i32
        %add3A_604 = vector.broadcast %add3A_603 : i32 to vector<16xi32>
        %add3A_605 = arith.addi %get3A_144, %add3A_604 : vector<16xi32>
        %gather3A_606 = tpu.vector_load_idx %arg20[%add3A_139, %add3A_605] : memref<64x128xf32, #tpu.memory_space<vmem>>[vector<16xi32>, vector<16xi32>], vector<16xf32>,
        %broadcast_in_dim3A_607 = arith.constant 76 : i32
        %broadcast_in_dim3A_608 = vector.broadcast %broadcast_in_dim3A_607 : i32 to vector<16xi32>
        tpu.vector_store_idx %arg26[%add3A_139, %broadcast_in_dim3A_608], %gather3A_606 : memref<64x128xf32, #tpu.memory_space<vmem>>[vector<16xi32>, vector<16xi32>], vector<16xf32>,
        %add3A_609 = arith.constant 29 : i32
        %add3A_610 = vector.broadcast %add3A_609 : i32 to vector<16xi32>
        %add3A_611 = arith.addi %get3A_144, %add3A_610 : vector<16xi32>
        %gather3A_612 = tpu.vector_load_idx %arg20[%add3A_139, %add3A_611] : memref<64x128xf32, #tpu.memory_space<vmem>>[vector<16xi32>, vector<16xi32>], vector<16xf32>,
        %broadcast_in_dim3A_613 = arith.constant 77 : i32
        %broadcast_in_dim3A_614 = vector.broadcast %broadcast_in_dim3A_613 : i32 to vector<16xi32>
        tpu.vector_store_idx %arg26[%add3A_139, %broadcast_in_dim3A_614], %gather3A_612 : memref<64x128xf32, #tpu.memory_space<vmem>>[vector<16xi32>, vector<16xi32>], vector<16xf32>,
        %add3A_615 = arith.constant 30 : i32
        %add3A_616 = vector.broadcast %add3A_615 : i32 to vector<16xi32>
        %add3A_617 = arith.addi %get3A_144, %add3A_616 : vector<16xi32>
        %gather3A_618 = tpu.vector_load_idx %arg20[%add3A_139, %add3A_617] : memref<64x128xf32, #tpu.memory_space<vmem>>[vector<16xi32>, vector<16xi32>], vector<16xf32>,
        %broadcast_in_dim3A_619 = arith.constant 78 : i32
        %broadcast_in_dim3A_620 = vector.broadcast %broadcast_in_dim3A_619 : i32 to vector<16xi32>
        tpu.vector_store_idx %arg26[%add3A_139, %broadcast_in_dim3A_620], %gather3A_618 : memref<64x128xf32, #tpu.memory_space<vmem>>[vector<16xi32>, vector<16xi32>], vector<16xf32>,
        %add3A_621 = arith.constant 31 : i32
        %add3A_622 = vector.broadcast %add3A_621 : i32 to vector<16xi32>
        %add3A_623 = arith.addi %get3A_144, %add3A_622 : vector<16xi32>
        %gather3A_624 = tpu.vector_load_idx %arg20[%add3A_139, %add3A_623] : memref<64x128xf32, #tpu.memory_space<vmem>>[vector<16xi32>, vector<16xi32>], vector<16xf32>,
        %broadcast_in_dim3A_625 = arith.constant 79 : i32
        %broadcast_in_dim3A_626 = vector.broadcast %broadcast_in_dim3A_625 : i32 to vector<16xi32>
        tpu.vector_store_idx %arg26[%add3A_139, %broadcast_in_dim3A_626], %gather3A_624 : memref<64x128xf32, #tpu.memory_space<vmem>>[vector<16xi32>, vector<16xi32>], vector<16xf32>,
        %gather3A_627 = tpu.vector_load_idx %arg21[%add3A_139, %and3A_148] : memref<64x128xf32, #tpu.memory_space<vmem>>[vector<16xi32>, vector<16xi32>], vector<16xf32>,
        %broadcast_in_dim3A_628 = arith.constant 80 : i32
        %broadcast_in_dim3A_629 = vector.broadcast %broadcast_in_dim3A_628 : i32 to vector<16xi32>
        tpu.vector_store_idx %arg26[%add3A_139, %broadcast_in_dim3A_629], %gather3A_627 : memref<64x128xf32, #tpu.memory_space<vmem>>[vector<16xi32>, vector<16xi32>], vector<16xf32>,
        %ge3A = arith.constant 50000 : i32
        %ge3A_630 = vector.broadcast %ge3A : i32 to vector<16xi32>
        %ge3A_631 = arith.cmpi sge, %get3A_146, %ge3A_630 : vector<16xi32>
        %jit3A = arith.constant 1.000000e+00 : f32
        %jit3A_632 = arith.constant 0.000000e+00 : f32
        %broadcast_in_dim3A_633 = vector.broadcast %jit3A : f32 to vector<16xf32>
        %broadcast_in_dim3A_634 = vector.broadcast %jit3A_632 : f32 to vector<16xf32>
        %select_n3A = arith.select %ge3A_631, %broadcast_in_dim3A_633, %broadcast_in_dim3A_634 : vector<16xi1>, vector<16xf32>
        %broadcast_in_dim3A_635 = arith.constant 81 : i32
        %broadcast_in_dim3A_636 = vector.broadcast %broadcast_in_dim3A_635 : i32 to vector<16xi32>
        tpu.vector_store_idx %arg26[%add3A_139, %broadcast_in_dim3A_636], %select_n3A : memref<64x128xf32, #tpu.memory_space<vmem>>[vector<16xi32>, vector<16xi32>], vector<16xf32>,
        %scan3A_637 = arith.constant 0 : i32
        scf.yield %scan3A_637 : i32
      }
      %scan3A_88 = arith.constant 4 : i32
      %mul3A_89 = arith.constant 64 : i32
      %mul3A_90 = arith.muli %mul3A_38, %mul3A_89 : i32
      %add3A_91 = arith.addi %mul3A_2, %mul3A_90 : i32
      "tpu.region"() ({
        %run_scoped3A = tpu.sem_alloc : memref<!tpu.dma_semaphore, #tpu.memory_space<semaphore_mem>>
        %dma_start3A_131 = arith.constant 0 : i32
        %dma_start3A_132 = tpu.memref_slice %arg8[%add3A_91, %dma_start3A_131] : memref<16384x128xf32, #tpu.memory_space<hbm>> -> memref<64x128xf32, #tpu.memory_space<hbm>>
        %dma_start3A_133 = arith.constant 0 : i32
        %dma_start3A_134 = tpu.memref_slice %arg8[%add3A_91, %dma_start3A_133] : memref<16384x128xf32, #tpu.memory_space<hbm>> -> memref<64x128xf32, #tpu.memory_space<hbm>>
        tpu.enqueue_dma source(%arg26 : memref<64x128xf32, #tpu.memory_space<vmem>>) target(%dma_start3A_134 : memref<64x128xf32, #tpu.memory_space<hbm>>) target_semaphore(%run_scoped3A : memref<!tpu.dma_semaphore, #tpu.memory_space<semaphore_mem>>)
        %dma_wait3A_135 = arith.constant 0 : i32
        %dma_wait3A_136 = tpu.memref_slice %arg8[%add3A_91, %dma_wait3A_135] : memref<16384x128xf32, #tpu.memory_space<hbm>> -> memref<64x128xf32, #tpu.memory_space<hbm>>
        %dma_wait3A_137 = arith.constant 0 : i32
        %dma_wait3A_138 = tpu.memref_slice %arg8[%add3A_91, %dma_wait3A_137] : memref<16384x128xf32, #tpu.memory_space<hbm>> -> memref<64x128xf32, #tpu.memory_space<hbm>>
        tpu.wait_dma2 semaphore(%run_scoped3A : memref<!tpu.dma_semaphore, #tpu.memory_space<semaphore_mem>>) src(%arg26 : memref<64x128xf32, #tpu.memory_space<vmem>>) dst(%dma_wait3A_138 : memref<64x128xf32, #tpu.memory_space<hbm>>)
        tpu.yield
      }) : () -> ()
      %lt3A = arith.constant 3 : i32
      %lt3A_92 = arith.cmpi slt, %scan3A_35, %lt3A : i32
      %convert_element_type3A = arith.extui %lt3A_92 : i1 to i32
      %cond3A = arith.constant 0 : i32
      %cond3A_93 = arith.cmpi ne, %convert_element_type3A, %cond3A : i32
      scf.if %cond3A_93 {
        %add3A_131 = arith.constant 2 : i32
        %add3A_132 = arith.addi %mul3A_38, %add3A_131 : i32
        %mul3A_133 = arith.constant 64 : i32
        %mul3A_134 = arith.muli %add3A_132, %mul3A_133 : i32
        %dma_start3A_135 = tpu.memref_slice %arg11[%mul3A_134] : memref<512xi32, #tpu.memory_space<vmem>> -> memref<64xi32, #tpu.memory_space<vmem>>
        %dma_start3A_136 = arith.constant 0 : i32
        %dma_start3A_137 = arith.constant 0 : i32
        %dma_start3A_138 = tpu.memref_slice %arg4[%dma_start3A_136, %dma_start3A_137] : memref<50000x128xf32, #tpu.memory_space<hbm>> -> memref<50000x128xf32, #tpu.memory_space<hbm>>
        tpu.enqueue_indirect_dma source(%dma_start3A_138 : memref<50000x128xf32, #tpu.memory_space<hbm>>) target(%arg18 : memref<64x128xf32, #tpu.memory_space<vmem>>) offsets(%dma_start3A_135 : memref<64xi32, #tpu.memory_space<vmem>>) semaphore(%arg27 : memref<!tpu.dma_semaphore, #tpu.memory_space<semaphore_mem>>)
        %dma_start3A_139 = tpu.memref_slice %arg12[%mul3A_134] : memref<512xi32, #tpu.memory_space<vmem>> -> memref<64xi32, #tpu.memory_space<vmem>>
        %dma_start3A_140 = arith.constant 0 : i32
        %dma_start3A_141 = arith.constant 0 : i32
        %dma_start3A_142 = tpu.memref_slice %arg5[%dma_start3A_140, %dma_start3A_141] : memref<12500x128xf32, #tpu.memory_space<hbm>> -> memref<12500x128xf32, #tpu.memory_space<hbm>>
        tpu.enqueue_indirect_dma source(%dma_start3A_142 : memref<12500x128xf32, #tpu.memory_space<hbm>>) target(%arg19 : memref<64x128xf32, #tpu.memory_space<vmem>>) offsets(%dma_start3A_139 : memref<64xi32, #tpu.memory_space<vmem>>) semaphore(%arg28 : memref<!tpu.dma_semaphore, #tpu.memory_space<semaphore_mem>>)
        %dma_start3A_143 = tpu.memref_slice %arg13[%mul3A_134] : memref<512xi32, #tpu.memory_space<vmem>> -> memref<64xi32, #tpu.memory_space<vmem>>
        %dma_start3A_144 = arith.constant 0 : i32
        %dma_start3A_145 = arith.constant 0 : i32
        %dma_start3A_146 = tpu.memref_slice %arg6[%dma_start3A_144, %dma_start3A_145] : memref<25000x128xf32, #tpu.memory_space<hbm>> -> memref<25000x128xf32, #tpu.memory_space<hbm>>
        tpu.enqueue_indirect_dma source(%dma_start3A_146 : memref<25000x128xf32, #tpu.memory_space<hbm>>) target(%arg20 : memref<64x128xf32, #tpu.memory_space<vmem>>) offsets(%dma_start3A_143 : memref<64xi32, #tpu.memory_space<vmem>>) semaphore(%arg29 : memref<!tpu.dma_semaphore, #tpu.memory_space<semaphore_mem>>)
        %dma_start3A_147 = tpu.memref_slice %arg14[%mul3A_134] : memref<512xi32, #tpu.memory_space<vmem>> -> memref<64xi32, #tpu.memory_space<vmem>>
        %dma_start3A_148 = arith.constant 0 : i32
        %dma_start3A_149 = arith.constant 0 : i32
        %dma_start3A_150 = tpu.memref_slice %arg7[%dma_start3A_148, %dma_start3A_149] : memref<782x128xf32, #tpu.memory_space<hbm>> -> memref<782x128xf32, #tpu.memory_space<hbm>>
        tpu.enqueue_indirect_dma source(%dma_start3A_150 : memref<782x128xf32, #tpu.memory_space<hbm>>) target(%arg21 : memref<64x128xf32, #tpu.memory_space<vmem>>) offsets(%dma_start3A_147 : memref<64xi32, #tpu.memory_space<vmem>>) semaphore(%arg30 : memref<!tpu.dma_semaphore, #tpu.memory_space<semaphore_mem>>)
      } else {
      }
      %dma_wait3A_94 = arith.constant 0 : i32
      %dma_wait3A_95 = arith.constant 0 : i32
      %dma_wait3A_96 = tpu.memref_slice %arg4[%dma_wait3A_94, %dma_wait3A_95] : memref<50000x128xf32, #tpu.memory_space<hbm>> -> memref<64x128xf32, #tpu.memory_space<hbm>>
      %dma_wait3A_97 = arith.constant 0 : i32
      %dma_wait3A_98 = arith.constant 0 : i32
      %dma_wait3A_99 = tpu.memref_slice %arg4[%dma_wait3A_97, %dma_wait3A_98] : memref<50000x128xf32, #tpu.memory_space<hbm>> -> memref<64x128xf32, #tpu.memory_space<hbm>>
      tpu.wait_dma2 semaphore(%arg31 : memref<!tpu.dma_semaphore, #tpu.memory_space<semaphore_mem>>) src(%dma_wait3A_99 : memref<64x128xf32, #tpu.memory_space<hbm>>) dst(%arg22 : memref<64x128xf32, #tpu.memory_space<vmem>>)
      %dma_wait3A_100 = arith.constant 0 : i32
      %dma_wait3A_101 = arith.constant 0 : i32
      %dma_wait3A_102 = tpu.memref_slice %arg5[%dma_wait3A_100, %dma_wait3A_101] : memref<12500x128xf32, #tpu.memory_space<hbm>> -> memref<64x128xf32, #tpu.memory_space<hbm>>
      %dma_wait3A_103 = arith.constant 0 : i32
      %dma_wait3A_104 = arith.constant 0 : i32
      %dma_wait3A_105 = tpu.memref_slice %arg5[%dma_wait3A_103, %dma_wait3A_104] : memref<12500x128xf32, #tpu.memory_space<hbm>> -> memref<64x128xf32, #tpu.memory_space<hbm>>
      tpu.wait_dma2 semaphore(%arg32 : memref<!tpu.dma_semaphore, #tpu.memory_space<semaphore_mem>>) src(%dma_wait3A_105 : memref<64x128xf32, #tpu.memory_space<hbm>>) dst(%arg23 : memref<64x128xf32, #tpu.memory_space<vmem>>)
      %dma_wait3A_106 = arith.constant 0 : i32
      %dma_wait3A_107 = arith.constant 0 : i32
      %dma_wait3A_108 = tpu.memref_slice %arg6[%dma_wait3A_106, %dma_wait3A_107] : memref<25000x128xf32, #tpu.memory_space<hbm>> -> memref<64x128xf32, #tpu.memory_space<hbm>>
      %dma_wait3A_109 = arith.constant 0 : i32
      %dma_wait3A_110 = arith.constant 0 : i32
      %dma_wait3A_111 = tpu.memref_slice %arg6[%dma_wait3A_109, %dma_wait3A_110] : memref<25000x128xf32, #tpu.memory_space<hbm>> -> memref<64x128xf32, #tpu.memory_space<hbm>>
      tpu.wait_dma2 semaphore(%arg33 : memref<!tpu.dma_semaphore, #tpu.memory_space<semaphore_mem>>) src(%dma_wait3A_111 : memref<64x128xf32, #tpu.memory_space<hbm>>) dst(%arg24 : memref<64x128xf32, #tpu.memory_space<vmem>>)
      %dma_wait3A_112 = arith.constant 0 : i32
      %dma_wait3A_113 = arith.constant 0 : i32
      %dma_wait3A_114 = tpu.memref_slice %arg7[%dma_wait3A_112, %dma_wait3A_113] : memref<782x128xf32, #tpu.memory_space<hbm>> -> memref<64x128xf32, #tpu.memory_space<hbm>>
      %dma_wait3A_115 = arith.constant 0 : i32
      %dma_wait3A_116 = arith.constant 0 : i32
      %dma_wait3A_117 = tpu.memref_slice %arg7[%dma_wait3A_115, %dma_wait3A_116] : memref<782x128xf32, #tpu.memory_space<hbm>> -> memref<64x128xf32, #tpu.memory_space<hbm>>
      tpu.wait_dma2 semaphore(%arg34 : memref<!tpu.dma_semaphore, #tpu.memory_space<semaphore_mem>>) src(%dma_wait3A_117 : memref<64x128xf32, #tpu.memory_space<hbm>>) dst(%arg25 : memref<64x128xf32, #tpu.memory_space<vmem>>)
      %add3A_118 = arith.constant 1 : i32
      %add3A_119 = arith.addi %mul3A_38, %add3A_118 : i32
      %scan3A_120 = arith.constant 0 : i32
      %scan3A_121 = arith.constant 0 : i32
      %scan3A_122 = arith.constant 4 : i32
      %scan3A_123 = arith.addi %scan3A_121, %scan3A_122 : i32
      %scan3A_124 = arith.constant 1 : i32
      %scan3A_125 = scf.for %scan3A_131 = %scan3A_121 to %scan3A_123 step %scan3A_124 iter_args(%scan3A_132 = %scan3A_120) -> (i32)  : i32 {
        %mul3A_133 = arith.constant 16 : i32
        %mul3A_134 = arith.muli %scan3A_131, %mul3A_133 : i32
        %mul3A_135 = arith.constant 64 : i32
        %mul3A_136 = arith.muli %add3A_119, %mul3A_135 : i32
        %add3A_137 = arith.addi %mul3A_136, %mul3A_134 : i32
        %add3A_138 = vector.broadcast %mul3A_134 : i32 to vector<16xi32>
        %add3A_139 = arith.addi %iota3A, %add3A_138 : vector<16xi32>
        %get3A = arith.index_cast %add3A_137 : i32 to index
        %get3A_140 = tpu.vector_load %arg15[%get3A] {strides = array<i32>} : memref<512xi32, #tpu.memory_space<vmem>>, vector<16xi32>,
        %get3A_141 = arith.index_cast %add3A_137 : i32 to index
        %get3A_142 = tpu.vector_load %arg16[%get3A_141] {strides = array<i32>} : memref<512xi32, #tpu.memory_space<vmem>>, vector<16xi32>,
        %get3A_143 = arith.index_cast %add3A_137 : i32 to index
        %get3A_144 = tpu.vector_load %arg17[%get3A_143] {strides = array<i32>} : memref<512xi32, #tpu.memory_space<vmem>>, vector<16xi32>,
        %get3A_145 = arith.index_cast %add3A_137 : i32 to index
        %get3A_146 = tpu.vector_load %arg10[%get3A_145] {strides = array<i32>} : memref<512xi32, #tpu.memory_space<vmem>>, vector<16xi32>,
        %and3A = arith.constant 127 : i32
        %and3A_147 = vector.broadcast %and3A : i32 to vector<16xi32>
        %and3A_148 = arith.andi %get3A_146, %and3A_147 : vector<16xi32>
        %add3A_149 = arith.constant 0 : i32
        %add3A_150 = vector.broadcast %add3A_149 : i32 to vector<16xi32>
        %add3A_151 = arith.addi %get3A_142, %add3A_150 : vector<16xi32>
        %gather3A = tpu.vector_load_idx %arg23[%add3A_139, %add3A_151] : memref<64x128xf32, #tpu.memory_space<vmem>>[vector<16xi32>, vector<16xi32>], vector<16xf32>,
        %broadcast_in_dim3A = arith.constant 0 : i32
        %broadcast_in_dim3A_152 = vector.broadcast %broadcast_in_dim3A : i32 to vector<16xi32>
        tpu.vector_store_idx %arg26[%add3A_139, %broadcast_in_dim3A_152], %gather3A : memref<64x128xf32, #tpu.memory_space<vmem>>[vector<16xi32>, vector<16xi32>], vector<16xf32>,
        %add3A_153 = arith.constant 1 : i32
        %add3A_154 = vector.broadcast %add3A_153 : i32 to vector<16xi32>
        %add3A_155 = arith.addi %get3A_142, %add3A_154 : vector<16xi32>
        %gather3A_156 = tpu.vector_load_idx %arg23[%add3A_139, %add3A_155] : memref<64x128xf32, #tpu.memory_space<vmem>>[vector<16xi32>, vector<16xi32>], vector<16xf32>,
        %broadcast_in_dim3A_157 = arith.constant 1 : i32
        %broadcast_in_dim3A_158 = vector.broadcast %broadcast_in_dim3A_157 : i32 to vector<16xi32>
        tpu.vector_store_idx %arg26[%add3A_139, %broadcast_in_dim3A_158], %gather3A_156 : memref<64x128xf32, #tpu.memory_space<vmem>>[vector<16xi32>, vector<16xi32>], vector<16xf32>,
        %add3A_159 = arith.constant 2 : i32
        %add3A_160 = vector.broadcast %add3A_159 : i32 to vector<16xi32>
        %add3A_161 = arith.addi %get3A_142, %add3A_160 : vector<16xi32>
        %gather3A_162 = tpu.vector_load_idx %arg23[%add3A_139, %add3A_161] : memref<64x128xf32, #tpu.memory_space<vmem>>[vector<16xi32>, vector<16xi32>], vector<16xf32>,
        %broadcast_in_dim3A_163 = arith.constant 2 : i32
        %broadcast_in_dim3A_164 = vector.broadcast %broadcast_in_dim3A_163 : i32 to vector<16xi32>
        tpu.vector_store_idx %arg26[%add3A_139, %broadcast_in_dim3A_164], %gather3A_162 : memref<64x128xf32, #tpu.memory_space<vmem>>[vector<16xi32>, vector<16xi32>], vector<16xf32>,
        %add3A_165 = arith.constant 3 : i32
        %add3A_166 = vector.broadcast %add3A_165 : i32 to vector<16xi32>
        %add3A_167 = arith.addi %get3A_142, %add3A_166 : vector<16xi32>
        %gather3A_168 = tpu.vector_load_idx %arg23[%add3A_139, %add3A_167] : memref<64x128xf32, #tpu.memory_space<vmem>>[vector<16xi32>, vector<16xi32>], vector<16xf32>,
        %broadcast_in_dim3A_169 = arith.constant 3 : i32
        %broadcast_in_dim3A_170 = vector.broadcast %broadcast_in_dim3A_169 : i32 to vector<16xi32>
        tpu.vector_store_idx %arg26[%add3A_139, %broadcast_in_dim3A_170], %gather3A_168 : memref<64x128xf32, #tpu.memory_space<vmem>>[vector<16xi32>, vector<16xi32>], vector<16xf32>,
        %add3A_171 = arith.constant 4 : i32
        %add3A_172 = vector.broadcast %add3A_171 : i32 to vector<16xi32>
        %add3A_173 = arith.addi %get3A_142, %add3A_172 : vector<16xi32>
        %gather3A_174 = tpu.vector_load_idx %arg23[%add3A_139, %add3A_173] : memref<64x128xf32, #tpu.memory_space<vmem>>[vector<16xi32>, vector<16xi32>], vector<16xf32>,
        %broadcast_in_dim3A_175 = arith.constant 4 : i32
        %broadcast_in_dim3A_176 = vector.broadcast %broadcast_in_dim3A_175 : i32 to vector<16xi32>
        tpu.vector_store_idx %arg26[%add3A_139, %broadcast_in_dim3A_176], %gather3A_174 : memref<64x128xf32, #tpu.memory_space<vmem>>[vector<16xi32>, vector<16xi32>], vector<16xf32>,
        %add3A_177 = arith.constant 5 : i32
        %add3A_178 = vector.broadcast %add3A_177 : i32 to vector<16xi32>
        %add3A_179 = arith.addi %get3A_142, %add3A_178 : vector<16xi32>
        %gather3A_180 = tpu.vector_load_idx %arg23[%add3A_139, %add3A_179] : memref<64x128xf32, #tpu.memory_space<vmem>>[vector<16xi32>, vector<16xi32>], vector<16xf32>,
        %broadcast_in_dim3A_181 = arith.constant 5 : i32
        %broadcast_in_dim3A_182 = vector.broadcast %broadcast_in_dim3A_181 : i32 to vector<16xi32>
        tpu.vector_store_idx %arg26[%add3A_139, %broadcast_in_dim3A_182], %gather3A_180 : memref<64x128xf32, #tpu.memory_space<vmem>>[vector<16xi32>, vector<16xi32>], vector<16xf32>,
        %add3A_183 = arith.constant 6 : i32
        %add3A_184 = vector.broadcast %add3A_183 : i32 to vector<16xi32>
        %add3A_185 = arith.addi %get3A_142, %add3A_184 : vector<16xi32>
        %gather3A_186 = tpu.vector_load_idx %arg23[%add3A_139, %add3A_185] : memref<64x128xf32, #tpu.memory_space<vmem>>[vector<16xi32>, vector<16xi32>], vector<16xf32>,
        %broadcast_in_dim3A_187 = arith.constant 6 : i32
        %broadcast_in_dim3A_188 = vector.broadcast %broadcast_in_dim3A_187 : i32 to vector<16xi32>
        tpu.vector_store_idx %arg26[%add3A_139, %broadcast_in_dim3A_188], %gather3A_186 : memref<64x128xf32, #tpu.memory_space<vmem>>[vector<16xi32>, vector<16xi32>], vector<16xf32>,
        %add3A_189 = arith.constant 7 : i32
        %add3A_190 = vector.broadcast %add3A_189 : i32 to vector<16xi32>
        %add3A_191 = arith.addi %get3A_142, %add3A_190 : vector<16xi32>
        %gather3A_192 = tpu.vector_load_idx %arg23[%add3A_139, %add3A_191] : memref<64x128xf32, #tpu.memory_space<vmem>>[vector<16xi32>, vector<16xi32>], vector<16xf32>,
        %broadcast_in_dim3A_193 = arith.constant 7 : i32
        %broadcast_in_dim3A_194 = vector.broadcast %broadcast_in_dim3A_193 : i32 to vector<16xi32>
        tpu.vector_store_idx %arg26[%add3A_139, %broadcast_in_dim3A_194], %gather3A_192 : memref<64x128xf32, #tpu.memory_space<vmem>>[vector<16xi32>, vector<16xi32>], vector<16xf32>,
        %add3A_195 = arith.constant 8 : i32
        %add3A_196 = vector.broadcast %add3A_195 : i32 to vector<16xi32>
        %add3A_197 = arith.addi %get3A_142, %add3A_196 : vector<16xi32>
        %gather3A_198 = tpu.vector_load_idx %arg23[%add3A_139, %add3A_197] : memref<64x128xf32, #tpu.memory_space<vmem>>[vector<16xi32>, vector<16xi32>], vector<16xf32>,
        %broadcast_in_dim3A_199 = arith.constant 8 : i32
        %broadcast_in_dim3A_200 = vector.broadcast %broadcast_in_dim3A_199 : i32 to vector<16xi32>
        tpu.vector_store_idx %arg26[%add3A_139, %broadcast_in_dim3A_200], %gather3A_198 : memref<64x128xf32, #tpu.memory_space<vmem>>[vector<16xi32>, vector<16xi32>], vector<16xf32>,
        %add3A_201 = arith.constant 9 : i32
        %add3A_202 = vector.broadcast %add3A_201 : i32 to vector<16xi32>
        %add3A_203 = arith.addi %get3A_142, %add3A_202 : vector<16xi32>
        %gather3A_204 = tpu.vector_load_idx %arg23[%add3A_139, %add3A_203] : memref<64x128xf32, #tpu.memory_space<vmem>>[vector<16xi32>, vector<16xi32>], vector<16xf32>,
        %broadcast_in_dim3A_205 = arith.constant 9 : i32
        %broadcast_in_dim3A_206 = vector.broadcast %broadcast_in_dim3A_205 : i32 to vector<16xi32>
        tpu.vector_store_idx %arg26[%add3A_139, %broadcast_in_dim3A_206], %gather3A_204 : memref<64x128xf32, #tpu.memory_space<vmem>>[vector<16xi32>, vector<16xi32>], vector<16xf32>,
        %add3A_207 = arith.constant 10 : i32
        %add3A_208 = vector.broadcast %add3A_207 : i32 to vector<16xi32>
        %add3A_209 = arith.addi %get3A_142, %add3A_208 : vector<16xi32>
        %gather3A_210 = tpu.vector_load_idx %arg23[%add3A_139, %add3A_209] : memref<64x128xf32, #tpu.memory_space<vmem>>[vector<16xi32>, vector<16xi32>], vector<16xf32>,
        %broadcast_in_dim3A_211 = arith.constant 10 : i32
        %broadcast_in_dim3A_212 = vector.broadcast %broadcast_in_dim3A_211 : i32 to vector<16xi32>
        tpu.vector_store_idx %arg26[%add3A_139, %broadcast_in_dim3A_212], %gather3A_210 : memref<64x128xf32, #tpu.memory_space<vmem>>[vector<16xi32>, vector<16xi32>], vector<16xf32>,
        %add3A_213 = arith.constant 11 : i32
        %add3A_214 = vector.broadcast %add3A_213 : i32 to vector<16xi32>
        %add3A_215 = arith.addi %get3A_142, %add3A_214 : vector<16xi32>
        %gather3A_216 = tpu.vector_load_idx %arg23[%add3A_139, %add3A_215] : memref<64x128xf32, #tpu.memory_space<vmem>>[vector<16xi32>, vector<16xi32>], vector<16xf32>,
        %broadcast_in_dim3A_217 = arith.constant 11 : i32
        %broadcast_in_dim3A_218 = vector.broadcast %broadcast_in_dim3A_217 : i32 to vector<16xi32>
        tpu.vector_store_idx %arg26[%add3A_139, %broadcast_in_dim3A_218], %gather3A_216 : memref<64x128xf32, #tpu.memory_space<vmem>>[vector<16xi32>, vector<16xi32>], vector<16xf32>,
        %add3A_219 = arith.constant 12 : i32
        %add3A_220 = vector.broadcast %add3A_219 : i32 to vector<16xi32>
        %add3A_221 = arith.addi %get3A_142, %add3A_220 : vector<16xi32>
        %gather3A_222 = tpu.vector_load_idx %arg23[%add3A_139, %add3A_221] : memref<64x128xf32, #tpu.memory_space<vmem>>[vector<16xi32>, vector<16xi32>], vector<16xf32>,
        %broadcast_in_dim3A_223 = arith.constant 12 : i32
        %broadcast_in_dim3A_224 = vector.broadcast %broadcast_in_dim3A_223 : i32 to vector<16xi32>
        tpu.vector_store_idx %arg26[%add3A_139, %broadcast_in_dim3A_224], %gather3A_222 : memref<64x128xf32, #tpu.memory_space<vmem>>[vector<16xi32>, vector<16xi32>], vector<16xf32>,
        %add3A_225 = arith.constant 13 : i32
        %add3A_226 = vector.broadcast %add3A_225 : i32 to vector<16xi32>
        %add3A_227 = arith.addi %get3A_142, %add3A_226 : vector<16xi32>
        %gather3A_228 = tpu.vector_load_idx %arg23[%add3A_139, %add3A_227] : memref<64x128xf32, #tpu.memory_space<vmem>>[vector<16xi32>, vector<16xi32>], vector<16xf32>,
        %broadcast_in_dim3A_229 = arith.constant 13 : i32
        %broadcast_in_dim3A_230 = vector.broadcast %broadcast_in_dim3A_229 : i32 to vector<16xi32>
        tpu.vector_store_idx %arg26[%add3A_139, %broadcast_in_dim3A_230], %gather3A_228 : memref<64x128xf32, #tpu.memory_space<vmem>>[vector<16xi32>, vector<16xi32>], vector<16xf32>,
        %add3A_231 = arith.constant 14 : i32
        %add3A_232 = vector.broadcast %add3A_231 : i32 to vector<16xi32>
        %add3A_233 = arith.addi %get3A_142, %add3A_232 : vector<16xi32>
        %gather3A_234 = tpu.vector_load_idx %arg23[%add3A_139, %add3A_233] : memref<64x128xf32, #tpu.memory_space<vmem>>[vector<16xi32>, vector<16xi32>], vector<16xf32>,
        %broadcast_in_dim3A_235 = arith.constant 14 : i32
        %broadcast_in_dim3A_236 = vector.broadcast %broadcast_in_dim3A_235 : i32 to vector<16xi32>
        tpu.vector_store_idx %arg26[%add3A_139, %broadcast_in_dim3A_236], %gather3A_234 : memref<64x128xf32, #tpu.memory_space<vmem>>[vector<16xi32>, vector<16xi32>], vector<16xf32>,
        %add3A_237 = arith.constant 15 : i32
        %add3A_238 = vector.broadcast %add3A_237 : i32 to vector<16xi32>
        %add3A_239 = arith.addi %get3A_142, %add3A_238 : vector<16xi32>
        %gather3A_240 = tpu.vector_load_idx %arg23[%add3A_139, %add3A_239] : memref<64x128xf32, #tpu.memory_space<vmem>>[vector<16xi32>, vector<16xi32>], vector<16xf32>,
        %broadcast_in_dim3A_241 = arith.constant 15 : i32
        %broadcast_in_dim3A_242 = vector.broadcast %broadcast_in_dim3A_241 : i32 to vector<16xi32>
        tpu.vector_store_idx %arg26[%add3A_139, %broadcast_in_dim3A_242], %gather3A_240 : memref<64x128xf32, #tpu.memory_space<vmem>>[vector<16xi32>, vector<16xi32>], vector<16xf32>,
        %add3A_243 = arith.constant 0 : i32
        %add3A_244 = vector.broadcast %add3A_243 : i32 to vector<16xi32>
        %add3A_245 = arith.addi %get3A_140, %add3A_244 : vector<16xi32>
        %gather3A_246 = tpu.vector_load_idx %arg22[%add3A_139, %add3A_245] : memref<64x128xf32, #tpu.memory_space<vmem>>[vector<16xi32>, vector<16xi32>], vector<16xf32>,
        %broadcast_in_dim3A_247 = arith.constant 16 : i32
        %broadcast_in_dim3A_248 = vector.broadcast %broadcast_in_dim3A_247 : i32 to vector<16xi32>
        tpu.vector_store_idx %arg26[%add3A_139, %broadcast_in_dim3A_248], %gather3A_246 : memref<64x128xf32, #tpu.memory_space<vmem>>[vector<16xi32>, vector<16xi32>], vector<16xf32>,
        %add3A_249 = arith.constant 1 : i32
        %add3A_250 = vector.broadcast %add3A_249 : i32 to vector<16xi32>
        %add3A_251 = arith.addi %get3A_140, %add3A_250 : vector<16xi32>
        %gather3A_252 = tpu.vector_load_idx %arg22[%add3A_139, %add3A_251] : memref<64x128xf32, #tpu.memory_space<vmem>>[vector<16xi32>, vector<16xi32>], vector<16xf32>,
        %broadcast_in_dim3A_253 = arith.constant 17 : i32
        %broadcast_in_dim3A_254 = vector.broadcast %broadcast_in_dim3A_253 : i32 to vector<16xi32>
        tpu.vector_store_idx %arg26[%add3A_139, %broadcast_in_dim3A_254], %gather3A_252 : memref<64x128xf32, #tpu.memory_space<vmem>>[vector<16xi32>, vector<16xi32>], vector<16xf32>,
        %add3A_255 = arith.constant 2 : i32
        %add3A_256 = vector.broadcast %add3A_255 : i32 to vector<16xi32>
        %add3A_257 = arith.addi %get3A_140, %add3A_256 : vector<16xi32>
        %gather3A_258 = tpu.vector_load_idx %arg22[%add3A_139, %add3A_257] : memref<64x128xf32, #tpu.memory_space<vmem>>[vector<16xi32>, vector<16xi32>], vector<16xf32>,
        %broadcast_in_dim3A_259 = arith.constant 18 : i32
        %broadcast_in_dim3A_260 = vector.broadcast %broadcast_in_dim3A_259 : i32 to vector<16xi32>
        tpu.vector_store_idx %arg26[%add3A_139, %broadcast_in_dim3A_260], %gather3A_258 : memref<64x128xf32, #tpu.memory_space<vmem>>[vector<16xi32>, vector<16xi32>], vector<16xf32>,
        %add3A_261 = arith.constant 3 : i32
        %add3A_262 = vector.broadcast %add3A_261 : i32 to vector<16xi32>
        %add3A_263 = arith.addi %get3A_140, %add3A_262 : vector<16xi32>
        %gather3A_264 = tpu.vector_load_idx %arg22[%add3A_139, %add3A_263] : memref<64x128xf32, #tpu.memory_space<vmem>>[vector<16xi32>, vector<16xi32>], vector<16xf32>,
        %broadcast_in_dim3A_265 = arith.constant 19 : i32
        %broadcast_in_dim3A_266 = vector.broadcast %broadcast_in_dim3A_265 : i32 to vector<16xi32>
        tpu.vector_store_idx %arg26[%add3A_139, %broadcast_in_dim3A_266], %gather3A_264 : memref<64x128xf32, #tpu.memory_space<vmem>>[vector<16xi32>, vector<16xi32>], vector<16xf32>,
        %add3A_267 = arith.constant 4 : i32
        %add3A_268 = vector.broadcast %add3A_267 : i32 to vector<16xi32>
        %add3A_269 = arith.addi %get3A_140, %add3A_268 : vector<16xi32>
        %gather3A_270 = tpu.vector_load_idx %arg22[%add3A_139, %add3A_269] : memref<64x128xf32, #tpu.memory_space<vmem>>[vector<16xi32>, vector<16xi32>], vector<16xf32>,
        %broadcast_in_dim3A_271 = arith.constant 20 : i32
        %broadcast_in_dim3A_272 = vector.broadcast %broadcast_in_dim3A_271 : i32 to vector<16xi32>
        tpu.vector_store_idx %arg26[%add3A_139, %broadcast_in_dim3A_272], %gather3A_270 : memref<64x128xf32, #tpu.memory_space<vmem>>[vector<16xi32>, vector<16xi32>], vector<16xf32>,
        %add3A_273 = arith.constant 5 : i32
        %add3A_274 = vector.broadcast %add3A_273 : i32 to vector<16xi32>
        %add3A_275 = arith.addi %get3A_140, %add3A_274 : vector<16xi32>
        %gather3A_276 = tpu.vector_load_idx %arg22[%add3A_139, %add3A_275] : memref<64x128xf32, #tpu.memory_space<vmem>>[vector<16xi32>, vector<16xi32>], vector<16xf32>,
        %broadcast_in_dim3A_277 = arith.constant 21 : i32
        %broadcast_in_dim3A_278 = vector.broadcast %broadcast_in_dim3A_277 : i32 to vector<16xi32>
        tpu.vector_store_idx %arg26[%add3A_139, %broadcast_in_dim3A_278], %gather3A_276 : memref<64x128xf32, #tpu.memory_space<vmem>>[vector<16xi32>, vector<16xi32>], vector<16xf32>,
        %add3A_279 = arith.constant 6 : i32
        %add3A_280 = vector.broadcast %add3A_279 : i32 to vector<16xi32>
        %add3A_281 = arith.addi %get3A_140, %add3A_280 : vector<16xi32>
        %gather3A_282 = tpu.vector_load_idx %arg22[%add3A_139, %add3A_281] : memref<64x128xf32, #tpu.memory_space<vmem>>[vector<16xi32>, vector<16xi32>], vector<16xf32>,
        %broadcast_in_dim3A_283 = arith.constant 22 : i32
        %broadcast_in_dim3A_284 = vector.broadcast %broadcast_in_dim3A_283 : i32 to vector<16xi32>
        tpu.vector_store_idx %arg26[%add3A_139, %broadcast_in_dim3A_284], %gather3A_282 : memref<64x128xf32, #tpu.memory_space<vmem>>[vector<16xi32>, vector<16xi32>], vector<16xf32>,
        %add3A_285 = arith.constant 7 : i32
        %add3A_286 = vector.broadcast %add3A_285 : i32 to vector<16xi32>
        %add3A_287 = arith.addi %get3A_140, %add3A_286 : vector<16xi32>
        %gather3A_288 = tpu.vector_load_idx %arg22[%add3A_139, %add3A_287] : memref<64x128xf32, #tpu.memory_space<vmem>>[vector<16xi32>, vector<16xi32>], vector<16xf32>,
        %broadcast_in_dim3A_289 = arith.constant 23 : i32
        %broadcast_in_dim3A_290 = vector.broadcast %broadcast_in_dim3A_289 : i32 to vector<16xi32>
        tpu.vector_store_idx %arg26[%add3A_139, %broadcast_in_dim3A_290], %gather3A_288 : memref<64x128xf32, #tpu.memory_space<vmem>>[vector<16xi32>, vector<16xi32>], vector<16xf32>,
        %add3A_291 = arith.constant 8 : i32
        %add3A_292 = vector.broadcast %add3A_291 : i32 to vector<16xi32>
        %add3A_293 = arith.addi %get3A_140, %add3A_292 : vector<16xi32>
        %gather3A_294 = tpu.vector_load_idx %arg22[%add3A_139, %add3A_293] : memref<64x128xf32, #tpu.memory_space<vmem>>[vector<16xi32>, vector<16xi32>], vector<16xf32>,
        %broadcast_in_dim3A_295 = arith.constant 24 : i32
        %broadcast_in_dim3A_296 = vector.broadcast %broadcast_in_dim3A_295 : i32 to vector<16xi32>
        tpu.vector_store_idx %arg26[%add3A_139, %broadcast_in_dim3A_296], %gather3A_294 : memref<64x128xf32, #tpu.memory_space<vmem>>[vector<16xi32>, vector<16xi32>], vector<16xf32>,
        %add3A_297 = arith.constant 9 : i32
        %add3A_298 = vector.broadcast %add3A_297 : i32 to vector<16xi32>
        %add3A_299 = arith.addi %get3A_140, %add3A_298 : vector<16xi32>
        %gather3A_300 = tpu.vector_load_idx %arg22[%add3A_139, %add3A_299] : memref<64x128xf32, #tpu.memory_space<vmem>>[vector<16xi32>, vector<16xi32>], vector<16xf32>,
        %broadcast_in_dim3A_301 = arith.constant 25 : i32
        %broadcast_in_dim3A_302 = vector.broadcast %broadcast_in_dim3A_301 : i32 to vector<16xi32>
        tpu.vector_store_idx %arg26[%add3A_139, %broadcast_in_dim3A_302], %gather3A_300 : memref<64x128xf32, #tpu.memory_space<vmem>>[vector<16xi32>, vector<16xi32>], vector<16xf32>,
        %add3A_303 = arith.constant 10 : i32
        %add3A_304 = vector.broadcast %add3A_303 : i32 to vector<16xi32>
        %add3A_305 = arith.addi %get3A_140, %add3A_304 : vector<16xi32>
        %gather3A_306 = tpu.vector_load_idx %arg22[%add3A_139, %add3A_305] : memref<64x128xf32, #tpu.memory_space<vmem>>[vector<16xi32>, vector<16xi32>], vector<16xf32>,
        %broadcast_in_dim3A_307 = arith.constant 26 : i32
        %broadcast_in_dim3A_308 = vector.broadcast %broadcast_in_dim3A_307 : i32 to vector<16xi32>
        tpu.vector_store_idx %arg26[%add3A_139, %broadcast_in_dim3A_308], %gather3A_306 : memref<64x128xf32, #tpu.memory_space<vmem>>[vector<16xi32>, vector<16xi32>], vector<16xf32>,
        %add3A_309 = arith.constant 11 : i32
        %add3A_310 = vector.broadcast %add3A_309 : i32 to vector<16xi32>
        %add3A_311 = arith.addi %get3A_140, %add3A_310 : vector<16xi32>
        %gather3A_312 = tpu.vector_load_idx %arg22[%add3A_139, %add3A_311] : memref<64x128xf32, #tpu.memory_space<vmem>>[vector<16xi32>, vector<16xi32>], vector<16xf32>,
        %broadcast_in_dim3A_313 = arith.constant 27 : i32
        %broadcast_in_dim3A_314 = vector.broadcast %broadcast_in_dim3A_313 : i32 to vector<16xi32>
        tpu.vector_store_idx %arg26[%add3A_139, %broadcast_in_dim3A_314], %gather3A_312 : memref<64x128xf32, #tpu.memory_space<vmem>>[vector<16xi32>, vector<16xi32>], vector<16xf32>,
        %add3A_315 = arith.constant 12 : i32
        %add3A_316 = vector.broadcast %add3A_315 : i32 to vector<16xi32>
        %add3A_317 = arith.addi %get3A_140, %add3A_316 : vector<16xi32>
        %gather3A_318 = tpu.vector_load_idx %arg22[%add3A_139, %add3A_317] : memref<64x128xf32, #tpu.memory_space<vmem>>[vector<16xi32>, vector<16xi32>], vector<16xf32>,
        %broadcast_in_dim3A_319 = arith.constant 28 : i32
        %broadcast_in_dim3A_320 = vector.broadcast %broadcast_in_dim3A_319 : i32 to vector<16xi32>
        tpu.vector_store_idx %arg26[%add3A_139, %broadcast_in_dim3A_320], %gather3A_318 : memref<64x128xf32, #tpu.memory_space<vmem>>[vector<16xi32>, vector<16xi32>], vector<16xf32>,
        %add3A_321 = arith.constant 13 : i32
        %add3A_322 = vector.broadcast %add3A_321 : i32 to vector<16xi32>
        %add3A_323 = arith.addi %get3A_140, %add3A_322 : vector<16xi32>
        %gather3A_324 = tpu.vector_load_idx %arg22[%add3A_139, %add3A_323] : memref<64x128xf32, #tpu.memory_space<vmem>>[vector<16xi32>, vector<16xi32>], vector<16xf32>,
        %broadcast_in_dim3A_325 = arith.constant 29 : i32
        %broadcast_in_dim3A_326 = vector.broadcast %broadcast_in_dim3A_325 : i32 to vector<16xi32>
        tpu.vector_store_idx %arg26[%add3A_139, %broadcast_in_dim3A_326], %gather3A_324 : memref<64x128xf32, #tpu.memory_space<vmem>>[vector<16xi32>, vector<16xi32>], vector<16xf32>,
        %add3A_327 = arith.constant 14 : i32
        %add3A_328 = vector.broadcast %add3A_327 : i32 to vector<16xi32>
        %add3A_329 = arith.addi %get3A_140, %add3A_328 : vector<16xi32>
        %gather3A_330 = tpu.vector_load_idx %arg22[%add3A_139, %add3A_329] : memref<64x128xf32, #tpu.memory_space<vmem>>[vector<16xi32>, vector<16xi32>], vector<16xf32>,
        %broadcast_in_dim3A_331 = arith.constant 30 : i32
        %broadcast_in_dim3A_332 = vector.broadcast %broadcast_in_dim3A_331 : i32 to vector<16xi32>
        tpu.vector_store_idx %arg26[%add3A_139, %broadcast_in_dim3A_332], %gather3A_330 : memref<64x128xf32, #tpu.memory_space<vmem>>[vector<16xi32>, vector<16xi32>], vector<16xf32>,
        %add3A_333 = arith.constant 15 : i32
        %add3A_334 = vector.broadcast %add3A_333 : i32 to vector<16xi32>
        %add3A_335 = arith.addi %get3A_140, %add3A_334 : vector<16xi32>
        %gather3A_336 = tpu.vector_load_idx %arg22[%add3A_139, %add3A_335] : memref<64x128xf32, #tpu.memory_space<vmem>>[vector<16xi32>, vector<16xi32>], vector<16xf32>,
        %broadcast_in_dim3A_337 = arith.constant 31 : i32
        %broadcast_in_dim3A_338 = vector.broadcast %broadcast_in_dim3A_337 : i32 to vector<16xi32>
        tpu.vector_store_idx %arg26[%add3A_139, %broadcast_in_dim3A_338], %gather3A_336 : memref<64x128xf32, #tpu.memory_space<vmem>>[vector<16xi32>, vector<16xi32>], vector<16xf32>,
        %add3A_339 = arith.constant 16 : i32
        %add3A_340 = vector.broadcast %add3A_339 : i32 to vector<16xi32>
        %add3A_341 = arith.addi %get3A_140, %add3A_340 : vector<16xi32>
        %gather3A_342 = tpu.vector_load_idx %arg22[%add3A_139, %add3A_341] : memref<64x128xf32, #tpu.memory_space<vmem>>[vector<16xi32>, vector<16xi32>], vector<16xf32>,
        %broadcast_in_dim3A_343 = arith.constant 32 : i32
        %broadcast_in_dim3A_344 = vector.broadcast %broadcast_in_dim3A_343 : i32 to vector<16xi32>
        tpu.vector_store_idx %arg26[%add3A_139, %broadcast_in_dim3A_344], %gather3A_342 : memref<64x128xf32, #tpu.memory_space<vmem>>[vector<16xi32>, vector<16xi32>], vector<16xf32>,
        %add3A_345 = arith.constant 17 : i32
        %add3A_346 = vector.broadcast %add3A_345 : i32 to vector<16xi32>
        %add3A_347 = arith.addi %get3A_140, %add3A_346 : vector<16xi32>
        %gather3A_348 = tpu.vector_load_idx %arg22[%add3A_139, %add3A_347] : memref<64x128xf32, #tpu.memory_space<vmem>>[vector<16xi32>, vector<16xi32>], vector<16xf32>,
        %broadcast_in_dim3A_349 = arith.constant 33 : i32
        %broadcast_in_dim3A_350 = vector.broadcast %broadcast_in_dim3A_349 : i32 to vector<16xi32>
        tpu.vector_store_idx %arg26[%add3A_139, %broadcast_in_dim3A_350], %gather3A_348 : memref<64x128xf32, #tpu.memory_space<vmem>>[vector<16xi32>, vector<16xi32>], vector<16xf32>,
        %add3A_351 = arith.constant 18 : i32
        %add3A_352 = vector.broadcast %add3A_351 : i32 to vector<16xi32>
        %add3A_353 = arith.addi %get3A_140, %add3A_352 : vector<16xi32>
        %gather3A_354 = tpu.vector_load_idx %arg22[%add3A_139, %add3A_353] : memref<64x128xf32, #tpu.memory_space<vmem>>[vector<16xi32>, vector<16xi32>], vector<16xf32>,
        %broadcast_in_dim3A_355 = arith.constant 34 : i32
        %broadcast_in_dim3A_356 = vector.broadcast %broadcast_in_dim3A_355 : i32 to vector<16xi32>
        tpu.vector_store_idx %arg26[%add3A_139, %broadcast_in_dim3A_356], %gather3A_354 : memref<64x128xf32, #tpu.memory_space<vmem>>[vector<16xi32>, vector<16xi32>], vector<16xf32>,
        %add3A_357 = arith.constant 19 : i32
        %add3A_358 = vector.broadcast %add3A_357 : i32 to vector<16xi32>
        %add3A_359 = arith.addi %get3A_140, %add3A_358 : vector<16xi32>
        %gather3A_360 = tpu.vector_load_idx %arg22[%add3A_139, %add3A_359] : memref<64x128xf32, #tpu.memory_space<vmem>>[vector<16xi32>, vector<16xi32>], vector<16xf32>,
        %broadcast_in_dim3A_361 = arith.constant 35 : i32
        %broadcast_in_dim3A_362 = vector.broadcast %broadcast_in_dim3A_361 : i32 to vector<16xi32>
        tpu.vector_store_idx %arg26[%add3A_139, %broadcast_in_dim3A_362], %gather3A_360 : memref<64x128xf32, #tpu.memory_space<vmem>>[vector<16xi32>, vector<16xi32>], vector<16xf32>,
        %add3A_363 = arith.constant 20 : i32
        %add3A_364 = vector.broadcast %add3A_363 : i32 to vector<16xi32>
        %add3A_365 = arith.addi %get3A_140, %add3A_364 : vector<16xi32>
        %gather3A_366 = tpu.vector_load_idx %arg22[%add3A_139, %add3A_365] : memref<64x128xf32, #tpu.memory_space<vmem>>[vector<16xi32>, vector<16xi32>], vector<16xf32>,
        %broadcast_in_dim3A_367 = arith.constant 36 : i32
        %broadcast_in_dim3A_368 = vector.broadcast %broadcast_in_dim3A_367 : i32 to vector<16xi32>
        tpu.vector_store_idx %arg26[%add3A_139, %broadcast_in_dim3A_368], %gather3A_366 : memref<64x128xf32, #tpu.memory_space<vmem>>[vector<16xi32>, vector<16xi32>], vector<16xf32>,
        %add3A_369 = arith.constant 21 : i32
        %add3A_370 = vector.broadcast %add3A_369 : i32 to vector<16xi32>
        %add3A_371 = arith.addi %get3A_140, %add3A_370 : vector<16xi32>
        %gather3A_372 = tpu.vector_load_idx %arg22[%add3A_139, %add3A_371] : memref<64x128xf32, #tpu.memory_space<vmem>>[vector<16xi32>, vector<16xi32>], vector<16xf32>,
        %broadcast_in_dim3A_373 = arith.constant 37 : i32
        %broadcast_in_dim3A_374 = vector.broadcast %broadcast_in_dim3A_373 : i32 to vector<16xi32>
        tpu.vector_store_idx %arg26[%add3A_139, %broadcast_in_dim3A_374], %gather3A_372 : memref<64x128xf32, #tpu.memory_space<vmem>>[vector<16xi32>, vector<16xi32>], vector<16xf32>,
        %add3A_375 = arith.constant 22 : i32
        %add3A_376 = vector.broadcast %add3A_375 : i32 to vector<16xi32>
        %add3A_377 = arith.addi %get3A_140, %add3A_376 : vector<16xi32>
        %gather3A_378 = tpu.vector_load_idx %arg22[%add3A_139, %add3A_377] : memref<64x128xf32, #tpu.memory_space<vmem>>[vector<16xi32>, vector<16xi32>], vector<16xf32>,
        %broadcast_in_dim3A_379 = arith.constant 38 : i32
        %broadcast_in_dim3A_380 = vector.broadcast %broadcast_in_dim3A_379 : i32 to vector<16xi32>
        tpu.vector_store_idx %arg26[%add3A_139, %broadcast_in_dim3A_380], %gather3A_378 : memref<64x128xf32, #tpu.memory_space<vmem>>[vector<16xi32>, vector<16xi32>], vector<16xf32>,
        %add3A_381 = arith.constant 23 : i32
        %add3A_382 = vector.broadcast %add3A_381 : i32 to vector<16xi32>
        %add3A_383 = arith.addi %get3A_140, %add3A_382 : vector<16xi32>
        %gather3A_384 = tpu.vector_load_idx %arg22[%add3A_139, %add3A_383] : memref<64x128xf32, #tpu.memory_space<vmem>>[vector<16xi32>, vector<16xi32>], vector<16xf32>,
        %broadcast_in_dim3A_385 = arith.constant 39 : i32
        %broadcast_in_dim3A_386 = vector.broadcast %broadcast_in_dim3A_385 : i32 to vector<16xi32>
        tpu.vector_store_idx %arg26[%add3A_139, %broadcast_in_dim3A_386], %gather3A_384 : memref<64x128xf32, #tpu.memory_space<vmem>>[vector<16xi32>, vector<16xi32>], vector<16xf32>,
        %add3A_387 = arith.constant 24 : i32
        %add3A_388 = vector.broadcast %add3A_387 : i32 to vector<16xi32>
        %add3A_389 = arith.addi %get3A_140, %add3A_388 : vector<16xi32>
        %gather3A_390 = tpu.vector_load_idx %arg22[%add3A_139, %add3A_389] : memref<64x128xf32, #tpu.memory_space<vmem>>[vector<16xi32>, vector<16xi32>], vector<16xf32>,
        %broadcast_in_dim3A_391 = arith.constant 40 : i32
        %broadcast_in_dim3A_392 = vector.broadcast %broadcast_in_dim3A_391 : i32 to vector<16xi32>
        tpu.vector_store_idx %arg26[%add3A_139, %broadcast_in_dim3A_392], %gather3A_390 : memref<64x128xf32, #tpu.memory_space<vmem>>[vector<16xi32>, vector<16xi32>], vector<16xf32>,
        %add3A_393 = arith.constant 25 : i32
        %add3A_394 = vector.broadcast %add3A_393 : i32 to vector<16xi32>
        %add3A_395 = arith.addi %get3A_140, %add3A_394 : vector<16xi32>
        %gather3A_396 = tpu.vector_load_idx %arg22[%add3A_139, %add3A_395] : memref<64x128xf32, #tpu.memory_space<vmem>>[vector<16xi32>, vector<16xi32>], vector<16xf32>,
        %broadcast_in_dim3A_397 = arith.constant 41 : i32
        %broadcast_in_dim3A_398 = vector.broadcast %broadcast_in_dim3A_397 : i32 to vector<16xi32>
        tpu.vector_store_idx %arg26[%add3A_139, %broadcast_in_dim3A_398], %gather3A_396 : memref<64x128xf32, #tpu.memory_space<vmem>>[vector<16xi32>, vector<16xi32>], vector<16xf32>,
        %add3A_399 = arith.constant 26 : i32
        %add3A_400 = vector.broadcast %add3A_399 : i32 to vector<16xi32>
        %add3A_401 = arith.addi %get3A_140, %add3A_400 : vector<16xi32>
        %gather3A_402 = tpu.vector_load_idx %arg22[%add3A_139, %add3A_401] : memref<64x128xf32, #tpu.memory_space<vmem>>[vector<16xi32>, vector<16xi32>], vector<16xf32>,
        %broadcast_in_dim3A_403 = arith.constant 42 : i32
        %broadcast_in_dim3A_404 = vector.broadcast %broadcast_in_dim3A_403 : i32 to vector<16xi32>
        tpu.vector_store_idx %arg26[%add3A_139, %broadcast_in_dim3A_404], %gather3A_402 : memref<64x128xf32, #tpu.memory_space<vmem>>[vector<16xi32>, vector<16xi32>], vector<16xf32>,
        %add3A_405 = arith.constant 27 : i32
        %add3A_406 = vector.broadcast %add3A_405 : i32 to vector<16xi32>
        %add3A_407 = arith.addi %get3A_140, %add3A_406 : vector<16xi32>
        %gather3A_408 = tpu.vector_load_idx %arg22[%add3A_139, %add3A_407] : memref<64x128xf32, #tpu.memory_space<vmem>>[vector<16xi32>, vector<16xi32>], vector<16xf32>,
        %broadcast_in_dim3A_409 = arith.constant 43 : i32
        %broadcast_in_dim3A_410 = vector.broadcast %broadcast_in_dim3A_409 : i32 to vector<16xi32>
        tpu.vector_store_idx %arg26[%add3A_139, %broadcast_in_dim3A_410], %gather3A_408 : memref<64x128xf32, #tpu.memory_space<vmem>>[vector<16xi32>, vector<16xi32>], vector<16xf32>,
        %add3A_411 = arith.constant 28 : i32
        %add3A_412 = vector.broadcast %add3A_411 : i32 to vector<16xi32>
        %add3A_413 = arith.addi %get3A_140, %add3A_412 : vector<16xi32>
        %gather3A_414 = tpu.vector_load_idx %arg22[%add3A_139, %add3A_413] : memref<64x128xf32, #tpu.memory_space<vmem>>[vector<16xi32>, vector<16xi32>], vector<16xf32>,
        %broadcast_in_dim3A_415 = arith.constant 44 : i32
        %broadcast_in_dim3A_416 = vector.broadcast %broadcast_in_dim3A_415 : i32 to vector<16xi32>
        tpu.vector_store_idx %arg26[%add3A_139, %broadcast_in_dim3A_416], %gather3A_414 : memref<64x128xf32, #tpu.memory_space<vmem>>[vector<16xi32>, vector<16xi32>], vector<16xf32>,
        %add3A_417 = arith.constant 29 : i32
        %add3A_418 = vector.broadcast %add3A_417 : i32 to vector<16xi32>
        %add3A_419 = arith.addi %get3A_140, %add3A_418 : vector<16xi32>
        %gather3A_420 = tpu.vector_load_idx %arg22[%add3A_139, %add3A_419] : memref<64x128xf32, #tpu.memory_space<vmem>>[vector<16xi32>, vector<16xi32>], vector<16xf32>,
        %broadcast_in_dim3A_421 = arith.constant 45 : i32
        %broadcast_in_dim3A_422 = vector.broadcast %broadcast_in_dim3A_421 : i32 to vector<16xi32>
        tpu.vector_store_idx %arg26[%add3A_139, %broadcast_in_dim3A_422], %gather3A_420 : memref<64x128xf32, #tpu.memory_space<vmem>>[vector<16xi32>, vector<16xi32>], vector<16xf32>,
        %add3A_423 = arith.constant 30 : i32
        %add3A_424 = vector.broadcast %add3A_423 : i32 to vector<16xi32>
        %add3A_425 = arith.addi %get3A_140, %add3A_424 : vector<16xi32>
        %gather3A_426 = tpu.vector_load_idx %arg22[%add3A_139, %add3A_425] : memref<64x128xf32, #tpu.memory_space<vmem>>[vector<16xi32>, vector<16xi32>], vector<16xf32>,
        %broadcast_in_dim3A_427 = arith.constant 46 : i32
        %broadcast_in_dim3A_428 = vector.broadcast %broadcast_in_dim3A_427 : i32 to vector<16xi32>
        tpu.vector_store_idx %arg26[%add3A_139, %broadcast_in_dim3A_428], %gather3A_426 : memref<64x128xf32, #tpu.memory_space<vmem>>[vector<16xi32>, vector<16xi32>], vector<16xf32>,
        %add3A_429 = arith.constant 31 : i32
        %add3A_430 = vector.broadcast %add3A_429 : i32 to vector<16xi32>
        %add3A_431 = arith.addi %get3A_140, %add3A_430 : vector<16xi32>
        %gather3A_432 = tpu.vector_load_idx %arg22[%add3A_139, %add3A_431] : memref<64x128xf32, #tpu.memory_space<vmem>>[vector<16xi32>, vector<16xi32>], vector<16xf32>,
        %broadcast_in_dim3A_433 = arith.constant 47 : i32
        %broadcast_in_dim3A_434 = vector.broadcast %broadcast_in_dim3A_433 : i32 to vector<16xi32>
        tpu.vector_store_idx %arg26[%add3A_139, %broadcast_in_dim3A_434], %gather3A_432 : memref<64x128xf32, #tpu.memory_space<vmem>>[vector<16xi32>, vector<16xi32>], vector<16xf32>,
        %add3A_435 = arith.constant 0 : i32
        %add3A_436 = vector.broadcast %add3A_435 : i32 to vector<16xi32>
        %add3A_437 = arith.addi %get3A_144, %add3A_436 : vector<16xi32>
        %gather3A_438 = tpu.vector_load_idx %arg24[%add3A_139, %add3A_437] : memref<64x128xf32, #tpu.memory_space<vmem>>[vector<16xi32>, vector<16xi32>], vector<16xf32>,
        %broadcast_in_dim3A_439 = arith.constant 48 : i32
        %broadcast_in_dim3A_440 = vector.broadcast %broadcast_in_dim3A_439 : i32 to vector<16xi32>
        tpu.vector_store_idx %arg26[%add3A_139, %broadcast_in_dim3A_440], %gather3A_438 : memref<64x128xf32, #tpu.memory_space<vmem>>[vector<16xi32>, vector<16xi32>], vector<16xf32>,
        %add3A_441 = arith.constant 1 : i32
        %add3A_442 = vector.broadcast %add3A_441 : i32 to vector<16xi32>
        %add3A_443 = arith.addi %get3A_144, %add3A_442 : vector<16xi32>
        %gather3A_444 = tpu.vector_load_idx %arg24[%add3A_139, %add3A_443] : memref<64x128xf32, #tpu.memory_space<vmem>>[vector<16xi32>, vector<16xi32>], vector<16xf32>,
        %broadcast_in_dim3A_445 = arith.constant 49 : i32
        %broadcast_in_dim3A_446 = vector.broadcast %broadcast_in_dim3A_445 : i32 to vector<16xi32>
        tpu.vector_store_idx %arg26[%add3A_139, %broadcast_in_dim3A_446], %gather3A_444 : memref<64x128xf32, #tpu.memory_space<vmem>>[vector<16xi32>, vector<16xi32>], vector<16xf32>,
        %add3A_447 = arith.constant 2 : i32
        %add3A_448 = vector.broadcast %add3A_447 : i32 to vector<16xi32>
        %add3A_449 = arith.addi %get3A_144, %add3A_448 : vector<16xi32>
        %gather3A_450 = tpu.vector_load_idx %arg24[%add3A_139, %add3A_449] : memref<64x128xf32, #tpu.memory_space<vmem>>[vector<16xi32>, vector<16xi32>], vector<16xf32>,
        %broadcast_in_dim3A_451 = arith.constant 50 : i32
        %broadcast_in_dim3A_452 = vector.broadcast %broadcast_in_dim3A_451 : i32 to vector<16xi32>
        tpu.vector_store_idx %arg26[%add3A_139, %broadcast_in_dim3A_452], %gather3A_450 : memref<64x128xf32, #tpu.memory_space<vmem>>[vector<16xi32>, vector<16xi32>], vector<16xf32>,
        %add3A_453 = arith.constant 3 : i32
        %add3A_454 = vector.broadcast %add3A_453 : i32 to vector<16xi32>
        %add3A_455 = arith.addi %get3A_144, %add3A_454 : vector<16xi32>
        %gather3A_456 = tpu.vector_load_idx %arg24[%add3A_139, %add3A_455] : memref<64x128xf32, #tpu.memory_space<vmem>>[vector<16xi32>, vector<16xi32>], vector<16xf32>,
        %broadcast_in_dim3A_457 = arith.constant 51 : i32
        %broadcast_in_dim3A_458 = vector.broadcast %broadcast_in_dim3A_457 : i32 to vector<16xi32>
        tpu.vector_store_idx %arg26[%add3A_139, %broadcast_in_dim3A_458], %gather3A_456 : memref<64x128xf32, #tpu.memory_space<vmem>>[vector<16xi32>, vector<16xi32>], vector<16xf32>,
        %add3A_459 = arith.constant 4 : i32
        %add3A_460 = vector.broadcast %add3A_459 : i32 to vector<16xi32>
        %add3A_461 = arith.addi %get3A_144, %add3A_460 : vector<16xi32>
        %gather3A_462 = tpu.vector_load_idx %arg24[%add3A_139, %add3A_461] : memref<64x128xf32, #tpu.memory_space<vmem>>[vector<16xi32>, vector<16xi32>], vector<16xf32>,
        %broadcast_in_dim3A_463 = arith.constant 52 : i32
        %broadcast_in_dim3A_464 = vector.broadcast %broadcast_in_dim3A_463 : i32 to vector<16xi32>
        tpu.vector_store_idx %arg26[%add3A_139, %broadcast_in_dim3A_464], %gather3A_462 : memref<64x128xf32, #tpu.memory_space<vmem>>[vector<16xi32>, vector<16xi32>], vector<16xf32>,
        %add3A_465 = arith.constant 5 : i32
        %add3A_466 = vector.broadcast %add3A_465 : i32 to vector<16xi32>
        %add3A_467 = arith.addi %get3A_144, %add3A_466 : vector<16xi32>
        %gather3A_468 = tpu.vector_load_idx %arg24[%add3A_139, %add3A_467] : memref<64x128xf32, #tpu.memory_space<vmem>>[vector<16xi32>, vector<16xi32>], vector<16xf32>,
        %broadcast_in_dim3A_469 = arith.constant 53 : i32
        %broadcast_in_dim3A_470 = vector.broadcast %broadcast_in_dim3A_469 : i32 to vector<16xi32>
        tpu.vector_store_idx %arg26[%add3A_139, %broadcast_in_dim3A_470], %gather3A_468 : memref<64x128xf32, #tpu.memory_space<vmem>>[vector<16xi32>, vector<16xi32>], vector<16xf32>,
        %add3A_471 = arith.constant 6 : i32
        %add3A_472 = vector.broadcast %add3A_471 : i32 to vector<16xi32>
        %add3A_473 = arith.addi %get3A_144, %add3A_472 : vector<16xi32>
        %gather3A_474 = tpu.vector_load_idx %arg24[%add3A_139, %add3A_473] : memref<64x128xf32, #tpu.memory_space<vmem>>[vector<16xi32>, vector<16xi32>], vector<16xf32>,
        %broadcast_in_dim3A_475 = arith.constant 54 : i32
        %broadcast_in_dim3A_476 = vector.broadcast %broadcast_in_dim3A_475 : i32 to vector<16xi32>
        tpu.vector_store_idx %arg26[%add3A_139, %broadcast_in_dim3A_476], %gather3A_474 : memref<64x128xf32, #tpu.memory_space<vmem>>[vector<16xi32>, vector<16xi32>], vector<16xf32>,
        %add3A_477 = arith.constant 7 : i32
        %add3A_478 = vector.broadcast %add3A_477 : i32 to vector<16xi32>
        %add3A_479 = arith.addi %get3A_144, %add3A_478 : vector<16xi32>
        %gather3A_480 = tpu.vector_load_idx %arg24[%add3A_139, %add3A_479] : memref<64x128xf32, #tpu.memory_space<vmem>>[vector<16xi32>, vector<16xi32>], vector<16xf32>,
        %broadcast_in_dim3A_481 = arith.constant 55 : i32
        %broadcast_in_dim3A_482 = vector.broadcast %broadcast_in_dim3A_481 : i32 to vector<16xi32>
        tpu.vector_store_idx %arg26[%add3A_139, %broadcast_in_dim3A_482], %gather3A_480 : memref<64x128xf32, #tpu.memory_space<vmem>>[vector<16xi32>, vector<16xi32>], vector<16xf32>,
        %add3A_483 = arith.constant 8 : i32
        %add3A_484 = vector.broadcast %add3A_483 : i32 to vector<16xi32>
        %add3A_485 = arith.addi %get3A_144, %add3A_484 : vector<16xi32>
        %gather3A_486 = tpu.vector_load_idx %arg24[%add3A_139, %add3A_485] : memref<64x128xf32, #tpu.memory_space<vmem>>[vector<16xi32>, vector<16xi32>], vector<16xf32>,
        %broadcast_in_dim3A_487 = arith.constant 56 : i32
        %broadcast_in_dim3A_488 = vector.broadcast %broadcast_in_dim3A_487 : i32 to vector<16xi32>
        tpu.vector_store_idx %arg26[%add3A_139, %broadcast_in_dim3A_488], %gather3A_486 : memref<64x128xf32, #tpu.memory_space<vmem>>[vector<16xi32>, vector<16xi32>], vector<16xf32>,
        %add3A_489 = arith.constant 9 : i32
        %add3A_490 = vector.broadcast %add3A_489 : i32 to vector<16xi32>
        %add3A_491 = arith.addi %get3A_144, %add3A_490 : vector<16xi32>
        %gather3A_492 = tpu.vector_load_idx %arg24[%add3A_139, %add3A_491] : memref<64x128xf32, #tpu.memory_space<vmem>>[vector<16xi32>, vector<16xi32>], vector<16xf32>,
        %broadcast_in_dim3A_493 = arith.constant 57 : i32
        %broadcast_in_dim3A_494 = vector.broadcast %broadcast_in_dim3A_493 : i32 to vector<16xi32>
        tpu.vector_store_idx %arg26[%add3A_139, %broadcast_in_dim3A_494], %gather3A_492 : memref<64x128xf32, #tpu.memory_space<vmem>>[vector<16xi32>, vector<16xi32>], vector<16xf32>,
        %add3A_495 = arith.constant 10 : i32
        %add3A_496 = vector.broadcast %add3A_495 : i32 to vector<16xi32>
        %add3A_497 = arith.addi %get3A_144, %add3A_496 : vector<16xi32>
        %gather3A_498 = tpu.vector_load_idx %arg24[%add3A_139, %add3A_497] : memref<64x128xf32, #tpu.memory_space<vmem>>[vector<16xi32>, vector<16xi32>], vector<16xf32>,
        %broadcast_in_dim3A_499 = arith.constant 58 : i32
        %broadcast_in_dim3A_500 = vector.broadcast %broadcast_in_dim3A_499 : i32 to vector<16xi32>
        tpu.vector_store_idx %arg26[%add3A_139, %broadcast_in_dim3A_500], %gather3A_498 : memref<64x128xf32, #tpu.memory_space<vmem>>[vector<16xi32>, vector<16xi32>], vector<16xf32>,
        %add3A_501 = arith.constant 11 : i32
        %add3A_502 = vector.broadcast %add3A_501 : i32 to vector<16xi32>
        %add3A_503 = arith.addi %get3A_144, %add3A_502 : vector<16xi32>
        %gather3A_504 = tpu.vector_load_idx %arg24[%add3A_139, %add3A_503] : memref<64x128xf32, #tpu.memory_space<vmem>>[vector<16xi32>, vector<16xi32>], vector<16xf32>,
        %broadcast_in_dim3A_505 = arith.constant 59 : i32
        %broadcast_in_dim3A_506 = vector.broadcast %broadcast_in_dim3A_505 : i32 to vector<16xi32>
        tpu.vector_store_idx %arg26[%add3A_139, %broadcast_in_dim3A_506], %gather3A_504 : memref<64x128xf32, #tpu.memory_space<vmem>>[vector<16xi32>, vector<16xi32>], vector<16xf32>,
        %add3A_507 = arith.constant 12 : i32
        %add3A_508 = vector.broadcast %add3A_507 : i32 to vector<16xi32>
        %add3A_509 = arith.addi %get3A_144, %add3A_508 : vector<16xi32>
        %gather3A_510 = tpu.vector_load_idx %arg24[%add3A_139, %add3A_509] : memref<64x128xf32, #tpu.memory_space<vmem>>[vector<16xi32>, vector<16xi32>], vector<16xf32>,
        %broadcast_in_dim3A_511 = arith.constant 60 : i32
        %broadcast_in_dim3A_512 = vector.broadcast %broadcast_in_dim3A_511 : i32 to vector<16xi32>
        tpu.vector_store_idx %arg26[%add3A_139, %broadcast_in_dim3A_512], %gather3A_510 : memref<64x128xf32, #tpu.memory_space<vmem>>[vector<16xi32>, vector<16xi32>], vector<16xf32>,
        %add3A_513 = arith.constant 13 : i32
        %add3A_514 = vector.broadcast %add3A_513 : i32 to vector<16xi32>
        %add3A_515 = arith.addi %get3A_144, %add3A_514 : vector<16xi32>
        %gather3A_516 = tpu.vector_load_idx %arg24[%add3A_139, %add3A_515] : memref<64x128xf32, #tpu.memory_space<vmem>>[vector<16xi32>, vector<16xi32>], vector<16xf32>,
        %broadcast_in_dim3A_517 = arith.constant 61 : i32
        %broadcast_in_dim3A_518 = vector.broadcast %broadcast_in_dim3A_517 : i32 to vector<16xi32>
        tpu.vector_store_idx %arg26[%add3A_139, %broadcast_in_dim3A_518], %gather3A_516 : memref<64x128xf32, #tpu.memory_space<vmem>>[vector<16xi32>, vector<16xi32>], vector<16xf32>,
        %add3A_519 = arith.constant 14 : i32
        %add3A_520 = vector.broadcast %add3A_519 : i32 to vector<16xi32>
        %add3A_521 = arith.addi %get3A_144, %add3A_520 : vector<16xi32>
        %gather3A_522 = tpu.vector_load_idx %arg24[%add3A_139, %add3A_521] : memref<64x128xf32, #tpu.memory_space<vmem>>[vector<16xi32>, vector<16xi32>], vector<16xf32>,
        %broadcast_in_dim3A_523 = arith.constant 62 : i32
        %broadcast_in_dim3A_524 = vector.broadcast %broadcast_in_dim3A_523 : i32 to vector<16xi32>
        tpu.vector_store_idx %arg26[%add3A_139, %broadcast_in_dim3A_524], %gather3A_522 : memref<64x128xf32, #tpu.memory_space<vmem>>[vector<16xi32>, vector<16xi32>], vector<16xf32>,
        %add3A_525 = arith.constant 15 : i32
        %add3A_526 = vector.broadcast %add3A_525 : i32 to vector<16xi32>
        %add3A_527 = arith.addi %get3A_144, %add3A_526 : vector<16xi32>
        %gather3A_528 = tpu.vector_load_idx %arg24[%add3A_139, %add3A_527] : memref<64x128xf32, #tpu.memory_space<vmem>>[vector<16xi32>, vector<16xi32>], vector<16xf32>,
        %broadcast_in_dim3A_529 = arith.constant 63 : i32
        %broadcast_in_dim3A_530 = vector.broadcast %broadcast_in_dim3A_529 : i32 to vector<16xi32>
        tpu.vector_store_idx %arg26[%add3A_139, %broadcast_in_dim3A_530], %gather3A_528 : memref<64x128xf32, #tpu.memory_space<vmem>>[vector<16xi32>, vector<16xi32>], vector<16xf32>,
        %add3A_531 = arith.constant 16 : i32
        %add3A_532 = vector.broadcast %add3A_531 : i32 to vector<16xi32>
        %add3A_533 = arith.addi %get3A_144, %add3A_532 : vector<16xi32>
        %gather3A_534 = tpu.vector_load_idx %arg24[%add3A_139, %add3A_533] : memref<64x128xf32, #tpu.memory_space<vmem>>[vector<16xi32>, vector<16xi32>], vector<16xf32>,
        %broadcast_in_dim3A_535 = arith.constant 64 : i32
        %broadcast_in_dim3A_536 = vector.broadcast %broadcast_in_dim3A_535 : i32 to vector<16xi32>
        tpu.vector_store_idx %arg26[%add3A_139, %broadcast_in_dim3A_536], %gather3A_534 : memref<64x128xf32, #tpu.memory_space<vmem>>[vector<16xi32>, vector<16xi32>], vector<16xf32>,
        %add3A_537 = arith.constant 17 : i32
        %add3A_538 = vector.broadcast %add3A_537 : i32 to vector<16xi32>
        %add3A_539 = arith.addi %get3A_144, %add3A_538 : vector<16xi32>
        %gather3A_540 = tpu.vector_load_idx %arg24[%add3A_139, %add3A_539] : memref<64x128xf32, #tpu.memory_space<vmem>>[vector<16xi32>, vector<16xi32>], vector<16xf32>,
        %broadcast_in_dim3A_541 = arith.constant 65 : i32
        %broadcast_in_dim3A_542 = vector.broadcast %broadcast_in_dim3A_541 : i32 to vector<16xi32>
        tpu.vector_store_idx %arg26[%add3A_139, %broadcast_in_dim3A_542], %gather3A_540 : memref<64x128xf32, #tpu.memory_space<vmem>>[vector<16xi32>, vector<16xi32>], vector<16xf32>,
        %add3A_543 = arith.constant 18 : i32
        %add3A_544 = vector.broadcast %add3A_543 : i32 to vector<16xi32>
        %add3A_545 = arith.addi %get3A_144, %add3A_544 : vector<16xi32>
        %gather3A_546 = tpu.vector_load_idx %arg24[%add3A_139, %add3A_545] : memref<64x128xf32, #tpu.memory_space<vmem>>[vector<16xi32>, vector<16xi32>], vector<16xf32>,
        %broadcast_in_dim3A_547 = arith.constant 66 : i32
        %broadcast_in_dim3A_548 = vector.broadcast %broadcast_in_dim3A_547 : i32 to vector<16xi32>
        tpu.vector_store_idx %arg26[%add3A_139, %broadcast_in_dim3A_548], %gather3A_546 : memref<64x128xf32, #tpu.memory_space<vmem>>[vector<16xi32>, vector<16xi32>], vector<16xf32>,
        %add3A_549 = arith.constant 19 : i32
        %add3A_550 = vector.broadcast %add3A_549 : i32 to vector<16xi32>
        %add3A_551 = arith.addi %get3A_144, %add3A_550 : vector<16xi32>
        %gather3A_552 = tpu.vector_load_idx %arg24[%add3A_139, %add3A_551] : memref<64x128xf32, #tpu.memory_space<vmem>>[vector<16xi32>, vector<16xi32>], vector<16xf32>,
        %broadcast_in_dim3A_553 = arith.constant 67 : i32
        %broadcast_in_dim3A_554 = vector.broadcast %broadcast_in_dim3A_553 : i32 to vector<16xi32>
        tpu.vector_store_idx %arg26[%add3A_139, %broadcast_in_dim3A_554], %gather3A_552 : memref<64x128xf32, #tpu.memory_space<vmem>>[vector<16xi32>, vector<16xi32>], vector<16xf32>,
        %add3A_555 = arith.constant 20 : i32
        %add3A_556 = vector.broadcast %add3A_555 : i32 to vector<16xi32>
        %add3A_557 = arith.addi %get3A_144, %add3A_556 : vector<16xi32>
        %gather3A_558 = tpu.vector_load_idx %arg24[%add3A_139, %add3A_557] : memref<64x128xf32, #tpu.memory_space<vmem>>[vector<16xi32>, vector<16xi32>], vector<16xf32>,
        %broadcast_in_dim3A_559 = arith.constant 68 : i32
        %broadcast_in_dim3A_560 = vector.broadcast %broadcast_in_dim3A_559 : i32 to vector<16xi32>
        tpu.vector_store_idx %arg26[%add3A_139, %broadcast_in_dim3A_560], %gather3A_558 : memref<64x128xf32, #tpu.memory_space<vmem>>[vector<16xi32>, vector<16xi32>], vector<16xf32>,
        %add3A_561 = arith.constant 21 : i32
        %add3A_562 = vector.broadcast %add3A_561 : i32 to vector<16xi32>
        %add3A_563 = arith.addi %get3A_144, %add3A_562 : vector<16xi32>
        %gather3A_564 = tpu.vector_load_idx %arg24[%add3A_139, %add3A_563] : memref<64x128xf32, #tpu.memory_space<vmem>>[vector<16xi32>, vector<16xi32>], vector<16xf32>,
        %broadcast_in_dim3A_565 = arith.constant 69 : i32
        %broadcast_in_dim3A_566 = vector.broadcast %broadcast_in_dim3A_565 : i32 to vector<16xi32>
        tpu.vector_store_idx %arg26[%add3A_139, %broadcast_in_dim3A_566], %gather3A_564 : memref<64x128xf32, #tpu.memory_space<vmem>>[vector<16xi32>, vector<16xi32>], vector<16xf32>,
        %add3A_567 = arith.constant 22 : i32
        %add3A_568 = vector.broadcast %add3A_567 : i32 to vector<16xi32>
        %add3A_569 = arith.addi %get3A_144, %add3A_568 : vector<16xi32>
        %gather3A_570 = tpu.vector_load_idx %arg24[%add3A_139, %add3A_569] : memref<64x128xf32, #tpu.memory_space<vmem>>[vector<16xi32>, vector<16xi32>], vector<16xf32>,
        %broadcast_in_dim3A_571 = arith.constant 70 : i32
        %broadcast_in_dim3A_572 = vector.broadcast %broadcast_in_dim3A_571 : i32 to vector<16xi32>
        tpu.vector_store_idx %arg26[%add3A_139, %broadcast_in_dim3A_572], %gather3A_570 : memref<64x128xf32, #tpu.memory_space<vmem>>[vector<16xi32>, vector<16xi32>], vector<16xf32>,
        %add3A_573 = arith.constant 23 : i32
        %add3A_574 = vector.broadcast %add3A_573 : i32 to vector<16xi32>
        %add3A_575 = arith.addi %get3A_144, %add3A_574 : vector<16xi32>
        %gather3A_576 = tpu.vector_load_idx %arg24[%add3A_139, %add3A_575] : memref<64x128xf32, #tpu.memory_space<vmem>>[vector<16xi32>, vector<16xi32>], vector<16xf32>,
        %broadcast_in_dim3A_577 = arith.constant 71 : i32
        %broadcast_in_dim3A_578 = vector.broadcast %broadcast_in_dim3A_577 : i32 to vector<16xi32>
        tpu.vector_store_idx %arg26[%add3A_139, %broadcast_in_dim3A_578], %gather3A_576 : memref<64x128xf32, #tpu.memory_space<vmem>>[vector<16xi32>, vector<16xi32>], vector<16xf32>,
        %add3A_579 = arith.constant 24 : i32
        %add3A_580 = vector.broadcast %add3A_579 : i32 to vector<16xi32>
        %add3A_581 = arith.addi %get3A_144, %add3A_580 : vector<16xi32>
        %gather3A_582 = tpu.vector_load_idx %arg24[%add3A_139, %add3A_581] : memref<64x128xf32, #tpu.memory_space<vmem>>[vector<16xi32>, vector<16xi32>], vector<16xf32>,
        %broadcast_in_dim3A_583 = arith.constant 72 : i32
        %broadcast_in_dim3A_584 = vector.broadcast %broadcast_in_dim3A_583 : i32 to vector<16xi32>
        tpu.vector_store_idx %arg26[%add3A_139, %broadcast_in_dim3A_584], %gather3A_582 : memref<64x128xf32, #tpu.memory_space<vmem>>[vector<16xi32>, vector<16xi32>], vector<16xf32>,
        %add3A_585 = arith.constant 25 : i32
        %add3A_586 = vector.broadcast %add3A_585 : i32 to vector<16xi32>
        %add3A_587 = arith.addi %get3A_144, %add3A_586 : vector<16xi32>
        %gather3A_588 = tpu.vector_load_idx %arg24[%add3A_139, %add3A_587] : memref<64x128xf32, #tpu.memory_space<vmem>>[vector<16xi32>, vector<16xi32>], vector<16xf32>,
        %broadcast_in_dim3A_589 = arith.constant 73 : i32
        %broadcast_in_dim3A_590 = vector.broadcast %broadcast_in_dim3A_589 : i32 to vector<16xi32>
        tpu.vector_store_idx %arg26[%add3A_139, %broadcast_in_dim3A_590], %gather3A_588 : memref<64x128xf32, #tpu.memory_space<vmem>>[vector<16xi32>, vector<16xi32>], vector<16xf32>,
        %add3A_591 = arith.constant 26 : i32
        %add3A_592 = vector.broadcast %add3A_591 : i32 to vector<16xi32>
        %add3A_593 = arith.addi %get3A_144, %add3A_592 : vector<16xi32>
        %gather3A_594 = tpu.vector_load_idx %arg24[%add3A_139, %add3A_593] : memref<64x128xf32, #tpu.memory_space<vmem>>[vector<16xi32>, vector<16xi32>], vector<16xf32>,
        %broadcast_in_dim3A_595 = arith.constant 74 : i32
        %broadcast_in_dim3A_596 = vector.broadcast %broadcast_in_dim3A_595 : i32 to vector<16xi32>
        tpu.vector_store_idx %arg26[%add3A_139, %broadcast_in_dim3A_596], %gather3A_594 : memref<64x128xf32, #tpu.memory_space<vmem>>[vector<16xi32>, vector<16xi32>], vector<16xf32>,
        %add3A_597 = arith.constant 27 : i32
        %add3A_598 = vector.broadcast %add3A_597 : i32 to vector<16xi32>
        %add3A_599 = arith.addi %get3A_144, %add3A_598 : vector<16xi32>
        %gather3A_600 = tpu.vector_load_idx %arg24[%add3A_139, %add3A_599] : memref<64x128xf32, #tpu.memory_space<vmem>>[vector<16xi32>, vector<16xi32>], vector<16xf32>,
        %broadcast_in_dim3A_601 = arith.constant 75 : i32
        %broadcast_in_dim3A_602 = vector.broadcast %broadcast_in_dim3A_601 : i32 to vector<16xi32>
        tpu.vector_store_idx %arg26[%add3A_139, %broadcast_in_dim3A_602], %gather3A_600 : memref<64x128xf32, #tpu.memory_space<vmem>>[vector<16xi32>, vector<16xi32>], vector<16xf32>,
        %add3A_603 = arith.constant 28 : i32
        %add3A_604 = vector.broadcast %add3A_603 : i32 to vector<16xi32>
        %add3A_605 = arith.addi %get3A_144, %add3A_604 : vector<16xi32>
        %gather3A_606 = tpu.vector_load_idx %arg24[%add3A_139, %add3A_605] : memref<64x128xf32, #tpu.memory_space<vmem>>[vector<16xi32>, vector<16xi32>], vector<16xf32>,
        %broadcast_in_dim3A_607 = arith.constant 76 : i32
        %broadcast_in_dim3A_608 = vector.broadcast %broadcast_in_dim3A_607 : i32 to vector<16xi32>
        tpu.vector_store_idx %arg26[%add3A_139, %broadcast_in_dim3A_608], %gather3A_606 : memref<64x128xf32, #tpu.memory_space<vmem>>[vector<16xi32>, vector<16xi32>], vector<16xf32>,
        %add3A_609 = arith.constant 29 : i32
        %add3A_610 = vector.broadcast %add3A_609 : i32 to vector<16xi32>
        %add3A_611 = arith.addi %get3A_144, %add3A_610 : vector<16xi32>
        %gather3A_612 = tpu.vector_load_idx %arg24[%add3A_139, %add3A_611] : memref<64x128xf32, #tpu.memory_space<vmem>>[vector<16xi32>, vector<16xi32>], vector<16xf32>,
        %broadcast_in_dim3A_613 = arith.constant 77 : i32
        %broadcast_in_dim3A_614 = vector.broadcast %broadcast_in_dim3A_613 : i32 to vector<16xi32>
        tpu.vector_store_idx %arg26[%add3A_139, %broadcast_in_dim3A_614], %gather3A_612 : memref<64x128xf32, #tpu.memory_space<vmem>>[vector<16xi32>, vector<16xi32>], vector<16xf32>,
        %add3A_615 = arith.constant 30 : i32
        %add3A_616 = vector.broadcast %add3A_615 : i32 to vector<16xi32>
        %add3A_617 = arith.addi %get3A_144, %add3A_616 : vector<16xi32>
        %gather3A_618 = tpu.vector_load_idx %arg24[%add3A_139, %add3A_617] : memref<64x128xf32, #tpu.memory_space<vmem>>[vector<16xi32>, vector<16xi32>], vector<16xf32>,
        %broadcast_in_dim3A_619 = arith.constant 78 : i32
        %broadcast_in_dim3A_620 = vector.broadcast %broadcast_in_dim3A_619 : i32 to vector<16xi32>
        tpu.vector_store_idx %arg26[%add3A_139, %broadcast_in_dim3A_620], %gather3A_618 : memref<64x128xf32, #tpu.memory_space<vmem>>[vector<16xi32>, vector<16xi32>], vector<16xf32>,
        %add3A_621 = arith.constant 31 : i32
        %add3A_622 = vector.broadcast %add3A_621 : i32 to vector<16xi32>
        %add3A_623 = arith.addi %get3A_144, %add3A_622 : vector<16xi32>
        %gather3A_624 = tpu.vector_load_idx %arg24[%add3A_139, %add3A_623] : memref<64x128xf32, #tpu.memory_space<vmem>>[vector<16xi32>, vector<16xi32>], vector<16xf32>,
        %broadcast_in_dim3A_625 = arith.constant 79 : i32
        %broadcast_in_dim3A_626 = vector.broadcast %broadcast_in_dim3A_625 : i32 to vector<16xi32>
        tpu.vector_store_idx %arg26[%add3A_139, %broadcast_in_dim3A_626], %gather3A_624 : memref<64x128xf32, #tpu.memory_space<vmem>>[vector<16xi32>, vector<16xi32>], vector<16xf32>,
        %gather3A_627 = tpu.vector_load_idx %arg25[%add3A_139, %and3A_148] : memref<64x128xf32, #tpu.memory_space<vmem>>[vector<16xi32>, vector<16xi32>], vector<16xf32>,
        %broadcast_in_dim3A_628 = arith.constant 80 : i32
        %broadcast_in_dim3A_629 = vector.broadcast %broadcast_in_dim3A_628 : i32 to vector<16xi32>
        tpu.vector_store_idx %arg26[%add3A_139, %broadcast_in_dim3A_629], %gather3A_627 : memref<64x128xf32, #tpu.memory_space<vmem>>[vector<16xi32>, vector<16xi32>], vector<16xf32>,
        %ge3A = arith.constant 50000 : i32
        %ge3A_630 = vector.broadcast %ge3A : i32 to vector<16xi32>
        %ge3A_631 = arith.cmpi sge, %get3A_146, %ge3A_630 : vector<16xi32>
        %jit3A = arith.constant 1.000000e+00 : f32
        %jit3A_632 = arith.constant 0.000000e+00 : f32
        %broadcast_in_dim3A_633 = vector.broadcast %jit3A : f32 to vector<16xf32>
        %broadcast_in_dim3A_634 = vector.broadcast %jit3A_632 : f32 to vector<16xf32>
        %select_n3A = arith.select %ge3A_631, %broadcast_in_dim3A_633, %broadcast_in_dim3A_634 : vector<16xi1>, vector<16xf32>
        %broadcast_in_dim3A_635 = arith.constant 81 : i32
        %broadcast_in_dim3A_636 = vector.broadcast %broadcast_in_dim3A_635 : i32 to vector<16xi32>
        tpu.vector_store_idx %arg26[%add3A_139, %broadcast_in_dim3A_636], %select_n3A : memref<64x128xf32, #tpu.memory_space<vmem>>[vector<16xi32>, vector<16xi32>], vector<16xf32>,
        %scan3A_637 = arith.constant 0 : i32
        scf.yield %scan3A_637 : i32
      }
      %scan3A_126 = arith.constant 4 : i32
      %mul3A_127 = arith.constant 64 : i32
      %mul3A_128 = arith.muli %add3A_119, %mul3A_127 : i32
      %add3A_129 = arith.addi %mul3A_2, %mul3A_128 : i32
      "tpu.region"() ({
        %run_scoped3A = tpu.sem_alloc : memref<!tpu.dma_semaphore, #tpu.memory_space<semaphore_mem>>
        %dma_start3A_131 = arith.constant 0 : i32
        %dma_start3A_132 = tpu.memref_slice %arg8[%add3A_129, %dma_start3A_131] : memref<16384x128xf32, #tpu.memory_space<hbm>> -> memref<64x128xf32, #tpu.memory_space<hbm>>
        %dma_start3A_133 = arith.constant 0 : i32
        %dma_start3A_134 = tpu.memref_slice %arg8[%add3A_129, %dma_start3A_133] : memref<16384x128xf32, #tpu.memory_space<hbm>> -> memref<64x128xf32, #tpu.memory_space<hbm>>
        tpu.enqueue_dma source(%arg26 : memref<64x128xf32, #tpu.memory_space<vmem>>) target(%dma_start3A_134 : memref<64x128xf32, #tpu.memory_space<hbm>>) target_semaphore(%run_scoped3A : memref<!tpu.dma_semaphore, #tpu.memory_space<semaphore_mem>>)
        %dma_wait3A_135 = arith.constant 0 : i32
        %dma_wait3A_136 = tpu.memref_slice %arg8[%add3A_129, %dma_wait3A_135] : memref<16384x128xf32, #tpu.memory_space<hbm>> -> memref<64x128xf32, #tpu.memory_space<hbm>>
        %dma_wait3A_137 = arith.constant 0 : i32
        %dma_wait3A_138 = tpu.memref_slice %arg8[%add3A_129, %dma_wait3A_137] : memref<16384x128xf32, #tpu.memory_space<hbm>> -> memref<64x128xf32, #tpu.memory_space<hbm>>
        tpu.wait_dma2 semaphore(%run_scoped3A : memref<!tpu.dma_semaphore, #tpu.memory_space<semaphore_mem>>) src(%arg26 : memref<64x128xf32, #tpu.memory_space<vmem>>) dst(%dma_wait3A_138 : memref<64x128xf32, #tpu.memory_space<hbm>>)
        tpu.yield
      }) : () -> ()
      %scan3A_130 = arith.constant 0 : i32
      scf.yield %scan3A_130 : i32
    }
    %scan3A_34 = arith.constant 4 : i32
    return
  }
}

module attributes {stable_mosaic.version = 14 : i64} {
  func.func @_repack_body(%arg0: i32, %arg1: memref<1x16x100000xf32, #tpu.memory_space<hbm>>, %arg2: memref<12500x128xf32, #tpu.memory_space<vmem>>, %arg3: memref<16x100000xf32, #tpu.memory_space<vmem>>, %arg4: memref<!tpu.dma_semaphore, #tpu.memory_space<semaphore_mem>>) attributes {dimension_semantics = [#tpu.dimension_semantics<arbitrary>], iteration_bounds = array<i64: 1>, scalar_prefetch = 0 : i64, scratch_operands = 2 : i64, tpu.core_type = #tpu.core_type<tc>, window_params = [{}, {pipeline_mode = #tpu.pipeline_mode<synchronous>, transform_indices = @transform_1, window_bounds = array<i64: 12500, 128>}]} {
    %iota3A = tpu.iota {dimensions = array<i32: 0>} : vector<128x128xi32>
    %iota3A_0 = tpu.iota {dimensions = array<i32: 1>} : vector<128x128xi32>
    %eq3A = arith.cmpi eq, %iota3A, %iota3A_0 : vector<128x128xi32>
    %convert_element_type3A = arith.extui %eq3A : vector<128x128xi1> to vector<128x128xi32>
    %convert_element_type3A_1 = arith.sitofp %convert_element_type3A : vector<128x128xi32> to vector<128x128xf32>
    %dma_start3A = arith.constant 0 : i32
    %dma_start3A_2 = arith.constant 0 : i32
    %dma_start3A_3 = arith.constant 0 : i32
    %dma_start3A_4 = tpu.memref_slice %arg1[%dma_start3A, %dma_start3A_2, %dma_start3A_3] : memref<1x16x100000xf32, #tpu.memory_space<hbm>> -> memref<1x16x100000xf32, #tpu.memory_space<hbm>>
    %dma_start3A_5 = tpu.memref_squeeze %dma_start3A_4 : memref<1x16x100000xf32, #tpu.memory_space<hbm>> -> memref<16x100000xf32, #tpu.memory_space<hbm>>
    tpu.enqueue_dma source(%dma_start3A_5 : memref<16x100000xf32, #tpu.memory_space<hbm>>) target(%arg3 : memref<16x100000xf32, #tpu.memory_space<vmem>>) target_semaphore(%arg4 : memref<!tpu.dma_semaphore, #tpu.memory_space<semaphore_mem>>)
    %dma_wait3A = arith.constant 0 : i32
    %dma_wait3A_6 = arith.constant 0 : i32
    %dma_wait3A_7 = arith.constant 0 : i32
    %dma_wait3A_8 = tpu.memref_slice %arg1[%dma_wait3A, %dma_wait3A_6, %dma_wait3A_7] : memref<1x16x100000xf32, #tpu.memory_space<hbm>> -> memref<1x16x100000xf32, #tpu.memory_space<hbm>>
    %dma_wait3A_9 = tpu.memref_squeeze %dma_wait3A_8 : memref<1x16x100000xf32, #tpu.memory_space<hbm>> -> memref<16x100000xf32, #tpu.memory_space<hbm>>
    tpu.wait_dma2 semaphore(%arg4 : memref<!tpu.dma_semaphore, #tpu.memory_space<semaphore_mem>>) src(%dma_wait3A_9 : memref<16x100000xf32, #tpu.memory_space<hbm>>) dst(%arg3 : memref<16x100000xf32, #tpu.memory_space<vmem>>)
    %get3A = arith.constant 0 : index
    %get3A_10 = arith.constant 0 : index
    %get3A_11 = vector.load %arg3[%get3A, %get3A_10] : memref<16x100000xf32, #tpu.memory_space<vmem>>, vector<16x2500xf32>
    %get3A_12 = arith.constant 0 : index
    %get3A_13 = arith.constant 12500 : index
    %get3A_14 = vector.load %arg3[%get3A_12, %get3A_13] : memref<16x100000xf32, #tpu.memory_space<vmem>>, vector<16x2500xf32>
    %get3A_15 = arith.constant 0 : index
    %get3A_16 = arith.constant 25000 : index
    %get3A_17 = vector.load %arg3[%get3A_15, %get3A_16] : memref<16x100000xf32, #tpu.memory_space<vmem>>, vector<16x2500xf32>
    %get3A_18 = arith.constant 0 : index
    %get3A_19 = arith.constant 37500 : index
    %get3A_20 = vector.load %arg3[%get3A_18, %get3A_19] : memref<16x100000xf32, #tpu.memory_space<vmem>>, vector<16x2500xf32>
    %get3A_21 = arith.constant 0 : index
    %get3A_22 = arith.constant 50000 : index
    %get3A_23 = vector.load %arg3[%get3A_21, %get3A_22] : memref<16x100000xf32, #tpu.memory_space<vmem>>, vector<16x2500xf32>
    %get3A_24 = arith.constant 0 : index
    %get3A_25 = arith.constant 62500 : index
    %get3A_26 = vector.load %arg3[%get3A_24, %get3A_25] : memref<16x100000xf32, #tpu.memory_space<vmem>>, vector<16x2500xf32>
    %get3A_27 = arith.constant 0 : index
    %get3A_28 = arith.constant 75000 : index
    %get3A_29 = vector.load %arg3[%get3A_27, %get3A_28] : memref<16x100000xf32, #tpu.memory_space<vmem>>, vector<16x2500xf32>
    %get3A_30 = arith.constant 0 : index
    %get3A_31 = arith.constant 87500 : index
    %get3A_32 = vector.load %arg3[%get3A_30, %get3A_31] : memref<16x100000xf32, #tpu.memory_space<vmem>>, vector<16x2500xf32>
    %concatenate3A = tpu.concatenate %get3A_11, %get3A_14, %get3A_17, %get3A_20, %get3A_23, %get3A_26, %get3A_29, %get3A_32 in 0 : vector<16x2500xf32>, vector<16x2500xf32>, vector<16x2500xf32>, vector<16x2500xf32>, vector<16x2500xf32>, vector<16x2500xf32>, vector<16x2500xf32>, vector<16x2500xf32> -> vector<128x2500xf32>
    %dot_general3A = arith.constant dense<0.000000e+00> : vector<2500x128xf32>
    %dot_general3A_33 = tpu.matmul %concatenate3A, %convert_element_type3A_1, %dot_general3A {dimension_numbers = #tpu.dot_dimension_numbers<[0], [0], [1], [1], [0, 1, 1, 1], [], []>, transpose_lhs_hint = false} : vector<128x2500xf32>, vector<128x128xf32>, vector<2500x128xf32> -> vector<2500x128xf32>
    %swap3A = arith.constant 0 : index
    %swap3A_34 = arith.constant 0 : index
    %swap3A_35 = vector.load %arg2[%swap3A, %swap3A_34] : memref<12500x128xf32, #tpu.memory_space<vmem>>, vector<2500x128xf32>
    tpu.vector_store %arg2[%swap3A, %swap3A_34], %dot_general3A_33 {strides = array<i32>} : memref<12500x128xf32, #tpu.memory_space<vmem>>, vector<2500x128xf32>,
    %get3A_36 = arith.constant 0 : index
    %get3A_37 = arith.constant 2500 : index
    %get3A_38 = vector.load %arg3[%get3A_36, %get3A_37] : memref<16x100000xf32, #tpu.memory_space<vmem>>, vector<16x2500xf32>
    %get3A_39 = arith.constant 0 : index
    %get3A_40 = arith.constant 15000 : index
    %get3A_41 = vector.load %arg3[%get3A_39, %get3A_40] : memref<16x100000xf32, #tpu.memory_space<vmem>>, vector<16x2500xf32>
    %get3A_42 = arith.constant 0 : index
    %get3A_43 = arith.constant 27500 : index
    %get3A_44 = vector.load %arg3[%get3A_42, %get3A_43] : memref<16x100000xf32, #tpu.memory_space<vmem>>, vector<16x2500xf32>
    %get3A_45 = arith.constant 0 : index
    %get3A_46 = arith.constant 40000 : index
    %get3A_47 = vector.load %arg3[%get3A_45, %get3A_46] : memref<16x100000xf32, #tpu.memory_space<vmem>>, vector<16x2500xf32>
    %get3A_48 = arith.constant 0 : index
    %get3A_49 = arith.constant 52500 : index
    %get3A_50 = vector.load %arg3[%get3A_48, %get3A_49] : memref<16x100000xf32, #tpu.memory_space<vmem>>, vector<16x2500xf32>
    %get3A_51 = arith.constant 0 : index
    %get3A_52 = arith.constant 65000 : index
    %get3A_53 = vector.load %arg3[%get3A_51, %get3A_52] : memref<16x100000xf32, #tpu.memory_space<vmem>>, vector<16x2500xf32>
    %get3A_54 = arith.constant 0 : index
    %get3A_55 = arith.constant 77500 : index
    %get3A_56 = vector.load %arg3[%get3A_54, %get3A_55] : memref<16x100000xf32, #tpu.memory_space<vmem>>, vector<16x2500xf32>
    %get3A_57 = arith.constant 0 : index
    %get3A_58 = arith.constant 90000 : index
    %get3A_59 = vector.load %arg3[%get3A_57, %get3A_58] : memref<16x100000xf32, #tpu.memory_space<vmem>>, vector<16x2500xf32>
    %concatenate3A_60 = tpu.concatenate %get3A_38, %get3A_41, %get3A_44, %get3A_47, %get3A_50, %get3A_53, %get3A_56, %get3A_59 in 0 : vector<16x2500xf32>, vector<16x2500xf32>, vector<16x2500xf32>, vector<16x2500xf32>, vector<16x2500xf32>, vector<16x2500xf32>, vector<16x2500xf32>, vector<16x2500xf32> -> vector<128x2500xf32>
    %dot_general3A_61 = arith.constant dense<0.000000e+00> : vector<2500x128xf32>
    %dot_general3A_62 = tpu.matmul %concatenate3A_60, %convert_element_type3A_1, %dot_general3A_61 {dimension_numbers = #tpu.dot_dimension_numbers<[0], [0], [1], [1], [0, 1, 1, 1], [], []>, transpose_lhs_hint = false} : vector<128x2500xf32>, vector<128x128xf32>, vector<2500x128xf32> -> vector<2500x128xf32>
    %swap3A_63 = arith.constant 2500 : index
    %swap3A_64 = arith.constant 0 : index
    %swap3A_65 = vector.load %arg2[%swap3A_63, %swap3A_64] : memref<12500x128xf32, #tpu.memory_space<vmem>>, vector<2500x128xf32>
    tpu.vector_store %arg2[%swap3A_63, %swap3A_64], %dot_general3A_62 {strides = array<i32>} : memref<12500x128xf32, #tpu.memory_space<vmem>>, vector<2500x128xf32>,
    %get3A_66 = arith.constant 0 : index
    %get3A_67 = arith.constant 5000 : index
    %get3A_68 = vector.load %arg3[%get3A_66, %get3A_67] : memref<16x100000xf32, #tpu.memory_space<vmem>>, vector<16x2500xf32>
    %get3A_69 = arith.constant 0 : index
    %get3A_70 = arith.constant 17500 : index
    %get3A_71 = vector.load %arg3[%get3A_69, %get3A_70] : memref<16x100000xf32, #tpu.memory_space<vmem>>, vector<16x2500xf32>
    %get3A_72 = arith.constant 0 : index
    %get3A_73 = arith.constant 30000 : index
    %get3A_74 = vector.load %arg3[%get3A_72, %get3A_73] : memref<16x100000xf32, #tpu.memory_space<vmem>>, vector<16x2500xf32>
    %get3A_75 = arith.constant 0 : index
    %get3A_76 = arith.constant 42500 : index
    %get3A_77 = vector.load %arg3[%get3A_75, %get3A_76] : memref<16x100000xf32, #tpu.memory_space<vmem>>, vector<16x2500xf32>
    %get3A_78 = arith.constant 0 : index
    %get3A_79 = arith.constant 55000 : index
    %get3A_80 = vector.load %arg3[%get3A_78, %get3A_79] : memref<16x100000xf32, #tpu.memory_space<vmem>>, vector<16x2500xf32>
    %get3A_81 = arith.constant 0 : index
    %get3A_82 = arith.constant 67500 : index
    %get3A_83 = vector.load %arg3[%get3A_81, %get3A_82] : memref<16x100000xf32, #tpu.memory_space<vmem>>, vector<16x2500xf32>
    %get3A_84 = arith.constant 0 : index
    %get3A_85 = arith.constant 80000 : index
    %get3A_86 = vector.load %arg3[%get3A_84, %get3A_85] : memref<16x100000xf32, #tpu.memory_space<vmem>>, vector<16x2500xf32>
    %get3A_87 = arith.constant 0 : index
    %get3A_88 = arith.constant 92500 : index
    %get3A_89 = vector.load %arg3[%get3A_87, %get3A_88] : memref<16x100000xf32, #tpu.memory_space<vmem>>, vector<16x2500xf32>
    %concatenate3A_90 = tpu.concatenate %get3A_68, %get3A_71, %get3A_74, %get3A_77, %get3A_80, %get3A_83, %get3A_86, %get3A_89 in 0 : vector<16x2500xf32>, vector<16x2500xf32>, vector<16x2500xf32>, vector<16x2500xf32>, vector<16x2500xf32>, vector<16x2500xf32>, vector<16x2500xf32>, vector<16x2500xf32> -> vector<128x2500xf32>
    %dot_general3A_91 = arith.constant dense<0.000000e+00> : vector<2500x128xf32>
    %dot_general3A_92 = tpu.matmul %concatenate3A_90, %convert_element_type3A_1, %dot_general3A_91 {dimension_numbers = #tpu.dot_dimension_numbers<[0], [0], [1], [1], [0, 1, 1, 1], [], []>, transpose_lhs_hint = false} : vector<128x2500xf32>, vector<128x128xf32>, vector<2500x128xf32> -> vector<2500x128xf32>
    %swap3A_93 = arith.constant 5000 : index
    %swap3A_94 = arith.constant 0 : index
    %swap3A_95 = vector.load %arg2[%swap3A_93, %swap3A_94] : memref<12500x128xf32, #tpu.memory_space<vmem>>, vector<2500x128xf32>
    tpu.vector_store %arg2[%swap3A_93, %swap3A_94], %dot_general3A_92 {strides = array<i32>} : memref<12500x128xf32, #tpu.memory_space<vmem>>, vector<2500x128xf32>,
    %get3A_96 = arith.constant 0 : index
    %get3A_97 = arith.constant 7500 : index
    %get3A_98 = vector.load %arg3[%get3A_96, %get3A_97] : memref<16x100000xf32, #tpu.memory_space<vmem>>, vector<16x2500xf32>
    %get3A_99 = arith.constant 0 : index
    %get3A_100 = arith.constant 20000 : index
    %get3A_101 = vector.load %arg3[%get3A_99, %get3A_100] : memref<16x100000xf32, #tpu.memory_space<vmem>>, vector<16x2500xf32>
    %get3A_102 = arith.constant 0 : index
    %get3A_103 = arith.constant 32500 : index
    %get3A_104 = vector.load %arg3[%get3A_102, %get3A_103] : memref<16x100000xf32, #tpu.memory_space<vmem>>, vector<16x2500xf32>
    %get3A_105 = arith.constant 0 : index
    %get3A_106 = arith.constant 45000 : index
    %get3A_107 = vector.load %arg3[%get3A_105, %get3A_106] : memref<16x100000xf32, #tpu.memory_space<vmem>>, vector<16x2500xf32>
    %get3A_108 = arith.constant 0 : index
    %get3A_109 = arith.constant 57500 : index
    %get3A_110 = vector.load %arg3[%get3A_108, %get3A_109] : memref<16x100000xf32, #tpu.memory_space<vmem>>, vector<16x2500xf32>
    %get3A_111 = arith.constant 0 : index
    %get3A_112 = arith.constant 70000 : index
    %get3A_113 = vector.load %arg3[%get3A_111, %get3A_112] : memref<16x100000xf32, #tpu.memory_space<vmem>>, vector<16x2500xf32>
    %get3A_114 = arith.constant 0 : index
    %get3A_115 = arith.constant 82500 : index
    %get3A_116 = vector.load %arg3[%get3A_114, %get3A_115] : memref<16x100000xf32, #tpu.memory_space<vmem>>, vector<16x2500xf32>
    %get3A_117 = arith.constant 0 : index
    %get3A_118 = arith.constant 95000 : index
    %get3A_119 = vector.load %arg3[%get3A_117, %get3A_118] : memref<16x100000xf32, #tpu.memory_space<vmem>>, vector<16x2500xf32>
    %concatenate3A_120 = tpu.concatenate %get3A_98, %get3A_101, %get3A_104, %get3A_107, %get3A_110, %get3A_113, %get3A_116, %get3A_119 in 0 : vector<16x2500xf32>, vector<16x2500xf32>, vector<16x2500xf32>, vector<16x2500xf32>, vector<16x2500xf32>, vector<16x2500xf32>, vector<16x2500xf32>, vector<16x2500xf32> -> vector<128x2500xf32>
    %dot_general3A_121 = arith.constant dense<0.000000e+00> : vector<2500x128xf32>
    %dot_general3A_122 = tpu.matmul %concatenate3A_120, %convert_element_type3A_1, %dot_general3A_121 {dimension_numbers = #tpu.dot_dimension_numbers<[0], [0], [1], [1], [0, 1, 1, 1], [], []>, transpose_lhs_hint = false} : vector<128x2500xf32>, vector<128x128xf32>, vector<2500x128xf32> -> vector<2500x128xf32>
    %swap3A_123 = arith.constant 7500 : index
    %swap3A_124 = arith.constant 0 : index
    %swap3A_125 = vector.load %arg2[%swap3A_123, %swap3A_124] : memref<12500x128xf32, #tpu.memory_space<vmem>>, vector<2500x128xf32>
    tpu.vector_store %arg2[%swap3A_123, %swap3A_124], %dot_general3A_122 {strides = array<i32>} : memref<12500x128xf32, #tpu.memory_space<vmem>>, vector<2500x128xf32>,
    %get3A_126 = arith.constant 0 : index
    %get3A_127 = arith.constant 10000 : index
    %get3A_128 = vector.load %arg3[%get3A_126, %get3A_127] : memref<16x100000xf32, #tpu.memory_space<vmem>>, vector<16x2500xf32>
    %get3A_129 = arith.constant 0 : index
    %get3A_130 = arith.constant 22500 : index
    %get3A_131 = vector.load %arg3[%get3A_129, %get3A_130] : memref<16x100000xf32, #tpu.memory_space<vmem>>, vector<16x2500xf32>
    %get3A_132 = arith.constant 0 : index
    %get3A_133 = arith.constant 35000 : index
    %get3A_134 = vector.load %arg3[%get3A_132, %get3A_133] : memref<16x100000xf32, #tpu.memory_space<vmem>>, vector<16x2500xf32>
    %get3A_135 = arith.constant 0 : index
    %get3A_136 = arith.constant 47500 : index
    %get3A_137 = vector.load %arg3[%get3A_135, %get3A_136] : memref<16x100000xf32, #tpu.memory_space<vmem>>, vector<16x2500xf32>
    %get3A_138 = arith.constant 0 : index
    %get3A_139 = arith.constant 60000 : index
    %get3A_140 = vector.load %arg3[%get3A_138, %get3A_139] : memref<16x100000xf32, #tpu.memory_space<vmem>>, vector<16x2500xf32>
    %get3A_141 = arith.constant 0 : index
    %get3A_142 = arith.constant 72500 : index
    %get3A_143 = vector.load %arg3[%get3A_141, %get3A_142] : memref<16x100000xf32, #tpu.memory_space<vmem>>, vector<16x2500xf32>
    %get3A_144 = arith.constant 0 : index
    %get3A_145 = arith.constant 85000 : index
    %get3A_146 = vector.load %arg3[%get3A_144, %get3A_145] : memref<16x100000xf32, #tpu.memory_space<vmem>>, vector<16x2500xf32>
    %get3A_147 = arith.constant 0 : index
    %get3A_148 = arith.constant 97500 : index
    %get3A_149 = vector.load %arg3[%get3A_147, %get3A_148] : memref<16x100000xf32, #tpu.memory_space<vmem>>, vector<16x2500xf32>
    %concatenate3A_150 = tpu.concatenate %get3A_128, %get3A_131, %get3A_134, %get3A_137, %get3A_140, %get3A_143, %get3A_146, %get3A_149 in 0 : vector<16x2500xf32>, vector<16x2500xf32>, vector<16x2500xf32>, vector<16x2500xf32>, vector<16x2500xf32>, vector<16x2500xf32>, vector<16x2500xf32>, vector<16x2500xf32> -> vector<128x2500xf32>
    %dot_general3A_151 = arith.constant dense<0.000000e+00> : vector<2500x128xf32>
    %dot_general3A_152 = tpu.matmul %concatenate3A_150, %convert_element_type3A_1, %dot_general3A_151 {dimension_numbers = #tpu.dot_dimension_numbers<[0], [0], [1], [1], [0, 1, 1, 1], [], []>, transpose_lhs_hint = false} : vector<128x2500xf32>, vector<128x128xf32>, vector<2500x128xf32> -> vector<2500x128xf32>
    %swap3A_153 = arith.constant 10000 : index
    %swap3A_154 = arith.constant 0 : index
    %swap3A_155 = vector.load %arg2[%swap3A_153, %swap3A_154] : memref<12500x128xf32, #tpu.memory_space<vmem>>, vector<2500x128xf32>
    tpu.vector_store %arg2[%swap3A_153, %swap3A_154], %dot_general3A_152 {strides = array<i32>} : memref<12500x128xf32, #tpu.memory_space<vmem>>, vector<2500x128xf32>,
    return
  }
  func.func @transform_1(%arg0: i32) -> (i32, i32) {
    %c0_i32 = arith.constant 0 : i32
    %c0_i32_0 = arith.constant 0 : i32
    %c0_i32_1 = arith.constant 0 : i32
    return %c0_i32, %c0_i32_0 : i32, i32
  }
}

module attributes {stable_mosaic.version = 14 : i64} {
  func.func @_repack_body(%arg0: i32, %arg1: memref<1x32x100000xf32, #tpu.memory_space<hbm>>, %arg2: memref<25000x128xf32, #tpu.memory_space<vmem>>, %arg3: memref<32x100000xf32, #tpu.memory_space<vmem>>, %arg4: memref<!tpu.dma_semaphore, #tpu.memory_space<semaphore_mem>>) attributes {dimension_semantics = [#tpu.dimension_semantics<arbitrary>], iteration_bounds = array<i64: 1>, scalar_prefetch = 0 : i64, scratch_operands = 2 : i64, tpu.core_type = #tpu.core_type<tc>, window_params = [{}, {pipeline_mode = #tpu.pipeline_mode<synchronous>, transform_indices = @transform_1, window_bounds = array<i64: 25000, 128>}]} {
    %iota3A = tpu.iota {dimensions = array<i32: 0>} : vector<128x128xi32>
    %iota3A_0 = tpu.iota {dimensions = array<i32: 1>} : vector<128x128xi32>
    %eq3A = arith.cmpi eq, %iota3A, %iota3A_0 : vector<128x128xi32>
    %convert_element_type3A = arith.extui %eq3A : vector<128x128xi1> to vector<128x128xi32>
    %convert_element_type3A_1 = arith.sitofp %convert_element_type3A : vector<128x128xi32> to vector<128x128xf32>
    %dma_start3A = arith.constant 0 : i32
    %dma_start3A_2 = arith.constant 0 : i32
    %dma_start3A_3 = arith.constant 0 : i32
    %dma_start3A_4 = tpu.memref_slice %arg1[%dma_start3A, %dma_start3A_2, %dma_start3A_3] : memref<1x32x100000xf32, #tpu.memory_space<hbm>> -> memref<1x32x100000xf32, #tpu.memory_space<hbm>>
    %dma_start3A_5 = tpu.memref_squeeze %dma_start3A_4 : memref<1x32x100000xf32, #tpu.memory_space<hbm>> -> memref<32x100000xf32, #tpu.memory_space<hbm>>
    tpu.enqueue_dma source(%dma_start3A_5 : memref<32x100000xf32, #tpu.memory_space<hbm>>) target(%arg3 : memref<32x100000xf32, #tpu.memory_space<vmem>>) target_semaphore(%arg4 : memref<!tpu.dma_semaphore, #tpu.memory_space<semaphore_mem>>)
    %dma_wait3A = arith.constant 0 : i32
    %dma_wait3A_6 = arith.constant 0 : i32
    %dma_wait3A_7 = arith.constant 0 : i32
    %dma_wait3A_8 = tpu.memref_slice %arg1[%dma_wait3A, %dma_wait3A_6, %dma_wait3A_7] : memref<1x32x100000xf32, #tpu.memory_space<hbm>> -> memref<1x32x100000xf32, #tpu.memory_space<hbm>>
    %dma_wait3A_9 = tpu.memref_squeeze %dma_wait3A_8 : memref<1x32x100000xf32, #tpu.memory_space<hbm>> -> memref<32x100000xf32, #tpu.memory_space<hbm>>
    tpu.wait_dma2 semaphore(%arg4 : memref<!tpu.dma_semaphore, #tpu.memory_space<semaphore_mem>>) src(%dma_wait3A_9 : memref<32x100000xf32, #tpu.memory_space<hbm>>) dst(%arg3 : memref<32x100000xf32, #tpu.memory_space<vmem>>)
    %get3A = arith.constant 0 : index
    %get3A_10 = arith.constant 0 : index
    %get3A_11 = vector.load %arg3[%get3A, %get3A_10] : memref<32x100000xf32, #tpu.memory_space<vmem>>, vector<32x2500xf32>
    %get3A_12 = arith.constant 0 : index
    %get3A_13 = arith.constant 25000 : index
    %get3A_14 = vector.load %arg3[%get3A_12, %get3A_13] : memref<32x100000xf32, #tpu.memory_space<vmem>>, vector<32x2500xf32>
    %get3A_15 = arith.constant 0 : index
    %get3A_16 = arith.constant 50000 : index
    %get3A_17 = vector.load %arg3[%get3A_15, %get3A_16] : memref<32x100000xf32, #tpu.memory_space<vmem>>, vector<32x2500xf32>
    %get3A_18 = arith.constant 0 : index
    %get3A_19 = arith.constant 75000 : index
    %get3A_20 = vector.load %arg3[%get3A_18, %get3A_19] : memref<32x100000xf32, #tpu.memory_space<vmem>>, vector<32x2500xf32>
    %concatenate3A = tpu.concatenate %get3A_11, %get3A_14, %get3A_17, %get3A_20 in 0 : vector<32x2500xf32>, vector<32x2500xf32>, vector<32x2500xf32>, vector<32x2500xf32> -> vector<128x2500xf32>
    %dot_general3A = arith.constant dense<0.000000e+00> : vector<2500x128xf32>
    %dot_general3A_21 = tpu.matmul %concatenate3A, %convert_element_type3A_1, %dot_general3A {dimension_numbers = #tpu.dot_dimension_numbers<[0], [0], [1], [1], [0, 1, 1, 1], [], []>, transpose_lhs_hint = false} : vector<128x2500xf32>, vector<128x128xf32>, vector<2500x128xf32> -> vector<2500x128xf32>
    %swap3A = arith.constant 0 : index
    %swap3A_22 = arith.constant 0 : index
    %swap3A_23 = vector.load %arg2[%swap3A, %swap3A_22] : memref<25000x128xf32, #tpu.memory_space<vmem>>, vector<2500x128xf32>
    tpu.vector_store %arg2[%swap3A, %swap3A_22], %dot_general3A_21 {strides = array<i32>} : memref<25000x128xf32, #tpu.memory_space<vmem>>, vector<2500x128xf32>,
    %get3A_24 = arith.constant 0 : index
    %get3A_25 = arith.constant 2500 : index
    %get3A_26 = vector.load %arg3[%get3A_24, %get3A_25] : memref<32x100000xf32, #tpu.memory_space<vmem>>, vector<32x2500xf32>
    %get3A_27 = arith.constant 0 : index
    %get3A_28 = arith.constant 27500 : index
    %get3A_29 = vector.load %arg3[%get3A_27, %get3A_28] : memref<32x100000xf32, #tpu.memory_space<vmem>>, vector<32x2500xf32>
    %get3A_30 = arith.constant 0 : index
    %get3A_31 = arith.constant 52500 : index
    %get3A_32 = vector.load %arg3[%get3A_30, %get3A_31] : memref<32x100000xf32, #tpu.memory_space<vmem>>, vector<32x2500xf32>
    %get3A_33 = arith.constant 0 : index
    %get3A_34 = arith.constant 77500 : index
    %get3A_35 = vector.load %arg3[%get3A_33, %get3A_34] : memref<32x100000xf32, #tpu.memory_space<vmem>>, vector<32x2500xf32>
    %concatenate3A_36 = tpu.concatenate %get3A_26, %get3A_29, %get3A_32, %get3A_35 in 0 : vector<32x2500xf32>, vector<32x2500xf32>, vector<32x2500xf32>, vector<32x2500xf32> -> vector<128x2500xf32>
    %dot_general3A_37 = arith.constant dense<0.000000e+00> : vector<2500x128xf32>
    %dot_general3A_38 = tpu.matmul %concatenate3A_36, %convert_element_type3A_1, %dot_general3A_37 {dimension_numbers = #tpu.dot_dimension_numbers<[0], [0], [1], [1], [0, 1, 1, 1], [], []>, transpose_lhs_hint = false} : vector<128x2500xf32>, vector<128x128xf32>, vector<2500x128xf32> -> vector<2500x128xf32>
    %swap3A_39 = arith.constant 2500 : index
    %swap3A_40 = arith.constant 0 : index
    %swap3A_41 = vector.load %arg2[%swap3A_39, %swap3A_40] : memref<25000x128xf32, #tpu.memory_space<vmem>>, vector<2500x128xf32>
    tpu.vector_store %arg2[%swap3A_39, %swap3A_40], %dot_general3A_38 {strides = array<i32>} : memref<25000x128xf32, #tpu.memory_space<vmem>>, vector<2500x128xf32>,
    %get3A_42 = arith.constant 0 : index
    %get3A_43 = arith.constant 5000 : index
    %get3A_44 = vector.load %arg3[%get3A_42, %get3A_43] : memref<32x100000xf32, #tpu.memory_space<vmem>>, vector<32x2500xf32>
    %get3A_45 = arith.constant 0 : index
    %get3A_46 = arith.constant 30000 : index
    %get3A_47 = vector.load %arg3[%get3A_45, %get3A_46] : memref<32x100000xf32, #tpu.memory_space<vmem>>, vector<32x2500xf32>
    %get3A_48 = arith.constant 0 : index
    %get3A_49 = arith.constant 55000 : index
    %get3A_50 = vector.load %arg3[%get3A_48, %get3A_49] : memref<32x100000xf32, #tpu.memory_space<vmem>>, vector<32x2500xf32>
    %get3A_51 = arith.constant 0 : index
    %get3A_52 = arith.constant 80000 : index
    %get3A_53 = vector.load %arg3[%get3A_51, %get3A_52] : memref<32x100000xf32, #tpu.memory_space<vmem>>, vector<32x2500xf32>
    %concatenate3A_54 = tpu.concatenate %get3A_44, %get3A_47, %get3A_50, %get3A_53 in 0 : vector<32x2500xf32>, vector<32x2500xf32>, vector<32x2500xf32>, vector<32x2500xf32> -> vector<128x2500xf32>
    %dot_general3A_55 = arith.constant dense<0.000000e+00> : vector<2500x128xf32>
    %dot_general3A_56 = tpu.matmul %concatenate3A_54, %convert_element_type3A_1, %dot_general3A_55 {dimension_numbers = #tpu.dot_dimension_numbers<[0], [0], [1], [1], [0, 1, 1, 1], [], []>, transpose_lhs_hint = false} : vector<128x2500xf32>, vector<128x128xf32>, vector<2500x128xf32> -> vector<2500x128xf32>
    %swap3A_57 = arith.constant 5000 : index
    %swap3A_58 = arith.constant 0 : index
    %swap3A_59 = vector.load %arg2[%swap3A_57, %swap3A_58] : memref<25000x128xf32, #tpu.memory_space<vmem>>, vector<2500x128xf32>
    tpu.vector_store %arg2[%swap3A_57, %swap3A_58], %dot_general3A_56 {strides = array<i32>} : memref<25000x128xf32, #tpu.memory_space<vmem>>, vector<2500x128xf32>,
    %get3A_60 = arith.constant 0 : index
    %get3A_61 = arith.constant 7500 : index
    %get3A_62 = vector.load %arg3[%get3A_60, %get3A_61] : memref<32x100000xf32, #tpu.memory_space<vmem>>, vector<32x2500xf32>
    %get3A_63 = arith.constant 0 : index
    %get3A_64 = arith.constant 32500 : index
    %get3A_65 = vector.load %arg3[%get3A_63, %get3A_64] : memref<32x100000xf32, #tpu.memory_space<vmem>>, vector<32x2500xf32>
    %get3A_66 = arith.constant 0 : index
    %get3A_67 = arith.constant 57500 : index
    %get3A_68 = vector.load %arg3[%get3A_66, %get3A_67] : memref<32x100000xf32, #tpu.memory_space<vmem>>, vector<32x2500xf32>
    %get3A_69 = arith.constant 0 : index
    %get3A_70 = arith.constant 82500 : index
    %get3A_71 = vector.load %arg3[%get3A_69, %get3A_70] : memref<32x100000xf32, #tpu.memory_space<vmem>>, vector<32x2500xf32>
    %concatenate3A_72 = tpu.concatenate %get3A_62, %get3A_65, %get3A_68, %get3A_71 in 0 : vector<32x2500xf32>, vector<32x2500xf32>, vector<32x2500xf32>, vector<32x2500xf32> -> vector<128x2500xf32>
    %dot_general3A_73 = arith.constant dense<0.000000e+00> : vector<2500x128xf32>
    %dot_general3A_74 = tpu.matmul %concatenate3A_72, %convert_element_type3A_1, %dot_general3A_73 {dimension_numbers = #tpu.dot_dimension_numbers<[0], [0], [1], [1], [0, 1, 1, 1], [], []>, transpose_lhs_hint = false} : vector<128x2500xf32>, vector<128x128xf32>, vector<2500x128xf32> -> vector<2500x128xf32>
    %swap3A_75 = arith.constant 7500 : index
    %swap3A_76 = arith.constant 0 : index
    %swap3A_77 = vector.load %arg2[%swap3A_75, %swap3A_76] : memref<25000x128xf32, #tpu.memory_space<vmem>>, vector<2500x128xf32>
    tpu.vector_store %arg2[%swap3A_75, %swap3A_76], %dot_general3A_74 {strides = array<i32>} : memref<25000x128xf32, #tpu.memory_space<vmem>>, vector<2500x128xf32>,
    %get3A_78 = arith.constant 0 : index
    %get3A_79 = arith.constant 10000 : index
    %get3A_80 = vector.load %arg3[%get3A_78, %get3A_79] : memref<32x100000xf32, #tpu.memory_space<vmem>>, vector<32x2500xf32>
    %get3A_81 = arith.constant 0 : index
    %get3A_82 = arith.constant 35000 : index
    %get3A_83 = vector.load %arg3[%get3A_81, %get3A_82] : memref<32x100000xf32, #tpu.memory_space<vmem>>, vector<32x2500xf32>
    %get3A_84 = arith.constant 0 : index
    %get3A_85 = arith.constant 60000 : index
    %get3A_86 = vector.load %arg3[%get3A_84, %get3A_85] : memref<32x100000xf32, #tpu.memory_space<vmem>>, vector<32x2500xf32>
    %get3A_87 = arith.constant 0 : index
    %get3A_88 = arith.constant 85000 : index
    %get3A_89 = vector.load %arg3[%get3A_87, %get3A_88] : memref<32x100000xf32, #tpu.memory_space<vmem>>, vector<32x2500xf32>
    %concatenate3A_90 = tpu.concatenate %get3A_80, %get3A_83, %get3A_86, %get3A_89 in 0 : vector<32x2500xf32>, vector<32x2500xf32>, vector<32x2500xf32>, vector<32x2500xf32> -> vector<128x2500xf32>
    %dot_general3A_91 = arith.constant dense<0.000000e+00> : vector<2500x128xf32>
    %dot_general3A_92 = tpu.matmul %concatenate3A_90, %convert_element_type3A_1, %dot_general3A_91 {dimension_numbers = #tpu.dot_dimension_numbers<[0], [0], [1], [1], [0, 1, 1, 1], [], []>, transpose_lhs_hint = false} : vector<128x2500xf32>, vector<128x128xf32>, vector<2500x128xf32> -> vector<2500x128xf32>
    %swap3A_93 = arith.constant 10000 : index
    %swap3A_94 = arith.constant 0 : index
    %swap3A_95 = vector.load %arg2[%swap3A_93, %swap3A_94] : memref<25000x128xf32, #tpu.memory_space<vmem>>, vector<2500x128xf32>
    tpu.vector_store %arg2[%swap3A_93, %swap3A_94], %dot_general3A_92 {strides = array<i32>} : memref<25000x128xf32, #tpu.memory_space<vmem>>, vector<2500x128xf32>,
    %get3A_96 = arith.constant 0 : index
    %get3A_97 = arith.constant 12500 : index
    %get3A_98 = vector.load %arg3[%get3A_96, %get3A_97] : memref<32x100000xf32, #tpu.memory_space<vmem>>, vector<32x2500xf32>
    %get3A_99 = arith.constant 0 : index
    %get3A_100 = arith.constant 37500 : index
    %get3A_101 = vector.load %arg3[%get3A_99, %get3A_100] : memref<32x100000xf32, #tpu.memory_space<vmem>>, vector<32x2500xf32>
    %get3A_102 = arith.constant 0 : index
    %get3A_103 = arith.constant 62500 : index
    %get3A_104 = vector.load %arg3[%get3A_102, %get3A_103] : memref<32x100000xf32, #tpu.memory_space<vmem>>, vector<32x2500xf32>
    %get3A_105 = arith.constant 0 : index
    %get3A_106 = arith.constant 87500 : index
    %get3A_107 = vector.load %arg3[%get3A_105, %get3A_106] : memref<32x100000xf32, #tpu.memory_space<vmem>>, vector<32x2500xf32>
    %concatenate3A_108 = tpu.concatenate %get3A_98, %get3A_101, %get3A_104, %get3A_107 in 0 : vector<32x2500xf32>, vector<32x2500xf32>, vector<32x2500xf32>, vector<32x2500xf32> -> vector<128x2500xf32>
    %dot_general3A_109 = arith.constant dense<0.000000e+00> : vector<2500x128xf32>
    %dot_general3A_110 = tpu.matmul %concatenate3A_108, %convert_element_type3A_1, %dot_general3A_109 {dimension_numbers = #tpu.dot_dimension_numbers<[0], [0], [1], [1], [0, 1, 1, 1], [], []>, transpose_lhs_hint = false} : vector<128x2500xf32>, vector<128x128xf32>, vector<2500x128xf32> -> vector<2500x128xf32>
    %swap3A_111 = arith.constant 12500 : index
    %swap3A_112 = arith.constant 0 : index
    %swap3A_113 = vector.load %arg2[%swap3A_111, %swap3A_112] : memref<25000x128xf32, #tpu.memory_space<vmem>>, vector<2500x128xf32>
    tpu.vector_store %arg2[%swap3A_111, %swap3A_112], %dot_general3A_110 {strides = array<i32>} : memref<25000x128xf32, #tpu.memory_space<vmem>>, vector<2500x128xf32>,
    %get3A_114 = arith.constant 0 : index
    %get3A_115 = arith.constant 15000 : index
    %get3A_116 = vector.load %arg3[%get3A_114, %get3A_115] : memref<32x100000xf32, #tpu.memory_space<vmem>>, vector<32x2500xf32>
    %get3A_117 = arith.constant 0 : index
    %get3A_118 = arith.constant 40000 : index
    %get3A_119 = vector.load %arg3[%get3A_117, %get3A_118] : memref<32x100000xf32, #tpu.memory_space<vmem>>, vector<32x2500xf32>
    %get3A_120 = arith.constant 0 : index
    %get3A_121 = arith.constant 65000 : index
    %get3A_122 = vector.load %arg3[%get3A_120, %get3A_121] : memref<32x100000xf32, #tpu.memory_space<vmem>>, vector<32x2500xf32>
    %get3A_123 = arith.constant 0 : index
    %get3A_124 = arith.constant 90000 : index
    %get3A_125 = vector.load %arg3[%get3A_123, %get3A_124] : memref<32x100000xf32, #tpu.memory_space<vmem>>, vector<32x2500xf32>
    %concatenate3A_126 = tpu.concatenate %get3A_116, %get3A_119, %get3A_122, %get3A_125 in 0 : vector<32x2500xf32>, vector<32x2500xf32>, vector<32x2500xf32>, vector<32x2500xf32> -> vector<128x2500xf32>
    %dot_general3A_127 = arith.constant dense<0.000000e+00> : vector<2500x128xf32>
    %dot_general3A_128 = tpu.matmul %concatenate3A_126, %convert_element_type3A_1, %dot_general3A_127 {dimension_numbers = #tpu.dot_dimension_numbers<[0], [0], [1], [1], [0, 1, 1, 1], [], []>, transpose_lhs_hint = false} : vector<128x2500xf32>, vector<128x128xf32>, vector<2500x128xf32> -> vector<2500x128xf32>
    %swap3A_129 = arith.constant 15000 : index
    %swap3A_130 = arith.constant 0 : index
    %swap3A_131 = vector.load %arg2[%swap3A_129, %swap3A_130] : memref<25000x128xf32, #tpu.memory_space<vmem>>, vector<2500x128xf32>
    tpu.vector_store %arg2[%swap3A_129, %swap3A_130], %dot_general3A_128 {strides = array<i32>} : memref<25000x128xf32, #tpu.memory_space<vmem>>, vector<2500x128xf32>,
    %get3A_132 = arith.constant 0 : index
    %get3A_133 = arith.constant 17500 : index
    %get3A_134 = vector.load %arg3[%get3A_132, %get3A_133] : memref<32x100000xf32, #tpu.memory_space<vmem>>, vector<32x2500xf32>
    %get3A_135 = arith.constant 0 : index
    %get3A_136 = arith.constant 42500 : index
    %get3A_137 = vector.load %arg3[%get3A_135, %get3A_136] : memref<32x100000xf32, #tpu.memory_space<vmem>>, vector<32x2500xf32>
    %get3A_138 = arith.constant 0 : index
    %get3A_139 = arith.constant 67500 : index
    %get3A_140 = vector.load %arg3[%get3A_138, %get3A_139] : memref<32x100000xf32, #tpu.memory_space<vmem>>, vector<32x2500xf32>
    %get3A_141 = arith.constant 0 : index
    %get3A_142 = arith.constant 92500 : index
    %get3A_143 = vector.load %arg3[%get3A_141, %get3A_142] : memref<32x100000xf32, #tpu.memory_space<vmem>>, vector<32x2500xf32>
    %concatenate3A_144 = tpu.concatenate %get3A_134, %get3A_137, %get3A_140, %get3A_143 in 0 : vector<32x2500xf32>, vector<32x2500xf32>, vector<32x2500xf32>, vector<32x2500xf32> -> vector<128x2500xf32>
    %dot_general3A_145 = arith.constant dense<0.000000e+00> : vector<2500x128xf32>
    %dot_general3A_146 = tpu.matmul %concatenate3A_144, %convert_element_type3A_1, %dot_general3A_145 {dimension_numbers = #tpu.dot_dimension_numbers<[0], [0], [1], [1], [0, 1, 1, 1], [], []>, transpose_lhs_hint = false} : vector<128x2500xf32>, vector<128x128xf32>, vector<2500x128xf32> -> vector<2500x128xf32>
    %swap3A_147 = arith.constant 17500 : index
    %swap3A_148 = arith.constant 0 : index
    %swap3A_149 = vector.load %arg2[%swap3A_147, %swap3A_148] : memref<25000x128xf32, #tpu.memory_space<vmem>>, vector<2500x128xf32>
    tpu.vector_store %arg2[%swap3A_147, %swap3A_148], %dot_general3A_146 {strides = array<i32>} : memref<25000x128xf32, #tpu.memory_space<vmem>>, vector<2500x128xf32>,
    %get3A_150 = arith.constant 0 : index
    %get3A_151 = arith.constant 20000 : index
    %get3A_152 = vector.load %arg3[%get3A_150, %get3A_151] : memref<32x100000xf32, #tpu.memory_space<vmem>>, vector<32x2500xf32>
    %get3A_153 = arith.constant 0 : index
    %get3A_154 = arith.constant 45000 : index
    %get3A_155 = vector.load %arg3[%get3A_153, %get3A_154] : memref<32x100000xf32, #tpu.memory_space<vmem>>, vector<32x2500xf32>
    %get3A_156 = arith.constant 0 : index
    %get3A_157 = arith.constant 70000 : index
    %get3A_158 = vector.load %arg3[%get3A_156, %get3A_157] : memref<32x100000xf32, #tpu.memory_space<vmem>>, vector<32x2500xf32>
    %get3A_159 = arith.constant 0 : index
    %get3A_160 = arith.constant 95000 : index
    %get3A_161 = vector.load %arg3[%get3A_159, %get3A_160] : memref<32x100000xf32, #tpu.memory_space<vmem>>, vector<32x2500xf32>
    %concatenate3A_162 = tpu.concatenate %get3A_152, %get3A_155, %get3A_158, %get3A_161 in 0 : vector<32x2500xf32>, vector<32x2500xf32>, vector<32x2500xf32>, vector<32x2500xf32> -> vector<128x2500xf32>
    %dot_general3A_163 = arith.constant dense<0.000000e+00> : vector<2500x128xf32>
    %dot_general3A_164 = tpu.matmul %concatenate3A_162, %convert_element_type3A_1, %dot_general3A_163 {dimension_numbers = #tpu.dot_dimension_numbers<[0], [0], [1], [1], [0, 1, 1, 1], [], []>, transpose_lhs_hint = false} : vector<128x2500xf32>, vector<128x128xf32>, vector<2500x128xf32> -> vector<2500x128xf32>
    %swap3A_165 = arith.constant 20000 : index
    %swap3A_166 = arith.constant 0 : index
    %swap3A_167 = vector.load %arg2[%swap3A_165, %swap3A_166] : memref<25000x128xf32, #tpu.memory_space<vmem>>, vector<2500x128xf32>
    tpu.vector_store %arg2[%swap3A_165, %swap3A_166], %dot_general3A_164 {strides = array<i32>} : memref<25000x128xf32, #tpu.memory_space<vmem>>, vector<2500x128xf32>,
    %get3A_168 = arith.constant 0 : index
    %get3A_169 = arith.constant 22500 : index
    %get3A_170 = vector.load %arg3[%get3A_168, %get3A_169] : memref<32x100000xf32, #tpu.memory_space<vmem>>, vector<32x2500xf32>
    %get3A_171 = arith.constant 0 : index
    %get3A_172 = arith.constant 47500 : index
    %get3A_173 = vector.load %arg3[%get3A_171, %get3A_172] : memref<32x100000xf32, #tpu.memory_space<vmem>>, vector<32x2500xf32>
    %get3A_174 = arith.constant 0 : index
    %get3A_175 = arith.constant 72500 : index
    %get3A_176 = vector.load %arg3[%get3A_174, %get3A_175] : memref<32x100000xf32, #tpu.memory_space<vmem>>, vector<32x2500xf32>
    %get3A_177 = arith.constant 0 : index
    %get3A_178 = arith.constant 97500 : index
    %get3A_179 = vector.load %arg3[%get3A_177, %get3A_178] : memref<32x100000xf32, #tpu.memory_space<vmem>>, vector<32x2500xf32>
    %concatenate3A_180 = tpu.concatenate %get3A_170, %get3A_173, %get3A_176, %get3A_179 in 0 : vector<32x2500xf32>, vector<32x2500xf32>, vector<32x2500xf32>, vector<32x2500xf32> -> vector<128x2500xf32>
    %dot_general3A_181 = arith.constant dense<0.000000e+00> : vector<2500x128xf32>
    %dot_general3A_182 = tpu.matmul %concatenate3A_180, %convert_element_type3A_1, %dot_general3A_181 {dimension_numbers = #tpu.dot_dimension_numbers<[0], [0], [1], [1], [0, 1, 1, 1], [], []>, transpose_lhs_hint = false} : vector<128x2500xf32>, vector<128x128xf32>, vector<2500x128xf32> -> vector<2500x128xf32>
    %swap3A_183 = arith.constant 22500 : index
    %swap3A_184 = arith.constant 0 : index
    %swap3A_185 = vector.load %arg2[%swap3A_183, %swap3A_184] : memref<25000x128xf32, #tpu.memory_space<vmem>>, vector<2500x128xf32>
    tpu.vector_store %arg2[%swap3A_183, %swap3A_184], %dot_general3A_182 {strides = array<i32>} : memref<25000x128xf32, #tpu.memory_space<vmem>>, vector<2500x128xf32>,
    return
  }
  func.func @transform_1(%arg0: i32) -> (i32, i32) {
    %c0_i32 = arith.constant 0 : i32
    %c0_i32_0 = arith.constant 0 : i32
    %c0_i32_1 = arith.constant 0 : i32
    return %c0_i32, %c0_i32_0 : i32, i32
  }
}

module attributes {stable_mosaic.version = 14 : i64} {
  func.func @_repack_body(%arg0: i32, %arg1: memref<2x32x100000xf32, #tpu.memory_space<hbm>>, %arg2: memref<25000x128xf32, #tpu.memory_space<vmem>>, %arg3: memref<32x100000xf32, #tpu.memory_space<vmem>>, %arg4: memref<!tpu.dma_semaphore, #tpu.memory_space<semaphore_mem>>) attributes {dimension_semantics = [#tpu.dimension_semantics<arbitrary>], iteration_bounds = array<i64: 1>, scalar_prefetch = 0 : i64, scratch_operands = 2 : i64, tpu.core_type = #tpu.core_type<tc>, window_params = [{}, {transform_indices = @transform_1, window_bounds = array<i64: 25000, 128>}]} {
    %iota3A = tpu.iota {dimensions = array<i32: 0>} : vector<128x128xi32>
    %iota3A_0 = tpu.iota {dimensions = array<i32: 1>} : vector<128x128xi32>
    %eq3A = arith.cmpi eq, %iota3A, %iota3A_0 : vector<128x128xi32>
    %convert_element_type3A = arith.extui %eq3A : vector<128x128xi1> to vector<128x128xi32>
    %convert_element_type3A_1 = arith.sitofp %convert_element_type3A : vector<128x128xi32> to vector<128x128xf32>
    %dma_start3A = arith.constant 0 : i32
    %dma_start3A_2 = arith.constant 0 : i32
    %dma_start3A_3 = arith.constant 0 : i32
    %dma_start3A_4 = tpu.memref_slice %arg1[%dma_start3A, %dma_start3A_2, %dma_start3A_3] : memref<2x32x100000xf32, #tpu.memory_space<hbm>> -> memref<1x32x100000xf32, #tpu.memory_space<hbm>>
    %dma_start3A_5 = tpu.memref_squeeze %dma_start3A_4 : memref<1x32x100000xf32, #tpu.memory_space<hbm>> -> memref<32x100000xf32, #tpu.memory_space<hbm>>
    tpu.enqueue_dma source(%dma_start3A_5 : memref<32x100000xf32, #tpu.memory_space<hbm>>) target(%arg3 : memref<32x100000xf32, #tpu.memory_space<vmem>>) target_semaphore(%arg4 : memref<!tpu.dma_semaphore, #tpu.memory_space<semaphore_mem>>)
    %dma_wait3A = arith.constant 0 : i32
    %dma_wait3A_6 = arith.constant 0 : i32
    %dma_wait3A_7 = arith.constant 0 : i32
    %dma_wait3A_8 = tpu.memref_slice %arg1[%dma_wait3A, %dma_wait3A_6, %dma_wait3A_7] : memref<2x32x100000xf32, #tpu.memory_space<hbm>> -> memref<1x32x100000xf32, #tpu.memory_space<hbm>>
    %dma_wait3A_9 = tpu.memref_squeeze %dma_wait3A_8 : memref<1x32x100000xf32, #tpu.memory_space<hbm>> -> memref<32x100000xf32, #tpu.memory_space<hbm>>
    tpu.wait_dma2 semaphore(%arg4 : memref<!tpu.dma_semaphore, #tpu.memory_space<semaphore_mem>>) src(%dma_wait3A_9 : memref<32x100000xf32, #tpu.memory_space<hbm>>) dst(%arg3 : memref<32x100000xf32, #tpu.memory_space<vmem>>)
    %get3A = arith.constant 0 : index
    %get3A_10 = arith.constant 0 : index
    %get3A_11 = vector.load %arg3[%get3A, %get3A_10] : memref<32x100000xf32, #tpu.memory_space<vmem>>, vector<32x2500xf32>
    %get3A_12 = arith.constant 0 : index
    %get3A_13 = arith.constant 25000 : index
    %get3A_14 = vector.load %arg3[%get3A_12, %get3A_13] : memref<32x100000xf32, #tpu.memory_space<vmem>>, vector<32x2500xf32>
    %get3A_15 = arith.constant 0 : index
    %get3A_16 = arith.constant 50000 : index
    %get3A_17 = vector.load %arg3[%get3A_15, %get3A_16] : memref<32x100000xf32, #tpu.memory_space<vmem>>, vector<32x2500xf32>
    %get3A_18 = arith.constant 0 : index
    %get3A_19 = arith.constant 75000 : index
    %get3A_20 = vector.load %arg3[%get3A_18, %get3A_19] : memref<32x100000xf32, #tpu.memory_space<vmem>>, vector<32x2500xf32>
    %concatenate3A = tpu.concatenate %get3A_11, %get3A_14, %get3A_17, %get3A_20 in 0 : vector<32x2500xf32>, vector<32x2500xf32>, vector<32x2500xf32>, vector<32x2500xf32> -> vector<128x2500xf32>
    %dot_general3A = arith.constant dense<0.000000e+00> : vector<2500x128xf32>
    %dot_general3A_21 = tpu.matmul %concatenate3A, %convert_element_type3A_1, %dot_general3A {dimension_numbers = #tpu.dot_dimension_numbers<[0], [0], [1], [1], [0, 1, 1, 1], [], []>, transpose_lhs_hint = false} : vector<128x2500xf32>, vector<128x128xf32>, vector<2500x128xf32> -> vector<2500x128xf32>
    %swap3A = arith.constant 0 : index
    %swap3A_22 = arith.constant 0 : index
    %swap3A_23 = vector.load %arg2[%swap3A, %swap3A_22] : memref<25000x128xf32, #tpu.memory_space<vmem>>, vector<2500x128xf32>
    tpu.vector_store %arg2[%swap3A, %swap3A_22], %dot_general3A_21 {strides = array<i32>} : memref<25000x128xf32, #tpu.memory_space<vmem>>, vector<2500x128xf32>,
    %get3A_24 = arith.constant 0 : index
    %get3A_25 = arith.constant 2500 : index
    %get3A_26 = vector.load %arg3[%get3A_24, %get3A_25] : memref<32x100000xf32, #tpu.memory_space<vmem>>, vector<32x2500xf32>
    %get3A_27 = arith.constant 0 : index
    %get3A_28 = arith.constant 27500 : index
    %get3A_29 = vector.load %arg3[%get3A_27, %get3A_28] : memref<32x100000xf32, #tpu.memory_space<vmem>>, vector<32x2500xf32>
    %get3A_30 = arith.constant 0 : index
    %get3A_31 = arith.constant 52500 : index
    %get3A_32 = vector.load %arg3[%get3A_30, %get3A_31] : memref<32x100000xf32, #tpu.memory_space<vmem>>, vector<32x2500xf32>
    %get3A_33 = arith.constant 0 : index
    %get3A_34 = arith.constant 77500 : index
    %get3A_35 = vector.load %arg3[%get3A_33, %get3A_34] : memref<32x100000xf32, #tpu.memory_space<vmem>>, vector<32x2500xf32>
    %concatenate3A_36 = tpu.concatenate %get3A_26, %get3A_29, %get3A_32, %get3A_35 in 0 : vector<32x2500xf32>, vector<32x2500xf32>, vector<32x2500xf32>, vector<32x2500xf32> -> vector<128x2500xf32>
    %dot_general3A_37 = arith.constant dense<0.000000e+00> : vector<2500x128xf32>
    %dot_general3A_38 = tpu.matmul %concatenate3A_36, %convert_element_type3A_1, %dot_general3A_37 {dimension_numbers = #tpu.dot_dimension_numbers<[0], [0], [1], [1], [0, 1, 1, 1], [], []>, transpose_lhs_hint = false} : vector<128x2500xf32>, vector<128x128xf32>, vector<2500x128xf32> -> vector<2500x128xf32>
    %swap3A_39 = arith.constant 2500 : index
    %swap3A_40 = arith.constant 0 : index
    %swap3A_41 = vector.load %arg2[%swap3A_39, %swap3A_40] : memref<25000x128xf32, #tpu.memory_space<vmem>>, vector<2500x128xf32>
    tpu.vector_store %arg2[%swap3A_39, %swap3A_40], %dot_general3A_38 {strides = array<i32>} : memref<25000x128xf32, #tpu.memory_space<vmem>>, vector<2500x128xf32>,
    %get3A_42 = arith.constant 0 : index
    %get3A_43 = arith.constant 5000 : index
    %get3A_44 = vector.load %arg3[%get3A_42, %get3A_43] : memref<32x100000xf32, #tpu.memory_space<vmem>>, vector<32x2500xf32>
    %get3A_45 = arith.constant 0 : index
    %get3A_46 = arith.constant 30000 : index
    %get3A_47 = vector.load %arg3[%get3A_45, %get3A_46] : memref<32x100000xf32, #tpu.memory_space<vmem>>, vector<32x2500xf32>
    %get3A_48 = arith.constant 0 : index
    %get3A_49 = arith.constant 55000 : index
    %get3A_50 = vector.load %arg3[%get3A_48, %get3A_49] : memref<32x100000xf32, #tpu.memory_space<vmem>>, vector<32x2500xf32>
    %get3A_51 = arith.constant 0 : index
    %get3A_52 = arith.constant 80000 : index
    %get3A_53 = vector.load %arg3[%get3A_51, %get3A_52] : memref<32x100000xf32, #tpu.memory_space<vmem>>, vector<32x2500xf32>
    %concatenate3A_54 = tpu.concatenate %get3A_44, %get3A_47, %get3A_50, %get3A_53 in 0 : vector<32x2500xf32>, vector<32x2500xf32>, vector<32x2500xf32>, vector<32x2500xf32> -> vector<128x2500xf32>
    %dot_general3A_55 = arith.constant dense<0.000000e+00> : vector<2500x128xf32>
    %dot_general3A_56 = tpu.matmul %concatenate3A_54, %convert_element_type3A_1, %dot_general3A_55 {dimension_numbers = #tpu.dot_dimension_numbers<[0], [0], [1], [1], [0, 1, 1, 1], [], []>, transpose_lhs_hint = false} : vector<128x2500xf32>, vector<128x128xf32>, vector<2500x128xf32> -> vector<2500x128xf32>
    %swap3A_57 = arith.constant 5000 : index
    %swap3A_58 = arith.constant 0 : index
    %swap3A_59 = vector.load %arg2[%swap3A_57, %swap3A_58] : memref<25000x128xf32, #tpu.memory_space<vmem>>, vector<2500x128xf32>
    tpu.vector_store %arg2[%swap3A_57, %swap3A_58], %dot_general3A_56 {strides = array<i32>} : memref<25000x128xf32, #tpu.memory_space<vmem>>, vector<2500x128xf32>,
    %get3A_60 = arith.constant 0 : index
    %get3A_61 = arith.constant 7500 : index
    %get3A_62 = vector.load %arg3[%get3A_60, %get3A_61] : memref<32x100000xf32, #tpu.memory_space<vmem>>, vector<32x2500xf32>
    %get3A_63 = arith.constant 0 : index
    %get3A_64 = arith.constant 32500 : index
    %get3A_65 = vector.load %arg3[%get3A_63, %get3A_64] : memref<32x100000xf32, #tpu.memory_space<vmem>>, vector<32x2500xf32>
    %get3A_66 = arith.constant 0 : index
    %get3A_67 = arith.constant 57500 : index
    %get3A_68 = vector.load %arg3[%get3A_66, %get3A_67] : memref<32x100000xf32, #tpu.memory_space<vmem>>, vector<32x2500xf32>
    %get3A_69 = arith.constant 0 : index
    %get3A_70 = arith.constant 82500 : index
    %get3A_71 = vector.load %arg3[%get3A_69, %get3A_70] : memref<32x100000xf32, #tpu.memory_space<vmem>>, vector<32x2500xf32>
    %concatenate3A_72 = tpu.concatenate %get3A_62, %get3A_65, %get3A_68, %get3A_71 in 0 : vector<32x2500xf32>, vector<32x2500xf32>, vector<32x2500xf32>, vector<32x2500xf32> -> vector<128x2500xf32>
    %dot_general3A_73 = arith.constant dense<0.000000e+00> : vector<2500x128xf32>
    %dot_general3A_74 = tpu.matmul %concatenate3A_72, %convert_element_type3A_1, %dot_general3A_73 {dimension_numbers = #tpu.dot_dimension_numbers<[0], [0], [1], [1], [0, 1, 1, 1], [], []>, transpose_lhs_hint = false} : vector<128x2500xf32>, vector<128x128xf32>, vector<2500x128xf32> -> vector<2500x128xf32>
    %swap3A_75 = arith.constant 7500 : index
    %swap3A_76 = arith.constant 0 : index
    %swap3A_77 = vector.load %arg2[%swap3A_75, %swap3A_76] : memref<25000x128xf32, #tpu.memory_space<vmem>>, vector<2500x128xf32>
    tpu.vector_store %arg2[%swap3A_75, %swap3A_76], %dot_general3A_74 {strides = array<i32>} : memref<25000x128xf32, #tpu.memory_space<vmem>>, vector<2500x128xf32>,
    %get3A_78 = arith.constant 0 : index
    %get3A_79 = arith.constant 10000 : index
    %get3A_80 = vector.load %arg3[%get3A_78, %get3A_79] : memref<32x100000xf32, #tpu.memory_space<vmem>>, vector<32x2500xf32>
    %get3A_81 = arith.constant 0 : index
    %get3A_82 = arith.constant 35000 : index
    %get3A_83 = vector.load %arg3[%get3A_81, %get3A_82] : memref<32x100000xf32, #tpu.memory_space<vmem>>, vector<32x2500xf32>
    %get3A_84 = arith.constant 0 : index
    %get3A_85 = arith.constant 60000 : index
    %get3A_86 = vector.load %arg3[%get3A_84, %get3A_85] : memref<32x100000xf32, #tpu.memory_space<vmem>>, vector<32x2500xf32>
    %get3A_87 = arith.constant 0 : index
    %get3A_88 = arith.constant 85000 : index
    %get3A_89 = vector.load %arg3[%get3A_87, %get3A_88] : memref<32x100000xf32, #tpu.memory_space<vmem>>, vector<32x2500xf32>
    %concatenate3A_90 = tpu.concatenate %get3A_80, %get3A_83, %get3A_86, %get3A_89 in 0 : vector<32x2500xf32>, vector<32x2500xf32>, vector<32x2500xf32>, vector<32x2500xf32> -> vector<128x2500xf32>
    %dot_general3A_91 = arith.constant dense<0.000000e+00> : vector<2500x128xf32>
    %dot_general3A_92 = tpu.matmul %concatenate3A_90, %convert_element_type3A_1, %dot_general3A_91 {dimension_numbers = #tpu.dot_dimension_numbers<[0], [0], [1], [1], [0, 1, 1, 1], [], []>, transpose_lhs_hint = false} : vector<128x2500xf32>, vector<128x128xf32>, vector<2500x128xf32> -> vector<2500x128xf32>
    %swap3A_93 = arith.constant 10000 : index
    %swap3A_94 = arith.constant 0 : index
    %swap3A_95 = vector.load %arg2[%swap3A_93, %swap3A_94] : memref<25000x128xf32, #tpu.memory_space<vmem>>, vector<2500x128xf32>
    tpu.vector_store %arg2[%swap3A_93, %swap3A_94], %dot_general3A_92 {strides = array<i32>} : memref<25000x128xf32, #tpu.memory_space<vmem>>, vector<2500x128xf32>,
    %get3A_96 = arith.constant 0 : index
    %get3A_97 = arith.constant 12500 : index
    %get3A_98 = vector.load %arg3[%get3A_96, %get3A_97] : memref<32x100000xf32, #tpu.memory_space<vmem>>, vector<32x2500xf32>
    %get3A_99 = arith.constant 0 : index
    %get3A_100 = arith.constant 37500 : index
    %get3A_101 = vector.load %arg3[%get3A_99, %get3A_100] : memref<32x100000xf32, #tpu.memory_space<vmem>>, vector<32x2500xf32>
    %get3A_102 = arith.constant 0 : index
    %get3A_103 = arith.constant 62500 : index
    %get3A_104 = vector.load %arg3[%get3A_102, %get3A_103] : memref<32x100000xf32, #tpu.memory_space<vmem>>, vector<32x2500xf32>
    %get3A_105 = arith.constant 0 : index
    %get3A_106 = arith.constant 87500 : index
    %get3A_107 = vector.load %arg3[%get3A_105, %get3A_106] : memref<32x100000xf32, #tpu.memory_space<vmem>>, vector<32x2500xf32>
    %concatenate3A_108 = tpu.concatenate %get3A_98, %get3A_101, %get3A_104, %get3A_107 in 0 : vector<32x2500xf32>, vector<32x2500xf32>, vector<32x2500xf32>, vector<32x2500xf32> -> vector<128x2500xf32>
    %dot_general3A_109 = arith.constant dense<0.000000e+00> : vector<2500x128xf32>
    %dot_general3A_110 = tpu.matmul %concatenate3A_108, %convert_element_type3A_1, %dot_general3A_109 {dimension_numbers = #tpu.dot_dimension_numbers<[0], [0], [1], [1], [0, 1, 1, 1], [], []>, transpose_lhs_hint = false} : vector<128x2500xf32>, vector<128x128xf32>, vector<2500x128xf32> -> vector<2500x128xf32>
    %swap3A_111 = arith.constant 12500 : index
    %swap3A_112 = arith.constant 0 : index
    %swap3A_113 = vector.load %arg2[%swap3A_111, %swap3A_112] : memref<25000x128xf32, #tpu.memory_space<vmem>>, vector<2500x128xf32>
    tpu.vector_store %arg2[%swap3A_111, %swap3A_112], %dot_general3A_110 {strides = array<i32>} : memref<25000x128xf32, #tpu.memory_space<vmem>>, vector<2500x128xf32>,
    %get3A_114 = arith.constant 0 : index
    %get3A_115 = arith.constant 15000 : index
    %get3A_116 = vector.load %arg3[%get3A_114, %get3A_115] : memref<32x100000xf32, #tpu.memory_space<vmem>>, vector<32x2500xf32>
    %get3A_117 = arith.constant 0 : index
    %get3A_118 = arith.constant 40000 : index
    %get3A_119 = vector.load %arg3[%get3A_117, %get3A_118] : memref<32x100000xf32, #tpu.memory_space<vmem>>, vector<32x2500xf32>
    %get3A_120 = arith.constant 0 : index
    %get3A_121 = arith.constant 65000 : index
    %get3A_122 = vector.load %arg3[%get3A_120, %get3A_121] : memref<32x100000xf32, #tpu.memory_space<vmem>>, vector<32x2500xf32>
    %get3A_123 = arith.constant 0 : index
    %get3A_124 = arith.constant 90000 : index
    %get3A_125 = vector.load %arg3[%get3A_123, %get3A_124] : memref<32x100000xf32, #tpu.memory_space<vmem>>, vector<32x2500xf32>
    %concatenate3A_126 = tpu.concatenate %get3A_116, %get3A_119, %get3A_122, %get3A_125 in 0 : vector<32x2500xf32>, vector<32x2500xf32>, vector<32x2500xf32>, vector<32x2500xf32> -> vector<128x2500xf32>
    %dot_general3A_127 = arith.constant dense<0.000000e+00> : vector<2500x128xf32>
    %dot_general3A_128 = tpu.matmul %concatenate3A_126, %convert_element_type3A_1, %dot_general3A_127 {dimension_numbers = #tpu.dot_dimension_numbers<[0], [0], [1], [1], [0, 1, 1, 1], [], []>, transpose_lhs_hint = false} : vector<128x2500xf32>, vector<128x128xf32>, vector<2500x128xf32> -> vector<2500x128xf32>
    %swap3A_129 = arith.constant 15000 : index
    %swap3A_130 = arith.constant 0 : index
    %swap3A_131 = vector.load %arg2[%swap3A_129, %swap3A_130] : memref<25000x128xf32, #tpu.memory_space<vmem>>, vector<2500x128xf32>
    tpu.vector_store %arg2[%swap3A_129, %swap3A_130], %dot_general3A_128 {strides = array<i32>} : memref<25000x128xf32, #tpu.memory_space<vmem>>, vector<2500x128xf32>,
    %get3A_132 = arith.constant 0 : index
    %get3A_133 = arith.constant 17500 : index
    %get3A_134 = vector.load %arg3[%get3A_132, %get3A_133] : memref<32x100000xf32, #tpu.memory_space<vmem>>, vector<32x2500xf32>
    %get3A_135 = arith.constant 0 : index
    %get3A_136 = arith.constant 42500 : index
    %get3A_137 = vector.load %arg3[%get3A_135, %get3A_136] : memref<32x100000xf32, #tpu.memory_space<vmem>>, vector<32x2500xf32>
    %get3A_138 = arith.constant 0 : index
    %get3A_139 = arith.constant 67500 : index
    %get3A_140 = vector.load %arg3[%get3A_138, %get3A_139] : memref<32x100000xf32, #tpu.memory_space<vmem>>, vector<32x2500xf32>
    %get3A_141 = arith.constant 0 : index
    %get3A_142 = arith.constant 92500 : index
    %get3A_143 = vector.load %arg3[%get3A_141, %get3A_142] : memref<32x100000xf32, #tpu.memory_space<vmem>>, vector<32x2500xf32>
    %concatenate3A_144 = tpu.concatenate %get3A_134, %get3A_137, %get3A_140, %get3A_143 in 0 : vector<32x2500xf32>, vector<32x2500xf32>, vector<32x2500xf32>, vector<32x2500xf32> -> vector<128x2500xf32>
    %dot_general3A_145 = arith.constant dense<0.000000e+00> : vector<2500x128xf32>
    %dot_general3A_146 = tpu.matmul %concatenate3A_144, %convert_element_type3A_1, %dot_general3A_145 {dimension_numbers = #tpu.dot_dimension_numbers<[0], [0], [1], [1], [0, 1, 1, 1], [], []>, transpose_lhs_hint = false} : vector<128x2500xf32>, vector<128x128xf32>, vector<2500x128xf32> -> vector<2500x128xf32>
    %swap3A_147 = arith.constant 17500 : index
    %swap3A_148 = arith.constant 0 : index
    %swap3A_149 = vector.load %arg2[%swap3A_147, %swap3A_148] : memref<25000x128xf32, #tpu.memory_space<vmem>>, vector<2500x128xf32>
    tpu.vector_store %arg2[%swap3A_147, %swap3A_148], %dot_general3A_146 {strides = array<i32>} : memref<25000x128xf32, #tpu.memory_space<vmem>>, vector<2500x128xf32>,
    %get3A_150 = arith.constant 0 : index
    %get3A_151 = arith.constant 20000 : index
    %get3A_152 = vector.load %arg3[%get3A_150, %get3A_151] : memref<32x100000xf32, #tpu.memory_space<vmem>>, vector<32x2500xf32>
    %get3A_153 = arith.constant 0 : index
    %get3A_154 = arith.constant 45000 : index
    %get3A_155 = vector.load %arg3[%get3A_153, %get3A_154] : memref<32x100000xf32, #tpu.memory_space<vmem>>, vector<32x2500xf32>
    %get3A_156 = arith.constant 0 : index
    %get3A_157 = arith.constant 70000 : index
    %get3A_158 = vector.load %arg3[%get3A_156, %get3A_157] : memref<32x100000xf32, #tpu.memory_space<vmem>>, vector<32x2500xf32>
    %get3A_159 = arith.constant 0 : index
    %get3A_160 = arith.constant 95000 : index
    %get3A_161 = vector.load %arg3[%get3A_159, %get3A_160] : memref<32x100000xf32, #tpu.memory_space<vmem>>, vector<32x2500xf32>
    %concatenate3A_162 = tpu.concatenate %get3A_152, %get3A_155, %get3A_158, %get3A_161 in 0 : vector<32x2500xf32>, vector<32x2500xf32>, vector<32x2500xf32>, vector<32x2500xf32> -> vector<128x2500xf32>
    %dot_general3A_163 = arith.constant dense<0.000000e+00> : vector<2500x128xf32>
    %dot_general3A_164 = tpu.matmul %concatenate3A_162, %convert_element_type3A_1, %dot_general3A_163 {dimension_numbers = #tpu.dot_dimension_numbers<[0], [0], [1], [1], [0, 1, 1, 1], [], []>, transpose_lhs_hint = false} : vector<128x2500xf32>, vector<128x128xf32>, vector<2500x128xf32> -> vector<2500x128xf32>
    %swap3A_165 = arith.constant 20000 : index
    %swap3A_166 = arith.constant 0 : index
    %swap3A_167 = vector.load %arg2[%swap3A_165, %swap3A_166] : memref<25000x128xf32, #tpu.memory_space<vmem>>, vector<2500x128xf32>
    tpu.vector_store %arg2[%swap3A_165, %swap3A_166], %dot_general3A_164 {strides = array<i32>} : memref<25000x128xf32, #tpu.memory_space<vmem>>, vector<2500x128xf32>,
    %get3A_168 = arith.constant 0 : index
    %get3A_169 = arith.constant 22500 : index
    %get3A_170 = vector.load %arg3[%get3A_168, %get3A_169] : memref<32x100000xf32, #tpu.memory_space<vmem>>, vector<32x2500xf32>
    %get3A_171 = arith.constant 0 : index
    %get3A_172 = arith.constant 47500 : index
    %get3A_173 = vector.load %arg3[%get3A_171, %get3A_172] : memref<32x100000xf32, #tpu.memory_space<vmem>>, vector<32x2500xf32>
    %get3A_174 = arith.constant 0 : index
    %get3A_175 = arith.constant 72500 : index
    %get3A_176 = vector.load %arg3[%get3A_174, %get3A_175] : memref<32x100000xf32, #tpu.memory_space<vmem>>, vector<32x2500xf32>
    %get3A_177 = arith.constant 0 : index
    %get3A_178 = arith.constant 97500 : index
    %get3A_179 = vector.load %arg3[%get3A_177, %get3A_178] : memref<32x100000xf32, #tpu.memory_space<vmem>>, vector<32x2500xf32>
    %concatenate3A_180 = tpu.concatenate %get3A_170, %get3A_173, %get3A_176, %get3A_179 in 0 : vector<32x2500xf32>, vector<32x2500xf32>, vector<32x2500xf32>, vector<32x2500xf32> -> vector<128x2500xf32>
    %dot_general3A_181 = arith.constant dense<0.000000e+00> : vector<2500x128xf32>
    %dot_general3A_182 = tpu.matmul %concatenate3A_180, %convert_element_type3A_1, %dot_general3A_181 {dimension_numbers = #tpu.dot_dimension_numbers<[0], [0], [1], [1], [0, 1, 1, 1], [], []>, transpose_lhs_hint = false} : vector<128x2500xf32>, vector<128x128xf32>, vector<2500x128xf32> -> vector<2500x128xf32>
    %swap3A_183 = arith.constant 22500 : index
    %swap3A_184 = arith.constant 0 : index
    %swap3A_185 = vector.load %arg2[%swap3A_183, %swap3A_184] : memref<25000x128xf32, #tpu.memory_space<vmem>>, vector<2500x128xf32>
    tpu.vector_store %arg2[%swap3A_183, %swap3A_184], %dot_general3A_182 {strides = array<i32>} : memref<25000x128xf32, #tpu.memory_space<vmem>>, vector<2500x128xf32>,
    return
  }
  func.func @transform_1(%arg0: i32) -> (i32, i32) {
    %c0_i32 = arith.constant 0 : i32
    %c0_i32_0 = arith.constant 0 : i32
    %c0_i32_1 = arith.constant 0 : i32
    return %c0_i32, %c0_i32_0 : i32, i32
  }
}

module attributes {stable_mosaic.version = 14 : i64} {
  func.func @_repack_body(%arg0: i32, %arg1: memref<2x32x100000xf32, #tpu.memory_space<hbm>>, %arg2: memref<50000x128xf32, #tpu.memory_space<hbm>>, %arg3: memref<25000x128xf32, #tpu.memory_space<vmem>>, %arg4: memref<32x100000xf32, #tpu.memory_space<vmem>>, %arg5: memref<!tpu.dma_semaphore, #tpu.memory_space<semaphore_mem>>) attributes {dimension_semantics = [#tpu.dimension_semantics<arbitrary>], iteration_bounds = array<i64: 1>, scalar_prefetch = 0 : i64, scratch_operands = 2 : i64, tpu.core_type = #tpu.core_type<tc>, window_params = [{}, {}, {transform_indices = @transform_2, window_bounds = array<i64: 25000, 128>}]} {
    %iota3A = tpu.iota {dimensions = array<i32: 0>} : vector<128x128xi32>
    %iota3A_0 = tpu.iota {dimensions = array<i32: 1>} : vector<128x128xi32>
    %eq3A = arith.cmpi eq, %iota3A, %iota3A_0 : vector<128x128xi32>
    %convert_element_type3A = arith.extui %eq3A : vector<128x128xi1> to vector<128x128xi32>
    %convert_element_type3A_1 = arith.sitofp %convert_element_type3A : vector<128x128xi32> to vector<128x128xf32>
    %dma_start3A = arith.constant 1 : i32
    %dma_start3A_2 = arith.constant 0 : i32
    %dma_start3A_3 = arith.constant 0 : i32
    %dma_start3A_4 = tpu.memref_slice %arg1[%dma_start3A, %dma_start3A_2, %dma_start3A_3] : memref<2x32x100000xf32, #tpu.memory_space<hbm>> -> memref<1x32x100000xf32, #tpu.memory_space<hbm>>
    %dma_start3A_5 = tpu.memref_squeeze %dma_start3A_4 : memref<1x32x100000xf32, #tpu.memory_space<hbm>> -> memref<32x100000xf32, #tpu.memory_space<hbm>>
    tpu.enqueue_dma source(%dma_start3A_5 : memref<32x100000xf32, #tpu.memory_space<hbm>>) target(%arg4 : memref<32x100000xf32, #tpu.memory_space<vmem>>) target_semaphore(%arg5 : memref<!tpu.dma_semaphore, #tpu.memory_space<semaphore_mem>>)
    %dma_wait3A = arith.constant 1 : i32
    %dma_wait3A_6 = arith.constant 0 : i32
    %dma_wait3A_7 = arith.constant 0 : i32
    %dma_wait3A_8 = tpu.memref_slice %arg1[%dma_wait3A, %dma_wait3A_6, %dma_wait3A_7] : memref<2x32x100000xf32, #tpu.memory_space<hbm>> -> memref<1x32x100000xf32, #tpu.memory_space<hbm>>
    %dma_wait3A_9 = tpu.memref_squeeze %dma_wait3A_8 : memref<1x32x100000xf32, #tpu.memory_space<hbm>> -> memref<32x100000xf32, #tpu.memory_space<hbm>>
    tpu.wait_dma2 semaphore(%arg5 : memref<!tpu.dma_semaphore, #tpu.memory_space<semaphore_mem>>) src(%dma_wait3A_9 : memref<32x100000xf32, #tpu.memory_space<hbm>>) dst(%arg4 : memref<32x100000xf32, #tpu.memory_space<vmem>>)
    %get3A = arith.constant 0 : index
    %get3A_10 = arith.constant 0 : index
    %get3A_11 = vector.load %arg4[%get3A, %get3A_10] : memref<32x100000xf32, #tpu.memory_space<vmem>>, vector<32x2500xf32>
    %get3A_12 = arith.constant 0 : index
    %get3A_13 = arith.constant 25000 : index
    %get3A_14 = vector.load %arg4[%get3A_12, %get3A_13] : memref<32x100000xf32, #tpu.memory_space<vmem>>, vector<32x2500xf32>
    %get3A_15 = arith.constant 0 : index
    %get3A_16 = arith.constant 50000 : index
    %get3A_17 = vector.load %arg4[%get3A_15, %get3A_16] : memref<32x100000xf32, #tpu.memory_space<vmem>>, vector<32x2500xf32>
    %get3A_18 = arith.constant 0 : index
    %get3A_19 = arith.constant 75000 : index
    %get3A_20 = vector.load %arg4[%get3A_18, %get3A_19] : memref<32x100000xf32, #tpu.memory_space<vmem>>, vector<32x2500xf32>
    %concatenate3A = tpu.concatenate %get3A_11, %get3A_14, %get3A_17, %get3A_20 in 0 : vector<32x2500xf32>, vector<32x2500xf32>, vector<32x2500xf32>, vector<32x2500xf32> -> vector<128x2500xf32>
    %dot_general3A = arith.constant dense<0.000000e+00> : vector<2500x128xf32>
    %dot_general3A_21 = tpu.matmul %concatenate3A, %convert_element_type3A_1, %dot_general3A {dimension_numbers = #tpu.dot_dimension_numbers<[0], [0], [1], [1], [0, 1, 1, 1], [], []>, transpose_lhs_hint = false} : vector<128x2500xf32>, vector<128x128xf32>, vector<2500x128xf32> -> vector<2500x128xf32>
    %swap3A = arith.constant 0 : index
    %swap3A_22 = arith.constant 0 : index
    %swap3A_23 = vector.load %arg3[%swap3A, %swap3A_22] : memref<25000x128xf32, #tpu.memory_space<vmem>>, vector<2500x128xf32>
    tpu.vector_store %arg3[%swap3A, %swap3A_22], %dot_general3A_21 {strides = array<i32>} : memref<25000x128xf32, #tpu.memory_space<vmem>>, vector<2500x128xf32>,
    %get3A_24 = arith.constant 0 : index
    %get3A_25 = arith.constant 2500 : index
    %get3A_26 = vector.load %arg4[%get3A_24, %get3A_25] : memref<32x100000xf32, #tpu.memory_space<vmem>>, vector<32x2500xf32>
    %get3A_27 = arith.constant 0 : index
    %get3A_28 = arith.constant 27500 : index
    %get3A_29 = vector.load %arg4[%get3A_27, %get3A_28] : memref<32x100000xf32, #tpu.memory_space<vmem>>, vector<32x2500xf32>
    %get3A_30 = arith.constant 0 : index
    %get3A_31 = arith.constant 52500 : index
    %get3A_32 = vector.load %arg4[%get3A_30, %get3A_31] : memref<32x100000xf32, #tpu.memory_space<vmem>>, vector<32x2500xf32>
    %get3A_33 = arith.constant 0 : index
    %get3A_34 = arith.constant 77500 : index
    %get3A_35 = vector.load %arg4[%get3A_33, %get3A_34] : memref<32x100000xf32, #tpu.memory_space<vmem>>, vector<32x2500xf32>
    %concatenate3A_36 = tpu.concatenate %get3A_26, %get3A_29, %get3A_32, %get3A_35 in 0 : vector<32x2500xf32>, vector<32x2500xf32>, vector<32x2500xf32>, vector<32x2500xf32> -> vector<128x2500xf32>
    %dot_general3A_37 = arith.constant dense<0.000000e+00> : vector<2500x128xf32>
    %dot_general3A_38 = tpu.matmul %concatenate3A_36, %convert_element_type3A_1, %dot_general3A_37 {dimension_numbers = #tpu.dot_dimension_numbers<[0], [0], [1], [1], [0, 1, 1, 1], [], []>, transpose_lhs_hint = false} : vector<128x2500xf32>, vector<128x128xf32>, vector<2500x128xf32> -> vector<2500x128xf32>
    %swap3A_39 = arith.constant 2500 : index
    %swap3A_40 = arith.constant 0 : index
    %swap3A_41 = vector.load %arg3[%swap3A_39, %swap3A_40] : memref<25000x128xf32, #tpu.memory_space<vmem>>, vector<2500x128xf32>
    tpu.vector_store %arg3[%swap3A_39, %swap3A_40], %dot_general3A_38 {strides = array<i32>} : memref<25000x128xf32, #tpu.memory_space<vmem>>, vector<2500x128xf32>,
    %get3A_42 = arith.constant 0 : index
    %get3A_43 = arith.constant 5000 : index
    %get3A_44 = vector.load %arg4[%get3A_42, %get3A_43] : memref<32x100000xf32, #tpu.memory_space<vmem>>, vector<32x2500xf32>
    %get3A_45 = arith.constant 0 : index
    %get3A_46 = arith.constant 30000 : index
    %get3A_47 = vector.load %arg4[%get3A_45, %get3A_46] : memref<32x100000xf32, #tpu.memory_space<vmem>>, vector<32x2500xf32>
    %get3A_48 = arith.constant 0 : index
    %get3A_49 = arith.constant 55000 : index
    %get3A_50 = vector.load %arg4[%get3A_48, %get3A_49] : memref<32x100000xf32, #tpu.memory_space<vmem>>, vector<32x2500xf32>
    %get3A_51 = arith.constant 0 : index
    %get3A_52 = arith.constant 80000 : index
    %get3A_53 = vector.load %arg4[%get3A_51, %get3A_52] : memref<32x100000xf32, #tpu.memory_space<vmem>>, vector<32x2500xf32>
    %concatenate3A_54 = tpu.concatenate %get3A_44, %get3A_47, %get3A_50, %get3A_53 in 0 : vector<32x2500xf32>, vector<32x2500xf32>, vector<32x2500xf32>, vector<32x2500xf32> -> vector<128x2500xf32>
    %dot_general3A_55 = arith.constant dense<0.000000e+00> : vector<2500x128xf32>
    %dot_general3A_56 = tpu.matmul %concatenate3A_54, %convert_element_type3A_1, %dot_general3A_55 {dimension_numbers = #tpu.dot_dimension_numbers<[0], [0], [1], [1], [0, 1, 1, 1], [], []>, transpose_lhs_hint = false} : vector<128x2500xf32>, vector<128x128xf32>, vector<2500x128xf32> -> vector<2500x128xf32>
    %swap3A_57 = arith.constant 5000 : index
    %swap3A_58 = arith.constant 0 : index
    %swap3A_59 = vector.load %arg3[%swap3A_57, %swap3A_58] : memref<25000x128xf32, #tpu.memory_space<vmem>>, vector<2500x128xf32>
    tpu.vector_store %arg3[%swap3A_57, %swap3A_58], %dot_general3A_56 {strides = array<i32>} : memref<25000x128xf32, #tpu.memory_space<vmem>>, vector<2500x128xf32>,
    %get3A_60 = arith.constant 0 : index
    %get3A_61 = arith.constant 7500 : index
    %get3A_62 = vector.load %arg4[%get3A_60, %get3A_61] : memref<32x100000xf32, #tpu.memory_space<vmem>>, vector<32x2500xf32>
    %get3A_63 = arith.constant 0 : index
    %get3A_64 = arith.constant 32500 : index
    %get3A_65 = vector.load %arg4[%get3A_63, %get3A_64] : memref<32x100000xf32, #tpu.memory_space<vmem>>, vector<32x2500xf32>
    %get3A_66 = arith.constant 0 : index
    %get3A_67 = arith.constant 57500 : index
    %get3A_68 = vector.load %arg4[%get3A_66, %get3A_67] : memref<32x100000xf32, #tpu.memory_space<vmem>>, vector<32x2500xf32>
    %get3A_69 = arith.constant 0 : index
    %get3A_70 = arith.constant 82500 : index
    %get3A_71 = vector.load %arg4[%get3A_69, %get3A_70] : memref<32x100000xf32, #tpu.memory_space<vmem>>, vector<32x2500xf32>
    %concatenate3A_72 = tpu.concatenate %get3A_62, %get3A_65, %get3A_68, %get3A_71 in 0 : vector<32x2500xf32>, vector<32x2500xf32>, vector<32x2500xf32>, vector<32x2500xf32> -> vector<128x2500xf32>
    %dot_general3A_73 = arith.constant dense<0.000000e+00> : vector<2500x128xf32>
    %dot_general3A_74 = tpu.matmul %concatenate3A_72, %convert_element_type3A_1, %dot_general3A_73 {dimension_numbers = #tpu.dot_dimension_numbers<[0], [0], [1], [1], [0, 1, 1, 1], [], []>, transpose_lhs_hint = false} : vector<128x2500xf32>, vector<128x128xf32>, vector<2500x128xf32> -> vector<2500x128xf32>
    %swap3A_75 = arith.constant 7500 : index
    %swap3A_76 = arith.constant 0 : index
    %swap3A_77 = vector.load %arg3[%swap3A_75, %swap3A_76] : memref<25000x128xf32, #tpu.memory_space<vmem>>, vector<2500x128xf32>
    tpu.vector_store %arg3[%swap3A_75, %swap3A_76], %dot_general3A_74 {strides = array<i32>} : memref<25000x128xf32, #tpu.memory_space<vmem>>, vector<2500x128xf32>,
    %get3A_78 = arith.constant 0 : index
    %get3A_79 = arith.constant 10000 : index
    %get3A_80 = vector.load %arg4[%get3A_78, %get3A_79] : memref<32x100000xf32, #tpu.memory_space<vmem>>, vector<32x2500xf32>
    %get3A_81 = arith.constant 0 : index
    %get3A_82 = arith.constant 35000 : index
    %get3A_83 = vector.load %arg4[%get3A_81, %get3A_82] : memref<32x100000xf32, #tpu.memory_space<vmem>>, vector<32x2500xf32>
    %get3A_84 = arith.constant 0 : index
    %get3A_85 = arith.constant 60000 : index
    %get3A_86 = vector.load %arg4[%get3A_84, %get3A_85] : memref<32x100000xf32, #tpu.memory_space<vmem>>, vector<32x2500xf32>
    %get3A_87 = arith.constant 0 : index
    %get3A_88 = arith.constant 85000 : index
    %get3A_89 = vector.load %arg4[%get3A_87, %get3A_88] : memref<32x100000xf32, #tpu.memory_space<vmem>>, vector<32x2500xf32>
    %concatenate3A_90 = tpu.concatenate %get3A_80, %get3A_83, %get3A_86, %get3A_89 in 0 : vector<32x2500xf32>, vector<32x2500xf32>, vector<32x2500xf32>, vector<32x2500xf32> -> vector<128x2500xf32>
    %dot_general3A_91 = arith.constant dense<0.000000e+00> : vector<2500x128xf32>
    %dot_general3A_92 = tpu.matmul %concatenate3A_90, %convert_element_type3A_1, %dot_general3A_91 {dimension_numbers = #tpu.dot_dimension_numbers<[0], [0], [1], [1], [0, 1, 1, 1], [], []>, transpose_lhs_hint = false} : vector<128x2500xf32>, vector<128x128xf32>, vector<2500x128xf32> -> vector<2500x128xf32>
    %swap3A_93 = arith.constant 10000 : index
    %swap3A_94 = arith.constant 0 : index
    %swap3A_95 = vector.load %arg3[%swap3A_93, %swap3A_94] : memref<25000x128xf32, #tpu.memory_space<vmem>>, vector<2500x128xf32>
    tpu.vector_store %arg3[%swap3A_93, %swap3A_94], %dot_general3A_92 {strides = array<i32>} : memref<25000x128xf32, #tpu.memory_space<vmem>>, vector<2500x128xf32>,
    %get3A_96 = arith.constant 0 : index
    %get3A_97 = arith.constant 12500 : index
    %get3A_98 = vector.load %arg4[%get3A_96, %get3A_97] : memref<32x100000xf32, #tpu.memory_space<vmem>>, vector<32x2500xf32>
    %get3A_99 = arith.constant 0 : index
    %get3A_100 = arith.constant 37500 : index
    %get3A_101 = vector.load %arg4[%get3A_99, %get3A_100] : memref<32x100000xf32, #tpu.memory_space<vmem>>, vector<32x2500xf32>
    %get3A_102 = arith.constant 0 : index
    %get3A_103 = arith.constant 62500 : index
    %get3A_104 = vector.load %arg4[%get3A_102, %get3A_103] : memref<32x100000xf32, #tpu.memory_space<vmem>>, vector<32x2500xf32>
    %get3A_105 = arith.constant 0 : index
    %get3A_106 = arith.constant 87500 : index
    %get3A_107 = vector.load %arg4[%get3A_105, %get3A_106] : memref<32x100000xf32, #tpu.memory_space<vmem>>, vector<32x2500xf32>
    %concatenate3A_108 = tpu.concatenate %get3A_98, %get3A_101, %get3A_104, %get3A_107 in 0 : vector<32x2500xf32>, vector<32x2500xf32>, vector<32x2500xf32>, vector<32x2500xf32> -> vector<128x2500xf32>
    %dot_general3A_109 = arith.constant dense<0.000000e+00> : vector<2500x128xf32>
    %dot_general3A_110 = tpu.matmul %concatenate3A_108, %convert_element_type3A_1, %dot_general3A_109 {dimension_numbers = #tpu.dot_dimension_numbers<[0], [0], [1], [1], [0, 1, 1, 1], [], []>, transpose_lhs_hint = false} : vector<128x2500xf32>, vector<128x128xf32>, vector<2500x128xf32> -> vector<2500x128xf32>
    %swap3A_111 = arith.constant 12500 : index
    %swap3A_112 = arith.constant 0 : index
    %swap3A_113 = vector.load %arg3[%swap3A_111, %swap3A_112] : memref<25000x128xf32, #tpu.memory_space<vmem>>, vector<2500x128xf32>
    tpu.vector_store %arg3[%swap3A_111, %swap3A_112], %dot_general3A_110 {strides = array<i32>} : memref<25000x128xf32, #tpu.memory_space<vmem>>, vector<2500x128xf32>,
    %get3A_114 = arith.constant 0 : index
    %get3A_115 = arith.constant 15000 : index
    %get3A_116 = vector.load %arg4[%get3A_114, %get3A_115] : memref<32x100000xf32, #tpu.memory_space<vmem>>, vector<32x2500xf32>
    %get3A_117 = arith.constant 0 : index
    %get3A_118 = arith.constant 40000 : index
    %get3A_119 = vector.load %arg4[%get3A_117, %get3A_118] : memref<32x100000xf32, #tpu.memory_space<vmem>>, vector<32x2500xf32>
    %get3A_120 = arith.constant 0 : index
    %get3A_121 = arith.constant 65000 : index
    %get3A_122 = vector.load %arg4[%get3A_120, %get3A_121] : memref<32x100000xf32, #tpu.memory_space<vmem>>, vector<32x2500xf32>
    %get3A_123 = arith.constant 0 : index
    %get3A_124 = arith.constant 90000 : index
    %get3A_125 = vector.load %arg4[%get3A_123, %get3A_124] : memref<32x100000xf32, #tpu.memory_space<vmem>>, vector<32x2500xf32>
    %concatenate3A_126 = tpu.concatenate %get3A_116, %get3A_119, %get3A_122, %get3A_125 in 0 : vector<32x2500xf32>, vector<32x2500xf32>, vector<32x2500xf32>, vector<32x2500xf32> -> vector<128x2500xf32>
    %dot_general3A_127 = arith.constant dense<0.000000e+00> : vector<2500x128xf32>
    %dot_general3A_128 = tpu.matmul %concatenate3A_126, %convert_element_type3A_1, %dot_general3A_127 {dimension_numbers = #tpu.dot_dimension_numbers<[0], [0], [1], [1], [0, 1, 1, 1], [], []>, transpose_lhs_hint = false} : vector<128x2500xf32>, vector<128x128xf32>, vector<2500x128xf32> -> vector<2500x128xf32>
    %swap3A_129 = arith.constant 15000 : index
    %swap3A_130 = arith.constant 0 : index
    %swap3A_131 = vector.load %arg3[%swap3A_129, %swap3A_130] : memref<25000x128xf32, #tpu.memory_space<vmem>>, vector<2500x128xf32>
    tpu.vector_store %arg3[%swap3A_129, %swap3A_130], %dot_general3A_128 {strides = array<i32>} : memref<25000x128xf32, #tpu.memory_space<vmem>>, vector<2500x128xf32>,
    %get3A_132 = arith.constant 0 : index
    %get3A_133 = arith.constant 17500 : index
    %get3A_134 = vector.load %arg4[%get3A_132, %get3A_133] : memref<32x100000xf32, #tpu.memory_space<vmem>>, vector<32x2500xf32>
    %get3A_135 = arith.constant 0 : index
    %get3A_136 = arith.constant 42500 : index
    %get3A_137 = vector.load %arg4[%get3A_135, %get3A_136] : memref<32x100000xf32, #tpu.memory_space<vmem>>, vector<32x2500xf32>
    %get3A_138 = arith.constant 0 : index
    %get3A_139 = arith.constant 67500 : index
    %get3A_140 = vector.load %arg4[%get3A_138, %get3A_139] : memref<32x100000xf32, #tpu.memory_space<vmem>>, vector<32x2500xf32>
    %get3A_141 = arith.constant 0 : index
    %get3A_142 = arith.constant 92500 : index
    %get3A_143 = vector.load %arg4[%get3A_141, %get3A_142] : memref<32x100000xf32, #tpu.memory_space<vmem>>, vector<32x2500xf32>
    %concatenate3A_144 = tpu.concatenate %get3A_134, %get3A_137, %get3A_140, %get3A_143 in 0 : vector<32x2500xf32>, vector<32x2500xf32>, vector<32x2500xf32>, vector<32x2500xf32> -> vector<128x2500xf32>
    %dot_general3A_145 = arith.constant dense<0.000000e+00> : vector<2500x128xf32>
    %dot_general3A_146 = tpu.matmul %concatenate3A_144, %convert_element_type3A_1, %dot_general3A_145 {dimension_numbers = #tpu.dot_dimension_numbers<[0], [0], [1], [1], [0, 1, 1, 1], [], []>, transpose_lhs_hint = false} : vector<128x2500xf32>, vector<128x128xf32>, vector<2500x128xf32> -> vector<2500x128xf32>
    %swap3A_147 = arith.constant 17500 : index
    %swap3A_148 = arith.constant 0 : index
    %swap3A_149 = vector.load %arg3[%swap3A_147, %swap3A_148] : memref<25000x128xf32, #tpu.memory_space<vmem>>, vector<2500x128xf32>
    tpu.vector_store %arg3[%swap3A_147, %swap3A_148], %dot_general3A_146 {strides = array<i32>} : memref<25000x128xf32, #tpu.memory_space<vmem>>, vector<2500x128xf32>,
    %get3A_150 = arith.constant 0 : index
    %get3A_151 = arith.constant 20000 : index
    %get3A_152 = vector.load %arg4[%get3A_150, %get3A_151] : memref<32x100000xf32, #tpu.memory_space<vmem>>, vector<32x2500xf32>
    %get3A_153 = arith.constant 0 : index
    %get3A_154 = arith.constant 45000 : index
    %get3A_155 = vector.load %arg4[%get3A_153, %get3A_154] : memref<32x100000xf32, #tpu.memory_space<vmem>>, vector<32x2500xf32>
    %get3A_156 = arith.constant 0 : index
    %get3A_157 = arith.constant 70000 : index
    %get3A_158 = vector.load %arg4[%get3A_156, %get3A_157] : memref<32x100000xf32, #tpu.memory_space<vmem>>, vector<32x2500xf32>
    %get3A_159 = arith.constant 0 : index
    %get3A_160 = arith.constant 95000 : index
    %get3A_161 = vector.load %arg4[%get3A_159, %get3A_160] : memref<32x100000xf32, #tpu.memory_space<vmem>>, vector<32x2500xf32>
    %concatenate3A_162 = tpu.concatenate %get3A_152, %get3A_155, %get3A_158, %get3A_161 in 0 : vector<32x2500xf32>, vector<32x2500xf32>, vector<32x2500xf32>, vector<32x2500xf32> -> vector<128x2500xf32>
    %dot_general3A_163 = arith.constant dense<0.000000e+00> : vector<2500x128xf32>
    %dot_general3A_164 = tpu.matmul %concatenate3A_162, %convert_element_type3A_1, %dot_general3A_163 {dimension_numbers = #tpu.dot_dimension_numbers<[0], [0], [1], [1], [0, 1, 1, 1], [], []>, transpose_lhs_hint = false} : vector<128x2500xf32>, vector<128x128xf32>, vector<2500x128xf32> -> vector<2500x128xf32>
    %swap3A_165 = arith.constant 20000 : index
    %swap3A_166 = arith.constant 0 : index
    %swap3A_167 = vector.load %arg3[%swap3A_165, %swap3A_166] : memref<25000x128xf32, #tpu.memory_space<vmem>>, vector<2500x128xf32>
    tpu.vector_store %arg3[%swap3A_165, %swap3A_166], %dot_general3A_164 {strides = array<i32>} : memref<25000x128xf32, #tpu.memory_space<vmem>>, vector<2500x128xf32>,
    %get3A_168 = arith.constant 0 : index
    %get3A_169 = arith.constant 22500 : index
    %get3A_170 = vector.load %arg4[%get3A_168, %get3A_169] : memref<32x100000xf32, #tpu.memory_space<vmem>>, vector<32x2500xf32>
    %get3A_171 = arith.constant 0 : index
    %get3A_172 = arith.constant 47500 : index
    %get3A_173 = vector.load %arg4[%get3A_171, %get3A_172] : memref<32x100000xf32, #tpu.memory_space<vmem>>, vector<32x2500xf32>
    %get3A_174 = arith.constant 0 : index
    %get3A_175 = arith.constant 72500 : index
    %get3A_176 = vector.load %arg4[%get3A_174, %get3A_175] : memref<32x100000xf32, #tpu.memory_space<vmem>>, vector<32x2500xf32>
    %get3A_177 = arith.constant 0 : index
    %get3A_178 = arith.constant 97500 : index
    %get3A_179 = vector.load %arg4[%get3A_177, %get3A_178] : memref<32x100000xf32, #tpu.memory_space<vmem>>, vector<32x2500xf32>
    %concatenate3A_180 = tpu.concatenate %get3A_170, %get3A_173, %get3A_176, %get3A_179 in 0 : vector<32x2500xf32>, vector<32x2500xf32>, vector<32x2500xf32>, vector<32x2500xf32> -> vector<128x2500xf32>
    %dot_general3A_181 = arith.constant dense<0.000000e+00> : vector<2500x128xf32>
    %dot_general3A_182 = tpu.matmul %concatenate3A_180, %convert_element_type3A_1, %dot_general3A_181 {dimension_numbers = #tpu.dot_dimension_numbers<[0], [0], [1], [1], [0, 1, 1, 1], [], []>, transpose_lhs_hint = false} : vector<128x2500xf32>, vector<128x128xf32>, vector<2500x128xf32> -> vector<2500x128xf32>
    %swap3A_183 = arith.constant 22500 : index
    %swap3A_184 = arith.constant 0 : index
    %swap3A_185 = vector.load %arg3[%swap3A_183, %swap3A_184] : memref<25000x128xf32, #tpu.memory_space<vmem>>, vector<2500x128xf32>
    tpu.vector_store %arg3[%swap3A_183, %swap3A_184], %dot_general3A_182 {strides = array<i32>} : memref<25000x128xf32, #tpu.memory_space<vmem>>, vector<2500x128xf32>,
    return
  }
  func.func @transform_2(%arg0: i32) -> (i32, i32) {
    %c1_i32 = arith.constant 1 : i32
    %c0_i32 = arith.constant 0 : i32
    %c0_i32_0 = arith.constant 0 : i32
    return %c1_i32, %c0_i32 : i32, i32
  }
}

module attributes {stable_mosaic.version = 14 : i64} {
  func.func @_tc_dense_body(%arg0: i32, %arg1: memref<2048x128xf32, #tpu.memory_space<vmem>>, %arg2: memref<32x48xf32, #tpu.memory_space<vmem>>, %arg3: memref<1x32xf32, #tpu.memory_space<vmem>>, %arg4: memref<32x48xf32, #tpu.memory_space<vmem>>, %arg5: memref<1x32xf32, #tpu.memory_space<vmem>>, %arg6: memref<2x16xf32, #tpu.memory_space<vmem>>, %arg7: memref<2048x1xf32, #tpu.memory_space<vmem>>) attributes {dimension_semantics = [#tpu.dimension_semantics<arbitrary>], iteration_bounds = array<i64: 8>, scalar_prefetch = 0 : i64, scratch_operands = 0 : i64, tpu.core_type = #tpu.core_type<tc>, window_params = [{transform_indices = @transform_0, window_bounds = array<i64: 2048, 128>}, {pipeline_mode = #tpu.pipeline_mode<synchronous>, transform_indices = @transform_1, window_bounds = array<i64: 32, 48>}, {pipeline_mode = #tpu.pipeline_mode<synchronous>, transform_indices = @transform_2, window_bounds = array<i64: 1, 32>}, {pipeline_mode = #tpu.pipeline_mode<synchronous>, transform_indices = @transform_3, window_bounds = array<i64: 32, 48>}, {pipeline_mode = #tpu.pipeline_mode<synchronous>, transform_indices = @transform_4, window_bounds = array<i64: 1, 32>}, {pipeline_mode = #tpu.pipeline_mode<synchronous>, transform_indices = @transform_5, window_bounds = array<i64: 2, 16>}, {transform_indices = @transform_6, window_bounds = array<i64: 2048, 1>}]} {
    %get3A = arith.constant 0 : index
    %get3A_0 = arith.constant 0 : index
    %get3A_1 = vector.load %arg1[%get3A, %get3A_0] : memref<2048x128xf32, #tpu.memory_space<vmem>>, vector<2048x128xf32>
    %get3A_2 = arith.constant 0 : index
    %get3A_3 = arith.constant 0 : index
    %get3A_4 = vector.load %arg2[%get3A_2, %get3A_3] : memref<32x48xf32, #tpu.memory_space<vmem>>, vector<32x48xf32>
    %get3A_5 = arith.constant 0 : index
    %get3A_6 = arith.constant 0 : index
    %get3A_7 = vector.load %arg4[%get3A_5, %get3A_6] : memref<32x48xf32, #tpu.memory_space<vmem>>, vector<32x48xf32>
    %slice3A = vector.extract_strided_slice %get3A_1 {offsets = [0, 0], sizes = [2048, 16], strides = [1, 1]} : vector<2048x128xf32> to vector<2048x16xf32>
    %logistic3A = arith.negf %slice3A : vector<2048x16xf32>
    %logistic3A_8 = math.exp %logistic3A : vector<2048x16xf32>
    %logistic3A_9 = arith.constant 1.000000e+00 : f32
    %logistic3A_10 = vector.broadcast %logistic3A_9 : f32 to vector<2048x16xf32>
    %logistic3A_11 = arith.addf %logistic3A_10, %logistic3A_8 : vector<2048x16xf32>
    %logistic3A_12 = arith.divf %logistic3A_10, %logistic3A_11 : vector<2048x16xf32>
    %slice3A_13 = vector.extract_strided_slice %get3A_1 {offsets = [0, 16], sizes = [2048, 32], strides = [1, 1]} : vector<2048x128xf32> to vector<2048x32xf32>
    %logistic3A_14 = arith.negf %slice3A_13 : vector<2048x32xf32>
    %logistic3A_15 = math.exp %logistic3A_14 : vector<2048x32xf32>
    %logistic3A_16 = arith.constant 1.000000e+00 : f32
    %logistic3A_17 = vector.broadcast %logistic3A_16 : f32 to vector<2048x32xf32>
    %logistic3A_18 = arith.addf %logistic3A_17, %logistic3A_15 : vector<2048x32xf32>
    %logistic3A_19 = arith.divf %logistic3A_17, %logistic3A_18 : vector<2048x32xf32>
    %slice3A_20 = vector.extract_strided_slice %get3A_4 {offsets = [0, 0], sizes = [32, 16], strides = [1, 1]} : vector<32x48xf32> to vector<32x16xf32>
    %dot_general3A = arith.constant dense<0.000000e+00> : vector<2048x32xf32>
    %dot_general3A_21 = tpu.matmul %logistic3A_12, %slice3A_20, %dot_general3A {dimension_numbers = #tpu.dot_dimension_numbers<[1], [1], [0], [0], [0, 0, 1, 0], [], []>, transpose_lhs_hint = false} : vector<2048x16xf32>, vector<32x16xf32>, vector<2048x32xf32> -> vector<2048x32xf32>
    %slice3A_22 = vector.extract_strided_slice %get3A_4 {offsets = [0, 16], sizes = [32, 32], strides = [1, 1]} : vector<32x48xf32> to vector<32x32xf32>
    %dot_general3A_23 = arith.constant dense<0.000000e+00> : vector<2048x32xf32>
    %dot_general3A_24 = tpu.matmul %logistic3A_19, %slice3A_22, %dot_general3A_23 {dimension_numbers = #tpu.dot_dimension_numbers<[1], [1], [0], [0], [0, 0, 1, 0], [], []>, transpose_lhs_hint = false} : vector<2048x32xf32>, vector<32x32xf32>, vector<2048x32xf32> -> vector<2048x32xf32>
    %add3A = arith.addf %dot_general3A_21, %dot_general3A_24 : vector<2048x32xf32>
    %get3A_25 = arith.constant 0 : index
    %get3A_26 = arith.constant 0 : index
    %get3A_27 = vector.load %arg3[%get3A_25, %get3A_26] : memref<1x32xf32, #tpu.memory_space<vmem>>, vector<1x32xf32>
    %add3A_28 = vector.broadcast %get3A_27 : vector<1x32xf32> to vector<2048x32xf32>
    %add3A_29 = arith.addf %add3A, %add3A_28 : vector<2048x32xf32>
    %logistic3A_30 = arith.negf %add3A_29 : vector<2048x32xf32>
    %logistic3A_31 = math.exp %logistic3A_30 : vector<2048x32xf32>
    %logistic3A_32 = arith.constant 1.000000e+00 : f32
    %logistic3A_33 = vector.broadcast %logistic3A_32 : f32 to vector<2048x32xf32>
    %logistic3A_34 = arith.addf %logistic3A_33, %logistic3A_31 : vector<2048x32xf32>
    %logistic3A_35 = arith.divf %logistic3A_33, %logistic3A_34 : vector<2048x32xf32>
    %slice3A_36 = vector.extract_strided_slice %get3A_1 {offsets = [0, 48], sizes = [2048, 32], strides = [1, 1]} : vector<2048x128xf32> to vector<2048x32xf32>
    %logistic3A_37 = arith.negf %slice3A_36 : vector<2048x32xf32>
    %logistic3A_38 = math.exp %logistic3A_37 : vector<2048x32xf32>
    %logistic3A_39 = arith.constant 1.000000e+00 : f32
    %logistic3A_40 = vector.broadcast %logistic3A_39 : f32 to vector<2048x32xf32>
    %logistic3A_41 = arith.addf %logistic3A_40, %logistic3A_38 : vector<2048x32xf32>
    %logistic3A_42 = arith.divf %logistic3A_40, %logistic3A_41 : vector<2048x32xf32>
    %slice3A_43 = vector.extract_strided_slice %get3A_7 {offsets = [0, 16], sizes = [32, 32], strides = [1, 1]} : vector<32x48xf32> to vector<32x32xf32>
    %dot_general3A_44 = arith.constant dense<0.000000e+00> : vector<2048x32xf32>
    %dot_general3A_45 = tpu.matmul %logistic3A_42, %slice3A_43, %dot_general3A_44 {dimension_numbers = #tpu.dot_dimension_numbers<[1], [1], [0], [0], [0, 0, 1, 0], [], []>, transpose_lhs_hint = false} : vector<2048x32xf32>, vector<32x32xf32>, vector<2048x32xf32> -> vector<2048x32xf32>
    %get3A_46 = arith.constant 0 : index
    %get3A_47 = arith.constant 0 : index
    %get3A_48 = vector.load %arg6[%get3A_46, %get3A_47] : memref<2x16xf32, #tpu.memory_space<vmem>>, vector<2x16xf32>
    %logistic3A_49 = arith.negf %get3A_48 : vector<2x16xf32>
    %logistic3A_50 = math.exp %logistic3A_49 : vector<2x16xf32>
    %logistic3A_51 = arith.constant 1.000000e+00 : f32
    %logistic3A_52 = vector.broadcast %logistic3A_51 : f32 to vector<2x16xf32>
    %logistic3A_53 = arith.addf %logistic3A_52, %logistic3A_50 : vector<2x16xf32>
    %logistic3A_54 = arith.divf %logistic3A_52, %logistic3A_53 : vector<2x16xf32>
    %slice3A_55 = vector.extract_strided_slice %get3A_7 {offsets = [0, 0], sizes = [32, 16], strides = [1, 1]} : vector<32x48xf32> to vector<32x16xf32>
    %dot_general3A_56 = arith.constant dense<0.000000e+00> : vector<2x32xf32>
    %dot_general3A_57 = tpu.matmul %logistic3A_54, %slice3A_55, %dot_general3A_56 {dimension_numbers = #tpu.dot_dimension_numbers<[1], [1], [0], [0], [0, 0, 1, 0], [], []>, transpose_lhs_hint = false} : vector<2x16xf32>, vector<32x16xf32>, vector<2x32xf32> -> vector<2x32xf32>
    %slice3A_58 = vector.extract_strided_slice %get3A_1 {offsets = [0, 81], sizes = [2048, 1], strides = [1, 1]} : vector<2048x128xf32> to vector<2048x1xf32>
    %gt3A = arith.constant 5.000000e-01 : f32
    %gt3A_59 = vector.broadcast %gt3A : f32 to vector<2048x1xf32>
    %gt3A_60 = arith.cmpf ogt, %slice3A_58, %gt3A_59 : vector<2048x1xf32>
    %slice3A_61 = vector.extract_strided_slice %dot_general3A_57 {offsets = [1, 0], sizes = [1, 32], strides = [1, 1]} : vector<2x32xf32> to vector<1x32xf32>
    %slice3A_62 = vector.extract_strided_slice %dot_general3A_57 {offsets = [0, 0], sizes = [1, 32], strides = [1, 1]} : vector<2x32xf32> to vector<1x32xf32>
    %broadcast_in_dim3A = vector.shape_cast %gt3A_60 : vector<2048x1xi1> to vector<2048x1xi1>
    %broadcast_in_dim3A_63 = vector.broadcast %broadcast_in_dim3A : vector<2048x1xi1> to vector<2048x32xi1>
    %broadcast_in_dim3A_64 = vector.shape_cast %slice3A_61 : vector<1x32xf32> to vector<1x32xf32>
    %broadcast_in_dim3A_65 = vector.broadcast %broadcast_in_dim3A_64 : vector<1x32xf32> to vector<2048x32xf32>
    %broadcast_in_dim3A_66 = vector.shape_cast %slice3A_62 : vector<1x32xf32> to vector<1x32xf32>
    %broadcast_in_dim3A_67 = vector.broadcast %broadcast_in_dim3A_66 : vector<1x32xf32> to vector<2048x32xf32>
    %select_n3A = arith.select %broadcast_in_dim3A_63, %broadcast_in_dim3A_65, %broadcast_in_dim3A_67 : vector<2048x32xi1>, vector<2048x32xf32>
    %add3A_68 = arith.addf %dot_general3A_45, %select_n3A : vector<2048x32xf32>
    %get3A_69 = arith.constant 0 : index
    %get3A_70 = arith.constant 0 : index
    %get3A_71 = vector.load %arg5[%get3A_69, %get3A_70] : memref<1x32xf32, #tpu.memory_space<vmem>>, vector<1x32xf32>
    %add3A_72 = vector.broadcast %get3A_71 : vector<1x32xf32> to vector<2048x32xf32>
    %add3A_73 = arith.addf %add3A_68, %add3A_72 : vector<2048x32xf32>
    %logistic3A_74 = arith.negf %add3A_73 : vector<2048x32xf32>
    %logistic3A_75 = math.exp %logistic3A_74 : vector<2048x32xf32>
    %logistic3A_76 = arith.constant 1.000000e+00 : f32
    %logistic3A_77 = vector.broadcast %logistic3A_76 : f32 to vector<2048x32xf32>
    %logistic3A_78 = arith.addf %logistic3A_77, %logistic3A_75 : vector<2048x32xf32>
    %logistic3A_79 = arith.divf %logistic3A_77, %logistic3A_78 : vector<2048x32xf32>
    %slice3A_80 = vector.extract_strided_slice %get3A_1 {offsets = [0, 80], sizes = [2048, 1], strides = [1, 1]} : vector<2048x128xf32> to vector<2048x1xf32>
    %logistic3A_81 = arith.negf %slice3A_80 : vector<2048x1xf32>
    %logistic3A_82 = math.exp %logistic3A_81 : vector<2048x1xf32>
    %logistic3A_83 = arith.constant 1.000000e+00 : f32
    %logistic3A_84 = vector.broadcast %logistic3A_83 : f32 to vector<2048x1xf32>
    %logistic3A_85 = arith.addf %logistic3A_84, %logistic3A_82 : vector<2048x1xf32>
    %logistic3A_86 = arith.divf %logistic3A_84, %logistic3A_85 : vector<2048x1xf32>
    %mul3A = arith.mulf %logistic3A_79, %logistic3A_35 : vector<2048x32xf32>
    %reduce_sum3A = arith.constant dense<0.000000e+00> : vector<2048xf32>
    %reduce_sum3A_87 = vector.multi_reduction <add>, %mul3A, %reduce_sum3A [1] : vector<2048x32xf32> to vector<2048xf32>
    %broadcast_in_dim3A_88 = vector.shape_cast %reduce_sum3A_87 : vector<2048xf32> to vector<2048x1xf32>
    %sub3A = arith.subf %broadcast_in_dim3A_88, %logistic3A_86 : vector<2048x1xf32>
    %logistic3A_89 = arith.negf %sub3A : vector<2048x1xf32>
    %logistic3A_90 = math.exp %logistic3A_89 : vector<2048x1xf32>
    %logistic3A_91 = arith.constant 1.000000e+00 : f32
    %logistic3A_92 = vector.broadcast %logistic3A_91 : f32 to vector<2048x1xf32>
    %logistic3A_93 = arith.addf %logistic3A_92, %logistic3A_90 : vector<2048x1xf32>
    %logistic3A_94 = arith.divf %logistic3A_92, %logistic3A_93 : vector<2048x1xf32>
    %swap3A = arith.constant 0 : index
    %swap3A_95 = arith.constant 0 : index
    %swap3A_96 = vector.load %arg7[%swap3A, %swap3A_95] : memref<2048x1xf32, #tpu.memory_space<vmem>>, vector<2048x1xf32>
    tpu.vector_store %arg7[%swap3A, %swap3A_95], %logistic3A_94 {strides = array<i32>} : memref<2048x1xf32, #tpu.memory_space<vmem>>, vector<2048x1xf32>,
    return
  }
  func.func @transform_0(%arg0: i32) -> (i32, i32) {
    %c0_i32 = arith.constant 0 : i32
    %c0_i32_0 = arith.constant 0 : i32
    return %arg0, %c0_i32 : i32, i32
  }
  func.func @transform_1(%arg0: i32) -> (i32, i32) {
    %c0_i32 = arith.constant 0 : i32
    %c0_i32_0 = arith.constant 0 : i32
    %c0_i32_1 = arith.constant 0 : i32
    return %c0_i32, %c0_i32_0 : i32, i32
  }
  func.func @transform_2(%arg0: i32) -> (i32, i32) {
    %c0_i32 = arith.constant 0 : i32
    %c0_i32_0 = arith.constant 0 : i32
    %c0_i32_1 = arith.constant 0 : i32
    return %c0_i32, %c0_i32_0 : i32, i32
  }
  func.func @transform_3(%arg0: i32) -> (i32, i32) {
    %c0_i32 = arith.constant 0 : i32
    %c0_i32_0 = arith.constant 0 : i32
    %c0_i32_1 = arith.constant 0 : i32
    return %c0_i32, %c0_i32_0 : i32, i32
  }
  func.func @transform_4(%arg0: i32) -> (i32, i32) {
    %c0_i32 = arith.constant 0 : i32
    %c0_i32_0 = arith.constant 0 : i32
    %c0_i32_1 = arith.constant 0 : i32
    return %c0_i32, %c0_i32_0 : i32, i32
  }
  func.func @transform_5(%arg0: i32) -> (i32, i32) {
    %c0_i32 = arith.constant 0 : i32
    %c0_i32_0 = arith.constant 0 : i32
    %c0_i32_1 = arith.constant 0 : i32
    return %c0_i32, %c0_i32_0 : i32, i32
  }
  func.func @transform_6(%arg0: i32) -> (i32, i32) {
    %c0_i32 = arith.constant 0 : i32
    %c0_i32_0 = arith.constant 0 : i32
    return %arg0, %c0_i32 : i32, i32
  }
}

</mosaic_0001>

<sc_bundles>
// kernel: kernel.8.cloned.1.call-start
scs
__scs_entry_jumppad:
0x0: {  	(pc) =	sbr.rel $0x88, $3  }
0x1: {  	(tag) =	ssettag $0x0;
	lr =	simm.s32 $0x1  }
0x2: {  	[smem:$0x3F96] =	sst lr;
	_ =	strace $0xD0000000  }
0x3: {  	_ = 	snop  }
0x4: {  	_ = 	snop  }
0x5: {  	_ = 	snop  }
0x6: {  	_ = 	snop  }
0x7: {  	_ = 	snop  }
__scs_overlays_trampoline_lowered:
0x8: {  	[smem:$0x3FA5] =	sst s0  }
0x9: {  	[smem:$0x3FA6] =	sst s1  }
0xa: {  	[smem:$0x3FA7] =	sst s2  }
0xb: {  	[smem:$0x3FA8] =	sst s3  }
0xc: {  	[smem:$0x3FA9] =	sst s4  }
0xd: {  	[smem:$0x3FAA] =	sst s5  }
0xe: {  	[smem:$0x3FAB] =	sst s6  }
0xf: {  	[smem:$0x3FAC] =	sst s7  }
0x10: {  	[smem:$0x3FAD] =	sst s8  }
0x11: {  	[smem:$0x3FAE] =	sst s9;
	s0 =	simm.s32 @!p0 $0x0  }
0x12: {  	s1 =	sld [smem:$0x3F94];
	s0 =	simm.s32 @p0 $0x1  }
0x13: {  	[smem:$0x3FAF] =	sst s0;
	s0 =	simm.s32 @!p1 $0x0  }
0x14: {  	s2 =	sld [smem:$0x3F93];
	s0 =	simm.s32 @p1 $0x1  }
0x15: {  	[smem:$0x3FB0] =	sst s0;
	s0 =	simm.s32 @!p2 $0x0  }
0x16: {  	s3 =	sld [smem:$0x3FDB];
	s0 =	simm.s32 @p2 $0x1  }
0x17: {  	s4 =	simm.s32 $0x1BF5;
	[smem:$0x3FB2] =	sst s0  }
0x18: {  	s0 =	sld [smem:$0x3F95];
	_ =	swait.ge [sflag:s4], $0x0  }
0x19: {  	s7 =	sld [smem:$0x3F96]  }
0x1a: {  	s8 =	sadd.s32 $0xFFFFE003, lr  }
0x1b: {  	s9 =	sadd.s32 $0xFFFFFEF7, lr;
	s5 =	simm.s32 $0xFFFFFFFF;
	p2 =	slt.u32 s8, $0xFFFFF086  }
0x1c: {  	p1 =	slt.u32 s9, $0xF7A;
	s5 =	simm.s32 @!p2 $0x0  }
0x1d: {  	s5 =	simm.s32 @p1 $0x1;
	p0 =	seq.s32 s7, s2  }
0x1e: {  	s7 =	smul.u32 @!p0 $0xF7A, s2;
	p2 =	seq.s32 @!p0 s5, $0x0  }
0x1f: {  	s9 =	smul.u32 $0xF7A, s1;
	s8 =	simm.s32 @!p0 $0x1BF5;
	p2 =	por !p2, p0  }
0x20: {  	[sflag:s8] =	ssyncset.s32 @!p0 $0xFFFFF086;
	s6 =	sadd.s32 @!p0 s3, s7;
	s7 =	simm.s32 @!p0 $0x108  }
0x21: {  	s3 =	sadd.s32 s3, s9;
	s6 =	sadd.s32 @!p0 $0x88, s6;
	s7 =	simm.s32 @p2 $0x1082  }
0x22: {  	[simem:s7], [sflag:s8] =	dma.local @!p0 [hbm:s6], $0xF7A  }
0x23: {  	s9 =	sor.u32 $0xD0000000, s2;
	s6 =	simm.s32 $0x108;
	_ =	swait.ge @!p0 [sflag:s8], $0x0  }
0x24: {  	s3 =	sadd.s32 $0x88, s3;
	s6 =	simm.s32 @!p1 $0x1082;
	[sflag:s4] =	ssyncset.s32 $0xFFFFF086  }
0x25: {  	[simem:s6], [sflag:s4] =	dma.local [hbm:s3], $0xF7A  }
0x26: {  	[smem:$0x3F96] =	sst s1;
	(tag) =	ssettag s2;
	_ =	strace s9  }
0x27: {  	s1 =	sld [smem:$0x3FA6]  }
0x28: {  	s2 =	sld [smem:$0x3FA7]  }
0x29: {  	s4 =	sld [smem:$0x3FA9]  }
0x2a: {  	p0 =	seq.s32 s5, $0x0;
	s5 =	sld [smem:$0x3FAA]  }
0x2b: {  	s6 =	sld [smem:$0x3FAB]  }
0x2c: {  	s7 =	sld [smem:$0x3FAC]  }
0x2d: {  	s3 =	simm.s32 $0x108;
	s8 =	sld [smem:$0x3FAD]  }
0x2e: {  	s3 =	simm.s32 @!p0 $0x1082;
	s9 =	sld [smem:$0x3FAE]  }
0x2f: {  	lr =	sadd.s32 s0, s3;
	s0 =	sld [smem:$0x3FA5]  }
0x30: {  	s3 =	sld [smem:$0x3FA8]  }
0x31: {  	[smem:$0x3FB1] =	sst s10  }
0x32: {  	s10 =	sld [smem:$0x3FAF];
	_ =	sdelay $0x3  }
0x33: {  	p0 =	seq.s32 s10, $0x1;
	s10 =	sld [smem:$0x3FB1];
	_ =	sdelay $0x3  }
0x34: {  	[smem:$0x3FB1] =	sst s10  }
0x35: {  	s10 =	sld [smem:$0x3FB0];
	_ =	sdelay $0x3  }
0x36: {  	p1 =	seq.s32 s10, $0x1;
	s10 =	sld [smem:$0x3FB1];
	_ =	sdelay $0x3  }
0x37: {  	[smem:$0x3FB1] =	sst s10  }
0x38: {  	s10 =	sld [smem:$0x3FB2]  }
0x39: {  	_ = 	snop;
	(pc) =	sbr.ind lr, $3  }
0x3a: {  	_ = 	snop  }
0x3b: {  	_ = 	snop  }
0x3c: {  	p2 =	seq.s32 s10, $0x1;
	s10 =	sld [smem:$0x3FB1]  }
0x3d: {  	_ =	shalt  }
0x3e: {  	_ =	shalt  }
0x3f: {  	_ =	shalt  }
0x40: {  	_ =	shalt  }
0x41: {  	_ =	shalt  }
0x42: {  	_ =	shalt  }
0x43: {  	_ =	shalt  }
0x44: {  	_ =	shalt  }
0x45: {  	_ =	shalt  }
0x46: {  	_ =	shalt  }
0x47: {  	_ =	shalt  }
0x48: {  	_ =	shalt  }
0x49: {  	_ =	shalt  }
0x4a: {  	_ =	shalt  }
0x4b: {  	_ =	shalt  }
0x4c: {  	_ =	shalt  }
0x4d: {  	_ =	shalt  }
0x4e: {  	_ =	shalt  }
0x4f: {  	_ =	shalt  }
0x50: {  	_ =	shalt  }
0x51: {  	_ =	shalt  }
0x52: {  	_ =	shalt  }
0x53: {  	_ =	shalt  }
0x54: {  	_ =	shalt  }
0x55: {  	_ =	shalt  }
0x56: {  	_ =	shalt  }
0x57: {  	_ =	shalt  }
0x58: {  	_ =	shalt  }
0x59: {  	_ =	shalt  }
0x5a: {  	_ =	shalt  }
0x5b: {  	_ =	shalt  }
0x5c: {  	_ =	shalt  }
0x5d: {  	_ =	shalt  }
0x5e: {  	_ =	shalt  }
0x5f: {  	_ =	shalt  }
0x60: {  	_ =	shalt  }
0x61: {  	_ =	shalt  }
0x62: {  	_ =	shalt  }
0x63: {  	_ =	shalt  }
0x64: {  	_ =	shalt  }
0x65: {  	_ =	shalt  }
0x66: {  	_ =	shalt  }
0x67: {  	_ =	shalt  }
0x68: {  	_ =	shalt  }
0x69: {  	_ =	shalt  }
0x6a: {  	_ =	shalt  }
0x6b: {  	_ =	shalt  }
0x6c: {  	_ =	shalt  }
0x6d: {  	_ =	shalt  }
0x6e: {  	_ =	shalt  }
0x6f: {  	_ =	shalt  }
0x70: {  	_ =	shalt  }
0x71: {  	_ =	shalt  }
0x72: {  	_ =	shalt  }
0x73: {  	_ =	shalt  }
0x74: {  	_ =	shalt  }
0x75: {  	_ =	shalt  }
0x76: {  	_ =	shalt  }
0x77: {  	_ =	shalt  }
0x78: {  	_ =	shalt  }
0x79: {  	_ =	shalt  }
0x7a: {  	_ =	shalt  }
0x7b: {  	_ =	shalt  }
0x7c: {  	_ =	shalt  }
0x7d: {  	_ =	shalt  }
0x7e: {  	_ =	shalt  }
0x7f: {  	_ =	shalt  }
0x80: {  	_ =	shalt  }
0x81: {  	_ =	shalt  }
0x82: {  	_ =	shalt  }
0x83: {  	_ =	shalt  }
0x84: {  	_ =	shalt  }
0x85: {  	_ =	shalt  }
0x86: {  	_ =	shalt  }
0x87: {  	_ =	shalt  }
.Lfunc_end0:
.L_simem_size_0:
called_computation_lowered:
.L_overlay_start_0:
0x88: {  	s2 =	sld [smem:$0x3FD9]  }
0x89: {  	s3 =	sld [smem:$0x3FFE];
	_ =	sdelay $0x1  }
0x8a: {  	s1 =	srdreg.scid  }
0x8b: {  	s0 =	sand.u32 $0x1, s1  }
0x8c: {  	s17 =	sshll.u32 s0, $0xA;
	s2 =	sadd.s32 s3, s2  }
0x8d: {  	s2 =	sadd.s32 s2, s17  }
0x8e: {  	[smem:$0x3FBD] =	sst s2  }
0x8f: {  	_ = 	snop  }
0x90: {  	s2 =	sld [smem:$0x3FC9]  }
0x91: {  	s18 =	sld [smem:$0x3FC8];
	(tm) =	ssettm $0x1  }
0x92: {  	s4 =	sld [smem:$0x3FFB];
	_ =	sdelay $0x3  }
0x93: {  	_ =	strace s4  }
0x94: {  	s4 =	sld [smem:$0x3FFC];
	_ =	sdelay $0x3  }
0x95: {  	_ =	strace s4  }
0x96: {  	s4 =	sld [smem:$0x3FFD];
	_ =	sdelay $0x3  }
0x97: {  	_ =	strace s4  }
0x98: {  	_ =	strace $0x8FFFFFFF  }
0x99: {  	s19 =	sld [smem:$0x3FDB];
	_ =	sdelay $0x1  }
0x9a: {  	s5 =	simm.s32 $_scs_section_size  }
0x9b: {  	s6 =	simm.s32 $_size__tile_overlayer_lowered;
	s7 =	simm.s32 $_tile_overlayer_lowered  }
0x9c: {  	s22 =	simm.s32 $0x1BFF;
	s21 =	sshll.u32 s7, $0x1;
	s4 =	sadd.s32 s5, s19  }
0x9d: {  	s8 =	simm.s32 $0x0;
	s20 =	sshll.u32 s6, $0x1;
	s6 =	sadd.s32 s21, s4  }
0x9e: {  	[timem:s8], [sflag:s22] =	dma.local [hbm:s6], s20  }
0x9f: {  	_ =	swait.ge [sflag:s22], s20  }
0xa0: {  	s5 =	ssub.s32 $0x0, s20;
	[sflag:s22] =	ssyncset.done $0x0  }
0xa1: {  	[sflag:s22] =	ssyncadd.s32 s5;
	_ =	sdelay $0x1  }
0xa2: {  	s23 =	simm.s32 $0x1B8B  }
0xa3: {  	_ =	swait.ge [sflag:s23], $0x1  }
0xa4: {  	[sflag:s23] =	ssyncset.done $0x0  }
0xa5: {  	s25 =	simm.s32 $0x1B8E;
	s24 =	sld [smem:$0x3FFE];
	[sflag:s23] =	ssyncadd.s32 $0xFFFFFFFF  }
0xa6: {  	s26 =	simm.s32 $execute0_lowered;
	[smem:$0x3FD2] =	sst s25  }
0xa7: {  	s6 =	sshll.u32 s26, $0x1;
	_ =	strace $0x80000046;
	[dreg:$0x1] =	wrdreg $0xFFFFFFFF  }
0xa8: {  	s28 =	simm.s32 $_size_execute0_lowered;
	s4 =	sadd.s32 s4, s6;
	[dreg:$0x0] =	wrdreg $0x0  }
0xa9: {  	s6 =	sshll.u32 s28, $0x1;
	[dreg:$0x2] =	wrdreg s4  }
0xaa: {  	[dreg:$0x3] =	wrdreg s6  }
0xab: {  	[dreg:$0x4] =	wrdreg $0xC0  }
0xac: {  	_ =	task [dreg:s8], $0x5FFFF  }
0xad: {  	[dreg:$0x1] =	wrdreg $0xFFFFFFFF  }
0xae: {  	[dreg:$0x0] =	wrdreg $0x60  }
0xaf: {  	[dreg:$0x2] =	wrdreg s2  }
0xb0: {  	[dreg:$0x3] =	wrdreg s18  }
0xb1: {  	[dreg:$0x4] =	wrdreg s24  }
0xb2: {  	[dreg:$0x5] =	wrdreg $0x9  }
0xb3: {  	_ =	task.clear_ibuf [dreg:s8], $0x6FFFF;
	_ =	strace $0x90000046  }
0xb4: {  	s29 =	simm.s32 $0x9;
	_ =	strace $0x80000048  }
0xb5: {  	_ =	swait.ge [sflag:s29], $0x1  }
0xb6: {  	[sflag:s29] =	ssyncadd.s32 $0xFFFFFFFF  }
0xb7: {  	_ =	strace $0x90000048  }
0xb8: {  	_ =	sfence  }
0xb9: {  	s30 =	sld [smem:$0x0];
	_ =	sdelay $0x2  }
0xba: {  	s31 =	sshll.u32 s1, $0xD;
	s1 =	sshrl.u32 s1, $0x2  }
0xbb: {  	s3 =	sand.u32 $0x4000, s31;
	s1 =	sadd.s32 s1, s30  }
0xbc: {  	s0 =	sor.u32 s3, s0;
	s1 =	sshll.u32 s1, $0x11  }
0xbd: {  	s0 =	sor.u32 s1, s0  }
0xbe: {  	s0 =	sadd.s32 $0x8F2B, s0  }
0xbf: {  	[sflag:s0] =	ssyncadd.remote.s32 $0x1  }
0xc0: {  	_ =	sfence.sel $0xFFFF  }
0xc1: {  	[dreg:$0x0] =	wrdreg $0xFFFFFFFF;
	(pc) =	sbr.abs _section_cstart, $3  }
0xc2: {  	[dreg:$0x1] =	wrdreg $0xFFFFFFFF  }
0xc3: {  	_ =	task.clear_ibuf [dreg:s8], $0x2FFFF;
	_ =	strace $0x9FFFFFFF  }
0xc4: {  	(tm) =	ssettm $0x7FFFFFFF  }
0xc5: {  	_ =	shalt  }
tec
execute0_lowered:
.L_overlay_start_1:
0x0: {  	(tag) =	ssettag $0x1  }
0x1: {  	s0 =	rddreg [dreg:$0x0]  }
0x2: {  	s1 =	rddreg [dreg:$0x1]  }
0x3: {  	s2 =	rddreg [dreg:$0x2];
	s3 =	simm.s32 $0x0;
	s6 =	srdreg.scid  }
0x4: {  	s8 =	stileid.u32;
	s13 =	simm.s32 $0x9;
	s15 =	simm.s32 $0x40  }
0x5: {  	s17 =	simm.s32 $0x1200;
	s19 =	simm.s32 $0x3200;
	s21 =	simm.s32 $0x5200  }
0x6: {  	s23 =	simm.s32 $0x7200;
	s28 =	simm.s32 $0xF200;
	[smem:$0x7FF] =	sst s3  }
0x7: {  	s3 =	sadd.s32 $0x1400, s2;
	s4 =	sadd.s32 $0x126600, s2;
	s5 =	sadd.s32 $0xC4A00, s2  }
0x8: {  	s6 =	sand.u32 $0x1, s6;
	s8 =	sshll.u32 s8, $0xA;
	s24 =	sadd.s32 $0x15A600, s2  }
0x9: {  	_ =	strace $0x80000047;
	s7 =	ssub.s32 $0x2, s6;
	s9 =	sshll.u32 s6, $0x9  }
0xa: {  	s6 =	sadd.s32 $0x157400, s2;
	[dreg:$0x5] =	wrdreg s24;
	s8 =	sor.u32 s9, s8  }
0xb: {  	s2 =	simm.s32 $0x11200;
	s10 =	sshrl.u32 s7, $0x1;
	s26 =	sshrl.u32 s8, $0x3  }
0xc: {  	s25 =	ssub.s32 s7, s10;
	[dreg:$0x4] =	wrdreg s8;
	s0 =	sadd.s32 s0, s26  }
0xd: {  	s30 =	sshll.u32 s8, $0x4;
	s29 =	sadd.s32 s1, s26;
	[dreg:$0x6] =	wrdreg s0  }
0xe: {  	s31 =	smax.u32 s25, $0x1;
	s25 =	simm.s32 $0xB200;
	[dreg:$0x7] =	wrdreg s29  }
0xf: {  	v1 =	vlaneseq.u32;
	s26 =	simm.s32 $0xD200;
	s0 =	sadd.s32 s24, s30;
	[dreg:$0x9] =	wrdreg s31  }
0x10: {  	v0 =	vimm.s32 $0x0;
	v2 =	vimm.f32 $0.0e+00;
	v1 =	vmul.u32 $0x80, v1;
	s1 =	simm.s32 $0x0;
	s24 =	simm.s32 $0x9200;
	[dreg:$0x8] =	wrdreg s0  }
.LBB2_1:
0x11: {  	[dreg:$0xa] =	wrdreg s1  }
0x12: {  	s0 =	simm.s32 $0x0;
	s30 =	rddreg [dreg:$0x6]  }
0x13: {  	[tilespmem:s0], [sflag:$0x9] =	stream.linear.gather [hbm4b:s30+s0], $0x200, $0x38;
	[tilespmem:$0x13200] =	vst v63  }
0x14: {  	_ =	swait.ge [sflag:s13], $0x200  }
0x15: {  	[sflag:s13] =	ssyncset.done $0x0  }
0x16: {  	s7 =	simm.s32 $0x200;
	s31 =	rddreg [dreg:$0x7];
	[sflag:s13] =	ssyncadd.s32 $0xFFFFFE00  }
0x17: {  	[tilespmem:s7], [sflag:$0x9] =	stream.linear.gather [hbm4b:s31+s0], $0x200, $0x38;
	[tilespmem:$0x13200] =	vst v63  }
0x18: {  	_ =	swait.ge [sflag:s13], $0x200  }
0x19: {  	[sflag:s13] =	ssyncset.done $0x0  }
0x1a: {  	s0 =	simm.s32 $0x0;
	[sflag:s13] =	ssyncadd.s32 $0xFFFFFE00  }
0x1b: {  	v4 =	vld [tilespmem:s0+$0x0]  }
0x1c: {  	v3 =	vld [tilespmem:s0+$0x200];
	_ =	sdelay $0x3  }
0x1d: {  	vm0 =	vgt.s32 v4, $0x1869F  }
0x1e: {  	vm1 =	vgt.s32 v3, $0x61A7;
	vm2 =	vgt.s32 v3, $0xC34F;
	v5 =	vsel vm0, $0xFFFE7960, v0  }
0x1f: {  	v7 =	vsel vm1, $0x1, v0;
	v10 =	vsel vm2, $0x1, v0;
	v4 =	vadd.s32 v4, v5  }
0x20: {  	vm1 =	vgt.s32 v3, $0x124F7;
	vm2 =	vgt.s32 v4, $0x61A7;
	vm3 =	vgt.s32 v4, $0xC34F  }
0x21: {  	v5 =	vsel vm2, $0x1, v0;
	v6 =	vsel vm3, $0x1, v0;
	vm2 =	vgt.s32 v4, $0x30D3  }
0x22: {  	v5 =	vadd.s32 v6, v5;
	v6 =	vsel vm2, $0x1, v0;
	vm2 =	vgt.s32 v4, $0x927B  }
0x23: {  	v8 =	vsel vm2, $0x1, v0;
	vm2 =	vgt.s32 v4, $0xF423;
	v6 =	vadd.s32 v6, v5  }
0x24: {  	vm3 =	vgt.s32 v4, $0x124F7;
	v9 =	vsel vm2, $0x1, v0;
	v8 =	vadd.s32 v8, v6  }
0x25: {  	v6 =	vsel vm3, $0x1, v0;
	vm2 =	vgt.s32 v4, $0x155CB;
	v9 =	vadd.s32 v9, v8  }
0x26: {  	s1 =	simm.s32 $0x10;
	s7 =	simm.s32 $0x80;
	v7 =	vadd.s32 v10, v7;
	v8 =	vsel vm2, $0x1, v0;
	v9 =	vadd.s32 v6, v9  }
.LBB2_2:
0x27: {  	p0 =	sne.s32 s7, $0x7C0;
	v10 =	vld [tilespmem:s1+$0x0];
	v5 =	vadd.s32 v6, v5;
	v6 =	vadd.s32 v8, v9;
	v8 =	vsel vm1, $0x1, v0  }
0x28: {  	v9 =	vld [tilespmem:s1+$0x200];
	v11 =	vmul.u32 $0xFFFF9E58, v5;
	v12 =	vmul.u32 $0xFFFFCF2C, v6;
	v7 =	vadd.s32 v8, v7  }
0x29: {  	v8 =	vsel vm0, $0x61A8, v0;
	v6 =	vshll.u32 v6, $0x4;
	v13 =	vmul.u32 $0xFFFF9E58, v7  }
0x2a: {  	v5 =	vshll.u32 v5, $0x5;
	v8 =	vadd.s32 v8, v4;
	v4 =	vadd.s32 v4, v12;
	[tilespmem:s0+$0xE00] =	vst v6  }
0x2b: {  	v7 =	vshll.u32 v7, $0x5;
	v6 =	vadd.s32 v11, v8;
	[tilespmem:s0+$0x600] =	vst v4;
	v8 =	vadd.s32 v3, v13  }
0x2c: {  	vm0 =	vgt.s32 v10, $0x1869F;
	[tilespmem:s0+$0x400] =	vst v6;
	v6 =	vshra.s32 v3, $0x7  }
0x2d: {  	v4 =	vsel vm0, $0xFFFE7960, v0;
	vm1 =	vgt.s32 v9, $0x61A7;
	vm2 =	vgt.s32 v9, $0xC34F;
	[tilespmem:s0+$0xC00] =	vst v5;
	v3 =	vmovc v9  }
0x2e: {  	v4 =	vadd.s32 v10, v4;
	v10 =	vsel vm1, $0x1, v0;
	v11 =	vsel vm2, $0x1, v0;
	[tilespmem:s0+$0x800] =	vst v8  }
0x2f: {  	vm1 =	vgt.s32 v3, $0x124F7;
	vm2 =	vgt.s32 v4, $0x61A7;
	vm3 =	vgt.s32 v4, $0xC34F;
	[tilespmem:s0+$0x1000] =	vst v7  }
0x30: {  	v5 =	vsel vm2, $0x1, v0;
	v7 =	vsel vm3, $0x1, v0;
	vm2 =	vgt.s32 v4, $0x30D3;
	[tilespmem:s0+$0xA00] =	vst v6;
	s0 =	smov.u32 s1  }
.Ltmp0:
0x31: {  	v5 =	vadd.s32 v7, v5;
	v6 =	vsel vm2, $0x1, v0;
	vm2 =	vgt.s32 v4, $0x927B;
	(pc) =	sbr.rel @p0 .LBB2_2-.Ltmp0, $4  }
0x32: {  	v7 =	vsel vm2, $0x1, v0;
	vm2 =	vgt.s32 v4, $0xF423;
	v6 =	vadd.s32 v6, v5  }
0x33: {  	vm3 =	vgt.s32 v4, $0x124F7;
	v8 =	vsel vm2, $0x1, v0;
	v7 =	vadd.s32 v7, v6  }
0x34: {  	v6 =	vsel vm3, $0x1, v0;
	vm2 =	vgt.s32 v4, $0x155CB;
	v7 =	vadd.s32 v8, v7  }
0x35: {  	s1 =	sshra.s32 s7, $0x2;
	s7 =	sadd.s32 $0x40, s7;
	v8 =	vsel vm2, $0x1, v0;
	v9 =	vadd.s32 v6, v7;
	v7 =	vadd.s32 v11, v10  }
0x36: {  	v10 =	vld [tilespmem:s1+$0x0]  }
0x37: {  	v5 =	vadd.s32 v6, v5;
	v41 =	vadd.s32 v8, v9;
	v42 =	vsel vm1, $0x1, v0;
	v43 =	vld [tilespmem:s1+$0x200]  }
0x38: {  	v44 =	vsel vm0, $0x61A8, v0;
	v11 =	vmul.u32 $0xFFFF9E58, v5;
	v7 =	vadd.s32 v42, v7  }
0x39: {  	v12 =	vmul.u32 $0xFFFFCF2C, v41;
	v6 =	vshll.u32 v41, $0x4;
	v13 =	vmul.u32 $0xFFFF9E58, v7  }
0x3a: {  	v8 =	vadd.s32 v44, v4;
	v5 =	vshll.u32 v5, $0x5;
	v7 =	vshll.u32 v7, $0x5  }
0x3b: {  	v45 =	vadd.s32 v4, v12;
	v8 =	vadd.s32 v11, v8;
	v46 =	vadd.s32 v3, v13  }
0x3c: {  	v3 =	vshra.s32 v3, $0x7;
	vm7 =	vgt.s32 v10, $0x1869F;
	vm8 =	vgt.s32 v43, $0x61A7  }
0x3d: {  	vm2 =	vgt.s32 v43, $0xC34F;
	vm15 =	vgt.s32 v43, $0x124F7;
	v47 =	vsel vm7, $0xFFFE7960, v0  }
0x3e: {  	v48 =	vsel vm8, $0x1, v0;
	v55 =	vsel vm2, $0x1, v0;
	v58 =	vsel vm15, $0x1, v0  }
0x3f: {  	[tilespmem:s0+$0xC00] =	vst v5;
	v60 =	vsel vm7, $0x61A8, v0;
	v10 =	vadd.s32 v10, v47;
	v5 =	vadd.s32 v55, v48  }
0x40: {  	vm9 =	vgt.s32 v10, $0x61A7;
	vm3 =	vgt.s32 v10, $0xC34F;
	vm10 =	vgt.s32 v10, $0x30D3  }
0x41: {  	[tilespmem:s0+$0xE00] =	vst v6;
	vm11 =	vgt.s32 v10, $0x927B;
	vm12 =	vgt.s32 v10, $0xF423;
	vm13 =	vgt.s32 v10, $0x124F7  }
0x42: {  	[tilespmem:s0+$0x1000] =	vst v7;
	vm14 =	vgt.s32 v10, $0x155CB;
	v5 =	vadd.s32 v58, v5;
	v61 =	vadd.s32 v60, v10  }
0x43: {  	[tilespmem:s0+$0x600] =	vst v45;
	v49 =	vsel vm9, $0x1, v0;
	v14 =	vsel vm3, $0x1, v0;
	v50 =	vsel vm10, $0x1, v0  }
0x44: {  	[tilespmem:s0+$0x400] =	vst v8;
	v51 =	vsel vm11, $0x1, v0;
	v54 =	vsel vm13, $0x1, v0;
	v13 =	vadd.s32 v14, v49  }
0x45: {  	[tilespmem:s0+$0x800] =	vst v46;
	v53 =	vsel vm12, $0x1, v0;
	v14 =	vadd.s32 v50, v13;
	v57 =	vadd.s32 v54, v13  }
0x46: {  	[tilespmem:s0+$0xA00] =	vst v3;
	v63 =	vshll.u32 v5, $0x5;
	v52 =	vadd.s32 v51, v14;
	v3 =	vmul.u32 $0xFFFF9E58, v57  }
0x47: {  	v62 =	vmul.u32 $0xFFFF9E58, v5;
	[tilespmem:s1+$0x1000] =	vst v63;
	v6 =	vshll.u32 v57, $0x5;
	v4 =	vadd.s32 v53, v52  }
0x48: {  	v56 =	vsel vm14, $0x1, v0;
	[tilespmem:s1+$0xC00] =	vst v6;
	v4 =	vadd.s32 v54, v4;
	v3 =	vadd.s32 v3, v61  }
0x49: {  	v4 =	vadd.s32 v56, v4;
	[tilespmem:s1+$0x400] =	vst v3;
	v3 =	vadd.s32 v43, v62  }
0x4a: {  	v59 =	vmul.u32 $0xFFFFCF2C, v4;
	v4 =	vshll.u32 v4, $0x4;
	[tilespmem:s1+$0x800] =	vst v3  }
0x4b: {  	v3 =	vshra.s32 v43, $0x7;
	[tilespmem:s1+$0xE00] =	vst v4  }
0x4c: {  	s20 =	simm.s32 $0x400;
	[tilespmem:s1+$0xA00] =	vst v3;
	v8 =	vadd.s32 v10, v59  }
0x4d: {  	s22 =	simm.s32 $0x600;
	s30 =	simm.s32 $0x800;
	s31 =	simm.s32 $0xA00;
	[tilespmem:s1+$0x600] =	vst v8  }
0x4e: {  	[tilespmem:s17], [sflag:$0x1] =	stream.indirect.gather [hbm4b:s3+s15], $0x80, s20, s15, $0xb8;
	[tilespmem:$0x13200] =	vst v63  }
0x4f: {  	s9 =	simm.s32 $0x0;
	s18 =	simm.s32 $0xC00;
	s16 =	simm.s32 $0xE00  }
0x50: {  	[tilespmem:s19], [sflag:$0x2] =	stream.indirect.gather [hbm4b:s4+s15], $0x80, s22, s15, $0xb8;
	[tilespmem:$0x13200] =	vst v63  }
0x51: {  	s14 =	simm.s32 $0x1000;
	s7 =	simm.s32 $0x240;
	s11 =	simm.s32 $0x1040  }
0x52: {  	[tilespmem:s21], [sflag:$0x3] =	stream.indirect.gather [hbm4b:s5+s15], $0x80, s30, s15, $0xb8;
	[tilespmem:$0x13200] =	vst v63  }
0x53: {  	s29 =	simm.s32 $0xC40;
	s0 =	simm.s32 $0x200;
	s1 =	simm.s32 $0xE40  }
0x54: {  	[tilespmem:s23], [sflag:$0x4] =	stream.indirect.gather [hbm4b:s6+s15], $0x80, s31, s15, $0xb8;
	[tilespmem:$0x13200] =	vst v63  }
.LBB2_4:
0x55: {  	s31 =	sshll.u32 s9, $0x7  }
0x56: {  	s8 =	sadd.s32 $0x440, s31  }
0x57: {  	[tilespmem:s24], [sflag:$0x5] =	stream.indirect.gather [hbm4b:s3+s15], $0x80, s8, s15, $0xb8;
	[tilespmem:$0x13200] =	vst v63  }
0x58: {  	s12 =	sadd.s32 $0x640, s31  }
0x59: {  	[tilespmem:s25], [sflag:$0x6] =	stream.indirect.gather [hbm4b:s4+s15], $0x80, s12, s15, $0xb8;
	[tilespmem:$0x13200] =	vst v63  }
0x5a: {  	s20 =	sadd.s32 $0x840, s31  }
0x5b: {  	[tilespmem:s26], [sflag:$0x7] =	stream.indirect.gather [hbm4b:s5+s15], $0x80, s20, s15, $0xb8;
	[tilespmem:$0x13200] =	vst v63  }
0x5c: {  	s10 =	simm.s32 $0x1;
	s22 =	sadd.s32 $0xA40, s31  }
0x5d: {  	[tilespmem:s28], [sflag:$0x8] =	stream.indirect.gather [hbm4b:s6+s15], $0x80, s22, s15, $0xb8;
	[tilespmem:$0x13200] =	vst v63  }
0x5e: {  	_ =	swait.ge [sflag:s10], $0x2000  }
0x5f: {  	[sflag:s10] =	ssyncset.done $0x0  }
0x60: {  	s12 =	simm.s32 $0x2;
	[sflag:s10] =	ssyncadd.s32 $0xFFFFE000  }
0x61: {  	_ =	swait.ge [sflag:s12], $0x2000  }
0x62: {  	[sflag:s12] =	ssyncset.done $0x0  }
0x63: {  	s20 =	simm.s32 $0x3;
	[sflag:s12] =	ssyncadd.s32 $0xFFFFE000  }
0x64: {  	_ =	swait.ge [sflag:s20], $0x2000  }
0x65: {  	[sflag:s20] =	ssyncset.done $0x0  }
0x66: {  	s22 =	simm.s32 $0x4;
	[sflag:s20] =	ssyncadd.s32 $0xFFFFE000  }
0x67: {  	s30 =	sor.u32 $0x40, s31;
	s8 =	smov.u32 s0;
	_ =	swait.ge [sflag:s22], $0x2000  }
0x68: {  	s10 =	smov.u32 s18;
	s12 =	smov.u32 s16;
	[sflag:s22] =	ssyncset.done $0x0  }
0x69: {  	s20 =	simm.s32 $0x0;
	[sflag:s22] =	ssyncadd.s32 $0xFFFFE000;
	s22 =	smov.u32 s14  }
.LBB2_5:
0x6a: {  	v7 =	vld [tilespmem:s12+$0x0];
	_ =	sdelay $0x2  }
0x6b: {  	v3 =	vmov s20  }
0x6c: {  	v3 =	vshll.u32 v3, $0x7  }
0x6d: {  	v3 =	vor.u32 v1, v3;
	v4 =	vand.u32 $0xFFFFFF80, v7  }
0x6e: {  	v5 =	vand.u32 $0x7F, v7;
	v4 =	vadd.s32 v3, v4  }
0x6f: {  	v4 =	vor.u32 v5, v4;
	_ =	sdelay $0x2  }
0x70: {  	v37 =	vadd.s32 $0x1, v7  }
0x71: {  	v6 =	vand.u32 $0xFFFFFF80, v37  }
0x72: {  	v38 =	vand.u32 $0x7F, v37;
	v39 =	vadd.s32 v3, v6;
	v8 =	vld.idx.msk [tilespmem:v4+s19+$0x0], $0xffff  }
0x73: {  	v9 =	vor.u32 v38, v39;
	_ =	sdelay $0x1  }
0x74: {  	v6 =	vld [tilespmem:s10+$0x0]  }
0x75: {  	v10 =	vadd.s32 $0x2, v7;
	v5 =	vld [tilespmem:s22+$0x0]  }
0x76: {  	v40 =	vand.u32 $0xFFFFFF80, v10;
	v4 =	vld [tilespmem:s8+$0x0];
	[tilespmem:v3+s2+$0x0] =	vst.idx.msk $0xffff, v8  }
0x77: {  	v11 =	vor.u32 $0x1, v3;
	v10 =	vand.u32 $0x7F, v10;
	v8 =	vadd.s32 v3, v40;
	v9 =	vld.idx.msk [tilespmem:v9+s19+$0x0], $0xffff  }
0x78: {  	v8 =	vor.u32 v10, v8;
	_ =	sdelay $0x2  }
0x79: {  	v41 =	vadd.s32 $0x3, v7  }
0x7a: {  	v42 =	vand.u32 $0xFFFFFF80, v41;
	[tilespmem:v11+s2+$0x0] =	vst.idx.msk $0xffff, v9  }
0x7b: {  	v43 =	vor.u32 $0x2, v3;
	v10 =	vand.u32 $0x7F, v41;
	v9 =	vadd.s32 v3, v42;
	v8 =	vld.idx.msk [tilespmem:v8+s19+$0x0], $0xffff  }
0x7c: {  	v9 =	vor.u32 v10, v9;
	_ =	sdelay $0x2  }
0x7d: {  	v44 =	vadd.s32 $0x4, v7  }
0x7e: {  	v45 =	vand.u32 $0xFFFFFF80, v44;
	[tilespmem:v43+s2+$0x0] =	vst.idx.msk $0xffff, v8  }
0x7f: {  	v46 =	vor.u32 $0x3, v3;
	v10 =	vand.u32 $0x7F, v44;
	v8 =	vadd.s32 v3, v45;
	v9 =	vld.idx.msk [tilespmem:v9+s19+$0x0], $0xffff  }
0x80: {  	v8 =	vor.u32 v10, v8;
	_ =	sdelay $0x2  }
0x81: {  	v47 =	vadd.s32 $0x5, v7  }
0x82: {  	v48 =	vand.u32 $0xFFFFFF80, v47;
	[tilespmem:v46+s2+$0x0] =	vst.idx.msk $0xffff, v9  }
0x83: {  	v49 =	vor.u32 $0x4, v3;
	v10 =	vand.u32 $0x7F, v47;
	v9 =	vadd.s32 v3, v48;
	v8 =	vld.idx.msk [tilespmem:v8+s19+$0x0], $0xffff  }
0x84: {  	v9 =	vor.u32 v10, v9;
	_ =	sdelay $0x2  }
0x85: {  	v50 =	vadd.s32 $0x6, v7  }
0x86: {  	v51 =	vand.u32 $0xFFFFFF80, v50;
	[tilespmem:v49+s2+$0x0] =	vst.idx.msk $0xffff, v8  }
0x87: {  	v52 =	vor.u32 $0x5, v3;
	v10 =	vand.u32 $0x7F, v50;
	v8 =	vadd.s32 v3, v51;
	v9 =	vld.idx.msk [tilespmem:v9+s19+$0x0], $0xffff  }
0x88: {  	v8 =	vor.u32 v10, v8;
	_ =	sdelay $0x2  }
0x89: {  	v53 =	vadd.s32 $0x7, v7  }
0x8a: {  	v54 =	vand.u32 $0xFFFFFF80, v53;
	[tilespmem:v52+s2+$0x0] =	vst.idx.msk $0xffff, v9  }
0x8b: {  	v55 =	vor.u32 $0x6, v3;
	v10 =	vand.u32 $0x7F, v53;
	v9 =	vadd.s32 v3, v54;
	v8 =	vld.idx.msk [tilespmem:v8+s19+$0x0], $0xffff  }
0x8c: {  	v9 =	vor.u32 v10, v9;
	_ =	sdelay $0x2  }
0x8d: {  	v56 =	vadd.s32 $0x8, v7  }
0x8e: {  	v57 =	vand.u32 $0xFFFFFF80, v56;
	[tilespmem:v55+s2+$0x0] =	vst.idx.msk $0xffff, v8  }
0x8f: {  	v58 =	vor.u32 $0x7, v3;
	v10 =	vand.u32 $0x7F, v56;
	v8 =	vadd.s32 v3, v57;
	v9 =	vld.idx.msk [tilespmem:v9+s19+$0x0], $0xffff  }
0x90: {  	v8 =	vor.u32 v10, v8;
	_ =	sdelay $0x2  }
0x91: {  	v59 =	vadd.s32 $0x9, v7  }
0x92: {  	v60 =	vand.u32 $0xFFFFFF80, v59;
	[tilespmem:v58+s2+$0x0] =	vst.idx.msk $0xffff, v9  }
0x93: {  	v61 =	vor.u32 $0x8, v3;
	v10 =	vand.u32 $0x7F, v59;
	v9 =	vadd.s32 v3, v60;
	v8 =	vld.idx.msk [tilespmem:v8+s19+$0x0], $0xffff  }
0x94: {  	v9 =	vor.u32 v10, v9;
	_ =	sdelay $0x2  }
0x95: {  	v62 =	vadd.s32 $0xA, v7  }
0x96: {  	v63 =	vand.u32 $0xFFFFFF80, v62;
	[tilespmem:v61+s2+$0x0] =	vst.idx.msk $0xffff, v8  }
0x97: {  	v12 =	vor.u32 $0x9, v3;
	v10 =	vand.u32 $0x7F, v62;
	v8 =	vadd.s32 v3, v63;
	v9 =	vld.idx.msk [tilespmem:v9+s19+$0x0], $0xffff  }
0x98: {  	v8 =	vor.u32 v10, v8;
	_ =	sdelay $0x2  }
0x99: {  	v13 =	vadd.s32 $0xB, v7  }
0x9a: {  	v14 =	vand.u32 $0xFFFFFF80, v13;
	[tilespmem:v12+s2+$0x0] =	vst.idx.msk $0xffff, v9  }
0x9b: {  	v15 =	vor.u32 $0xA, v3;
	v10 =	vand.u32 $0x7F, v13;
	v9 =	vadd.s32 v3, v14;
	v8 =	vld.idx.msk [tilespmem:v8+s19+$0x0], $0xffff  }
0x9c: {  	v9 =	vor.u32 v10, v9;
	_ =	sdelay $0x2  }
0x9d: {  	v16 =	vadd.s32 $0xC, v7  }
0x9e: {  	v17 =	vand.u32 $0xFFFFFF80, v16;
	[tilespmem:v15+s2+$0x0] =	vst.idx.msk $0xffff, v8  }
0x9f: {  	v18 =	vor.u32 $0xB, v3;
	v10 =	vand.u32 $0x7F, v16;
	v8 =	vadd.s32 v3, v17;
	v9 =	vld.idx.msk [tilespmem:v9+s19+$0x0], $0xffff  }
0xa0: {  	v8 =	vor.u32 v10, v8;
	_ =	sdelay $0x2  }
0xa1: {  	v19 =	vadd.s32 $0xD, v7  }
0xa2: {  	v20 =	vand.u32 $0xFFFFFF80, v19;
	[tilespmem:v18+s2+$0x0] =	vst.idx.msk $0xffff, v9  }
0xa3: {  	v21 =	vor.u32 $0xC, v3;
	v10 =	vand.u32 $0x7F, v19;
	v9 =	vadd.s32 v3, v20;
	v8 =	vld.idx.msk [tilespmem:v8+s19+$0x0], $0xffff  }
0xa4: {  	v9 =	vor.u32 v10, v9;
	_ =	sdelay $0x2  }
0xa5: {  	v22 =	vadd.s32 $0xE, v7  }
0xa6: {  	v23 =	vand.u32 $0xFFFFFF80, v22;
	[tilespmem:v21+s2+$0x0] =	vst.idx.msk $0xffff, v8  }
0xa7: {  	v24 =	vor.u32 $0xD, v3;
	v10 =	vand.u32 $0x7F, v22;
	v8 =	vadd.s32 v3, v23;
	v9 =	vld.idx.msk [tilespmem:v9+s19+$0x0], $0xffff  }
0xa8: {  	v8 =	vor.u32 v10, v8;
	_ =	sdelay $0x2  }
0xa9: {  	v7 =	vadd.s32 $0xF, v7  }
0xaa: {  	v25 =	vand.u32 $0xFFFFFF80, v7;
	[tilespmem:v24+s2+$0x0] =	vst.idx.msk $0xffff, v9  }
0xab: {  	v26 =	vor.u32 $0xE, v3;
	v7 =	vand.u32 $0x7F, v7;
	v9 =	vadd.s32 v3, v25;
	v8 =	vld.idx.msk [tilespmem:v8+s19+$0x0], $0xffff  }
0xac: {  	v7 =	vor.u32 v7, v9;
	_ =	sdelay $0x3  }
0xad: {  	v27 =	vand.u32 $0xFFFFFF80, v6;
	[tilespmem:v26+s2+$0x0] =	vst.idx.msk $0xffff, v8  }
0xae: {  	v28 =	vor.u32 $0xF, v3;
	v29 =	vand.u32 $0x7F, v6;
	v8 =	vadd.s32 v3, v27;
	v7 =	vld.idx.msk [tilespmem:v7+s19+$0x0], $0xffff  }
0xaf: {  	v8 =	vor.u32 v29, v8;
	_ =	sdelay $0x2  }
0xb0: {  	v30 =	vadd.s32 $0x1, v6  }
0xb1: {  	v31 =	vand.u32 $0xFFFFFF80, v30;
	[tilespmem:v28+s2+$0x0] =	vst.idx.msk $0xffff, v7  }
0xb2: {  	v32 =	vor.u32 $0x10, v3;
	v10 =	vand.u32 $0x7F, v30;
	v7 =	vadd.s32 v3, v31;
	v8 =	vld.idx.msk [tilespmem:v8+s17+$0x0], $0xffff  }
0xb3: {  	v7 =	vor.u32 v10, v7;
	_ =	sdelay $0x2  }
0xb4: {  	v33 =	vadd.s32 $0x2, v6  }
0xb5: {  	v34 =	vand.u32 $0xFFFFFF80, v33;
	[tilespmem:v32+s2+$0x0] =	vst.idx.msk $0xffff, v8  }
0xb6: {  	v35 =	vor.u32 $0x11, v3;
	v10 =	vand.u32 $0x7F, v33;
	v8 =	vadd.s32 v3, v34;
	v7 =	vld.idx.msk [tilespmem:v7+s17+$0x0], $0xffff  }
0xb7: {  	v8 =	vor.u32 v10, v8;
	_ =	sdelay $0x2  }
0xb8: {  	v36 =	vadd.s32 $0x3, v6  }
0xb9: {  	v37 =	vand.u32 $0xFFFFFF80, v36;
	[tilespmem:v35+s2+$0x0] =	vst.idx.msk $0xffff, v7  }
0xba: {  	v38 =	vor.u32 $0x12, v3;
	v10 =	vand.u32 $0x7F, v36;
	v7 =	vadd.s32 v3, v37;
	v8 =	vld.idx.msk [tilespmem:v8+s17+$0x0], $0xffff  }
0xbb: {  	v7 =	vor.u32 v10, v7;
	_ =	sdelay $0x2  }
0xbc: {  	v39 =	vadd.s32 $0x4, v6  }
0xbd: {  	v40 =	vand.u32 $0xFFFFFF80, v39;
	[tilespmem:v38+s2+$0x0] =	vst.idx.msk $0xffff, v8  }
0xbe: {  	v41 =	vor.u32 $0x13, v3;
	v10 =	vand.u32 $0x7F, v39;
	v8 =	vadd.s32 v3, v40;
	v7 =	vld.idx.msk [tilespmem:v7+s17+$0x0], $0xffff  }
0xbf: {  	v8 =	vor.u32 v10, v8;
	_ =	sdelay $0x2  }
0xc0: {  	v42 =	vadd.s32 $0x5, v6  }
0xc1: {  	v43 =	vand.u32 $0xFFFFFF80, v42;
	[tilespmem:v41+s2+$0x0] =	vst.idx.msk $0xffff, v7  }
0xc2: {  	v44 =	vor.u32 $0x14, v3;
	v10 =	vand.u32 $0x7F, v42;
	v7 =	vadd.s32 v3, v43;
	v8 =	vld.idx.msk [tilespmem:v8+s17+$0x0], $0xffff  }
0xc3: {  	v7 =	vor.u32 v10, v7;
	_ =	sdelay $0x2  }
0xc4: {  	v45 =	vadd.s32 $0x6, v6  }
0xc5: {  	v46 =	vand.u32 $0xFFFFFF80, v45;
	[tilespmem:v44+s2+$0x0] =	vst.idx.msk $0xffff, v8  }
0xc6: {  	v47 =	vor.u32 $0x15, v3;
	v10 =	vand.u32 $0x7F, v45;
	v8 =	vadd.s32 v3, v46;
	v7 =	vld.idx.msk [tilespmem:v7+s17+$0x0], $0xffff  }
0xc7: {  	v8 =	vor.u32 v10, v8;
	_ =	sdelay $0x2  }
0xc8: {  	v48 =	vadd.s32 $0x7, v6  }
0xc9: {  	v49 =	vand.u32 $0xFFFFFF80, v48;
	[tilespmem:v47+s2+$0x0] =	vst.idx.msk $0xffff, v7  }
0xca: {  	v50 =	vor.u32 $0x16, v3;
	v10 =	vand.u32 $0x7F, v48;
	v7 =	vadd.s32 v3, v49;
	v8 =	vld.idx.msk [tilespmem:v8+s17+$0x0], $0xffff  }
0xcb: {  	v7 =	vor.u32 v10, v7;
	_ =	sdelay $0x2  }
0xcc: {  	v51 =	vadd.s32 $0x8, v6  }
0xcd: {  	v52 =	vand.u32 $0xFFFFFF80, v51;
	[tilespmem:v50+s2+$0x0] =	vst.idx.msk $0xffff, v8  }
0xce: {  	v53 =	vor.u32 $0x17, v3;
	v10 =	vand.u32 $0x7F, v51;
	v8 =	vadd.s32 v3, v52;
	v7 =	vld.idx.msk [tilespmem:v7+s17+$0x0], $0xffff  }
0xcf: {  	v8 =	vor.u32 v10, v8;
	_ =	sdelay $0x2  }
0xd0: {  	v54 =	vadd.s32 $0x9, v6  }
0xd1: {  	v55 =	vand.u32 $0xFFFFFF80, v54;
	[tilespmem:v53+s2+$0x0] =	vst.idx.msk $0xffff, v7  }
0xd2: {  	v56 =	vor.u32 $0x18, v3;
	v10 =	vand.u32 $0x7F, v54;
	v7 =	vadd.s32 v3, v55;
	v8 =	vld.idx.msk [tilespmem:v8+s17+$0x0], $0xffff  }
0xd3: {  	v7 =	vor.u32 v10, v7;
	_ =	sdelay $0x2  }
0xd4: {  	v57 =	vadd.s32 $0xA, v6  }
0xd5: {  	v58 =	vand.u32 $0xFFFFFF80, v57;
	[tilespmem:v56+s2+$0x0] =	vst.idx.msk $0xffff, v8  }
0xd6: {  	v59 =	vor.u32 $0x19, v3;
	v10 =	vand.u32 $0x7F, v57;
	v8 =	vadd.s32 v3, v58;
	v7 =	vld.idx.msk [tilespmem:v7+s17+$0x0], $0xffff  }
0xd7: {  	v8 =	vor.u32 v10, v8;
	_ =	sdelay $0x2  }
0xd8: {  	v60 =	vadd.s32 $0xB, v6  }
0xd9: {  	v61 =	vand.u32 $0xFFFFFF80, v60;
	[tilespmem:v59+s2+$0x0] =	vst.idx.msk $0xffff, v7  }
0xda: {  	v62 =	vor.u32 $0x1A, v3;
	v10 =	vand.u32 $0x7F, v60;
	v7 =	vadd.s32 v3, v61;
	v8 =	vld.idx.msk [tilespmem:v8+s17+$0x0], $0xffff  }
0xdb: {  	v7 =	vor.u32 v10, v7;
	_ =	sdelay $0x2  }
0xdc: {  	v63 =	vadd.s32 $0xC, v6  }
0xdd: {  	v12 =	vand.u32 $0xFFFFFF80, v63;
	[tilespmem:v62+s2+$0x0] =	vst.idx.msk $0xffff, v8  }
0xde: {  	v13 =	vor.u32 $0x1B, v3;
	v10 =	vand.u32 $0x7F, v63;
	v8 =	vadd.s32 v3, v12;
	v7 =	vld.idx.msk [tilespmem:v7+s17+$0x0], $0xffff  }
0xdf: {  	v8 =	vor.u32 v10, v8;
	_ =	sdelay $0x2  }
0xe0: {  	v14 =	vadd.s32 $0xD, v6  }
0xe1: {  	v15 =	vand.u32 $0xFFFFFF80, v14;
	[tilespmem:v13+s2+$0x0] =	vst.idx.msk $0xffff, v7  }
0xe2: {  	v16 =	vor.u32 $0x1C, v3;
	v10 =	vand.u32 $0x7F, v14;
	v7 =	vadd.s32 v3, v15;
	v8 =	vld.idx.msk [tilespmem:v8+s17+$0x0], $0xffff  }
0xe3: {  	v7 =	vor.u32 v10, v7;
	_ =	sdelay $0x2  }
0xe4: {  	v17 =	vadd.s32 $0xE, v6  }
0xe5: {  	v18 =	vand.u32 $0xFFFFFF80, v17;
	[tilespmem:v16+s2+$0x0] =	vst.idx.msk $0xffff, v8  }
0xe6: {  	v19 =	vor.u32 $0x1D, v3;
	v10 =	vand.u32 $0x7F, v17;
	v8 =	vadd.s32 v3, v18;
	v7 =	vld.idx.msk [tilespmem:v7+s17+$0x0], $0xffff  }
0xe7: {  	v8 =	vor.u32 v10, v8;
	_ =	sdelay $0x2  }
0xe8: {  	v20 =	vadd.s32 $0xF, v6  }
0xe9: {  	v21 =	vand.u32 $0xFFFFFF80, v20;
	[tilespmem:v19+s2+$0x0] =	vst.idx.msk $0xffff, v7  }
0xea: {  	v22 =	vor.u32 $0x1E, v3;
	v10 =	vand.u32 $0x7F, v20;
	v7 =	vadd.s32 v3, v21;
	v8 =	vld.idx.msk [tilespmem:v8+s17+$0x0], $0xffff  }
0xeb: {  	v7 =	vor.u32 v10, v7;
	_ =	sdelay $0x2  }
0xec: {  	v23 =	vadd.s32 $0x10, v6  }
0xed: {  	v24 =	vand.u32 $0xFFFFFF80, v23;
	[tilespmem:v22+s2+$0x0] =	vst.idx.msk $0xffff, v8  }
0xee: {  	v25 =	vor.u32 $0x1F, v3;
	v10 =	vand.u32 $0x7F, v23;
	v8 =	vadd.s32 v3, v24;
	v7 =	vld.idx.msk [tilespmem:v7+s17+$0x0], $0xffff  }
0xef: {  	v8 =	vor.u32 v10, v8;
	_ =	sdelay $0x2  }
0xf0: {  	v26 =	vadd.s32 $0x11, v6  }
0xf1: {  	v27 =	vand.u32 $0xFFFFFF80, v26;
	[tilespmem:v25+s2+$0x0] =	vst.idx.msk $0xffff, v7  }
0xf2: {  	v28 =	vor.u32 $0x20, v3;
	v10 =	vand.u32 $0x7F, v26;
	v7 =	vadd.s32 v3, v27;
	v8 =	vld.idx.msk [tilespmem:v8+s17+$0x0], $0xffff  }
0xf3: {  	v7 =	vor.u32 v10, v7;
	_ =	sdelay $0x2  }
0xf4: {  	v29 =	vadd.s32 $0x12, v6  }
0xf5: {  	v30 =	vand.u32 $0xFFFFFF80, v29;
	[tilespmem:v28+s2+$0x0] =	vst.idx.msk $0xffff, v8  }
0xf6: {  	v31 =	vor.u32 $0x21, v3;
	v10 =	vand.u32 $0x7F, v29;
	v8 =	vadd.s32 v3, v30;
	v7 =	vld.idx.msk [tilespmem:v7+s17+$0x0], $0xffff  }
0xf7: {  	v8 =	vor.u32 v10, v8;
	_ =	sdelay $0x2  }
0xf8: {  	v32 =	vadd.s32 $0x13, v6  }
0xf9: {  	v33 =	vand.u32 $0xFFFFFF80, v32;
	[tilespmem:v31+s2+$0x0] =	vst.idx.msk $0xffff, v7  }
0xfa: {  	v34 =	vor.u32 $0x22, v3;
	v10 =	vand.u32 $0x7F, v32;
	v7 =	vadd.s32 v3, v33;
	v8 =	vld.idx.msk [tilespmem:v8+s17+$0x0], $0xffff  }
0xfb: {  	v7 =	vor.u32 v10, v7;
	_ =	sdelay $0x2  }
0xfc: {  	v35 =	vadd.s32 $0x14, v6  }
0xfd: {  	v36 =	vand.u32 $0xFFFFFF80, v35;
	[tilespmem:v34+s2+$0x0] =	vst.idx.msk $0xffff, v8  }
0xfe: {  	v37 =	vor.u32 $0x23, v3;
	v10 =	vand.u32 $0x7F, v35;
	v8 =	vadd.s32 v3, v36;
	v7 =	vld.idx.msk [tilespmem:v7+s17+$0x0], $0xffff  }
0xff: {  	v8 =	vor.u32 v10, v8;
	_ =	sdelay $0x2  }
0x100: {  	v38 =	vadd.s32 $0x15, v6  }
0x101: {  	v39 =	vand.u32 $0xFFFFFF80, v38;
	[tilespmem:v37+s2+$0x0] =	vst.idx.msk $0xffff, v7  }
0x102: {  	v40 =	vor.u32 $0x24, v3;
	v10 =	vand.u32 $0x7F, v38;
	v7 =	vadd.s32 v3, v39;
	v8 =	vld.idx.msk [tilespmem:v8+s17+$0x0], $0xffff  }
0x103: {  	v7 =	vor.u32 v10, v7;
	_ =	sdelay $0x2  }
0x104: {  	v41 =	vadd.s32 $0x16, v6  }
0x105: {  	v42 =	vand.u32 $0xFFFFFF80, v41;
	[tilespmem:v40+s2+$0x0] =	vst.idx.msk $0xffff, v8  }
0x106: {  	v43 =	vor.u32 $0x25, v3;
	v10 =	vand.u32 $0x7F, v41;
	v8 =	vadd.s32 v3, v42;
	v7 =	vld.idx.msk [tilespmem:v7+s17+$0x0], $0xffff  }
0x107: {  	v8 =	vor.u32 v10, v8;
	_ =	sdelay $0x2  }
0x108: {  	v44 =	vadd.s32 $0x17, v6  }
0x109: {  	v45 =	vand.u32 $0xFFFFFF80, v44;
	[tilespmem:v43+s2+$0x0] =	vst.idx.msk $0xffff, v7  }
0x10a: {  	v46 =	vor.u32 $0x26, v3;
	v10 =	vand.u32 $0x7F, v44;
	v7 =	vadd.s32 v3, v45;
	v8 =	vld.idx.msk [tilespmem:v8+s17+$0x0], $0xffff  }
0x10b: {  	v7 =	vor.u32 v10, v7;
	_ =	sdelay $0x2  }
0x10c: {  	v47 =	vadd.s32 $0x18, v6  }
0x10d: {  	v48 =	vand.u32 $0xFFFFFF80, v47;
	[tilespmem:v46+s2+$0x0] =	vst.idx.msk $0xffff, v8  }
0x10e: {  	v49 =	vor.u32 $0x27, v3;
	v10 =	vand.u32 $0x7F, v47;
	v8 =	vadd.s32 v3, v48;
	v7 =	vld.idx.msk [tilespmem:v7+s17+$0x0], $0xffff  }
0x10f: {  	v8 =	vor.u32 v10, v8;
	_ =	sdelay $0x2  }
0x110: {  	v50 =	vadd.s32 $0x19, v6  }
0x111: {  	v51 =	vand.u32 $0xFFFFFF80, v50;
	[tilespmem:v49+s2+$0x0] =	vst.idx.msk $0xffff, v7  }
0x112: {  	v52 =	vor.u32 $0x28, v3;
	v10 =	vand.u32 $0x7F, v50;
	v7 =	vadd.s32 v3, v51;
	v8 =	vld.idx.msk [tilespmem:v8+s17+$0x0], $0xffff  }
0x113: {  	v7 =	vor.u32 v10, v7;
	_ =	sdelay $0x2  }
0x114: {  	v53 =	vadd.s32 $0x1A, v6  }
0x115: {  	v54 =	vand.u32 $0xFFFFFF80, v53;
	[tilespmem:v52+s2+$0x0] =	vst.idx.msk $0xffff, v8  }
0x116: {  	v55 =	vor.u32 $0x29, v3;
	v10 =	vand.u32 $0x7F, v53;
	v8 =	vadd.s32 v3, v54;
	v7 =	vld.idx.msk [tilespmem:v7+s17+$0x0], $0xffff  }
0x117: {  	v8 =	vor.u32 v10, v8;
	_ =	sdelay $0x2  }
0x118: {  	v56 =	vadd.s32 $0x1B, v6  }
0x119: {  	v57 =	vand.u32 $0xFFFFFF80, v56;
	[tilespmem:v55+s2+$0x0] =	vst.idx.msk $0xffff, v7  }
0x11a: {  	v58 =	vor.u32 $0x2A, v3;
	v10 =	vand.u32 $0x7F, v56;
	v7 =	vadd.s32 v3, v57;
	v8 =	vld.idx.msk [tilespmem:v8+s17+$0x0], $0xffff  }
0x11b: {  	v7 =	vor.u32 v10, v7;
	_ =	sdelay $0x2  }
0x11c: {  	v59 =	vadd.s32 $0x1C, v6  }
0x11d: {  	v60 =	vand.u32 $0xFFFFFF80, v59;
	[tilespmem:v58+s2+$0x0] =	vst.idx.msk $0xffff, v8  }
0x11e: {  	v61 =	vor.u32 $0x2B, v3;
	v10 =	vand.u32 $0x7F, v59;
	v8 =	vadd.s32 v3, v60;
	v7 =	vld.idx.msk [tilespmem:v7+s17+$0x0], $0xffff  }
0x11f: {  	v8 =	vor.u32 v10, v8;
	_ =	sdelay $0x2  }
0x120: {  	v62 =	vadd.s32 $0x1D, v6  }
0x121: {  	v63 =	vand.u32 $0xFFFFFF80, v62;
	[tilespmem:v61+s2+$0x0] =	vst.idx.msk $0xffff, v7  }
0x122: {  	v12 =	vor.u32 $0x2C, v3;
	v10 =	vand.u32 $0x7F, v62;
	v7 =	vadd.s32 v3, v63;
	v8 =	vld.idx.msk [tilespmem:v8+s17+$0x0], $0xffff  }
0x123: {  	v7 =	vor.u32 v10, v7;
	_ =	sdelay $0x2  }
0x124: {  	v13 =	vadd.s32 $0x1E, v6  }
0x125: {  	v14 =	vand.u32 $0xFFFFFF80, v13;
	[tilespmem:v12+s2+$0x0] =	vst.idx.msk $0xffff, v8  }
0x126: {  	v15 =	vor.u32 $0x2D, v3;
	v10 =	vand.u32 $0x7F, v13;
	v8 =	vadd.s32 v3, v14;
	v7 =	vld.idx.msk [tilespmem:v7+s17+$0x0], $0xffff  }
0x127: {  	v8 =	vor.u32 v10, v8;
	_ =	sdelay $0x2  }
0x128: {  	v6 =	vadd.s32 $0x1F, v6  }
0x129: {  	v16 =	vand.u32 $0xFFFFFF80, v6;
	[tilespmem:v15+s2+$0x0] =	vst.idx.msk $0xffff, v7  }
0x12a: {  	v17 =	vor.u32 $0x2E, v3;
	v6 =	vand.u32 $0x7F, v6;
	v7 =	vadd.s32 v3, v16;
	v8 =	vld.idx.msk [tilespmem:v8+s17+$0x0], $0xffff  }
0x12b: {  	v6 =	vor.u32 v6, v7;
	_ =	sdelay $0x3  }
0x12c: {  	v18 =	vand.u32 $0xFFFFFF80, v5;
	[tilespmem:v17+s2+$0x0] =	vst.idx.msk $0xffff, v8  }
0x12d: {  	v20 =	vand.u32 $0x7F, v5;
	v19 =	vor.u32 $0x2F, v3;
	v7 =	vadd.s32 v3, v18;
	v6 =	vld.idx.msk [tilespmem:v6+s17+$0x0], $0xffff  }
0x12e: {  	v7 =	vor.u32 v20, v7;
	_ =	sdelay $0x2  }
0x12f: {  	v21 =	vadd.s32 $0x1, v5  }
0x130: {  	v22 =	vand.u32 $0xFFFFFF80, v21;
	[tilespmem:v19+s2+$0x0] =	vst.idx.msk $0xffff, v6  }
0x131: {  	v23 =	vor.u32 $0x30, v3;
	v9 =	vand.u32 $0x7F, v21;
	v6 =	vadd.s32 v3, v22;
	v7 =	vld.idx.msk [tilespmem:v7+s21+$0x0], $0xffff  }
0x132: {  	v6 =	vor.u32 v9, v6;
	_ =	sdelay $0x2  }
0x133: {  	v24 =	vadd.s32 $0x2, v5  }
0x134: {  	v25 =	vand.u32 $0xFFFFFF80, v24;
	[tilespmem:v23+s2+$0x0] =	vst.idx.msk $0xffff, v7  }
0x135: {  	v26 =	vor.u32 $0x31, v3;
	v9 =	vand.u32 $0x7F, v24;
	v7 =	vadd.s32 v3, v25;
	v6 =	vld.idx.msk [tilespmem:v6+s21+$0x0], $0xffff  }
0x136: {  	v7 =	vor.u32 v9, v7;
	_ =	sdelay $0x2  }
0x137: {  	v27 =	vadd.s32 $0x3, v5  }
0x138: {  	v28 =	vand.u32 $0xFFFFFF80, v27;
	[tilespmem:v26+s2+$0x0] =	vst.idx.msk $0xffff, v6  }
0x139: {  	v29 =	vor.u32 $0x32, v3;
	v9 =	vand.u32 $0x7F, v27;
	v6 =	vadd.s32 v3, v28;
	v7 =	vld.idx.msk [tilespmem:v7+s21+$0x0], $0xffff  }
0x13a: {  	v6 =	vor.u32 v9, v6;
	_ =	sdelay $0x2  }
0x13b: {  	v30 =	vadd.s32 $0x4, v5  }
0x13c: {  	v31 =	vand.u32 $0xFFFFFF80, v30;
	[tilespmem:v29+s2+$0x0] =	vst.idx.msk $0xffff, v7  }
0x13d: {  	v32 =	vor.u32 $0x33, v3;
	v9 =	vand.u32 $0x7F, v30;
	v7 =	vadd.s32 v3, v31;
	v6 =	vld.idx.msk [tilespmem:v6+s21+$0x0], $0xffff  }
0x13e: {  	v7 =	vor.u32 v9, v7;
	_ =	sdelay $0x2  }
0x13f: {  	v33 =	vadd.s32 $0x5, v5  }
0x140: {  	v34 =	vand.u32 $0xFFFFFF80, v33;
	[tilespmem:v32+s2+$0x0] =	vst.idx.msk $0xffff, v6  }
0x141: {  	v35 =	vor.u32 $0x34, v3;
	v9 =	vand.u32 $0x7F, v33;
	v6 =	vadd.s32 v3, v34;
	v7 =	vld.idx.msk [tilespmem:v7+s21+$0x0], $0xffff  }
0x142: {  	v6 =	vor.u32 v9, v6;
	_ =	sdelay $0x2  }
0x143: {  	v36 =	vadd.s32 $0x6, v5  }
0x144: {  	v37 =	vand.u32 $0xFFFFFF80, v36;
	[tilespmem:v35+s2+$0x0] =	vst.idx.msk $0xffff, v7  }
0x145: {  	v38 =	vor.u32 $0x35, v3;
	v9 =	vand.u32 $0x7F, v36;
	v7 =	vadd.s32 v3, v37;
	v6 =	vld.idx.msk [tilespmem:v6+s21+$0x0], $0xffff  }
0x146: {  	v7 =	vor.u32 v9, v7;
	_ =	sdelay $0x2  }
0x147: {  	v39 =	vadd.s32 $0x7, v5  }
0x148: {  	v40 =	vand.u32 $0xFFFFFF80, v39;
	[tilespmem:v38+s2+$0x0] =	vst.idx.msk $0xffff, v6  }
0x149: {  	v41 =	vor.u32 $0x36, v3;
	v9 =	vand.u32 $0x7F, v39;
	v6 =	vadd.s32 v3, v40;
	v7 =	vld.idx.msk [tilespmem:v7+s21+$0x0], $0xffff  }
0x14a: {  	v6 =	vor.u32 v9, v6;
	_ =	sdelay $0x2  }
0x14b: {  	v42 =	vadd.s32 $0x8, v5  }
0x14c: {  	v43 =	vand.u32 $0xFFFFFF80, v42;
	[tilespmem:v41+s2+$0x0] =	vst.idx.msk $0xffff, v7  }
0x14d: {  	v44 =	vor.u32 $0x37, v3;
	v9 =	vand.u32 $0x7F, v42;
	v7 =	vadd.s32 v3, v43;
	v6 =	vld.idx.msk [tilespmem:v6+s21+$0x0], $0xffff  }
0x14e: {  	v7 =	vor.u32 v9, v7;
	_ =	sdelay $0x2  }
0x14f: {  	v45 =	vadd.s32 $0x9, v5  }
0x150: {  	v46 =	vand.u32 $0xFFFFFF80, v45;
	[tilespmem:v44+s2+$0x0] =	vst.idx.msk $0xffff, v6  }
0x151: {  	v47 =	vor.u32 $0x38, v3;
	v9 =	vand.u32 $0x7F, v45;
	v6 =	vadd.s32 v3, v46;
	v7 =	vld.idx.msk [tilespmem:v7+s21+$0x0], $0xffff  }
0x152: {  	v6 =	vor.u32 v9, v6;
	_ =	sdelay $0x2  }
0x153: {  	v48 =	vadd.s32 $0xA, v5  }
0x154: {  	v49 =	vand.u32 $0xFFFFFF80, v48;
	[tilespmem:v47+s2+$0x0] =	vst.idx.msk $0xffff, v7  }
0x155: {  	v50 =	vor.u32 $0x39, v3;
	v9 =	vand.u32 $0x7F, v48;
	v7 =	vadd.s32 v3, v49;
	v6 =	vld.idx.msk [tilespmem:v6+s21+$0x0], $0xffff  }
0x156: {  	v7 =	vor.u32 v9, v7;
	_ =	sdelay $0x2  }
0x157: {  	v51 =	vadd.s32 $0xB, v5  }
0x158: {  	v52 =	vand.u32 $0xFFFFFF80, v51;
	[tilespmem:v50+s2+$0x0] =	vst.idx.msk $0xffff, v6  }
0x159: {  	v53 =	vor.u32 $0x3A, v3;
	v9 =	vand.u32 $0x7F, v51;
	v6 =	vadd.s32 v3, v52;
	v7 =	vld.idx.msk [tilespmem:v7+s21+$0x0], $0xffff  }
0x15a: {  	v6 =	vor.u32 v9, v6;
	_ =	sdelay $0x2  }
0x15b: {  	v54 =	vadd.s32 $0xC, v5  }
0x15c: {  	v55 =	vand.u32 $0xFFFFFF80, v54;
	[tilespmem:v53+s2+$0x0] =	vst.idx.msk $0xffff, v7  }
0x15d: {  	v56 =	vor.u32 $0x3B, v3;
	v9 =	vand.u32 $0x7F, v54;
	v7 =	vadd.s32 v3, v55;
	v6 =	vld.idx.msk [tilespmem:v6+s21+$0x0], $0xffff  }
0x15e: {  	v7 =	vor.u32 v9, v7;
	_ =	sdelay $0x2  }
0x15f: {  	v57 =	vadd.s32 $0xD, v5  }
0x160: {  	v58 =	vand.u32 $0xFFFFFF80, v57;
	[tilespmem:v56+s2+$0x0] =	vst.idx.msk $0xffff, v6  }
0x161: {  	v59 =	vor.u32 $0x3C, v3;
	v9 =	vand.u32 $0x7F, v57;
	v6 =	vadd.s32 v3, v58;
	v7 =	vld.idx.msk [tilespmem:v7+s21+$0x0], $0xffff  }
0x162: {  	v6 =	vor.u32 v9, v6;
	_ =	sdelay $0x2  }
0x163: {  	v60 =	vadd.s32 $0xE, v5  }
0x164: {  	v61 =	vand.u32 $0xFFFFFF80, v60;
	[tilespmem:v59+s2+$0x0] =	vst.idx.msk $0xffff, v7  }
0x165: {  	v62 =	vor.u32 $0x3D, v3;
	v9 =	vand.u32 $0x7F, v60;
	v7 =	vadd.s32 v3, v61;
	v6 =	vld.idx.msk [tilespmem:v6+s21+$0x0], $0xffff  }
0x166: {  	v7 =	vor.u32 v9, v7;
	_ =	sdelay $0x2  }
0x167: {  	v63 =	vadd.s32 $0xF, v5  }
0x168: {  	v12 =	vand.u32 $0xFFFFFF80, v63;
	[tilespmem:v62+s2+$0x0] =	vst.idx.msk $0xffff, v6  }
0x169: {  	v13 =	vor.u32 $0x3E, v3;
	v9 =	vand.u32 $0x7F, v63;
	v6 =	vadd.s32 v3, v12;
	v7 =	vld.idx.msk [tilespmem:v7+s21+$0x0], $0xffff  }
0x16a: {  	v6 =	vor.u32 v9, v6;
	_ =	sdelay $0x2  }
0x16b: {  	v14 =	vadd.s32 $0x10, v5  }
0x16c: {  	v15 =	vand.u32 $0xFFFFFF80, v14;
	[tilespmem:v13+s2+$0x0] =	vst.idx.msk $0xffff, v7  }
0x16d: {  	v16 =	vor.u32 $0x3F, v3;
	v9 =	vand.u32 $0x7F, v14;
	v7 =	vadd.s32 v3, v15;
	v6 =	vld.idx.msk [tilespmem:v6+s21+$0x0], $0xffff  }
0x16e: {  	v7 =	vor.u32 v9, v7;
	_ =	sdelay $0x2  }
0x16f: {  	v17 =	vadd.s32 $0x11, v5  }
0x170: {  	v18 =	vand.u32 $0xFFFFFF80, v17;
	[tilespmem:v16+s2+$0x0] =	vst.idx.msk $0xffff, v6  }
0x171: {  	v19 =	vor.u32 $0x40, v3;
	v9 =	vand.u32 $0x7F, v17;
	v6 =	vadd.s32 v3, v18;
	v7 =	vld.idx.msk [tilespmem:v7+s21+$0x0], $0xffff  }
0x172: {  	v6 =	vor.u32 v9, v6;
	_ =	sdelay $0x2  }
0x173: {  	v20 =	vadd.s32 $0x12, v5  }
0x174: {  	v21 =	vand.u32 $0xFFFFFF80, v20;
	[tilespmem:v19+s2+$0x0] =	vst.idx.msk $0xffff, v7  }
0x175: {  	v22 =	vor.u32 $0x41, v3;
	v9 =	vand.u32 $0x7F, v20;
	v7 =	vadd.s32 v3, v21;
	v6 =	vld.idx.msk [tilespmem:v6+s21+$0x0], $0xffff  }
0x176: {  	v7 =	vor.u32 v9, v7;
	_ =	sdelay $0x2  }
0x177: {  	v23 =	vadd.s32 $0x13, v5  }
0x178: {  	v24 =	vand.u32 $0xFFFFFF80, v23;
	[tilespmem:v22+s2+$0x0] =	vst.idx.msk $0xffff, v6  }
0x179: {  	v25 =	vor.u32 $0x42, v3;
	v9 =	vand.u32 $0x7F, v23;
	v6 =	vadd.s32 v3, v24;
	v7 =	vld.idx.msk [tilespmem:v7+s21+$0x0], $0xffff  }
0x17a: {  	v6 =	vor.u32 v9, v6;
	_ =	sdelay $0x2  }
0x17b: {  	v26 =	vadd.s32 $0x14, v5  }
0x17c: {  	v27 =	vand.u32 $0xFFFFFF80, v26;
	[tilespmem:v25+s2+$0x0] =	vst.idx.msk $0xffff, v7  }
0x17d: {  	v28 =	vor.u32 $0x43, v3;
	v9 =	vand.u32 $0x7F, v26;
	v7 =	vadd.s32 v3, v27;
	v6 =	vld.idx.msk [tilespmem:v6+s21+$0x0], $0xffff  }
0x17e: {  	v7 =	vor.u32 v9, v7;
	_ =	sdelay $0x2  }
0x17f: {  	v29 =	vadd.s32 $0x15, v5  }
0x180: {  	v30 =	vand.u32 $0xFFFFFF80, v29;
	[tilespmem:v28+s2+$0x0] =	vst.idx.msk $0xffff, v6  }
0x181: {  	v31 =	vor.u32 $0x44, v3;
	v9 =	vand.u32 $0x7F, v29;
	v6 =	vadd.s32 v3, v30;
	v7 =	vld.idx.msk [tilespmem:v7+s21+$0x0], $0xffff  }
0x182: {  	v6 =	vor.u32 v9, v6;
	_ =	sdelay $0x2  }
0x183: {  	v32 =	vadd.s32 $0x16, v5  }
0x184: {  	v33 =	vand.u32 $0xFFFFFF80, v32;
	[tilespmem:v31+s2+$0x0] =	vst.idx.msk $0xffff, v7  }
0x185: {  	v34 =	vor.u32 $0x45, v3;
	v9 =	vand.u32 $0x7F, v32;
	v7 =	vadd.s32 v3, v33;
	v6 =	vld.idx.msk [tilespmem:v6+s21+$0x0], $0xffff  }
0x186: {  	v7 =	vor.u32 v9, v7;
	_ =	sdelay $0x2  }
0x187: {  	v35 =	vadd.s32 $0x17, v5  }
0x188: {  	v36 =	vand.u32 $0xFFFFFF80, v35;
	[tilespmem:v34+s2+$0x0] =	vst.idx.msk $0xffff, v6  }
0x189: {  	v37 =	vor.u32 $0x46, v3;
	v9 =	vand.u32 $0x7F, v35;
	v6 =	vadd.s32 v3, v36;
	v7 =	vld.idx.msk [tilespmem:v7+s21+$0x0], $0xffff  }
0x18a: {  	v6 =	vor.u32 v9, v6;
	_ =	sdelay $0x2  }
0x18b: {  	v38 =	vadd.s32 $0x18, v5  }
0x18c: {  	v39 =	vand.u32 $0xFFFFFF80, v38;
	[tilespmem:v37+s2+$0x0] =	vst.idx.msk $0xffff, v7  }
0x18d: {  	v40 =	vor.u32 $0x47, v3;
	v9 =	vand.u32 $0x7F, v38;
	v7 =	vadd.s32 v3, v39;
	v6 =	vld.idx.msk [tilespmem:v6+s21+$0x0], $0xffff  }
0x18e: {  	v7 =	vor.u32 v9, v7;
	_ =	sdelay $0x2  }
0x18f: {  	v41 =	vadd.s32 $0x19, v5  }
0x190: {  	v42 =	vand.u32 $0xFFFFFF80, v41;
	[tilespmem:v40+s2+$0x0] =	vst.idx.msk $0xffff, v6  }
0x191: {  	v43 =	vor.u32 $0x48, v3;
	v9 =	vand.u32 $0x7F, v41;
	v6 =	vadd.s32 v3, v42;
	v7 =	vld.idx.msk [tilespmem:v7+s21+$0x0], $0xffff  }
0x192: {  	v6 =	vor.u32 v9, v6;
	_ =	sdelay $0x2  }
0x193: {  	v44 =	vadd.s32 $0x1A, v5  }
0x194: {  	v45 =	vand.u32 $0xFFFFFF80, v44;
	[tilespmem:v43+s2+$0x0] =	vst.idx.msk $0xffff, v7  }
0x195: {  	v46 =	vor.u32 $0x49, v3;
	v9 =	vand.u32 $0x7F, v44;
	v7 =	vadd.s32 v3, v45;
	v6 =	vld.idx.msk [tilespmem:v6+s21+$0x0], $0xffff  }
0x196: {  	v7 =	vor.u32 v9, v7;
	_ =	sdelay $0x2  }
0x197: {  	v47 =	vadd.s32 $0x1B, v5  }
0x198: {  	v48 =	vand.u32 $0xFFFFFF80, v47;
	[tilespmem:v46+s2+$0x0] =	vst.idx.msk $0xffff, v6  }
0x199: {  	v49 =	vor.u32 $0x4A, v3;
	v9 =	vand.u32 $0x7F, v47;
	v6 =	vadd.s32 v3, v48;
	v7 =	vld.idx.msk [tilespmem:v7+s21+$0x0], $0xffff  }
0x19a: {  	v6 =	vor.u32 v9, v6;
	_ =	sdelay $0x2  }
0x19b: {  	v50 =	vadd.s32 $0x1C, v5  }
0x19c: {  	v51 =	vand.u32 $0xFFFFFF80, v50;
	[tilespmem:v49+s2+$0x0] =	vst.idx.msk $0xffff, v7  }
0x19d: {  	v52 =	vor.u32 $0x4B, v3;
	v9 =	vand.u32 $0x7F, v50;
	v7 =	vadd.s32 v3, v51;
	v6 =	vld.idx.msk [tilespmem:v6+s21+$0x0], $0xffff  }
0x19e: {  	v7 =	vor.u32 v9, v7;
	_ =	sdelay $0x2  }
0x19f: {  	v53 =	vadd.s32 $0x1D, v5  }
0x1a0: {  	v54 =	vand.u32 $0xFFFFFF80, v53;
	[tilespmem:v52+s2+$0x0] =	vst.idx.msk $0xffff, v6  }
0x1a1: {  	v55 =	vor.u32 $0x4C, v3;
	v9 =	vand.u32 $0x7F, v53;
	v6 =	vadd.s32 v3, v54;
	v7 =	vld.idx.msk [tilespmem:v7+s21+$0x0], $0xffff  }
0x1a2: {  	v6 =	vor.u32 v9, v6;
	_ =	sdelay $0x2  }
0x1a3: {  	v56 =	vadd.s32 $0x1E, v5  }
0x1a4: {  	v57 =	vand.u32 $0xFFFFFF80, v56;
	[tilespmem:v55+s2+$0x0] =	vst.idx.msk $0xffff, v7  }
0x1a5: {  	v58 =	vor.u32 $0x4D, v3;
	v9 =	vand.u32 $0x7F, v56;
	v7 =	vadd.s32 v3, v57;
	v6 =	vld.idx.msk [tilespmem:v6+s21+$0x0], $0xffff  }
0x1a6: {  	v7 =	vor.u32 v9, v7;
	_ =	sdelay $0x2  }
0x1a7: {  	v5 =	vadd.s32 $0x1F, v5  }
0x1a8: {  	v59 =	vand.u32 $0xFFFFFF80, v5;
	[tilespmem:v58+s2+$0x0] =	vst.idx.msk $0xffff, v6  }
0x1a9: {  	v60 =	vor.u32 $0x4E, v3;
	v5 =	vand.u32 $0x7F, v5;
	v6 =	vadd.s32 v3, v59;
	v7 =	vld.idx.msk [tilespmem:v7+s21+$0x0], $0xffff  }
0x1aa: {  	v5 =	vor.u32 v5, v6;
	_ =	sdelay $0x3  }
0x1ab: {  	[tilespmem:v60+s2+$0x0] =	vst.idx.msk $0xffff, v7  }
0x1ac: {  	v61 =	vand.u32 $0x7F, v4;
	v62 =	vor.u32 $0x4F, v3;
	v5 =	vld.idx.msk [tilespmem:v5+s21+$0x0], $0xffff  }
0x1ad: {  	v6 =	vor.u32 v3, v61;
	_ =	sdelay $0x3  }
0x1ae: {  	[tilespmem:v62+s2+$0x0] =	vst.idx.msk $0xffff, v5  }
0x1af: {  	v63 =	vor.u32 $0x50, v3;
	v5 =	vld.idx.msk [tilespmem:v6+s23+$0x0], $0xffff  }
0x1b0: {  	p0 =	sne.s32 s20, $0x30;
	v3 =	vor.u32 $0x51, v3  }
.Ltmp1:
0x1b1: {  	_ = 	snop;
	(pc) =	sbr.rel @p0 .LBB2_5-.Ltmp1, $4  }
0x1b2: {  	_ = 	snop  }
0x1b3: {  	vm0 =	vgt.s32 v4, $0xC34F  }
0x1b4: {  	s12 =	sadd.s32 $0x10, s12;
	s20 =	sadd.s32 $0x10, s20;
	v4 =	vsel vm0, $0x3F800000, v2;
	[tilespmem:v63+s2+$0x0] =	vst.idx.msk $0xffff, v5  }
0x1b5: {  	s10 =	sadd.s32 $0x10, s10;
	s22 =	sadd.s32 $0x10, s22;
	s8 =	sadd.s32 $0x10, s8;
	[tilespmem:v3+s2+$0x0] =	vst.idx.msk $0xffff, v4  }
0x1b6: {  	s8 =	sshll.u32 s9, $0xB;
	s10 =	rddreg [dreg:$0x8]  }
0x1b7: {  	s22 =	simm.s32 $0x0;
	s8 =	sadd.s32 s8, s10  }
0x1b8: {  	[hbm4b:s8+s22] =	stream.linear.scatter [tilespmem:s2], [sflag:$0x9], $0x2000, $0x38;
	[tilespmem:$0x13200] =	vst v63  }
0x1b9: {  	p0 =	seq.s32 s9, $0x3;
	_ =	swait.ge [sflag:s13], $0x2000  }
0x1ba: {  	s10 =	simm.s32 @!p0 $0x40;
	[sflag:s13] =	ssyncset.done $0x0  }
0x1bb: {  	s12 =	simm.s32 @!p0 $0x1200;
	s8 =	sadd.s32 @!p0 $0x480, s31;
	[sflag:s13] =	ssyncadd.s32 $0xFFFFE000  }
0x1bc: {  	[tilespmem:s12], [sflag:$0x1] =	stream.indirect.gather @!p0 [hbm4b:s3+s10], $0x80, s8, s10, $0xb8;
	[tilespmem:$0x13200] =	vst v63  }
0x1bd: {  	s8 =	sadd.s32 @!p0 $0x680, s31;
	s12 =	simm.s32 @!p0 $0x3200  }
0x1be: {  	[tilespmem:s12], [sflag:$0x2] =	stream.indirect.gather @!p0 [hbm4b:s4+s10], $0x80, s8, s10, $0xb8;
	[tilespmem:$0x13200] =	vst v63  }
0x1bf: {  	s8 =	sadd.s32 @!p0 $0x880, s31;
	s12 =	simm.s32 @!p0 $0x5200  }
0x1c0: {  	[tilespmem:s12], [sflag:$0x3] =	stream.indirect.gather @!p0 [hbm4b:s5+s10], $0x80, s8, s10, $0xb8;
	[tilespmem:$0x13200] =	vst v63  }
0x1c1: {  	s8 =	sadd.s32 @!p0 $0xA80, s31;
	s12 =	simm.s32 @!p0 $0x7200  }
0x1c2: {  	[tilespmem:s12], [sflag:$0x4] =	stream.indirect.gather @!p0 [hbm4b:s6+s10], $0x80, s8, s10, $0xb8;
	[tilespmem:$0x13200] =	vst v63  }
0x1c3: {  	s12 =	simm.s32 $0x5  }
0x1c4: {  	_ =	swait.ge [sflag:s12], $0x2000  }
0x1c5: {  	[sflag:s12] =	ssyncset.done $0x0  }
0x1c6: {  	s20 =	simm.s32 $0x6;
	[sflag:s12] =	ssyncadd.s32 $0xFFFFE000  }
0x1c7: {  	_ =	swait.ge [sflag:s20], $0x2000  }
0x1c8: {  	[sflag:s20] =	ssyncset.done $0x0  }
0x1c9: {  	s22 =	simm.s32 $0x7;
	[sflag:s20] =	ssyncadd.s32 $0xFFFFE000  }
0x1ca: {  	_ =	swait.ge [sflag:s22], $0x2000  }
0x1cb: {  	[sflag:s22] =	ssyncset.done $0x0  }
0x1cc: {  	s31 =	simm.s32 $0x8;
	[sflag:s22] =	ssyncadd.s32 $0xFFFFE000  }
0x1cd: {  	s8 =	simm.s32 $0x0;
	_ =	swait.ge [sflag:s31], $0x2000  }
0x1ce: {  	s10 =	smov.u32 s11;
	s12 =	smov.u32 s1;
	[sflag:s31] =	ssyncset.done $0x0  }
0x1cf: {  	s20 =	smov.u32 s7;
	s22 =	smov.u32 s29;
	[sflag:s31] =	ssyncadd.s32 $0xFFFFE000  }
.LBB2_7:
0x1d0: {  	v7 =	vld [tilespmem:s12+$0x0];
	_ =	sdelay $0x2  }
0x1d1: {  	v3 =	vmov s8  }
0x1d2: {  	v3 =	vshll.u32 v3, $0x7  }
0x1d3: {  	v3 =	vor.u32 v1, v3;
	v4 =	vand.u32 $0xFFFFFF80, v7  }
0x1d4: {  	v5 =	vand.u32 $0x7F, v7;
	v4 =	vadd.s32 v3, v4  }
0x1d5: {  	v4 =	vor.u32 v5, v4;
	_ =	sdelay $0x2  }
0x1d6: {  	v37 =	vadd.s32 $0x1, v7  }
0x1d7: {  	v6 =	vand.u32 $0xFFFFFF80, v37  }
0x1d8: {  	v38 =	vand.u32 $0x7F, v37;
	v39 =	vadd.s32 v3, v6;
	v8 =	vld.idx.msk [tilespmem:v4+s25+$0x0], $0xffff  }
0x1d9: {  	v9 =	vor.u32 v38, v39;
	_ =	sdelay $0x1  }
0x1da: {  	v6 =	vld [tilespmem:s22+$0x0]  }
0x1db: {  	v10 =	vadd.s32 $0x2, v7;
	v5 =	vld [tilespmem:s10+$0x0]  }
0x1dc: {  	v40 =	vand.u32 $0xFFFFFF80, v10;
	v4 =	vld [tilespmem:s20+$0x0];
	[tilespmem:v3+s2+$0x0] =	vst.idx.msk $0xffff, v8  }
0x1dd: {  	v11 =	vor.u32 $0x1, v3;
	v10 =	vand.u32 $0x7F, v10;
	v8 =	vadd.s32 v3, v40;
	v9 =	vld.idx.msk [tilespmem:v9+s25+$0x0], $0xffff  }
0x1de: {  	v8 =	vor.u32 v10, v8;
	_ =	sdelay $0x2  }
0x1df: {  	v41 =	vadd.s32 $0x3, v7  }
0x1e0: {  	v42 =	vand.u32 $0xFFFFFF80, v41;
	[tilespmem:v11+s2+$0x0] =	vst.idx.msk $0xffff, v9  }
0x1e1: {  	v43 =	vor.u32 $0x2, v3;
	v10 =	vand.u32 $0x7F, v41;
	v9 =	vadd.s32 v3, v42;
	v8 =	vld.idx.msk [tilespmem:v8+s25+$0x0], $0xffff  }
0x1e2: {  	v9 =	vor.u32 v10, v9;
	_ =	sdelay $0x2  }
0x1e3: {  	v44 =	vadd.s32 $0x4, v7  }
0x1e4: {  	v45 =	vand.u32 $0xFFFFFF80, v44;
	[tilespmem:v43+s2+$0x0] =	vst.idx.msk $0xffff, v8  }
0x1e5: {  	v46 =	vor.u32 $0x3, v3;
	v10 =	vand.u32 $0x7F, v44;
	v8 =	vadd.s32 v3, v45;
	v9 =	vld.idx.msk [tilespmem:v9+s25+$0x0], $0xffff  }
0x1e6: {  	v8 =	vor.u32 v10, v8;
	_ =	sdelay $0x2  }
0x1e7: {  	v47 =	vadd.s32 $0x5, v7  }
0x1e8: {  	v48 =	vand.u32 $0xFFFFFF80, v47;
	[tilespmem:v46+s2+$0x0] =	vst.idx.msk $0xffff, v9  }
0x1e9: {  	v49 =	vor.u32 $0x4, v3;
	v10 =	vand.u32 $0x7F, v47;
	v9 =	vadd.s32 v3, v48;
	v8 =	vld.idx.msk [tilespmem:v8+s25+$0x0], $0xffff  }
0x1ea: {  	v9 =	vor.u32 v10, v9;
	_ =	sdelay $0x2  }
0x1eb: {  	v50 =	vadd.s32 $0x6, v7  }
0x1ec: {  	v51 =	vand.u32 $0xFFFFFF80, v50;
	[tilespmem:v49+s2+$0x0] =	vst.idx.msk $0xffff, v8  }
0x1ed: {  	v52 =	vor.u32 $0x5, v3;
	v10 =	vand.u32 $0x7F, v50;
	v8 =	vadd.s32 v3, v51;
	v9 =	vld.idx.msk [tilespmem:v9+s25+$0x0], $0xffff  }
0x1ee: {  	v8 =	vor.u32 v10, v8;
	_ =	sdelay $0x2  }
0x1ef: {  	v53 =	vadd.s32 $0x7, v7  }
0x1f0: {  	v54 =	vand.u32 $0xFFFFFF80, v53;
	[tilespmem:v52+s2+$0x0] =	vst.idx.msk $0xffff, v9  }
0x1f1: {  	v55 =	vor.u32 $0x6, v3;
	v10 =	vand.u32 $0x7F, v53;
	v9 =	vadd.s32 v3, v54;
	v8 =	vld.idx.msk [tilespmem:v8+s25+$0x0], $0xffff  }
0x1f2: {  	v9 =	vor.u32 v10, v9;
	_ =	sdelay $0x2  }
0x1f3: {  	v56 =	vadd.s32 $0x8, v7  }
0x1f4: {  	v57 =	vand.u32 $0xFFFFFF80, v56;
	[tilespmem:v55+s2+$0x0] =	vst.idx.msk $0xffff, v8  }
0x1f5: {  	v58 =	vor.u32 $0x7, v3;
	v10 =	vand.u32 $0x7F, v56;
	v8 =	vadd.s32 v3, v57;
	v9 =	vld.idx.msk [tilespmem:v9+s25+$0x0], $0xffff  }
0x1f6: {  	v8 =	vor.u32 v10, v8;
	_ =	sdelay $0x2  }
0x1f7: {  	v59 =	vadd.s32 $0x9, v7  }
0x1f8: {  	v60 =	vand.u32 $0xFFFFFF80, v59;
	[tilespmem:v58+s2+$0x0] =	vst.idx.msk $0xffff, v9  }
0x1f9: {  	v61 =	vor.u32 $0x8, v3;
	v10 =	vand.u32 $0x7F, v59;
	v9 =	vadd.s32 v3, v60;
	v8 =	vld.idx.msk [tilespmem:v8+s25+$0x0], $0xffff  }
0x1fa: {  	v9 =	vor.u32 v10, v9;
	_ =	sdelay $0x2  }
0x1fb: {  	v62 =	vadd.s32 $0xA, v7  }
0x1fc: {  	v63 =	vand.u32 $0xFFFFFF80, v62;
	[tilespmem:v61+s2+$0x0] =	vst.idx.msk $0xffff, v8  }
0x1fd: {  	v12 =	vor.u32 $0x9, v3;
	v10 =	vand.u32 $0x7F, v62;
	v8 =	vadd.s32 v3, v63;
	v9 =	vld.idx.msk [tilespmem:v9+s25+$0x0], $0xffff  }
0x1fe: {  	v8 =	vor.u32 v10, v8;
	_ =	sdelay $0x2  }
0x1ff: {  	v13 =	vadd.s32 $0xB, v7  }
0x200: {  	v14 =	vand.u32 $0xFFFFFF80, v13;
	[tilespmem:v12+s2+$0x0] =	vst.idx.msk $0xffff, v9  }
0x201: {  	v15 =	vor.u32 $0xA, v3;
	v10 =	vand.u32 $0x7F, v13;
	v9 =	vadd.s32 v3, v14;
	v8 =	vld.idx.msk [tilespmem:v8+s25+$0x0], $0xffff  }
0x202: {  	v9 =	vor.u32 v10, v9;
	_ =	sdelay $0x2  }
0x203: {  	v16 =	vadd.s32 $0xC, v7  }
0x204: {  	v17 =	vand.u32 $0xFFFFFF80, v16;
	[tilespmem:v15+s2+$0x0] =	vst.idx.msk $0xffff, v8  }
0x205: {  	v18 =	vor.u32 $0xB, v3;
	v10 =	vand.u32 $0x7F, v16;
	v8 =	vadd.s32 v3, v17;
	v9 =	vld.idx.msk [tilespmem:v9+s25+$0x0], $0xffff  }
0x206: {  	v8 =	vor.u32 v10, v8;
	_ =	sdelay $0x2  }
0x207: {  	v19 =	vadd.s32 $0xD, v7  }
0x208: {  	v20 =	vand.u32 $0xFFFFFF80, v19;
	[tilespmem:v18+s2+$0x0] =	vst.idx.msk $0xffff, v9  }
0x209: {  	v21 =	vor.u32 $0xC, v3;
	v10 =	vand.u32 $0x7F, v19;
	v9 =	vadd.s32 v3, v20;
	v8 =	vld.idx.msk [tilespmem:v8+s25+$0x0], $0xffff  }
0x20a: {  	v9 =	vor.u32 v10, v9;
	_ =	sdelay $0x2  }
0x20b: {  	v22 =	vadd.s32 $0xE, v7  }
0x20c: {  	v23 =	vand.u32 $0xFFFFFF80, v22;
	[tilespmem:v21+s2+$0x0] =	vst.idx.msk $0xffff, v8  }
0x20d: {  	v24 =	vor.u32 $0xD, v3;
	v10 =	vand.u32 $0x7F, v22;
	v8 =	vadd.s32 v3, v23;
	v9 =	vld.idx.msk [tilespmem:v9+s25+$0x0], $0xffff  }
0x20e: {  	v8 =	vor.u32 v10, v8;
	_ =	sdelay $0x2  }
0x20f: {  	v7 =	vadd.s32 $0xF, v7  }
0x210: {  	v25 =	vand.u32 $0xFFFFFF80, v7;
	[tilespmem:v24+s2+$0x0] =	vst.idx.msk $0xffff, v9  }
0x211: {  	v26 =	vor.u32 $0xE, v3;
	v7 =	vand.u32 $0x7F, v7;
	v9 =	vadd.s32 v3, v25;
	v8 =	vld.idx.msk [tilespmem:v8+s25+$0x0], $0xffff  }
0x212: {  	v7 =	vor.u32 v7, v9;
	_ =	sdelay $0x3  }
0x213: {  	v27 =	vand.u32 $0xFFFFFF80, v6;
	[tilespmem:v26+s2+$0x0] =	vst.idx.msk $0xffff, v8  }
0x214: {  	v28 =	vor.u32 $0xF, v3;
	v29 =	vand.u32 $0x7F, v6;
	v8 =	vadd.s32 v3, v27;
	v7 =	vld.idx.msk [tilespmem:v7+s25+$0x0], $0xffff  }
0x215: {  	v8 =	vor.u32 v29, v8;
	_ =	sdelay $0x2  }
0x216: {  	v30 =	vadd.s32 $0x1, v6  }
0x217: {  	v31 =	vand.u32 $0xFFFFFF80, v30;
	[tilespmem:v28+s2+$0x0] =	vst.idx.msk $0xffff, v7  }
0x218: {  	v32 =	vor.u32 $0x10, v3;
	v10 =	vand.u32 $0x7F, v30;
	v7 =	vadd.s32 v3, v31;
	v8 =	vld.idx.msk [tilespmem:v8+s24+$0x0], $0xffff  }
0x219: {  	v7 =	vor.u32 v10, v7;
	_ =	sdelay $0x2  }
0x21a: {  	v33 =	vadd.s32 $0x2, v6  }
0x21b: {  	v34 =	vand.u32 $0xFFFFFF80, v33;
	[tilespmem:v32+s2+$0x0] =	vst.idx.msk $0xffff, v8  }
0x21c: {  	v35 =	vor.u32 $0x11, v3;
	v10 =	vand.u32 $0x7F, v33;
	v8 =	vadd.s32 v3, v34;
	v7 =	vld.idx.msk [tilespmem:v7+s24+$0x0], $0xffff  }
0x21d: {  	v8 =	vor.u32 v10, v8;
	_ =	sdelay $0x2  }
0x21e: {  	v36 =	vadd.s32 $0x3, v6  }
0x21f: {  	v37 =	vand.u32 $0xFFFFFF80, v36;
	[tilespmem:v35+s2+$0x0] =	vst.idx.msk $0xffff, v7  }
0x220: {  	v38 =	vor.u32 $0x12, v3;
	v10 =	vand.u32 $0x7F, v36;
	v7 =	vadd.s32 v3, v37;
	v8 =	vld.idx.msk [tilespmem:v8+s24+$0x0], $0xffff  }
0x221: {  	v7 =	vor.u32 v10, v7;
	_ =	sdelay $0x2  }
0x222: {  	v39 =	vadd.s32 $0x4, v6  }
0x223: {  	v40 =	vand.u32 $0xFFFFFF80, v39;
	[tilespmem:v38+s2+$0x0] =	vst.idx.msk $0xffff, v8  }
0x224: {  	v41 =	vor.u32 $0x13, v3;
	v10 =	vand.u32 $0x7F, v39;
	v8 =	vadd.s32 v3, v40;
	v7 =	vld.idx.msk [tilespmem:v7+s24+$0x0], $0xffff  }
0x225: {  	v8 =	vor.u32 v10, v8;
	_ =	sdelay $0x2  }
0x226: {  	v42 =	vadd.s32 $0x5, v6  }
0x227: {  	v43 =	vand.u32 $0xFFFFFF80, v42;
	[tilespmem:v41+s2+$0x0] =	vst.idx.msk $0xffff, v7  }
0x228: {  	v44 =	vor.u32 $0x14, v3;
	v10 =	vand.u32 $0x7F, v42;
	v7 =	vadd.s32 v3, v43;
	v8 =	vld.idx.msk [tilespmem:v8+s24+$0x0], $0xffff  }
0x229: {  	v7 =	vor.u32 v10, v7;
	_ =	sdelay $0x2  }
0x22a: {  	v45 =	vadd.s32 $0x6, v6  }
0x22b: {  	v46 =	vand.u32 $0xFFFFFF80, v45;
	[tilespmem:v44+s2+$0x0] =	vst.idx.msk $0xffff, v8  }
0x22c: {  	v47 =	vor.u32 $0x15, v3;
	v10 =	vand.u32 $0x7F, v45;
	v8 =	vadd.s32 v3, v46;
	v7 =	vld.idx.msk [tilespmem:v7+s24+$0x0], $0xffff  }
0x22d: {  	v8 =	vor.u32 v10, v8;
	_ =	sdelay $0x2  }
0x22e: {  	v48 =	vadd.s32 $0x7, v6  }
0x22f: {  	v49 =	vand.u32 $0xFFFFFF80, v48;
	[tilespmem:v47+s2+$0x0] =	vst.idx.msk $0xffff, v7  }
0x230: {  	v50 =	vor.u32 $0x16, v3;
	v10 =	vand.u32 $0x7F, v48;
	v7 =	vadd.s32 v3, v49;
	v8 =	vld.idx.msk [tilespmem:v8+s24+$0x0], $0xffff  }
0x231: {  	v7 =	vor.u32 v10, v7;
	_ =	sdelay $0x2  }
0x232: {  	v51 =	vadd.s32 $0x8, v6  }
0x233: {  	v52 =	vand.u32 $0xFFFFFF80, v51;
	[tilespmem:v50+s2+$0x0] =	vst.idx.msk $0xffff, v8  }
0x234: {  	v53 =	vor.u32 $0x17, v3;
	v10 =	vand.u32 $0x7F, v51;
	v8 =	vadd.s32 v3, v52;
	v7 =	vld.idx.msk [tilespmem:v7+s24+$0x0], $0xffff  }
0x235: {  	v8 =	vor.u32 v10, v8;
	_ =	sdelay $0x2  }
0x236: {  	v54 =	vadd.s32 $0x9, v6  }
0x237: {  	v55 =	vand.u32 $0xFFFFFF80, v54;
	[tilespmem:v53+s2+$0x0] =	vst.idx.msk $0xffff, v7  }
0x238: {  	v56 =	vor.u32 $0x18, v3;
	v10 =	vand.u32 $0x7F, v54;
	v7 =	vadd.s32 v3, v55;
	v8 =	vld.idx.msk [tilespmem:v8+s24+$0x0], $0xffff  }
0x239: {  	v7 =	vor.u32 v10, v7;
	_ =	sdelay $0x2  }
0x23a: {  	v57 =	vadd.s32 $0xA, v6  }
0x23b: {  	v58 =	vand.u32 $0xFFFFFF80, v57;
	[tilespmem:v56+s2+$0x0] =	vst.idx.msk $0xffff, v8  }
0x23c: {  	v59 =	vor.u32 $0x19, v3;
	v10 =	vand.u32 $0x7F, v57;
	v8 =	vadd.s32 v3, v58;
	v7 =	vld.idx.msk [tilespmem:v7+s24+$0x0], $0xffff  }
0x23d: {  	v8 =	vor.u32 v10, v8;
	_ =	sdelay $0x2  }
0x23e: {  	v60 =	vadd.s32 $0xB, v6  }
0x23f: {  	v61 =	vand.u32 $0xFFFFFF80, v60;
	[tilespmem:v59+s2+$0x0] =	vst.idx.msk $0xffff, v7  }
0x240: {  	v62 =	vor.u32 $0x1A, v3;
	v10 =	vand.u32 $0x7F, v60;
	v7 =	vadd.s32 v3, v61;
	v8 =	vld.idx.msk [tilespmem:v8+s24+$0x0], $0xffff  }
0x241: {  	v7 =	vor.u32 v10, v7;
	_ =	sdelay $0x2  }
0x242: {  	v63 =	vadd.s32 $0xC, v6  }
0x243: {  	v12 =	vand.u32 $0xFFFFFF80, v63;
	[tilespmem:v62+s2+$0x0] =	vst.idx.msk $0xffff, v8  }
0x244: {  	v13 =	vor.u32 $0x1B, v3;
	v10 =	vand.u32 $0x7F, v63;
	v8 =	vadd.s32 v3, v12;
	v7 =	vld.idx.msk [tilespmem:v7+s24+$0x0], $0xffff  }
0x245: {  	v8 =	vor.u32 v10, v8;
	_ =	sdelay $0x2  }
0x246: {  	v14 =	vadd.s32 $0xD, v6  }
0x247: {  	v15 =	vand.u32 $0xFFFFFF80, v14;
	[tilespmem:v13+s2+$0x0] =	vst.idx.msk $0xffff, v7  }
0x248: {  	v16 =	vor.u32 $0x1C, v3;
	v10 =	vand.u32 $0x7F, v14;
	v7 =	vadd.s32 v3, v15;
	v8 =	vld.idx.msk [tilespmem:v8+s24+$0x0], $0xffff  }
0x249: {  	v7 =	vor.u32 v10, v7;
	_ =	sdelay $0x2  }
0x24a: {  	v17 =	vadd.s32 $0xE, v6  }
0x24b: {  	v18 =	vand.u32 $0xFFFFFF80, v17;
	[tilespmem:v16+s2+$0x0] =	vst.idx.msk $0xffff, v8  }
0x24c: {  	v19 =	vor.u32 $0x1D, v3;
	v10 =	vand.u32 $0x7F, v17;
	v8 =	vadd.s32 v3, v18;
	v7 =	vld.idx.msk [tilespmem:v7+s24+$0x0], $0xffff  }
0x24d: {  	v8 =	vor.u32 v10, v8;
	_ =	sdelay $0x2  }
0x24e: {  	v20 =	vadd.s32 $0xF, v6  }
0x24f: {  	v21 =	vand.u32 $0xFFFFFF80, v20;
	[tilespmem:v19+s2+$0x0] =	vst.idx.msk $0xffff, v7  }
0x250: {  	v22 =	vor.u32 $0x1E, v3;
	v10 =	vand.u32 $0x7F, v20;
	v7 =	vadd.s32 v3, v21;
	v8 =	vld.idx.msk [tilespmem:v8+s24+$0x0], $0xffff  }
0x251: {  	v7 =	vor.u32 v10, v7;
	_ =	sdelay $0x2  }
0x252: {  	v23 =	vadd.s32 $0x10, v6  }
0x253: {  	v24 =	vand.u32 $0xFFFFFF80, v23;
	[tilespmem:v22+s2+$0x0] =	vst.idx.msk $0xffff, v8  }
0x254: {  	v25 =	vor.u32 $0x1F, v3;
	v10 =	vand.u32 $0x7F, v23;
	v8 =	vadd.s32 v3, v24;
	v7 =	vld.idx.msk [tilespmem:v7+s24+$0x0], $0xffff  }
0x255: {  	v8 =	vor.u32 v10, v8;
	_ =	sdelay $0x2  }
0x256: {  	v26 =	vadd.s32 $0x11, v6  }
0x257: {  	v27 =	vand.u32 $0xFFFFFF80, v26;
	[tilespmem:v25+s2+$0x0] =	vst.idx.msk $0xffff, v7  }
0x258: {  	v28 =	vor.u32 $0x20, v3;
	v10 =	vand.u32 $0x7F, v26;
	v7 =	vadd.s32 v3, v27;
	v8 =	vld.idx.msk [tilespmem:v8+s24+$0x0], $0xffff  }
0x259: {  	v7 =	vor.u32 v10, v7;
	_ =	sdelay $0x2  }
0x25a: {  	v29 =	vadd.s32 $0x12, v6  }
0x25b: {  	v30 =	vand.u32 $0xFFFFFF80, v29;
	[tilespmem:v28+s2+$0x0] =	vst.idx.msk $0xffff, v8  }
0x25c: {  	v31 =	vor.u32 $0x21, v3;
	v10 =	vand.u32 $0x7F, v29;
	v8 =	vadd.s32 v3, v30;
	v7 =	vld.idx.msk [tilespmem:v7+s24+$0x0], $0xffff  }
0x25d: {  	v8 =	vor.u32 v10, v8;
	_ =	sdelay $0x2  }
0x25e: {  	v32 =	vadd.s32 $0x13, v6  }
0x25f: {  	v33 =	vand.u32 $0xFFFFFF80, v32;
	[tilespmem:v31+s2+$0x0] =	vst.idx.msk $0xffff, v7  }
0x260: {  	v34 =	vor.u32 $0x22, v3;
	v10 =	vand.u32 $0x7F, v32;
	v7 =	vadd.s32 v3, v33;
	v8 =	vld.idx.msk [tilespmem:v8+s24+$0x0], $0xffff  }
0x261: {  	v7 =	vor.u32 v10, v7;
	_ =	sdelay $0x2  }
0x262: {  	v35 =	vadd.s32 $0x14, v6  }
0x263: {  	v36 =	vand.u32 $0xFFFFFF80, v35;
	[tilespmem:v34+s2+$0x0] =	vst.idx.msk $0xffff, v8  }
0x264: {  	v37 =	vor.u32 $0x23, v3;
	v10 =	vand.u32 $0x7F, v35;
	v8 =	vadd.s32 v3, v36;
	v7 =	vld.idx.msk [tilespmem:v7+s24+$0x0], $0xffff  }
0x265: {  	v8 =	vor.u32 v10, v8;
	_ =	sdelay $0x2  }
0x266: {  	v38 =	vadd.s32 $0x15, v6  }
0x267: {  	v39 =	vand.u32 $0xFFFFFF80, v38;
	[tilespmem:v37+s2+$0x0] =	vst.idx.msk $0xffff, v7  }
0x268: {  	v40 =	vor.u32 $0x24, v3;
	v10 =	vand.u32 $0x7F, v38;
	v7 =	vadd.s32 v3, v39;
	v8 =	vld.idx.msk [tilespmem:v8+s24+$0x0], $0xffff  }
0x269: {  	v7 =	vor.u32 v10, v7;
	_ =	sdelay $0x2  }
0x26a: {  	v41 =	vadd.s32 $0x16, v6  }
0x26b: {  	v42 =	vand.u32 $0xFFFFFF80, v41;
	[tilespmem:v40+s2+$0x0] =	vst.idx.msk $0xffff, v8  }
0x26c: {  	v43 =	vor.u32 $0x25, v3;
	v10 =	vand.u32 $0x7F, v41;
	v8 =	vadd.s32 v3, v42;
	v7 =	vld.idx.msk [tilespmem:v7+s24+$0x0], $0xffff  }
0x26d: {  	v8 =	vor.u32 v10, v8;
	_ =	sdelay $0x2  }
0x26e: {  	v44 =	vadd.s32 $0x17, v6  }
0x26f: {  	v45 =	vand.u32 $0xFFFFFF80, v44;
	[tilespmem:v43+s2+$0x0] =	vst.idx.msk $0xffff, v7  }
0x270: {  	v46 =	vor.u32 $0x26, v3;
	v10 =	vand.u32 $0x7F, v44;
	v7 =	vadd.s32 v3, v45;
	v8 =	vld.idx.msk [tilespmem:v8+s24+$0x0], $0xffff  }
0x271: {  	v7 =	vor.u32 v10, v7;
	_ =	sdelay $0x2  }
0x272: {  	v47 =	vadd.s32 $0x18, v6  }
0x273: {  	v48 =	vand.u32 $0xFFFFFF80, v47;
	[tilespmem:v46+s2+$0x0] =	vst.idx.msk $0xffff, v8  }
0x274: {  	v49 =	vor.u32 $0x27, v3;
	v10 =	vand.u32 $0x7F, v47;
	v8 =	vadd.s32 v3, v48;
	v7 =	vld.idx.msk [tilespmem:v7+s24+$0x0], $0xffff  }
0x275: {  	v8 =	vor.u32 v10, v8;
	_ =	sdelay $0x2  }
0x276: {  	v50 =	vadd.s32 $0x19, v6  }
0x277: {  	v51 =	vand.u32 $0xFFFFFF80, v50;
	[tilespmem:v49+s2+$0x0] =	vst.idx.msk $0xffff, v7  }
0x278: {  	v52 =	vor.u32 $0x28, v3;
	v10 =	vand.u32 $0x7F, v50;
	v7 =	vadd.s32 v3, v51;
	v8 =	vld.idx.msk [tilespmem:v8+s24+$0x0], $0xffff  }
0x279: {  	v7 =	vor.u32 v10, v7;
	_ =	sdelay $0x2  }
0x27a: {  	v53 =	vadd.s32 $0x1A, v6  }
0x27b: {  	v54 =	vand.u32 $0xFFFFFF80, v53;
	[tilespmem:v52+s2+$0x0] =	vst.idx.msk $0xffff, v8  }
0x27c: {  	v55 =	vor.u32 $0x29, v3;
	v10 =	vand.u32 $0x7F, v53;
	v8 =	vadd.s32 v3, v54;
	v7 =	vld.idx.msk [tilespmem:v7+s24+$0x0], $0xffff  }
0x27d: {  	v8 =	vor.u32 v10, v8;
	_ =	sdelay $0x2  }
0x27e: {  	v56 =	vadd.s32 $0x1B, v6  }
0x27f: {  	v57 =	vand.u32 $0xFFFFFF80, v56;
	[tilespmem:v55+s2+$0x0] =	vst.idx.msk $0xffff, v7  }
0x280: {  	v58 =	vor.u32 $0x2A, v3;
	v10 =	vand.u32 $0x7F, v56;
	v7 =	vadd.s32 v3, v57;
	v8 =	vld.idx.msk [tilespmem:v8+s24+$0x0], $0xffff  }
0x281: {  	v7 =	vor.u32 v10, v7;
	_ =	sdelay $0x2  }
0x282: {  	v59 =	vadd.s32 $0x1C, v6  }
0x283: {  	v60 =	vand.u32 $0xFFFFFF80, v59;
	[tilespmem:v58+s2+$0x0] =	vst.idx.msk $0xffff, v8  }
0x284: {  	v61 =	vor.u32 $0x2B, v3;
	v10 =	vand.u32 $0x7F, v59;
	v8 =	vadd.s32 v3, v60;
	v7 =	vld.idx.msk [tilespmem:v7+s24+$0x0], $0xffff  }
0x285: {  	v8 =	vor.u32 v10, v8;
	_ =	sdelay $0x2  }
0x286: {  	v62 =	vadd.s32 $0x1D, v6  }
0x287: {  	v63 =	vand.u32 $0xFFFFFF80, v62;
	[tilespmem:v61+s2+$0x0] =	vst.idx.msk $0xffff, v7  }
0x288: {  	v12 =	vor.u32 $0x2C, v3;
	v10 =	vand.u32 $0x7F, v62;
	v7 =	vadd.s32 v3, v63;
	v8 =	vld.idx.msk [tilespmem:v8+s24+$0x0], $0xffff  }
0x289: {  	v7 =	vor.u32 v10, v7;
	_ =	sdelay $0x2  }
0x28a: {  	v13 =	vadd.s32 $0x1E, v6  }
0x28b: {  	v14 =	vand.u32 $0xFFFFFF80, v13;
	[tilespmem:v12+s2+$0x0] =	vst.idx.msk $0xffff, v8  }
0x28c: {  	v15 =	vor.u32 $0x2D, v3;
	v10 =	vand.u32 $0x7F, v13;
	v8 =	vadd.s32 v3, v14;
	v7 =	vld.idx.msk [tilespmem:v7+s24+$0x0], $0xffff  }
0x28d: {  	v8 =	vor.u32 v10, v8;
	_ =	sdelay $0x2  }
0x28e: {  	v6 =	vadd.s32 $0x1F, v6  }
0x28f: {  	v16 =	vand.u32 $0xFFFFFF80, v6;
	[tilespmem:v15+s2+$0x0] =	vst.idx.msk $0xffff, v7  }
0x290: {  	v17 =	vor.u32 $0x2E, v3;
	v6 =	vand.u32 $0x7F, v6;
	v7 =	vadd.s32 v3, v16;
	v8 =	vld.idx.msk [tilespmem:v8+s24+$0x0], $0xffff  }
0x291: {  	v6 =	vor.u32 v6, v7;
	_ =	sdelay $0x3  }
0x292: {  	v18 =	vand.u32 $0xFFFFFF80, v5;
	[tilespmem:v17+s2+$0x0] =	vst.idx.msk $0xffff, v8  }
0x293: {  	v20 =	vand.u32 $0x7F, v5;
	v19 =	vor.u32 $0x2F, v3;
	v7 =	vadd.s32 v3, v18;
	v6 =	vld.idx.msk [tilespmem:v6+s24+$0x0], $0xffff  }
0x294: {  	v7 =	vor.u32 v20, v7;
	_ =	sdelay $0x2  }
0x295: {  	v21 =	vadd.s32 $0x1, v5  }
0x296: {  	v22 =	vand.u32 $0xFFFFFF80, v21;
	[tilespmem:v19+s2+$0x0] =	vst.idx.msk $0xffff, v6  }
0x297: {  	v23 =	vor.u32 $0x30, v3;
	v9 =	vand.u32 $0x7F, v21;
	v6 =	vadd.s32 v3, v22;
	v7 =	vld.idx.msk [tilespmem:v7+s26+$0x0], $0xffff  }
0x298: {  	v6 =	vor.u32 v9, v6;
	_ =	sdelay $0x2  }
0x299: {  	v24 =	vadd.s32 $0x2, v5  }
0x29a: {  	v25 =	vand.u32 $0xFFFFFF80, v24;
	[tilespmem:v23+s2+$0x0] =	vst.idx.msk $0xffff, v7  }
0x29b: {  	v26 =	vor.u32 $0x31, v3;
	v9 =	vand.u32 $0x7F, v24;
	v7 =	vadd.s32 v3, v25;
	v6 =	vld.idx.msk [tilespmem:v6+s26+$0x0], $0xffff  }
0x29c: {  	v7 =	vor.u32 v9, v7;
	_ =	sdelay $0x2  }
0x29d: {  	v27 =	vadd.s32 $0x3, v5  }
0x29e: {  	v28 =	vand.u32 $0xFFFFFF80, v27;
	[tilespmem:v26+s2+$0x0] =	vst.idx.msk $0xffff, v6  }
0x29f: {  	v29 =	vor.u32 $0x32, v3;
	v9 =	vand.u32 $0x7F, v27;
	v6 =	vadd.s32 v3, v28;
	v7 =	vld.idx.msk [tilespmem:v7+s26+$0x0], $0xffff  }
0x2a0: {  	v6 =	vor.u32 v9, v6;
	_ =	sdelay $0x2  }
0x2a1: {  	v30 =	vadd.s32 $0x4, v5  }
0x2a2: {  	v31 =	vand.u32 $0xFFFFFF80, v30;
	[tilespmem:v29+s2+$0x0] =	vst.idx.msk $0xffff, v7  }
0x2a3: {  	v32 =	vor.u32 $0x33, v3;
	v9 =	vand.u32 $0x7F, v30;
	v7 =	vadd.s32 v3, v31;
	v6 =	vld.idx.msk [tilespmem:v6+s26+$0x0], $0xffff  }
0x2a4: {  	v7 =	vor.u32 v9, v7;
	_ =	sdelay $0x2  }
0x2a5: {  	v33 =	vadd.s32 $0x5, v5  }
0x2a6: {  	v34 =	vand.u32 $0xFFFFFF80, v33;
	[tilespmem:v32+s2+$0x0] =	vst.idx.msk $0xffff, v6  }
0x2a7: {  	v35 =	vor.u32 $0x34, v3;
	v9 =	vand.u32 $0x7F, v33;
	v6 =	vadd.s32 v3, v34;
	v7 =	vld.idx.msk [tilespmem:v7+s26+$0x0], $0xffff  }
0x2a8: {  	v6 =	vor.u32 v9, v6;
	_ =	sdelay $0x2  }
0x2a9: {  	v36 =	vadd.s32 $0x6, v5  }
0x2aa: {  	v37 =	vand.u32 $0xFFFFFF80, v36;
	[tilespmem:v35+s2+$0x0] =	vst.idx.msk $0xffff, v7  }
0x2ab: {  	v38 =	vor.u32 $0x35, v3;
	v9 =	vand.u32 $0x7F, v36;
	v7 =	vadd.s32 v3, v37;
	v6 =	vld.idx.msk [tilespmem:v6+s26+$0x0], $0xffff  }
0x2ac: {  	v7 =	vor.u32 v9, v7;
	_ =	sdelay $0x2  }
0x2ad: {  	v39 =	vadd.s32 $0x7, v5  }
0x2ae: {  	v40 =	vand.u32 $0xFFFFFF80, v39;
	[tilespmem:v38+s2+$0x0] =	vst.idx.msk $0xffff, v6  }
0x2af: {  	v41 =	vor.u32 $0x36, v3;
	v9 =	vand.u32 $0x7F, v39;
	v6 =	vadd.s32 v3, v40;
	v7 =	vld.idx.msk [tilespmem:v7+s26+$0x0], $0xffff  }
0x2b0: {  	v6 =	vor.u32 v9, v6;
	_ =	sdelay $0x2  }
0x2b1: {  	v42 =	vadd.s32 $0x8, v5  }
0x2b2: {  	v43 =	vand.u32 $0xFFFFFF80, v42;
	[tilespmem:v41+s2+$0x0] =	vst.idx.msk $0xffff, v7  }
0x2b3: {  	v44 =	vor.u32 $0x37, v3;
	v9 =	vand.u32 $0x7F, v42;
	v7 =	vadd.s32 v3, v43;
	v6 =	vld.idx.msk [tilespmem:v6+s26+$0x0], $0xffff  }
0x2b4: {  	v7 =	vor.u32 v9, v7;
	_ =	sdelay $0x2  }
0x2b5: {  	v45 =	vadd.s32 $0x9, v5  }
0x2b6: {  	v46 =	vand.u32 $0xFFFFFF80, v45;
	[tilespmem:v44+s2+$0x0] =	vst.idx.msk $0xffff, v6  }
0x2b7: {  	v47 =	vor.u32 $0x38, v3;
	v9 =	vand.u32 $0x7F, v45;
	v6 =	vadd.s32 v3, v46;
	v7 =	vld.idx.msk [tilespmem:v7+s26+$0x0], $0xffff  }
0x2b8: {  	v6 =	vor.u32 v9, v6;
	_ =	sdelay $0x2  }
0x2b9: {  	v48 =	vadd.s32 $0xA, v5  }
0x2ba: {  	v49 =	vand.u32 $0xFFFFFF80, v48;
	[tilespmem:v47+s2+$0x0] =	vst.idx.msk $0xffff, v7  }
0x2bb: {  	v50 =	vor.u32 $0x39, v3;
	v9 =	vand.u32 $0x7F, v48;
	v7 =	vadd.s32 v3, v49;
	v6 =	vld.idx.msk [tilespmem:v6+s26+$0x0], $0xffff  }
0x2bc: {  	v7 =	vor.u32 v9, v7;
	_ =	sdelay $0x2  }
0x2bd: {  	v51 =	vadd.s32 $0xB, v5  }
0x2be: {  	v52 =	vand.u32 $0xFFFFFF80, v51;
	[tilespmem:v50+s2+$0x0] =	vst.idx.msk $0xffff, v6  }
0x2bf: {  	v53 =	vor.u32 $0x3A, v3;
	v9 =	vand.u32 $0x7F, v51;
	v6 =	vadd.s32 v3, v52;
	v7 =	vld.idx.msk [tilespmem:v7+s26+$0x0], $0xffff  }
0x2c0: {  	v6 =	vor.u32 v9, v6;
	_ =	sdelay $0x2  }
0x2c1: {  	v54 =	vadd.s32 $0xC, v5  }
0x2c2: {  	v55 =	vand.u32 $0xFFFFFF80, v54;
	[tilespmem:v53+s2+$0x0] =	vst.idx.msk $0xffff, v7  }
0x2c3: {  	v56 =	vor.u32 $0x3B, v3;
	v9 =	vand.u32 $0x7F, v54;
	v7 =	vadd.s32 v3, v55;
	v6 =	vld.idx.msk [tilespmem:v6+s26+$0x0], $0xffff  }
0x2c4: {  	v7 =	vor.u32 v9, v7;
	_ =	sdelay $0x2  }
0x2c5: {  	v57 =	vadd.s32 $0xD, v5  }
0x2c6: {  	v58 =	vand.u32 $0xFFFFFF80, v57;
	[tilespmem:v56+s2+$0x0] =	vst.idx.msk $0xffff, v6  }
0x2c7: {  	v59 =	vor.u32 $0x3C, v3;
	v9 =	vand.u32 $0x7F, v57;
	v6 =	vadd.s32 v3, v58;
	v7 =	vld.idx.msk [tilespmem:v7+s26+$0x0], $0xffff  }
0x2c8: {  	v6 =	vor.u32 v9, v6;
	_ =	sdelay $0x2  }
0x2c9: {  	v60 =	vadd.s32 $0xE, v5  }
0x2ca: {  	v61 =	vand.u32 $0xFFFFFF80, v60;
	[tilespmem:v59+s2+$0x0] =	vst.idx.msk $0xffff, v7  }
0x2cb: {  	v62 =	vor.u32 $0x3D, v3;
	v9 =	vand.u32 $0x7F, v60;
	v7 =	vadd.s32 v3, v61;
	v6 =	vld.idx.msk [tilespmem:v6+s26+$0x0], $0xffff  }
0x2cc: {  	v7 =	vor.u32 v9, v7;
	_ =	sdelay $0x2  }
0x2cd: {  	v63 =	vadd.s32 $0xF, v5  }
0x2ce: {  	v12 =	vand.u32 $0xFFFFFF80, v63;
	[tilespmem:v62+s2+$0x0] =	vst.idx.msk $0xffff, v6  }
0x2cf: {  	v13 =	vor.u32 $0x3E, v3;
	v9 =	vand.u32 $0x7F, v63;
	v6 =	vadd.s32 v3, v12;
	v7 =	vld.idx.msk [tilespmem:v7+s26+$0x0], $0xffff  }
0x2d0: {  	v6 =	vor.u32 v9, v6;
	_ =	sdelay $0x2  }
0x2d1: {  	v14 =	vadd.s32 $0x10, v5  }
0x2d2: {  	v15 =	vand.u32 $0xFFFFFF80, v14;
	[tilespmem:v13+s2+$0x0] =	vst.idx.msk $0xffff, v7  }
0x2d3: {  	v16 =	vor.u32 $0x3F, v3;
	v9 =	vand.u32 $0x7F, v14;
	v7 =	vadd.s32 v3, v15;
	v6 =	vld.idx.msk [tilespmem:v6+s26+$0x0], $0xffff  }
0x2d4: {  	v7 =	vor.u32 v9, v7;
	_ =	sdelay $0x2  }
0x2d5: {  	v17 =	vadd.s32 $0x11, v5  }
0x2d6: {  	v18 =	vand.u32 $0xFFFFFF80, v17;
	[tilespmem:v16+s2+$0x0] =	vst.idx.msk $0xffff, v6  }
0x2d7: {  	v19 =	vor.u32 $0x40, v3;
	v9 =	vand.u32 $0x7F, v17;
	v6 =	vadd.s32 v3, v18;
	v7 =	vld.idx.msk [tilespmem:v7+s26+$0x0], $0xffff  }
0x2d8: {  	v6 =	vor.u32 v9, v6;
	_ =	sdelay $0x2  }
0x2d9: {  	v20 =	vadd.s32 $0x12, v5  }
0x2da: {  	v21 =	vand.u32 $0xFFFFFF80, v20;
	[tilespmem:v19+s2+$0x0] =	vst.idx.msk $0xffff, v7  }
0x2db: {  	v22 =	vor.u32 $0x41, v3;
	v9 =	vand.u32 $0x7F, v20;
	v7 =	vadd.s32 v3, v21;
	v6 =	vld.idx.msk [tilespmem:v6+s26+$0x0], $0xffff  }
0x2dc: {  	v7 =	vor.u32 v9, v7;
	_ =	sdelay $0x2  }
0x2dd: {  	v23 =	vadd.s32 $0x13, v5  }
0x2de: {  	v24 =	vand.u32 $0xFFFFFF80, v23;
	[tilespmem:v22+s2+$0x0] =	vst.idx.msk $0xffff, v6  }
0x2df: {  	v25 =	vor.u32 $0x42, v3;
	v9 =	vand.u32 $0x7F, v23;
	v6 =	vadd.s32 v3, v24;
	v7 =	vld.idx.msk [tilespmem:v7+s26+$0x0], $0xffff  }
0x2e0: {  	v6 =	vor.u32 v9, v6;
	_ =	sdelay $0x2  }
0x2e1: {  	v26 =	vadd.s32 $0x14, v5  }
0x2e2: {  	v27 =	vand.u32 $0xFFFFFF80, v26;
	[tilespmem:v25+s2+$0x0] =	vst.idx.msk $0xffff, v7  }
0x2e3: {  	v28 =	vor.u32 $0x43, v3;
	v9 =	vand.u32 $0x7F, v26;
	v7 =	vadd.s32 v3, v27;
	v6 =	vld.idx.msk [tilespmem:v6+s26+$0x0], $0xffff  }
0x2e4: {  	v7 =	vor.u32 v9, v7;
	_ =	sdelay $0x2  }
0x2e5: {  	v29 =	vadd.s32 $0x15, v5  }
0x2e6: {  	v30 =	vand.u32 $0xFFFFFF80, v29;
	[tilespmem:v28+s2+$0x0] =	vst.idx.msk $0xffff, v6  }
0x2e7: {  	v31 =	vor.u32 $0x44, v3;
	v9 =	vand.u32 $0x7F, v29;
	v6 =	vadd.s32 v3, v30;
	v7 =	vld.idx.msk [tilespmem:v7+s26+$0x0], $0xffff  }
0x2e8: {  	v6 =	vor.u32 v9, v6;
	_ =	sdelay $0x2  }
0x2e9: {  	v32 =	vadd.s32 $0x16, v5  }
0x2ea: {  	v33 =	vand.u32 $0xFFFFFF80, v32;
	[tilespmem:v31+s2+$0x0] =	vst.idx.msk $0xffff, v7  }
0x2eb: {  	v34 =	vor.u32 $0x45, v3;
	v9 =	vand.u32 $0x7F, v32;
	v7 =	vadd.s32 v3, v33;
	v6 =	vld.idx.msk [tilespmem:v6+s26+$0x0], $0xffff  }
0x2ec: {  	v7 =	vor.u32 v9, v7;
	_ =	sdelay $0x2  }
0x2ed: {  	v35 =	vadd.s32 $0x17, v5  }
0x2ee: {  	v36 =	vand.u32 $0xFFFFFF80, v35;
	[tilespmem:v34+s2+$0x0] =	vst.idx.msk $0xffff, v6  }
0x2ef: {  	v37 =	vor.u32 $0x46, v3;
	v9 =	vand.u32 $0x7F, v35;
	v6 =	vadd.s32 v3, v36;
	v7 =	vld.idx.msk [tilespmem:v7+s26+$0x0], $0xffff  }
0x2f0: {  	v6 =	vor.u32 v9, v6;
	_ =	sdelay $0x2  }
0x2f1: {  	v38 =	vadd.s32 $0x18, v5  }
0x2f2: {  	v39 =	vand.u32 $0xFFFFFF80, v38;
	[tilespmem:v37+s2+$0x0] =	vst.idx.msk $0xffff, v7  }
0x2f3: {  	v40 =	vor.u32 $0x47, v3;
	v9 =	vand.u32 $0x7F, v38;
	v7 =	vadd.s32 v3, v39;
	v6 =	vld.idx.msk [tilespmem:v6+s26+$0x0], $0xffff  }
0x2f4: {  	v7 =	vor.u32 v9, v7;
	_ =	sdelay $0x2  }
0x2f5: {  	v41 =	vadd.s32 $0x19, v5  }
0x2f6: {  	v42 =	vand.u32 $0xFFFFFF80, v41;
	[tilespmem:v40+s2+$0x0] =	vst.idx.msk $0xffff, v6  }
0x2f7: {  	v43 =	vor.u32 $0x48, v3;
	v9 =	vand.u32 $0x7F, v41;
	v6 =	vadd.s32 v3, v42;
	v7 =	vld.idx.msk [tilespmem:v7+s26+$0x0], $0xffff  }
0x2f8: {  	v6 =	vor.u32 v9, v6;
	_ =	sdelay $0x2  }
0x2f9: {  	v44 =	vadd.s32 $0x1A, v5  }
0x2fa: {  	v45 =	vand.u32 $0xFFFFFF80, v44;
	[tilespmem:v43+s2+$0x0] =	vst.idx.msk $0xffff, v7  }
0x2fb: {  	v46 =	vor.u32 $0x49, v3;
	v9 =	vand.u32 $0x7F, v44;
	v7 =	vadd.s32 v3, v45;
	v6 =	vld.idx.msk [tilespmem:v6+s26+$0x0], $0xffff  }
0x2fc: {  	v7 =	vor.u32 v9, v7;
	_ =	sdelay $0x2  }
0x2fd: {  	v47 =	vadd.s32 $0x1B, v5  }
0x2fe: {  	v48 =	vand.u32 $0xFFFFFF80, v47;
	[tilespmem:v46+s2+$0x0] =	vst.idx.msk $0xffff, v6  }
0x2ff: {  	v49 =	vor.u32 $0x4A, v3;
	v9 =	vand.u32 $0x7F, v47;
	v6 =	vadd.s32 v3, v48;
	v7 =	vld.idx.msk [tilespmem:v7+s26+$0x0], $0xffff  }
0x300: {  	v6 =	vor.u32 v9, v6;
	_ =	sdelay $0x2  }
0x301: {  	v50 =	vadd.s32 $0x1C, v5  }
0x302: {  	v51 =	vand.u32 $0xFFFFFF80, v50;
	[tilespmem:v49+s2+$0x0] =	vst.idx.msk $0xffff, v7  }
0x303: {  	v52 =	vor.u32 $0x4B, v3;
	v9 =	vand.u32 $0x7F, v50;
	v7 =	vadd.s32 v3, v51;
	v6 =	vld.idx.msk [tilespmem:v6+s26+$0x0], $0xffff  }
0x304: {  	v7 =	vor.u32 v9, v7;
	_ =	sdelay $0x2  }
0x305: {  	v53 =	vadd.s32 $0x1D, v5  }
0x306: {  	v54 =	vand.u32 $0xFFFFFF80, v53;
	[tilespmem:v52+s2+$0x0] =	vst.idx.msk $0xffff, v6  }
0x307: {  	v55 =	vor.u32 $0x4C, v3;
	v9 =	vand.u32 $0x7F, v53;
	v6 =	vadd.s32 v3, v54;
	v7 =	vld.idx.msk [tilespmem:v7+s26+$0x0], $0xffff  }
0x308: {  	v6 =	vor.u32 v9, v6;
	_ =	sdelay $0x2  }
0x309: {  	v56 =	vadd.s32 $0x1E, v5  }
0x30a: {  	v57 =	vand.u32 $0xFFFFFF80, v56;
	[tilespmem:v55+s2+$0x0] =	vst.idx.msk $0xffff, v7  }
0x30b: {  	v58 =	vor.u32 $0x4D, v3;
	v9 =	vand.u32 $0x7F, v56;
	v7 =	vadd.s32 v3, v57;
	v6 =	vld.idx.msk [tilespmem:v6+s26+$0x0], $0xffff  }
0x30c: {  	v7 =	vor.u32 v9, v7;
	_ =	sdelay $0x2  }
0x30d: {  	v5 =	vadd.s32 $0x1F, v5  }
0x30e: {  	v59 =	vand.u32 $0xFFFFFF80, v5;
	[tilespmem:v58+s2+$0x0] =	vst.idx.msk $0xffff, v6  }
0x30f: {  	v60 =	vor.u32 $0x4E, v3;
	v5 =	vand.u32 $0x7F, v5;
	v6 =	vadd.s32 v3, v59;
	v7 =	vld.idx.msk [tilespmem:v7+s26+$0x0], $0xffff  }
0x310: {  	v5 =	vor.u32 v5, v6;
	_ =	sdelay $0x3  }
0x311: {  	[tilespmem:v60+s2+$0x0] =	vst.idx.msk $0xffff, v7  }
0x312: {  	v61 =	vand.u32 $0x7F, v4;
	v62 =	vor.u32 $0x4F, v3;
	v5 =	vld.idx.msk [tilespmem:v5+s26+$0x0], $0xffff  }
0x313: {  	v6 =	vor.u32 v3, v61;
	_ =	sdelay $0x3  }
0x314: {  	[tilespmem:v62+s2+$0x0] =	vst.idx.msk $0xffff, v5  }
0x315: {  	v63 =	vor.u32 $0x50, v3;
	v5 =	vld.idx.msk [tilespmem:v6+s28+$0x0], $0xffff  }
0x316: {  	p0 =	sne.s32 s8, $0x30;
	v3 =	vor.u32 $0x51, v3  }
.Ltmp2:
0x317: {  	_ = 	snop;
	(pc) =	sbr.rel @p0 .LBB2_7-.Ltmp2, $4  }
0x318: {  	_ = 	snop  }
0x319: {  	vm0 =	vgt.s32 v4, $0xC34F  }
0x31a: {  	s12 =	sadd.s32 $0x10, s12;
	s8 =	sadd.s32 $0x10, s8;
	v4 =	vsel vm0, $0x3F800000, v2;
	[tilespmem:v63+s2+$0x0] =	vst.idx.msk $0xffff, v5  }
0x31b: {  	s10 =	sadd.s32 $0x10, s10;
	s22 =	sadd.s32 $0x10, s22;
	s20 =	sadd.s32 $0x10, s20;
	[tilespmem:v3+s2+$0x0] =	vst.idx.msk $0xffff, v4  }
0x31c: {  	s8 =	rddreg [dreg:$0x4]  }
0x31d: {  	s10 =	rddreg [dreg:$0x5]  }
0x31e: {  	s31 =	simm.s32 $0x0;
	s9 =	sadd.s32 $0x1, s9;
	s8 =	sadd.s32 s8, s30  }
0x31f: {  	s18 =	sadd.s32 $0x80, s18;
	p0 =	sne.s32 s9, $0x4;
	s8 =	sshll.u32 s8, $0x4  }
.Ltmp3:
0x320: {  	s16 =	sadd.s32 $0x80, s16;
	s8 =	sadd.s32 s10, s8;
	(pc) =	sbr.rel @p0 .LBB2_4-.Ltmp3, $4  }
0x321: {  	[hbm4b:s8+s31] =	stream.linear.scatter [tilespmem:s2], [sflag:$0x9], $0x2000, $0x38;
	[tilespmem:$0x13200] =	vst v63  }
0x322: {  	s14 =	sadd.s32 $0x80, s14;
	s0 =	sadd.s32 $0x80, s0;
	_ =	swait.ge [sflag:s13], $0x2000  }
0x323: {  	s7 =	sadd.s32 $0x80, s7;
	s11 =	sadd.s32 $0x80, s11;
	[sflag:s13] =	ssyncset.done $0x0  }
0x324: {  	s1 =	sadd.s32 $0x80, s1;
	s29 =	sadd.s32 $0x80, s29;
	[sflag:s13] =	ssyncadd.s32 $0xFFFFE000  }
0x325: {  	s1 =	rddreg [dreg:$0xa]  }
0x326: {  	s0 =	rddreg [dreg:$0x9];
	s1 =	sadd.s32 $0x1, s1  }
0x327: {  	p0 =	sne.s32 s1, s0  }
.Ltmp4:
0x328: {  	_ = 	snop;
	(pc) =	sbr.rel @p0 .LBB2_1-.Ltmp4, $1  }
0x329: {  	_ =	sdelay $0x3  }
0x32a: {  	_ =	sfence.sel $0x180000  }
0x32b: {  	[bflag:$0x0] =	sbarrier.arrive $0xFFFF  }
0x32c: {  	_ =	strace $0x90000047  }
0x32d: {  	s0 =	stileid.u32;
	[bflag:$0x2] =	sbarrier.arrive $0xFFFF  }
0x32e: {  	p0 =	sne.s32 s0, $0x0;
	s0 =	rddreg [dreg:$0x3]  }
0x32f: {  	s0 =	sadd.s32 @!p0 $0x100000, s0  }
0x330: {  	[sflag:s0] =	ssyncadd.tile.s32 @!p0 $0x1;
	_ =	shalt  }
.Lfunc_end2:
_tile_overlayer_lowered:
.L_overlay_start_2:
0x331: {  	(tag) =	ssettag $0x2  }
0x332: {  	s0 =	rddreg [dreg:$0x0];
	s2 =	stileid.u32  }
0x333: {  	s1 =	rddreg [dreg:$0x1];
	p0 =	sne.s32 s2, $0x0  }
0x334: {  	s3 =	rddreg [dreg:$0x2];
	[bflag:$0x3] =	sbarrier.arrive $0xFFFF;
	s2 =	simm.s32 @!p0 $0x1C09  }
0x335: {  	[timem:s3], [sflag:s2] =	dma.local @!p0 [hbm:s0], s1  }
0x336: {  	s0 =	simm.s32 @!p0 $0x9  }
0x337: {  	_ =	swait.ge @!p0 [sflag:s0], s1  }
0x338: {  	s1 =	ssub.s32 @!p0 $0x0, s1;
	[sflag:s0] =	ssyncset.done @!p0 $0x0  }
0x339: {  	[sflag:s0] =	ssyncadd.s32 @!p0 s1  }
0x33a: {  	[bflag:$0x3] =	sbarrier.arrive $0xFFFF  }
0x33b: {  	_ =	shalt  }

</sc_bundles>
